<compile_context>
chip_gen: v7x
topology: tpu7x:2x2x1
jax: 0.10.2.dev20260603
libtpu: 0.0.44.dev20260713+nightly
codegen_flags: <defaults>
</compile_context>

<pallas_src>
import functools

import jax
import jax.numpy as jnp
from jax import lax
from jax.experimental import pallas as pl
from jax.experimental.pallas import tpu as pltpu
from jax.experimental.pallas import tpu_sc as plsc

N = 10000
E = 320000
IN_CH = 128
HID = 16

NC, NS = 2, 16
NW = NC * NS
EPW = E // NW

CHUNK = 2048
NFULL = 4
TAIL = EPW - NFULL * CHUNK

NPAD = 10240
ROWS_PER_TILE = NPAD // NS
NGRP = ROWS_PER_TILE // 16
LAST_ROWS = N - 15 * ROWS_PER_TILE
LAST_GRP = LAST_ROWS // 16


def _tc_transform(x_ref, wl_ref, wr_ref, yx_ref):
    wcat = jnp.concatenate([wl_ref[...], wr_ref[...]], axis=1)
    y = lax.dot(x_ref[...], wcat, precision=lax.Precision.HIGHEST,
                preferred_element_type=jnp.float32)
    yx_ref[:, 0:2 * HID] = y


_transform_call = pl.pallas_call(
    _tc_transform,
    out_shape=jax.ShapeDtypeStruct((N, IN_CH), jnp.float32),
)


def _sc_layer1(yx_hbm, edge_hbm, agg_out, cnt_out,
               src_a, dst_a, src_b, dst_b, src_t, dst_t, rows_a, rows_b,
               zrow_v, cnt_v, sem_i, sem_s, y1_sh, acc_sh):
    cid = lax.axis_index("c")
    sid = lax.axis_index("s")
    wid = cid * NS + sid

    @pl.when(sid < 15)
    def _():
        r0 = sid * ROWS_PER_TILE
        pltpu.sync_copy(yx_hbm.at[pl.ds(r0, ROWS_PER_TILE), pl.ds(0, HID)],
                        y1_sh.at[pl.ds(r0, ROWS_PER_TILE), :])

    @pl.when(sid == 15)
    def _():
        r0 = 15 * ROWS_PER_TILE
        pltpu.sync_copy(yx_hbm.at[pl.ds(r0, LAST_ROWS), pl.ds(0, HID)],
                        y1_sh.at[pl.ds(r0, LAST_ROWS), :])

    zeros16 = jnp.zeros((16,), jnp.float32)

    def zb(i, carry):
        zrow_v[i, :] = zeros16
        cnt_v[i, :] = zeros16
        return carry

    lax.fori_loop(0, ROWS_PER_TILE, zb, 0)
    pltpu.sync_copy(zrow_v, acc_sh.at[pl.ds(sid * ROWS_PER_TILE, ROWS_PER_TILE), :])

    plsc.subcore_barrier()

    ones16 = jnp.full((16,), 1.0, jnp.float32)

    idx_sets = [(src_a, dst_a), (src_b, dst_b)]
    rows_sets = [rows_a, rows_b]
    sizes = [CHUNK] * NFULL + [TAIL]

    def idx_refs(j):
        if j == NFULL:
            return src_t, dst_t
        return idx_sets[j % 2]

    def rows_ref(j):
        r = rows_sets[j % 2]
        if sizes[j] == CHUNK:
            return r
        return r.at[pl.ds(0, sizes[j]), :]

    s0, d0 = idx_refs(0)
    pltpu.sync_copy(edge_hbm.at[0, pl.ds(wid * EPW, CHUNK)], s0)
    pltpu.sync_copy(edge_hbm.at[1, pl.ds(wid * EPW, CHUNK)], d0)

    pending = [None, None]
    for j in range(NFULL + 1):
        cur = j % 2
        nxt = (j + 1) % 2
        if pending[nxt] is not None:
            pending[nxt].wait()
            pending[nxt] = None
        dpre = []
        if j < NFULL:
            base = wid * EPW + (j + 1) * CHUNK
            sn, dn = idx_refs(j + 1)
            dpre.append(pltpu.async_copy(
                edge_hbm.at[0, pl.ds(base, sizes[j + 1])], sn, sem_i))
            dpre.append(pltpu.async_copy(
                edge_hbm.at[1, pl.ds(base, sizes[j + 1])], dn, sem_i))
        sj, dj = idx_refs(j)
        rj = rows_ref(j)
        pltpu.sync_copy(y1_sh.at[sj], rj)
        pending[cur] = pltpu.async_copy(rj, acc_sh.at[dj], sem_s, add=True)

        @plsc.parallel_loop(0, sizes[j] // 16, unroll=4)
        def _(i, _dj=dj):
            d16 = _dj[pl.ds(i * 16, 16)]
            plsc.addupdate_scatter(cnt_v, [d16 >> 4, d16 & 15], ones16)

        for d in dpre:
            d.wait()

    for p in pending:
        if p is not None:
            p.wait()

    plsc.subcore_barrier()
    pltpu.sync_copy(acc_sh.at[pl.ds(sid * ROWS_PER_TILE, ROWS_PER_TILE), :],
                    agg_out.at[cid, pl.ds(sid * ROWS_PER_TILE, ROWS_PER_TILE), :])
    pltpu.sync_copy(cnt_v, cnt_out.at[wid])


_layer1_call = pl.kernel(
    _sc_layer1,
    out_type=(jax.ShapeDtypeStruct((NC, NPAD, HID), jnp.float32),
              jax.ShapeDtypeStruct((NW, ROWS_PER_TILE, HID), jnp.float32)),
    mesh=plsc.VectorSubcoreMesh(core_axis_name="c", subcore_axis_name="s",
                                num_cores=NC, num_subcores=NS),
    compiler_params=pltpu.CompilerParams(needs_layout_passes=False, use_tc_tiling_on_sc=False),
    scratch_types=[
        pltpu.VMEM((CHUNK,), jnp.int32),
        pltpu.VMEM((CHUNK,), jnp.int32),
        pltpu.VMEM((CHUNK,), jnp.int32),
        pltpu.VMEM((CHUNK,), jnp.int32),
        pltpu.VMEM((TAIL,), jnp.int32),
        pltpu.VMEM((TAIL,), jnp.int32),
        pltpu.VMEM((CHUNK, HID), jnp.float32),
        pltpu.VMEM((CHUNK, HID), jnp.float32),
        pltpu.VMEM((ROWS_PER_TILE, HID), jnp.float32),
        pltpu.VMEM((ROWS_PER_TILE, HID), jnp.float32),
        pltpu.SemaphoreType.DMA,
        pltpu.SemaphoreType.DMA,
        pltpu.VMEM_SHARED((N, HID), jnp.float32),
        pltpu.VMEM_SHARED((NPAD, HID), jnp.float32),
    ],
)


def _sc_mid2(agg_hbm, cntp_hbm, yx_hbm, b1_hbm, w2l_hbm, w2r_hbm, edge_hbm,
             accp_out, base2_out, c_out,
             a0_v, a1_v, xr_v, call_v, cnt_v, y2s_v, b2s_v, cs_v,
             b1_v, w2l_v, w2r_v, y2_v, srcf_v, dstf_v, acc_v, sem_e, sem_st, y2_sh):
    cid = lax.axis_index("c")
    sid = lax.axis_index("s")
    wid = cid * NS + sid

    pltpu.sync_copy(b1_hbm, b1_v)
    pltpu.sync_copy(w2l_hbm, w2l_v)
    pltpu.sync_copy(w2r_hbm, w2r_v)
    d_edges = [
        pltpu.async_copy(edge_hbm.at[0, pl.ds(wid * EPW, EPW)], srcf_v, sem_e),
        pltpu.async_copy(edge_hbm.at[1, pl.ds(wid * EPW, EPW)], dstf_v, sem_e),
    ]

    iota16 = lax.iota(jnp.int32, 16)
    zeros16 = jnp.zeros((16,), jnp.float32)

    def epilogue(ngrp):
        nrow = ngrp * 16
        row0 = sid * ROWS_PER_TILE
        d_st = [
            pltpu.async_copy(agg_hbm.at[0, pl.ds(row0, nrow), :],
                             a0_v.at[pl.ds(0, nrow), :], sem_st),
            pltpu.async_copy(agg_hbm.at[1, pl.ds(row0, nrow), :],
                             a1_v.at[pl.ds(0, nrow), :], sem_st),
            pltpu.async_copy(yx_hbm.at[pl.ds(row0, nrow), pl.ds(HID, HID)],
                             xr_v.at[pl.ds(0, nrow), :], sem_st),
            pltpu.async_copy(cntp_hbm.at[:, pl.ds(sid * NGRP, ngrp), :],
                             call_v.at[:, pl.ds(0, ngrp), :], sem_st),
        ]
        for d in d_st:
            d.wait()

        @plsc.parallel_loop(0, ngrp, unroll=2)
        def _(g):
            acc = call_v[0, g, :]
            for w in range(1, NW):
                acc = acc + call_v[w, g, :]
            cnt_v[g, :] = acc

        b1vec = b1_v[...]
        w2lvec = w2l_v[...]
        w2rvec = w2r_v[...]

        @plsc.parallel_loop(0, ngrp)
        def grp(g):
            c16 = jnp.maximum(cnt_v[g, :], 1.0)
            rc = 1.0 / c16
            rows16 = g * 16 + iota16
            y2acc = zeros16
            b2acc = zeros16
            for k in range(HID):
                cols16 = jnp.full((16,), k, jnp.int32)
                a0g = plsc.load_gather(a0_v, [rows16, cols16])
                a1g = plsc.load_gather(a1_v, [rows16, cols16])
                xrg = plsc.load_gather(xr_v, [rows16, cols16])
                h16 = jnp.maximum((a0g + a1g) * rc + xrg + b1vec[k], 0.0)
                y2acc = y2acc + h16 * w2lvec[k]
                b2acc = b2acc + h16 * w2rvec[k]
            y2s_v[pl.ds(g * 16, 16)] = y2acc
            b2s_v[pl.ds(g * 16, 16)] = b2acc
            cs_v[pl.ds(g * 16, 16)] = c16
        pltpu.sync_copy(y2s_v.at[pl.ds(0, nrow)], y2_sh.at[pl.ds(row0, nrow)])

        @pl.when(cid == 0)
        def _():
            pltpu.sync_copy(b2s_v.at[pl.ds(0, nrow)],
                            base2_out.at[pl.ds(row0, nrow)])
            pltpu.sync_copy(cs_v.at[pl.ds(0, nrow)],
                            c_out.at[pl.ds(row0, nrow)])

    @pl.when(sid < 15)
    def _():
        epilogue(NGRP)

    @pl.when(sid == 15)
    def _():
        epilogue(LAST_GRP)

    @plsc.parallel_loop(0, N // 16, unroll=8)
    def _(i):
        acc_v[pl.ds(i * 16, 16)] = zeros16

    for d in d_edges:
        d.wait()
    plsc.subcore_barrier()
    pltpu.sync_copy(y2_sh, y2_v)

    @plsc.parallel_loop(0, EPW // 16, unroll=5)
    def _(i):
        s16 = srcf_v[pl.ds(i * 16, 16)]
        d16 = dstf_v[pl.ds(i * 16, 16)]
        vals = plsc.load_gather(y2_v, [s16])
        plsc.addupdate_scatter(acc_v, [d16], vals)

    pltpu.sync_copy(acc_v.at[pl.ds(0, N)], accp_out.at[pl.ds(wid * N, N)])


_mid2_call = pl.kernel(
    _sc_mid2,
    out_type=(jax.ShapeDtypeStruct((NW * N,), jnp.float32),
              jax.ShapeDtypeStruct((NPAD,), jnp.float32),
              jax.ShapeDtypeStruct((NPAD,), jnp.float32)),
    mesh=plsc.VectorSubcoreMesh(core_axis_name="c", subcore_axis_name="s",
                                num_cores=NC, num_subcores=NS),
    compiler_params=pltpu.CompilerParams(needs_layout_passes=False, use_tc_tiling_on_sc=False),
    scratch_types=[
        pltpu.VMEM((ROWS_PER_TILE, HID), jnp.float32),
        pltpu.VMEM((ROWS_PER_TILE, HID), jnp.float32),
        pltpu.VMEM((ROWS_PER_TILE, HID), jnp.float32),
        pltpu.VMEM((NW, NGRP, HID), jnp.float32),
        pltpu.VMEM((NGRP, HID), jnp.float32),
        pltpu.VMEM((ROWS_PER_TILE,), jnp.float32),
        pltpu.VMEM((ROWS_PER_TILE,), jnp.float32),
        pltpu.VMEM((ROWS_PER_TILE,), jnp.float32),
        pltpu.VMEM((HID,), jnp.float32),
        pltpu.VMEM((HID,), jnp.float32),
        pltpu.VMEM((HID,), jnp.float32),
        pltpu.VMEM((NPAD,), jnp.float32),
        pltpu.VMEM((EPW,), jnp.int32),
        pltpu.VMEM((EPW,), jnp.int32),
        pltpu.VMEM((N,), jnp.float32),
        pltpu.SemaphoreType.DMA,
        pltpu.SemaphoreType.DMA,
        pltpu.VMEM_SHARED((NPAD,), jnp.float32),
    ],
)


def _tc_final(aggp_ref, c_ref, base2_ref, b2_ref, out_ref):
    s = aggp_ref[pl.ds(0, N)]
    for w in range(1, NW):
        s = s + aggp_ref[pl.ds(w * N, N)]
    out_ref[...] = (s / c_ref[pl.ds(0, N)] + base2_ref[pl.ds(0, N)]
                    + b2_ref[...][0])


_final_call = pl.pallas_call(
    _tc_final,
    out_shape=jax.ShapeDtypeStruct((N,), jnp.float32),
)


def kernel(x, edge_index, W1_l, W1_r, b1, W2_l, W2_r, b2):
    ei = edge_index.astype(jnp.int32)
    yx = _transform_call(x, W1_l, W1_r)
    agg_p, cnt_p = _layer1_call(yx, ei)
    accp, base2, c = _mid2_call(agg_p, cnt_p, yx, b1, W2_l[:, 0], W2_r[:, 0], ei)
    return _final_call(accp, c, base2, b2)

# --- scband reference (transcript-rebuilt; emitter-appended) ---
"""Pipeline reference for scband-graph-sage-14920716386718 (READ-ONLY COPY).

The authoritative reference and input builder live on the scoring server;
editing this copy changes nothing except your own understanding.
"""

import jax, jax.numpy as jnp
import numpy as np

N_NODES = 10000
N_EDGES = 320000
IN_CH = 128
HID = 16


def setup_inputs(seed: int = 0) -> dict:
    key = jax.random.key(seed)
    ks = jax.random.split(key, 8)
    x = jax.random.normal(ks[0], (N_NODES, IN_CH), dtype=jnp.float32)
    edge_index = jax.random.randint(ks[1], (2, N_EDGES), 0, N_NODES, dtype=jnp.int64)
    # SAGEConv params: lin_l applied to aggregated neighbors, lin_r to root (self)
    s1 = 1.0 / np.sqrt(IN_CH)
    W1_l = jax.random.uniform(ks[2], (IN_CH, HID), minval=-s1, maxval=s1, dtype=jnp.float32)
    W1_r = jax.random.uniform(ks[3], (IN_CH, HID), minval=-s1, maxval=s1, dtype=jnp.float32)
    b1 = jnp.zeros((HID,), dtype=jnp.float32)
    s2 = 1.0 / np.sqrt(HID)
    W2_l = jax.random.uniform(ks[4], (HID, 1), minval=-s2, maxval=s2, dtype=jnp.float32)
    W2_r = jax.random.uniform(ks[5], (HID, 1), minval=-s2, maxval=s2, dtype=jnp.float32)
    b2 = jnp.zeros((1,), dtype=jnp.float32)
    return {"x": x, "edge_index": edge_index, "W1_l": W1_l, "W1_r": W1_r, "b1": b1,
            "W2_l": W2_l, "W2_r": W2_r, "b2": b2}


def _sage_conv(x, src, dst, Wl, Wr, b):
    # mean aggregation of source-node features at destination nodes
    msgs = jnp.take(x, src, axis=0)                                  # gather [E, d]
    agg = jax.ops.segment_sum(msgs, dst, num_segments=N_NODES)       # scatter-add [N, d]
    cnt = jax.ops.segment_sum(jnp.ones((src.shape[0],), dtype=x.dtype), dst, num_segments=N_NODES)
    mean = agg / jnp.clip(cnt, 1.0, None)[:, None]
    return mean @ Wl + x @ Wr + b


def reference(x, edge_index, W1_l, W1_r, b1, W2_l, W2_r, b2):
    src = edge_index[0]
    dst = edge_index[1]
    h = _sage_conv(x, src, dst, W1_l, W1_r, b1)
    h = jax.nn.relu(h)
    # dropout is identity in eval / deterministic reference
    out = _sage_conv(h, src, dst, W2_l, W2_r, b2)
    return jnp.squeeze(out, axis=-1)

if __name__ == "__main__":
    import jax
    _d = setup_inputs()
    print(jax.jit(kernel)(*tuple(_d.values())))

</pallas_src>

<mosaic_0001>
#map = affine_map<(d0, d1) -> (0, 0)>
#map1 = affine_map<(d0, d1) -> (0, 0, 0)>
module attributes {stable_mosaic.version = 14 : i64} {
  func.func @_sc_layer1(%arg0: i32, %arg1: i32, %arg2: memref<10000x128xf32, #tpu.memory_space<hbm>>, %arg3: memref<2x320000xi32, #tpu.memory_space<hbm>>, %arg4: memref<2x10240x16xf32, #tpu.memory_space<hbm>>, %arg5: memref<32x640x16xf32, #tpu.memory_space<hbm>>, %arg6: memref<2048xi32, #tpu.memory_space<vmem>>, %arg7: memref<2048xi32, #tpu.memory_space<vmem>>, %arg8: memref<2048xi32, #tpu.memory_space<vmem>>, %arg9: memref<2048xi32, #tpu.memory_space<vmem>>, %arg10: memref<1808xi32, #tpu.memory_space<vmem>>, %arg11: memref<1808xi32, #tpu.memory_space<vmem>>, %arg12: memref<2048x16xf32, #tpu.memory_space<vmem>>, %arg13: memref<2048x16xf32, #tpu.memory_space<vmem>>, %arg14: memref<640x16xf32, #tpu.memory_space<vmem>>, %arg15: memref<640x16xf32, #tpu.memory_space<vmem>>, %arg16: memref<!tpu.dma_semaphore, #tpu.memory_space<semaphore_mem>>, %arg17: memref<!tpu.dma_semaphore, #tpu.memory_space<semaphore_mem>>, %arg18: memref<10000x16xf32, #tpu.memory_space<vmem_shared>>, %arg19: memref<10240x16xf32, #tpu.memory_space<vmem_shared>>) attributes {dimension_semantics = [#tpu.dimension_semantics<core_parallel>, #tpu.dimension_semantics<subcore_parallel>], iteration_bounds = array<i64: 2, 16>, scalar_prefetch = 0 : i64, scratch_operands = 14 : i64, tpu.core_type = #tpu.core_type<sc_vector_subcore>, window_params = [{transform_indices = #map}, {transform_indices = #map}, {transform_indices = #map1}, {transform_indices = #map1}]} {
    %mul3A = arith.constant 16 : i32
    %mul3A_0 = arith.muli %arg0, %mul3A : i32
    %add3A = arith.addi %mul3A_0, %arg1 : i32
    %lt3A = arith.constant 15 : i32
    %lt3A_1 = arith.cmpi slt, %arg1, %lt3A : i32
    %convert_element_type3A = arith.extui %lt3A_1 : i1 to i32
    %cond3A = arith.constant 0 : i32
    %cond3A_2 = arith.cmpi ne, %convert_element_type3A, %cond3A : i32
    scf.if %cond3A_2 {
      %mul3A_171 = arith.constant 640 : i32
      %mul3A_172 = arith.muli %arg1, %mul3A_171 : i32
      "tpu.region"() ({
        %run_scoped3A_173 = tpu.sem_alloc : memref<!tpu.dma_semaphore, #tpu.memory_space<semaphore_mem>>
        %dma_start3A_174 = arith.constant 0 : i32
        %dma_start3A_175 = tpu.memref_slice %arg18[%mul3A_172, %dma_start3A_174] : memref<10000x16xf32, #tpu.memory_space<vmem_shared>> -> memref<640x16xf32, #tpu.memory_space<vmem_shared>>
        %dma_start3A_176 = arith.constant 0 : i32
        %dma_start3A_177 = tpu.memref_slice %arg2[%mul3A_172, %dma_start3A_176] : memref<10000x128xf32, #tpu.memory_space<hbm>> -> memref<640x16xf32, #tpu.memory_space<hbm>>
        tpu.enqueue_dma source(%dma_start3A_177 : memref<640x16xf32, #tpu.memory_space<hbm>>) target(%dma_start3A_175 : memref<640x16xf32, #tpu.memory_space<vmem_shared>>) target_semaphore(%run_scoped3A_173 : memref<!tpu.dma_semaphore, #tpu.memory_space<semaphore_mem>>)
        %dma_wait3A_178 = arith.constant 0 : i32
        %dma_wait3A_179 = tpu.memref_slice %arg18[%mul3A_172, %dma_wait3A_178] : memref<10000x16xf32, #tpu.memory_space<vmem_shared>> -> memref<640x16xf32, #tpu.memory_space<vmem_shared>>
        %dma_wait3A_180 = arith.constant 0 : i32
        %dma_wait3A_181 = tpu.memref_slice %arg2[%mul3A_172, %dma_wait3A_180] : memref<10000x128xf32, #tpu.memory_space<hbm>> -> memref<640x16xf32, #tpu.memory_space<hbm>>
        tpu.wait_dma2 semaphore(%run_scoped3A_173 : memref<!tpu.dma_semaphore, #tpu.memory_space<semaphore_mem>>) src(%dma_wait3A_181 : memref<640x16xf32, #tpu.memory_space<hbm>>) dst(%dma_wait3A_179 : memref<640x16xf32, #tpu.memory_space<vmem_shared>>)
        tpu.yield
      }) : () -> ()
    } else {
    }
    %eq3A = arith.constant 15 : i32
    %eq3A_3 = arith.cmpi eq, %arg1, %eq3A : i32
    %convert_element_type3A_4 = arith.extui %eq3A_3 : i1 to i32
    %cond3A_5 = arith.constant 0 : i32
    %cond3A_6 = arith.cmpi ne, %convert_element_type3A_4, %cond3A_5 : i32
    scf.if %cond3A_6 {
      "tpu.region"() ({
        %run_scoped3A_171 = tpu.sem_alloc : memref<!tpu.dma_semaphore, #tpu.memory_space<semaphore_mem>>
        %dma_start3A_172 = arith.constant 9600 : i32
        %dma_start3A_173 = arith.constant 0 : i32
        %dma_start3A_174 = tpu.memref_slice %arg18[%dma_start3A_172, %dma_start3A_173] : memref<10000x16xf32, #tpu.memory_space<vmem_shared>> -> memref<400x16xf32, #tpu.memory_space<vmem_shared>>
        %dma_start3A_175 = arith.constant 9600 : i32
        %dma_start3A_176 = arith.constant 0 : i32
        %dma_start3A_177 = tpu.memref_slice %arg2[%dma_start3A_175, %dma_start3A_176] : memref<10000x128xf32, #tpu.memory_space<hbm>> -> memref<400x16xf32, #tpu.memory_space<hbm>>
        tpu.enqueue_dma source(%dma_start3A_177 : memref<400x16xf32, #tpu.memory_space<hbm>>) target(%dma_start3A_174 : memref<400x16xf32, #tpu.memory_space<vmem_shared>>) target_semaphore(%run_scoped3A_171 : memref<!tpu.dma_semaphore, #tpu.memory_space<semaphore_mem>>)
        %dma_wait3A_178 = arith.constant 9600 : i32
        %dma_wait3A_179 = arith.constant 0 : i32
        %dma_wait3A_180 = tpu.memref_slice %arg18[%dma_wait3A_178, %dma_wait3A_179] : memref<10000x16xf32, #tpu.memory_space<vmem_shared>> -> memref<400x16xf32, #tpu.memory_space<vmem_shared>>
        %dma_wait3A_181 = arith.constant 9600 : i32
        %dma_wait3A_182 = arith.constant 0 : i32
        %dma_wait3A_183 = tpu.memref_slice %arg2[%dma_wait3A_181, %dma_wait3A_182] : memref<10000x128xf32, #tpu.memory_space<hbm>> -> memref<400x16xf32, #tpu.memory_space<hbm>>
        tpu.wait_dma2 semaphore(%run_scoped3A_171 : memref<!tpu.dma_semaphore, #tpu.memory_space<semaphore_mem>>) src(%dma_wait3A_183 : memref<400x16xf32, #tpu.memory_space<hbm>>) dst(%dma_wait3A_180 : memref<400x16xf32, #tpu.memory_space<vmem_shared>>)
        tpu.yield
      }) : () -> ()
    } else {
    }
    %broadcast_in_dim3A = arith.constant 0.000000e+00 : f32
    %broadcast_in_dim3A_7 = vector.broadcast %broadcast_in_dim3A : f32 to vector<16xf32>
    %scan3A = arith.constant 0 : i32
    %scan3A_8 = arith.constant 0 : i32
    %scan3A_9 = arith.constant 640 : i32
    %scan3A_10 = arith.addi %scan3A_8, %scan3A_9 : i32
    %scan3A_11 = arith.constant 1 : i32
    scf.for %scan3A_171 = %scan3A_8 to %scan3A_10 step %scan3A_11  : i32 {
      %swap3A = arith.index_cast %scan3A_171 : i32 to index
      %swap3A_172 = arith.constant 0 : index
      %swap3A_173 = tpu.vector_load %arg14[%swap3A, %swap3A_172] {strides = array<i32>} : memref<640x16xf32, #tpu.memory_space<vmem>>, vector<16xf32>,
      tpu.vector_store %arg14[%swap3A, %swap3A_172], %broadcast_in_dim3A_7 {strides = array<i32>} : memref<640x16xf32, #tpu.memory_space<vmem>>, vector<16xf32>,
      %swap3A_174 = arith.index_cast %scan3A_171 : i32 to index
      %swap3A_175 = arith.constant 0 : index
      %swap3A_176 = tpu.vector_load %arg15[%swap3A_174, %swap3A_175] {strides = array<i32>} : memref<640x16xf32, #tpu.memory_space<vmem>>, vector<16xf32>,
      tpu.vector_store %arg15[%swap3A_174, %swap3A_175], %broadcast_in_dim3A_7 {strides = array<i32>} : memref<640x16xf32, #tpu.memory_space<vmem>>, vector<16xf32>,
    }
    %scan3A_12 = arith.constant 640 : i32
    %mul3A_13 = arith.constant 640 : i32
    %mul3A_14 = arith.muli %arg1, %mul3A_13 : i32
    "tpu.region"() ({
      %run_scoped3A_171 = tpu.sem_alloc : memref<!tpu.dma_semaphore, #tpu.memory_space<semaphore_mem>>
      %dma_start3A_172 = arith.constant 0 : i32
      %dma_start3A_173 = tpu.memref_slice %arg19[%mul3A_14, %dma_start3A_172] : memref<10240x16xf32, #tpu.memory_space<vmem_shared>> -> memref<640x16xf32, #tpu.memory_space<vmem_shared>>
      %dma_start3A_174 = arith.constant 0 : i32
      %dma_start3A_175 = tpu.memref_slice %arg19[%mul3A_14, %dma_start3A_174] : memref<10240x16xf32, #tpu.memory_space<vmem_shared>> -> memref<640x16xf32, #tpu.memory_space<vmem_shared>>
      tpu.enqueue_dma source(%arg14 : memref<640x16xf32, #tpu.memory_space<vmem>>) target(%dma_start3A_175 : memref<640x16xf32, #tpu.memory_space<vmem_shared>>) target_semaphore(%run_scoped3A_171 : memref<!tpu.dma_semaphore, #tpu.memory_space<semaphore_mem>>)
      %dma_wait3A_176 = arith.constant 0 : i32
      %dma_wait3A_177 = tpu.memref_slice %arg19[%mul3A_14, %dma_wait3A_176] : memref<10240x16xf32, #tpu.memory_space<vmem_shared>> -> memref<640x16xf32, #tpu.memory_space<vmem_shared>>
      %dma_wait3A_178 = arith.constant 0 : i32
      %dma_wait3A_179 = tpu.memref_slice %arg19[%mul3A_14, %dma_wait3A_178] : memref<10240x16xf32, #tpu.memory_space<vmem_shared>> -> memref<640x16xf32, #tpu.memory_space<vmem_shared>>
      tpu.wait_dma2 semaphore(%run_scoped3A_171 : memref<!tpu.dma_semaphore, #tpu.memory_space<semaphore_mem>>) src(%arg14 : memref<640x16xf32, #tpu.memory_space<vmem>>) dst(%dma_wait3A_179 : memref<640x16xf32, #tpu.memory_space<vmem_shared>>)
      tpu.yield
    }) : () -> ()
    %barrier3A = arith.constant 0 : index
    tpu.barrier barrier_id(%barrier3A)
    %broadcast_in_dim3A_15 = arith.constant 1.000000e+00 : f32
    %broadcast_in_dim3A_16 = vector.broadcast %broadcast_in_dim3A_15 : f32 to vector<16xf32>
    %mul3A_17 = arith.constant 10000 : i32
    %mul3A_18 = arith.muli %add3A, %mul3A_17 : i32
    %run_scoped3A = arith.constant 0 : i32
    "tpu.region"() ({
      %run_scoped3A_171 = tpu.sem_alloc : memref<!tpu.dma_semaphore, #tpu.memory_space<semaphore_mem>>
      %dma_start3A_172 = tpu.memref_slice %arg3[%run_scoped3A, %mul3A_18] : memref<2x320000xi32, #tpu.memory_space<hbm>> -> memref<1x2048xi32, #tpu.memory_space<hbm>>
      %dma_start3A_173 = tpu.memref_squeeze %dma_start3A_172 : memref<1x2048xi32, #tpu.memory_space<hbm>> -> memref<2048xi32, #tpu.memory_space<hbm>>
      %dma_start3A_174 = tpu.memref_slice %arg3[%run_scoped3A, %mul3A_18] : memref<2x320000xi32, #tpu.memory_space<hbm>> -> memref<1x2048xi32, #tpu.memory_space<hbm>>
      %dma_start3A_175 = tpu.memref_squeeze %dma_start3A_174 : memref<1x2048xi32, #tpu.memory_space<hbm>> -> memref<2048xi32, #tpu.memory_space<hbm>>
      tpu.enqueue_dma source(%dma_start3A_175 : memref<2048xi32, #tpu.memory_space<hbm>>) target(%arg6 : memref<2048xi32, #tpu.memory_space<vmem>>) target_semaphore(%run_scoped3A_171 : memref<!tpu.dma_semaphore, #tpu.memory_space<semaphore_mem>>)
      %dma_wait3A_176 = tpu.memref_slice %arg3[%run_scoped3A, %mul3A_18] : memref<2x320000xi32, #tpu.memory_space<hbm>> -> memref<1x2048xi32, #tpu.memory_space<hbm>>
      %dma_wait3A_177 = tpu.memref_squeeze %dma_wait3A_176 : memref<1x2048xi32, #tpu.memory_space<hbm>> -> memref<2048xi32, #tpu.memory_space<hbm>>
      %dma_wait3A_178 = tpu.memref_slice %arg3[%run_scoped3A, %mul3A_18] : memref<2x320000xi32, #tpu.memory_space<hbm>> -> memref<1x2048xi32, #tpu.memory_space<hbm>>
      %dma_wait3A_179 = tpu.memref_squeeze %dma_wait3A_178 : memref<1x2048xi32, #tpu.memory_space<hbm>> -> memref<2048xi32, #tpu.memory_space<hbm>>
      tpu.wait_dma2 semaphore(%run_scoped3A_171 : memref<!tpu.dma_semaphore, #tpu.memory_space<semaphore_mem>>) src(%dma_wait3A_179 : memref<2048xi32, #tpu.memory_space<hbm>>) dst(%arg6 : memref<2048xi32, #tpu.memory_space<vmem>>)
      tpu.yield
    }) : () -> ()
    %mul3A_19 = arith.constant 10000 : i32
    %mul3A_20 = arith.muli %add3A, %mul3A_19 : i32
    %run_scoped3A_21 = arith.constant 1 : i32
    "tpu.region"() ({
      %run_scoped3A_171 = tpu.sem_alloc : memref<!tpu.dma_semaphore, #tpu.memory_space<semaphore_mem>>
      %dma_start3A_172 = tpu.memref_slice %arg3[%run_scoped3A_21, %mul3A_20] : memref<2x320000xi32, #tpu.memory_space<hbm>> -> memref<1x2048xi32, #tpu.memory_space<hbm>>
      %dma_start3A_173 = tpu.memref_squeeze %dma_start3A_172 : memref<1x2048xi32, #tpu.memory_space<hbm>> -> memref<2048xi32, #tpu.memory_space<hbm>>
      %dma_start3A_174 = tpu.memref_slice %arg3[%run_scoped3A_21, %mul3A_20] : memref<2x320000xi32, #tpu.memory_space<hbm>> -> memref<1x2048xi32, #tpu.memory_space<hbm>>
      %dma_start3A_175 = tpu.memref_squeeze %dma_start3A_174 : memref<1x2048xi32, #tpu.memory_space<hbm>> -> memref<2048xi32, #tpu.memory_space<hbm>>
      tpu.enqueue_dma source(%dma_start3A_175 : memref<2048xi32, #tpu.memory_space<hbm>>) target(%arg7 : memref<2048xi32, #tpu.memory_space<vmem>>) target_semaphore(%run_scoped3A_171 : memref<!tpu.dma_semaphore, #tpu.memory_space<semaphore_mem>>)
      %dma_wait3A_176 = tpu.memref_slice %arg3[%run_scoped3A_21, %mul3A_20] : memref<2x320000xi32, #tpu.memory_space<hbm>> -> memref<1x2048xi32, #tpu.memory_space<hbm>>
      %dma_wait3A_177 = tpu.memref_squeeze %dma_wait3A_176 : memref<1x2048xi32, #tpu.memory_space<hbm>> -> memref<2048xi32, #tpu.memory_space<hbm>>
      %dma_wait3A_178 = tpu.memref_slice %arg3[%run_scoped3A_21, %mul3A_20] : memref<2x320000xi32, #tpu.memory_space<hbm>> -> memref<1x2048xi32, #tpu.memory_space<hbm>>
      %dma_wait3A_179 = tpu.memref_squeeze %dma_wait3A_178 : memref<1x2048xi32, #tpu.memory_space<hbm>> -> memref<2048xi32, #tpu.memory_space<hbm>>
      tpu.wait_dma2 semaphore(%run_scoped3A_171 : memref<!tpu.dma_semaphore, #tpu.memory_space<semaphore_mem>>) src(%dma_wait3A_179 : memref<2048xi32, #tpu.memory_space<hbm>>) dst(%arg7 : memref<2048xi32, #tpu.memory_space<vmem>>)
      tpu.yield
    }) : () -> ()
    %mul3A_22 = arith.constant 10000 : i32
    %mul3A_23 = arith.muli %add3A, %mul3A_22 : i32
    %add3A_24 = arith.constant 2048 : i32
    %add3A_25 = arith.addi %mul3A_23, %add3A_24 : i32
    %dma_start3A = arith.constant 0 : i32
    %dma_start3A_26 = tpu.memref_slice %arg3[%dma_start3A, %add3A_25] : memref<2x320000xi32, #tpu.memory_space<hbm>> -> memref<1x2048xi32, #tpu.memory_space<hbm>>
    %dma_start3A_27 = tpu.memref_squeeze %dma_start3A_26 : memref<1x2048xi32, #tpu.memory_space<hbm>> -> memref<2048xi32, #tpu.memory_space<hbm>>
    %dma_start3A_28 = tpu.memref_slice %arg3[%dma_start3A, %add3A_25] : memref<2x320000xi32, #tpu.memory_space<hbm>> -> memref<1x2048xi32, #tpu.memory_space<hbm>>
    %dma_start3A_29 = tpu.memref_squeeze %dma_start3A_28 : memref<1x2048xi32, #tpu.memory_space<hbm>> -> memref<2048xi32, #tpu.memory_space<hbm>>
    tpu.enqueue_dma source(%dma_start3A_29 : memref<2048xi32, #tpu.memory_space<hbm>>) target(%arg8 : memref<2048xi32, #tpu.memory_space<vmem>>) target_semaphore(%arg16 : memref<!tpu.dma_semaphore, #tpu.memory_space<semaphore_mem>>)
    %dma_start3A_30 = arith.constant 1 : i32
    %dma_start3A_31 = tpu.memref_slice %arg3[%dma_start3A_30, %add3A_25] : memref<2x320000xi32, #tpu.memory_space<hbm>> -> memref<1x2048xi32, #tpu.memory_space<hbm>>
    %dma_start3A_32 = tpu.memref_squeeze %dma_start3A_31 : memref<1x2048xi32, #tpu.memory_space<hbm>> -> memref<2048xi32, #tpu.memory_space<hbm>>
    %dma_start3A_33 = tpu.memref_slice %arg3[%dma_start3A_30, %add3A_25] : memref<2x320000xi32, #tpu.memory_space<hbm>> -> memref<1x2048xi32, #tpu.memory_space<hbm>>
    %dma_start3A_34 = tpu.memref_squeeze %dma_start3A_33 : memref<1x2048xi32, #tpu.memory_space<hbm>> -> memref<2048xi32, #tpu.memory_space<hbm>>
    tpu.enqueue_dma source(%dma_start3A_34 : memref<2048xi32, #tpu.memory_space<hbm>>) target(%arg9 : memref<2048xi32, #tpu.memory_space<vmem>>) target_semaphore(%arg16 : memref<!tpu.dma_semaphore, #tpu.memory_space<semaphore_mem>>)
    "tpu.region"() ({
      %run_scoped3A_171 = tpu.sem_alloc : memref<!tpu.dma_semaphore, #tpu.memory_space<semaphore_mem>>
      %dma_start3A_172 = arith.constant 0 : i32
      %dma_start3A_173 = arith.constant 0 : i32
      %dma_start3A_174 = tpu.memref_slice %arg18[%dma_start3A_172, %dma_start3A_173] : memref<10000x16xf32, #tpu.memory_space<vmem_shared>> -> memref<10000x16xf32, #tpu.memory_space<vmem_shared>>
      tpu.enqueue_indirect_dma source(%dma_start3A_174 : memref<10000x16xf32, #tpu.memory_space<vmem_shared>>) target(%arg12 : memref<2048x16xf32, #tpu.memory_space<vmem>>) offsets(%arg6 : memref<2048xi32, #tpu.memory_space<vmem>>) semaphore(%run_scoped3A_171 : memref<!tpu.dma_semaphore, #tpu.memory_space<semaphore_mem>>)
      %dma_wait3A_175 = arith.constant 0 : i32
      %dma_wait3A_176 = arith.constant 0 : i32
      %dma_wait3A_177 = tpu.memref_slice %arg18[%dma_wait3A_175, %dma_wait3A_176] : memref<10000x16xf32, #tpu.memory_space<vmem_shared>> -> memref<10000x16xf32, #tpu.memory_space<vmem_shared>>
      tpu.wait_indirect_dma semaphore(%run_scoped3A_171 : memref<!tpu.dma_semaphore, #tpu.memory_space<semaphore_mem>>) src(%dma_wait3A_177 : memref<10000x16xf32, #tpu.memory_space<vmem_shared>>) dst(%arg12 : memref<2048x16xf32, #tpu.memory_space<vmem>>)
      tpu.yield
    }) : () -> ()
    %dma_start3A_35 = arith.constant 0 : i32
    %dma_start3A_36 = arith.constant 0 : i32
    %dma_start3A_37 = tpu.memref_slice %arg19[%dma_start3A_35, %dma_start3A_36] : memref<10240x16xf32, #tpu.memory_space<vmem_shared>> -> memref<10240x16xf32, #tpu.memory_space<vmem_shared>>
    tpu.enqueue_indirect_dma source(%arg12 : memref<2048x16xf32, #tpu.memory_space<vmem>>) target(%dma_start3A_37 : memref<10240x16xf32, #tpu.memory_space<vmem_shared>>) offsets(%arg7 : memref<2048xi32, #tpu.memory_space<vmem>>) semaphore(%arg17 : memref<!tpu.dma_semaphore, #tpu.memory_space<semaphore_mem>>) {add = true}
    %parallel_loop3A = arith.constant 0 : i32
    %parallel_loop3A_38 = arith.constant 128 : i32
    %parallel_loop3A_39 = arith.constant 1 : i32
    scf.for %parallel_loop3A_171 = %parallel_loop3A to %parallel_loop3A_38 step %parallel_loop3A_39  : i32 {
      %parallel_loop3A_172 = arith.constant 16 : i32
      %parallel_loop3A_173 = arith.muli %parallel_loop3A_171, %parallel_loop3A_172 : i32
      %parallel_loop3A_174 = arith.index_cast %parallel_loop3A_173 : i32 to index
      %parallel_loop3A_175 = tpu.vector_load %arg7[%parallel_loop3A_174] {strides = array<i32>} : memref<2048xi32, #tpu.memory_space<vmem>>, vector<16xi32>,
      %parallel_loop3A_176 = arith.constant 4 : i32
      %parallel_loop3A_177 = vector.broadcast %parallel_loop3A_176 : i32 to vector<16xi32>
      %parallel_loop3A_178 = arith.shrsi %parallel_loop3A_175, %parallel_loop3A_177 : vector<16xi32>
      %parallel_loop3A_179 = arith.constant 15 : i32
      %parallel_loop3A_180 = vector.broadcast %parallel_loop3A_179 : i32 to vector<16xi32>
      %parallel_loop3A_181 = arith.andi %parallel_loop3A_175, %parallel_loop3A_180 : vector<16xi32>
      tpu.vector_store_idx %arg15[%parallel_loop3A_178, %parallel_loop3A_181], %broadcast_in_dim3A_16 {add = true} : memref<640x16xf32, #tpu.memory_space<vmem>>[vector<16xi32>, vector<16xi32>], vector<16xf32>,
    } {sc.loop_unroll_factor = 4 : i64, sc.parallel_access}
    %dma_wait3A = arith.constant 0 : i32
    %dma_wait3A_40 = tpu.memref_slice %arg3[%dma_wait3A, %add3A_25] : memref<2x320000xi32, #tpu.memory_space<hbm>> -> memref<1x2048xi32, #tpu.memory_space<hbm>>
    %dma_wait3A_41 = tpu.memref_squeeze %dma_wait3A_40 : memref<1x2048xi32, #tpu.memory_space<hbm>> -> memref<2048xi32, #tpu.memory_space<hbm>>
    %dma_wait3A_42 = tpu.memref_slice %arg3[%dma_wait3A, %add3A_25] : memref<2x320000xi32, #tpu.memory_space<hbm>> -> memref<1x2048xi32, #tpu.memory_space<hbm>>
    %dma_wait3A_43 = tpu.memref_squeeze %dma_wait3A_42 : memref<1x2048xi32, #tpu.memory_space<hbm>> -> memref<2048xi32, #tpu.memory_space<hbm>>
    tpu.wait_dma2 semaphore(%arg16 : memref<!tpu.dma_semaphore, #tpu.memory_space<semaphore_mem>>) src(%dma_wait3A_43 : memref<2048xi32, #tpu.memory_space<hbm>>) dst(%arg8 : memref<2048xi32, #tpu.memory_space<vmem>>)
    %dma_wait3A_44 = arith.constant 1 : i32
    %dma_wait3A_45 = tpu.memref_slice %arg3[%dma_wait3A_44, %add3A_25] : memref<2x320000xi32, #tpu.memory_space<hbm>> -> memref<1x2048xi32, #tpu.memory_space<hbm>>
    %dma_wait3A_46 = tpu.memref_squeeze %dma_wait3A_45 : memref<1x2048xi32, #tpu.memory_space<hbm>> -> memref<2048xi32, #tpu.memory_space<hbm>>
    %dma_wait3A_47 = tpu.memref_slice %arg3[%dma_wait3A_44, %add3A_25] : memref<2x320000xi32, #tpu.memory_space<hbm>> -> memref<1x2048xi32, #tpu.memory_space<hbm>>
    %dma_wait3A_48 = tpu.memref_squeeze %dma_wait3A_47 : memref<1x2048xi32, #tpu.memory_space<hbm>> -> memref<2048xi32, #tpu.memory_space<hbm>>
    tpu.wait_dma2 semaphore(%arg16 : memref<!tpu.dma_semaphore, #tpu.memory_space<semaphore_mem>>) src(%dma_wait3A_48 : memref<2048xi32, #tpu.memory_space<hbm>>) dst(%arg9 : memref<2048xi32, #tpu.memory_space<vmem>>)
    %dma_wait3A_49 = arith.constant 0 : i32
    %dma_wait3A_50 = arith.constant 0 : i32
    %dma_wait3A_51 = tpu.memref_slice %arg19[%dma_wait3A_49, %dma_wait3A_50] : memref<10240x16xf32, #tpu.memory_space<vmem_shared>> -> memref<10240x16xf32, #tpu.memory_space<vmem_shared>>
    tpu.wait_indirect_dma semaphore(%arg17 : memref<!tpu.dma_semaphore, #tpu.memory_space<semaphore_mem>>) src(%arg12 : memref<2048x16xf32, #tpu.memory_space<vmem>>) dst(%dma_wait3A_51 : memref<10240x16xf32, #tpu.memory_space<vmem_shared>>)
    %mul3A_52 = arith.constant 10000 : i32
    %mul3A_53 = arith.muli %add3A, %mul3A_52 : i32
    %add3A_54 = arith.constant 4096 : i32
    %add3A_55 = arith.addi %mul3A_53, %add3A_54 : i32
    %dma_start3A_56 = arith.constant 0 : i32
    %dma_start3A_57 = tpu.memref_slice %arg3[%dma_start3A_56, %add3A_55] : memref<2x320000xi32, #tpu.memory_space<hbm>> -> memref<1x2048xi32, #tpu.memory_space<hbm>>
    %dma_start3A_58 = tpu.memref_squeeze %dma_start3A_57 : memref<1x2048xi32, #tpu.memory_space<hbm>> -> memref<2048xi32, #tpu.memory_space<hbm>>
    %dma_start3A_59 = tpu.memref_slice %arg3[%dma_start3A_56, %add3A_55] : memref<2x320000xi32, #tpu.memory_space<hbm>> -> memref<1x2048xi32, #tpu.memory_space<hbm>>
    %dma_start3A_60 = tpu.memref_squeeze %dma_start3A_59 : memref<1x2048xi32, #tpu.memory_space<hbm>> -> memref<2048xi32, #tpu.memory_space<hbm>>
    tpu.enqueue_dma source(%dma_start3A_60 : memref<2048xi32, #tpu.memory_space<hbm>>) target(%arg6 : memref<2048xi32, #tpu.memory_space<vmem>>) target_semaphore(%arg16 : memref<!tpu.dma_semaphore, #tpu.memory_space<semaphore_mem>>)
    %dma_start3A_61 = arith.constant 1 : i32
    %dma_start3A_62 = tpu.memref_slice %arg3[%dma_start3A_61, %add3A_55] : memref<2x320000xi32, #tpu.memory_space<hbm>> -> memref<1x2048xi32, #tpu.memory_space<hbm>>
    %dma_start3A_63 = tpu.memref_squeeze %dma_start3A_62 : memref<1x2048xi32, #tpu.memory_space<hbm>> -> memref<2048xi32, #tpu.memory_space<hbm>>
    %dma_start3A_64 = tpu.memref_slice %arg3[%dma_start3A_61, %add3A_55] : memref<2x320000xi32, #tpu.memory_space<hbm>> -> memref<1x2048xi32, #tpu.memory_space<hbm>>
    %dma_start3A_65 = tpu.memref_squeeze %dma_start3A_64 : memref<1x2048xi32, #tpu.memory_space<hbm>> -> memref<2048xi32, #tpu.memory_space<hbm>>
    tpu.enqueue_dma source(%dma_start3A_65 : memref<2048xi32, #tpu.memory_space<hbm>>) target(%arg7 : memref<2048xi32, #tpu.memory_space<vmem>>) target_semaphore(%arg16 : memref<!tpu.dma_semaphore, #tpu.memory_space<semaphore_mem>>)
    "tpu.region"() ({
      %run_scoped3A_171 = tpu.sem_alloc : memref<!tpu.dma_semaphore, #tpu.memory_space<semaphore_mem>>
      %dma_start3A_172 = arith.constant 0 : i32
      %dma_start3A_173 = arith.constant 0 : i32
      %dma_start3A_174 = tpu.memref_slice %arg18[%dma_start3A_172, %dma_start3A_173] : memref<10000x16xf32, #tpu.memory_space<vmem_shared>> -> memref<10000x16xf32, #tpu.memory_space<vmem_shared>>
      tpu.enqueue_indirect_dma source(%dma_start3A_174 : memref<10000x16xf32, #tpu.memory_space<vmem_shared>>) target(%arg13 : memref<2048x16xf32, #tpu.memory_space<vmem>>) offsets(%arg8 : memref<2048xi32, #tpu.memory_space<vmem>>) semaphore(%run_scoped3A_171 : memref<!tpu.dma_semaphore, #tpu.memory_space<semaphore_mem>>)
      %dma_wait3A_175 = arith.constant 0 : i32
      %dma_wait3A_176 = arith.constant 0 : i32
      %dma_wait3A_177 = tpu.memref_slice %arg18[%dma_wait3A_175, %dma_wait3A_176] : memref<10000x16xf32, #tpu.memory_space<vmem_shared>> -> memref<10000x16xf32, #tpu.memory_space<vmem_shared>>
      tpu.wait_indirect_dma semaphore(%run_scoped3A_171 : memref<!tpu.dma_semaphore, #tpu.memory_space<semaphore_mem>>) src(%dma_wait3A_177 : memref<10000x16xf32, #tpu.memory_space<vmem_shared>>) dst(%arg13 : memref<2048x16xf32, #tpu.memory_space<vmem>>)
      tpu.yield
    }) : () -> ()
    %dma_start3A_66 = arith.constant 0 : i32
    %dma_start3A_67 = arith.constant 0 : i32
    %dma_start3A_68 = tpu.memref_slice %arg19[%dma_start3A_66, %dma_start3A_67] : memref<10240x16xf32, #tpu.memory_space<vmem_shared>> -> memref<10240x16xf32, #tpu.memory_space<vmem_shared>>
    tpu.enqueue_indirect_dma source(%arg13 : memref<2048x16xf32, #tpu.memory_space<vmem>>) target(%dma_start3A_68 : memref<10240x16xf32, #tpu.memory_space<vmem_shared>>) offsets(%arg9 : memref<2048xi32, #tpu.memory_space<vmem>>) semaphore(%arg17 : memref<!tpu.dma_semaphore, #tpu.memory_space<semaphore_mem>>) {add = true}
    %parallel_loop3A_69 = arith.constant 0 : i32
    %parallel_loop3A_70 = arith.constant 128 : i32
    %parallel_loop3A_71 = arith.constant 1 : i32
    scf.for %parallel_loop3A_171 = %parallel_loop3A_69 to %parallel_loop3A_70 step %parallel_loop3A_71  : i32 {
      %parallel_loop3A_172 = arith.constant 16 : i32
      %parallel_loop3A_173 = arith.muli %parallel_loop3A_171, %parallel_loop3A_172 : i32
      %parallel_loop3A_174 = arith.index_cast %parallel_loop3A_173 : i32 to index
      %parallel_loop3A_175 = tpu.vector_load %arg9[%parallel_loop3A_174] {strides = array<i32>} : memref<2048xi32, #tpu.memory_space<vmem>>, vector<16xi32>,
      %parallel_loop3A_176 = arith.constant 4 : i32
      %parallel_loop3A_177 = vector.broadcast %parallel_loop3A_176 : i32 to vector<16xi32>
      %parallel_loop3A_178 = arith.shrsi %parallel_loop3A_175, %parallel_loop3A_177 : vector<16xi32>
      %parallel_loop3A_179 = arith.constant 15 : i32
      %parallel_loop3A_180 = vector.broadcast %parallel_loop3A_179 : i32 to vector<16xi32>
      %parallel_loop3A_181 = arith.andi %parallel_loop3A_175, %parallel_loop3A_180 : vector<16xi32>
      tpu.vector_store_idx %arg15[%parallel_loop3A_178, %parallel_loop3A_181], %broadcast_in_dim3A_16 {add = true} : memref<640x16xf32, #tpu.memory_space<vmem>>[vector<16xi32>, vector<16xi32>], vector<16xf32>,
    } {sc.loop_unroll_factor = 4 : i64, sc.parallel_access}
    %dma_wait3A_72 = arith.constant 0 : i32
    %dma_wait3A_73 = tpu.memref_slice %arg3[%dma_wait3A_72, %add3A_55] : memref<2x320000xi32, #tpu.memory_space<hbm>> -> memref<1x2048xi32, #tpu.memory_space<hbm>>
    %dma_wait3A_74 = tpu.memref_squeeze %dma_wait3A_73 : memref<1x2048xi32, #tpu.memory_space<hbm>> -> memref<2048xi32, #tpu.memory_space<hbm>>
    %dma_wait3A_75 = tpu.memref_slice %arg3[%dma_wait3A_72, %add3A_55] : memref<2x320000xi32, #tpu.memory_space<hbm>> -> memref<1x2048xi32, #tpu.memory_space<hbm>>
    %dma_wait3A_76 = tpu.memref_squeeze %dma_wait3A_75 : memref<1x2048xi32, #tpu.memory_space<hbm>> -> memref<2048xi32, #tpu.memory_space<hbm>>
    tpu.wait_dma2 semaphore(%arg16 : memref<!tpu.dma_semaphore, #tpu.memory_space<semaphore_mem>>) src(%dma_wait3A_76 : memref<2048xi32, #tpu.memory_space<hbm>>) dst(%arg6 : memref<2048xi32, #tpu.memory_space<vmem>>)
    %dma_wait3A_77 = arith.constant 1 : i32
    %dma_wait3A_78 = tpu.memref_slice %arg3[%dma_wait3A_77, %add3A_55] : memref<2x320000xi32, #tpu.memory_space<hbm>> -> memref<1x2048xi32, #tpu.memory_space<hbm>>
    %dma_wait3A_79 = tpu.memref_squeeze %dma_wait3A_78 : memref<1x2048xi32, #tpu.memory_space<hbm>> -> memref<2048xi32, #tpu.memory_space<hbm>>
    %dma_wait3A_80 = tpu.memref_slice %arg3[%dma_wait3A_77, %add3A_55] : memref<2x320000xi32, #tpu.memory_space<hbm>> -> memref<1x2048xi32, #tpu.memory_space<hbm>>
    %dma_wait3A_81 = tpu.memref_squeeze %dma_wait3A_80 : memref<1x2048xi32, #tpu.memory_space<hbm>> -> memref<2048xi32, #tpu.memory_space<hbm>>
    tpu.wait_dma2 semaphore(%arg16 : memref<!tpu.dma_semaphore, #tpu.memory_space<semaphore_mem>>) src(%dma_wait3A_81 : memref<2048xi32, #tpu.memory_space<hbm>>) dst(%arg7 : memref<2048xi32, #tpu.memory_space<vmem>>)
    %dma_wait3A_82 = arith.constant 0 : i32
    %dma_wait3A_83 = arith.constant 0 : i32
    %dma_wait3A_84 = tpu.memref_slice %arg19[%dma_wait3A_82, %dma_wait3A_83] : memref<10240x16xf32, #tpu.memory_space<vmem_shared>> -> memref<10240x16xf32, #tpu.memory_space<vmem_shared>>
    tpu.wait_indirect_dma semaphore(%arg17 : memref<!tpu.dma_semaphore, #tpu.memory_space<semaphore_mem>>) src(%arg13 : memref<2048x16xf32, #tpu.memory_space<vmem>>) dst(%dma_wait3A_84 : memref<10240x16xf32, #tpu.memory_space<vmem_shared>>)
    %mul3A_85 = arith.constant 10000 : i32
    %mul3A_86 = arith.muli %add3A, %mul3A_85 : i32
    %add3A_87 = arith.constant 6144 : i32
    %add3A_88 = arith.addi %mul3A_86, %add3A_87 : i32
    %dma_start3A_89 = arith.constant 0 : i32
    %dma_start3A_90 = tpu.memref_slice %arg3[%dma_start3A_89, %add3A_88] : memref<2x320000xi32, #tpu.memory_space<hbm>> -> memref<1x2048xi32, #tpu.memory_space<hbm>>
    %dma_start3A_91 = tpu.memref_squeeze %dma_start3A_90 : memref<1x2048xi32, #tpu.memory_space<hbm>> -> memref<2048xi32, #tpu.memory_space<hbm>>
    %dma_start3A_92 = tpu.memref_slice %arg3[%dma_start3A_89, %add3A_88] : memref<2x320000xi32, #tpu.memory_space<hbm>> -> memref<1x2048xi32, #tpu.memory_space<hbm>>
    %dma_start3A_93 = tpu.memref_squeeze %dma_start3A_92 : memref<1x2048xi32, #tpu.memory_space<hbm>> -> memref<2048xi32, #tpu.memory_space<hbm>>
    tpu.enqueue_dma source(%dma_start3A_93 : memref<2048xi32, #tpu.memory_space<hbm>>) target(%arg8 : memref<2048xi32, #tpu.memory_space<vmem>>) target_semaphore(%arg16 : memref<!tpu.dma_semaphore, #tpu.memory_space<semaphore_mem>>)
    %dma_start3A_94 = arith.constant 1 : i32
    %dma_start3A_95 = tpu.memref_slice %arg3[%dma_start3A_94, %add3A_88] : memref<2x320000xi32, #tpu.memory_space<hbm>> -> memref<1x2048xi32, #tpu.memory_space<hbm>>
    %dma_start3A_96 = tpu.memref_squeeze %dma_start3A_95 : memref<1x2048xi32, #tpu.memory_space<hbm>> -> memref<2048xi32, #tpu.memory_space<hbm>>
    %dma_start3A_97 = tpu.memref_slice %arg3[%dma_start3A_94, %add3A_88] : memref<2x320000xi32, #tpu.memory_space<hbm>> -> memref<1x2048xi32, #tpu.memory_space<hbm>>
    %dma_start3A_98 = tpu.memref_squeeze %dma_start3A_97 : memref<1x2048xi32, #tpu.memory_space<hbm>> -> memref<2048xi32, #tpu.memory_space<hbm>>
    tpu.enqueue_dma source(%dma_start3A_98 : memref<2048xi32, #tpu.memory_space<hbm>>) target(%arg9 : memref<2048xi32, #tpu.memory_space<vmem>>) target_semaphore(%arg16 : memref<!tpu.dma_semaphore, #tpu.memory_space<semaphore_mem>>)
    "tpu.region"() ({
      %run_scoped3A_171 = tpu.sem_alloc : memref<!tpu.dma_semaphore, #tpu.memory_space<semaphore_mem>>
      %dma_start3A_172 = arith.constant 0 : i32
      %dma_start3A_173 = arith.constant 0 : i32
      %dma_start3A_174 = tpu.memref_slice %arg18[%dma_start3A_172, %dma_start3A_173] : memref<10000x16xf32, #tpu.memory_space<vmem_shared>> -> memref<10000x16xf32, #tpu.memory_space<vmem_shared>>
      tpu.enqueue_indirect_dma source(%dma_start3A_174 : memref<10000x16xf32, #tpu.memory_space<vmem_shared>>) target(%arg12 : memref<2048x16xf32, #tpu.memory_space<vmem>>) offsets(%arg6 : memref<2048xi32, #tpu.memory_space<vmem>>) semaphore(%run_scoped3A_171 : memref<!tpu.dma_semaphore, #tpu.memory_space<semaphore_mem>>)
      %dma_wait3A_175 = arith.constant 0 : i32
      %dma_wait3A_176 = arith.constant 0 : i32
      %dma_wait3A_177 = tpu.memref_slice %arg18[%dma_wait3A_175, %dma_wait3A_176] : memref<10000x16xf32, #tpu.memory_space<vmem_shared>> -> memref<10000x16xf32, #tpu.memory_space<vmem_shared>>
      tpu.wait_indirect_dma semaphore(%run_scoped3A_171 : memref<!tpu.dma_semaphore, #tpu.memory_space<semaphore_mem>>) src(%dma_wait3A_177 : memref<10000x16xf32, #tpu.memory_space<vmem_shared>>) dst(%arg12 : memref<2048x16xf32, #tpu.memory_space<vmem>>)
      tpu.yield
    }) : () -> ()
    %dma_start3A_99 = arith.constant 0 : i32
    %dma_start3A_100 = arith.constant 0 : i32
    %dma_start3A_101 = tpu.memref_slice %arg19[%dma_start3A_99, %dma_start3A_100] : memref<10240x16xf32, #tpu.memory_space<vmem_shared>> -> memref<10240x16xf32, #tpu.memory_space<vmem_shared>>
    tpu.enqueue_indirect_dma source(%arg12 : memref<2048x16xf32, #tpu.memory_space<vmem>>) target(%dma_start3A_101 : memref<10240x16xf32, #tpu.memory_space<vmem_shared>>) offsets(%arg7 : memref<2048xi32, #tpu.memory_space<vmem>>) semaphore(%arg17 : memref<!tpu.dma_semaphore, #tpu.memory_space<semaphore_mem>>) {add = true}
    %parallel_loop3A_102 = arith.constant 0 : i32
    %parallel_loop3A_103 = arith.constant 128 : i32
    %parallel_loop3A_104 = arith.constant 1 : i32
    scf.for %parallel_loop3A_171 = %parallel_loop3A_102 to %parallel_loop3A_103 step %parallel_loop3A_104  : i32 {
      %parallel_loop3A_172 = arith.constant 16 : i32
      %parallel_loop3A_173 = arith.muli %parallel_loop3A_171, %parallel_loop3A_172 : i32
      %parallel_loop3A_174 = arith.index_cast %parallel_loop3A_173 : i32 to index
      %parallel_loop3A_175 = tpu.vector_load %arg7[%parallel_loop3A_174] {strides = array<i32>} : memref<2048xi32, #tpu.memory_space<vmem>>, vector<16xi32>,
      %parallel_loop3A_176 = arith.constant 4 : i32
      %parallel_loop3A_177 = vector.broadcast %parallel_loop3A_176 : i32 to vector<16xi32>
      %parallel_loop3A_178 = arith.shrsi %parallel_loop3A_175, %parallel_loop3A_177 : vector<16xi32>
      %parallel_loop3A_179 = arith.constant 15 : i32
      %parallel_loop3A_180 = vector.broadcast %parallel_loop3A_179 : i32 to vector<16xi32>
      %parallel_loop3A_181 = arith.andi %parallel_loop3A_175, %parallel_loop3A_180 : vector<16xi32>
      tpu.vector_store_idx %arg15[%parallel_loop3A_178, %parallel_loop3A_181], %broadcast_in_dim3A_16 {add = true} : memref<640x16xf32, #tpu.memory_space<vmem>>[vector<16xi32>, vector<16xi32>], vector<16xf32>,
    } {sc.loop_unroll_factor = 4 : i64, sc.parallel_access}
    %dma_wait3A_105 = arith.constant 0 : i32
    %dma_wait3A_106 = tpu.memref_slice %arg3[%dma_wait3A_105, %add3A_88] : memref<2x320000xi32, #tpu.memory_space<hbm>> -> memref<1x2048xi32, #tpu.memory_space<hbm>>
    %dma_wait3A_107 = tpu.memref_squeeze %dma_wait3A_106 : memref<1x2048xi32, #tpu.memory_space<hbm>> -> memref<2048xi32, #tpu.memory_space<hbm>>
    %dma_wait3A_108 = tpu.memref_slice %arg3[%dma_wait3A_105, %add3A_88] : memref<2x320000xi32, #tpu.memory_space<hbm>> -> memref<1x2048xi32, #tpu.memory_space<hbm>>
    %dma_wait3A_109 = tpu.memref_squeeze %dma_wait3A_108 : memref<1x2048xi32, #tpu.memory_space<hbm>> -> memref<2048xi32, #tpu.memory_space<hbm>>
    tpu.wait_dma2 semaphore(%arg16 : memref<!tpu.dma_semaphore, #tpu.memory_space<semaphore_mem>>) src(%dma_wait3A_109 : memref<2048xi32, #tpu.memory_space<hbm>>) dst(%arg8 : memref<2048xi32, #tpu.memory_space<vmem>>)
    %dma_wait3A_110 = arith.constant 1 : i32
    %dma_wait3A_111 = tpu.memref_slice %arg3[%dma_wait3A_110, %add3A_88] : memref<2x320000xi32, #tpu.memory_space<hbm>> -> memref<1x2048xi32, #tpu.memory_space<hbm>>
    %dma_wait3A_112 = tpu.memref_squeeze %dma_wait3A_111 : memref<1x2048xi32, #tpu.memory_space<hbm>> -> memref<2048xi32, #tpu.memory_space<hbm>>
    %dma_wait3A_113 = tpu.memref_slice %arg3[%dma_wait3A_110, %add3A_88] : memref<2x320000xi32, #tpu.memory_space<hbm>> -> memref<1x2048xi32, #tpu.memory_space<hbm>>
    %dma_wait3A_114 = tpu.memref_squeeze %dma_wait3A_113 : memref<1x2048xi32, #tpu.memory_space<hbm>> -> memref<2048xi32, #tpu.memory_space<hbm>>
    tpu.wait_dma2 semaphore(%arg16 : memref<!tpu.dma_semaphore, #tpu.memory_space<semaphore_mem>>) src(%dma_wait3A_114 : memref<2048xi32, #tpu.memory_space<hbm>>) dst(%arg9 : memref<2048xi32, #tpu.memory_space<vmem>>)
    %dma_wait3A_115 = arith.constant 0 : i32
    %dma_wait3A_116 = arith.constant 0 : i32
    %dma_wait3A_117 = tpu.memref_slice %arg19[%dma_wait3A_115, %dma_wait3A_116] : memref<10240x16xf32, #tpu.memory_space<vmem_shared>> -> memref<10240x16xf32, #tpu.memory_space<vmem_shared>>
    tpu.wait_indirect_dma semaphore(%arg17 : memref<!tpu.dma_semaphore, #tpu.memory_space<semaphore_mem>>) src(%arg12 : memref<2048x16xf32, #tpu.memory_space<vmem>>) dst(%dma_wait3A_117 : memref<10240x16xf32, #tpu.memory_space<vmem_shared>>)
    %mul3A_118 = arith.constant 10000 : i32
    %mul3A_119 = arith.muli %add3A, %mul3A_118 : i32
    %add3A_120 = arith.constant 8192 : i32
    %add3A_121 = arith.addi %mul3A_119, %add3A_120 : i32
    %dma_start3A_122 = arith.constant 0 : i32
    %dma_start3A_123 = tpu.memref_slice %arg3[%dma_start3A_122, %add3A_121] : memref<2x320000xi32, #tpu.memory_space<hbm>> -> memref<1x1808xi32, #tpu.memory_space<hbm>>
    %dma_start3A_124 = tpu.memref_squeeze %dma_start3A_123 : memref<1x1808xi32, #tpu.memory_space<hbm>> -> memref<1808xi32, #tpu.memory_space<hbm>>
    %dma_start3A_125 = tpu.memref_slice %arg3[%dma_start3A_122, %add3A_121] : memref<2x320000xi32, #tpu.memory_space<hbm>> -> memref<1x1808xi32, #tpu.memory_space<hbm>>
    %dma_start3A_126 = tpu.memref_squeeze %dma_start3A_125 : memref<1x1808xi32, #tpu.memory_space<hbm>> -> memref<1808xi32, #tpu.memory_space<hbm>>
    tpu.enqueue_dma source(%dma_start3A_126 : memref<1808xi32, #tpu.memory_space<hbm>>) target(%arg10 : memref<1808xi32, #tpu.memory_space<vmem>>) target_semaphore(%arg16 : memref<!tpu.dma_semaphore, #tpu.memory_space<semaphore_mem>>)
    %dma_start3A_127 = arith.constant 1 : i32
    %dma_start3A_128 = tpu.memref_slice %arg3[%dma_start3A_127, %add3A_121] : memref<2x320000xi32, #tpu.memory_space<hbm>> -> memref<1x1808xi32, #tpu.memory_space<hbm>>
    %dma_start3A_129 = tpu.memref_squeeze %dma_start3A_128 : memref<1x1808xi32, #tpu.memory_space<hbm>> -> memref<1808xi32, #tpu.memory_space<hbm>>
    %dma_start3A_130 = tpu.memref_slice %arg3[%dma_start3A_127, %add3A_121] : memref<2x320000xi32, #tpu.memory_space<hbm>> -> memref<1x1808xi32, #tpu.memory_space<hbm>>
    %dma_start3A_131 = tpu.memref_squeeze %dma_start3A_130 : memref<1x1808xi32, #tpu.memory_space<hbm>> -> memref<1808xi32, #tpu.memory_space<hbm>>
    tpu.enqueue_dma source(%dma_start3A_131 : memref<1808xi32, #tpu.memory_space<hbm>>) target(%arg11 : memref<1808xi32, #tpu.memory_space<vmem>>) target_semaphore(%arg16 : memref<!tpu.dma_semaphore, #tpu.memory_space<semaphore_mem>>)
    "tpu.region"() ({
      %run_scoped3A_171 = tpu.sem_alloc : memref<!tpu.dma_semaphore, #tpu.memory_space<semaphore_mem>>
      %dma_start3A_172 = arith.constant 0 : i32
      %dma_start3A_173 = arith.constant 0 : i32
      %dma_start3A_174 = tpu.memref_slice %arg18[%dma_start3A_172, %dma_start3A_173] : memref<10000x16xf32, #tpu.memory_space<vmem_shared>> -> memref<10000x16xf32, #tpu.memory_space<vmem_shared>>
      tpu.enqueue_indirect_dma source(%dma_start3A_174 : memref<10000x16xf32, #tpu.memory_space<vmem_shared>>) target(%arg13 : memref<2048x16xf32, #tpu.memory_space<vmem>>) offsets(%arg8 : memref<2048xi32, #tpu.memory_space<vmem>>) semaphore(%run_scoped3A_171 : memref<!tpu.dma_semaphore, #tpu.memory_space<semaphore_mem>>)
      %dma_wait3A_175 = arith.constant 0 : i32
      %dma_wait3A_176 = arith.constant 0 : i32
      %dma_wait3A_177 = tpu.memref_slice %arg18[%dma_wait3A_175, %dma_wait3A_176] : memref<10000x16xf32, #tpu.memory_space<vmem_shared>> -> memref<10000x16xf32, #tpu.memory_space<vmem_shared>>
      tpu.wait_indirect_dma semaphore(%run_scoped3A_171 : memref<!tpu.dma_semaphore, #tpu.memory_space<semaphore_mem>>) src(%dma_wait3A_177 : memref<10000x16xf32, #tpu.memory_space<vmem_shared>>) dst(%arg13 : memref<2048x16xf32, #tpu.memory_space<vmem>>)
      tpu.yield
    }) : () -> ()
    %dma_start3A_132 = arith.constant 0 : i32
    %dma_start3A_133 = arith.constant 0 : i32
    %dma_start3A_134 = tpu.memref_slice %arg19[%dma_start3A_132, %dma_start3A_133] : memref<10240x16xf32, #tpu.memory_space<vmem_shared>> -> memref<10240x16xf32, #tpu.memory_space<vmem_shared>>
    tpu.enqueue_indirect_dma source(%arg13 : memref<2048x16xf32, #tpu.memory_space<vmem>>) target(%dma_start3A_134 : memref<10240x16xf32, #tpu.memory_space<vmem_shared>>) offsets(%arg9 : memref<2048xi32, #tpu.memory_space<vmem>>) semaphore(%arg17 : memref<!tpu.dma_semaphore, #tpu.memory_space<semaphore_mem>>) {add = true}
    %parallel_loop3A_135 = arith.constant 0 : i32
    %parallel_loop3A_136 = arith.constant 128 : i32
    %parallel_loop3A_137 = arith.constant 1 : i32
    scf.for %parallel_loop3A_171 = %parallel_loop3A_135 to %parallel_loop3A_136 step %parallel_loop3A_137  : i32 {
      %parallel_loop3A_172 = arith.constant 16 : i32
      %parallel_loop3A_173 = arith.muli %parallel_loop3A_171, %parallel_loop3A_172 : i32
      %parallel_loop3A_174 = arith.index_cast %parallel_loop3A_173 : i32 to index
      %parallel_loop3A_175 = tpu.vector_load %arg9[%parallel_loop3A_174] {strides = array<i32>} : memref<2048xi32, #tpu.memory_space<vmem>>, vector<16xi32>,
      %parallel_loop3A_176 = arith.constant 4 : i32
      %parallel_loop3A_177 = vector.broadcast %parallel_loop3A_176 : i32 to vector<16xi32>
      %parallel_loop3A_178 = arith.shrsi %parallel_loop3A_175, %parallel_loop3A_177 : vector<16xi32>
      %parallel_loop3A_179 = arith.constant 15 : i32
      %parallel_loop3A_180 = vector.broadcast %parallel_loop3A_179 : i32 to vector<16xi32>
      %parallel_loop3A_181 = arith.andi %parallel_loop3A_175, %parallel_loop3A_180 : vector<16xi32>
      tpu.vector_store_idx %arg15[%parallel_loop3A_178, %parallel_loop3A_181], %broadcast_in_dim3A_16 {add = true} : memref<640x16xf32, #tpu.memory_space<vmem>>[vector<16xi32>, vector<16xi32>], vector<16xf32>,
    } {sc.loop_unroll_factor = 4 : i64, sc.parallel_access}
    %dma_wait3A_138 = arith.constant 0 : i32
    %dma_wait3A_139 = tpu.memref_slice %arg3[%dma_wait3A_138, %add3A_121] : memref<2x320000xi32, #tpu.memory_space<hbm>> -> memref<1x1808xi32, #tpu.memory_space<hbm>>
    %dma_wait3A_140 = tpu.memref_squeeze %dma_wait3A_139 : memref<1x1808xi32, #tpu.memory_space<hbm>> -> memref<1808xi32, #tpu.memory_space<hbm>>
    %dma_wait3A_141 = tpu.memref_slice %arg3[%dma_wait3A_138, %add3A_121] : memref<2x320000xi32, #tpu.memory_space<hbm>> -> memref<1x1808xi32, #tpu.memory_space<hbm>>
    %dma_wait3A_142 = tpu.memref_squeeze %dma_wait3A_141 : memref<1x1808xi32, #tpu.memory_space<hbm>> -> memref<1808xi32, #tpu.memory_space<hbm>>
    tpu.wait_dma2 semaphore(%arg16 : memref<!tpu.dma_semaphore, #tpu.memory_space<semaphore_mem>>) src(%dma_wait3A_142 : memref<1808xi32, #tpu.memory_space<hbm>>) dst(%arg10 : memref<1808xi32, #tpu.memory_space<vmem>>)
    %dma_wait3A_143 = arith.constant 1 : i32
    %dma_wait3A_144 = tpu.memref_slice %arg3[%dma_wait3A_143, %add3A_121] : memref<2x320000xi32, #tpu.memory_space<hbm>> -> memref<1x1808xi32, #tpu.memory_space<hbm>>
    %dma_wait3A_145 = tpu.memref_squeeze %dma_wait3A_144 : memref<1x1808xi32, #tpu.memory_space<hbm>> -> memref<1808xi32, #tpu.memory_space<hbm>>
    %dma_wait3A_146 = tpu.memref_slice %arg3[%dma_wait3A_143, %add3A_121] : memref<2x320000xi32, #tpu.memory_space<hbm>> -> memref<1x1808xi32, #tpu.memory_space<hbm>>
    %dma_wait3A_147 = tpu.memref_squeeze %dma_wait3A_146 : memref<1x1808xi32, #tpu.memory_space<hbm>> -> memref<1808xi32, #tpu.memory_space<hbm>>
    tpu.wait_dma2 semaphore(%arg16 : memref<!tpu.dma_semaphore, #tpu.memory_space<semaphore_mem>>) src(%dma_wait3A_147 : memref<1808xi32, #tpu.memory_space<hbm>>) dst(%arg11 : memref<1808xi32, #tpu.memory_space<vmem>>)
    %dma_wait3A_148 = arith.constant 0 : i32
    %dma_wait3A_149 = arith.constant 0 : i32
    %dma_wait3A_150 = tpu.memref_slice %arg19[%dma_wait3A_148, %dma_wait3A_149] : memref<10240x16xf32, #tpu.memory_space<vmem_shared>> -> memref<10240x16xf32, #tpu.memory_space<vmem_shared>>
    tpu.wait_indirect_dma semaphore(%arg17 : memref<!tpu.dma_semaphore, #tpu.memory_space<semaphore_mem>>) src(%arg13 : memref<2048x16xf32, #tpu.memory_space<vmem>>) dst(%dma_wait3A_150 : memref<10240x16xf32, #tpu.memory_space<vmem_shared>>)
    "tpu.region"() ({
      %run_scoped3A_171 = tpu.sem_alloc : memref<!tpu.dma_semaphore, #tpu.memory_space<semaphore_mem>>
      %dma_start3A_172 = arith.constant 0 : i32
      %dma_start3A_173 = arith.constant 0 : i32
      %dma_start3A_174 = tpu.memref_slice %arg12[%dma_start3A_172, %dma_start3A_173] : memref<2048x16xf32, #tpu.memory_space<vmem>> -> memref<1808x16xf32, #tpu.memory_space<vmem>>
      %dma_start3A_175 = arith.constant 0 : i32
      %dma_start3A_176 = arith.constant 0 : i32
      %dma_start3A_177 = tpu.memref_slice %arg18[%dma_start3A_175, %dma_start3A_176] : memref<10000x16xf32, #tpu.memory_space<vmem_shared>> -> memref<10000x16xf32, #tpu.memory_space<vmem_shared>>
      tpu.enqueue_indirect_dma source(%dma_start3A_177 : memref<10000x16xf32, #tpu.memory_space<vmem_shared>>) target(%dma_start3A_174 : memref<1808x16xf32, #tpu.memory_space<vmem>>) offsets(%arg10 : memref<1808xi32, #tpu.memory_space<vmem>>) semaphore(%run_scoped3A_171 : memref<!tpu.dma_semaphore, #tpu.memory_space<semaphore_mem>>)
      %dma_wait3A_178 = arith.constant 0 : i32
      %dma_wait3A_179 = arith.constant 0 : i32
      %dma_wait3A_180 = tpu.memref_slice %arg12[%dma_wait3A_178, %dma_wait3A_179] : memref<2048x16xf32, #tpu.memory_space<vmem>> -> memref<1808x16xf32, #tpu.memory_space<vmem>>
      %dma_wait3A_181 = arith.constant 0 : i32
      %dma_wait3A_182 = arith.constant 0 : i32
      %dma_wait3A_183 = tpu.memref_slice %arg18[%dma_wait3A_181, %dma_wait3A_182] : memref<10000x16xf32, #tpu.memory_space<vmem_shared>> -> memref<10000x16xf32, #tpu.memory_space<vmem_shared>>
      tpu.wait_indirect_dma semaphore(%run_scoped3A_171 : memref<!tpu.dma_semaphore, #tpu.memory_space<semaphore_mem>>) src(%dma_wait3A_183 : memref<10000x16xf32, #tpu.memory_space<vmem_shared>>) dst(%dma_wait3A_180 : memref<1808x16xf32, #tpu.memory_space<vmem>>)
      tpu.yield
    }) : () -> ()
    %dma_start3A_151 = arith.constant 0 : i32
    %dma_start3A_152 = arith.constant 0 : i32
    %dma_start3A_153 = tpu.memref_slice %arg12[%dma_start3A_151, %dma_start3A_152] : memref<2048x16xf32, #tpu.memory_space<vmem>> -> memref<1808x16xf32, #tpu.memory_space<vmem>>
    %dma_start3A_154 = arith.constant 0 : i32
    %dma_start3A_155 = arith.constant 0 : i32
    %dma_start3A_156 = tpu.memref_slice %arg19[%dma_start3A_154, %dma_start3A_155] : memref<10240x16xf32, #tpu.memory_space<vmem_shared>> -> memref<10240x16xf32, #tpu.memory_space<vmem_shared>>
    tpu.enqueue_indirect_dma source(%dma_start3A_153 : memref<1808x16xf32, #tpu.memory_space<vmem>>) target(%dma_start3A_156 : memref<10240x16xf32, #tpu.memory_space<vmem_shared>>) offsets(%arg11 : memref<1808xi32, #tpu.memory_space<vmem>>) semaphore(%arg17 : memref<!tpu.dma_semaphore, #tpu.memory_space<semaphore_mem>>) {add = true}
    %parallel_loop3A_157 = arith.constant 0 : i32
    %parallel_loop3A_158 = arith.constant 113 : i32
    %parallel_loop3A_159 = arith.constant 1 : i32
    scf.for %parallel_loop3A_171 = %parallel_loop3A_157 to %parallel_loop3A_158 step %parallel_loop3A_159  : i32 {
      %parallel_loop3A_172 = arith.constant 16 : i32
      %parallel_loop3A_173 = arith.muli %parallel_loop3A_171, %parallel_loop3A_172 : i32
      %parallel_loop3A_174 = arith.index_cast %parallel_loop3A_173 : i32 to index
      %parallel_loop3A_175 = tpu.vector_load %arg11[%parallel_loop3A_174] {strides = array<i32>} : memref<1808xi32, #tpu.memory_space<vmem>>, vector<16xi32>,
      %parallel_loop3A_176 = arith.constant 4 : i32
      %parallel_loop3A_177 = vector.broadcast %parallel_loop3A_176 : i32 to vector<16xi32>
      %parallel_loop3A_178 = arith.shrsi %parallel_loop3A_175, %parallel_loop3A_177 : vector<16xi32>
      %parallel_loop3A_179 = arith.constant 15 : i32
      %parallel_loop3A_180 = vector.broadcast %parallel_loop3A_179 : i32 to vector<16xi32>
      %parallel_loop3A_181 = arith.andi %parallel_loop3A_175, %parallel_loop3A_180 : vector<16xi32>
      tpu.vector_store_idx %arg15[%parallel_loop3A_178, %parallel_loop3A_181], %broadcast_in_dim3A_16 {add = true} : memref<640x16xf32, #tpu.memory_space<vmem>>[vector<16xi32>, vector<16xi32>], vector<16xf32>,
    } {sc.loop_unroll_factor = 4 : i64, sc.parallel_access}
    %dma_wait3A_160 = arith.constant 0 : i32
    %dma_wait3A_161 = arith.constant 0 : i32
    %dma_wait3A_162 = tpu.memref_slice %arg12[%dma_wait3A_160, %dma_wait3A_161] : memref<2048x16xf32, #tpu.memory_space<vmem>> -> memref<1808x16xf32, #tpu.memory_space<vmem>>
    %dma_wait3A_163 = arith.constant 0 : i32
    %dma_wait3A_164 = arith.constant 0 : i32
    %dma_wait3A_165 = tpu.memref_slice %arg19[%dma_wait3A_163, %dma_wait3A_164] : memref<10240x16xf32, #tpu.memory_space<vmem_shared>> -> memref<10240x16xf32, #tpu.memory_space<vmem_shared>>
    tpu.wait_indirect_dma semaphore(%arg17 : memref<!tpu.dma_semaphore, #tpu.memory_space<semaphore_mem>>) src(%dma_wait3A_162 : memref<1808x16xf32, #tpu.memory_space<vmem>>) dst(%dma_wait3A_165 : memref<10240x16xf32, #tpu.memory_space<vmem_shared>>)
    %barrier3A_166 = arith.constant 0 : index
    tpu.barrier barrier_id(%barrier3A_166)
    %mul3A_167 = arith.constant 640 : i32
    %mul3A_168 = arith.muli %arg1, %mul3A_167 : i32
    %mul3A_169 = arith.constant 640 : i32
    %mul3A_170 = arith.muli %arg1, %mul3A_169 : i32
    "tpu.region"() ({
      %run_scoped3A_171 = tpu.sem_alloc : memref<!tpu.dma_semaphore, #tpu.memory_space<semaphore_mem>>
      %dma_start3A_172 = arith.constant 0 : i32
      %dma_start3A_173 = tpu.memref_slice %arg4[%arg0, %mul3A_170, %dma_start3A_172] : memref<2x10240x16xf32, #tpu.memory_space<hbm>> -> memref<1x640x16xf32, #tpu.memory_space<hbm>>
      %dma_start3A_174 = tpu.memref_squeeze %dma_start3A_173 : memref<1x640x16xf32, #tpu.memory_space<hbm>> -> memref<640x16xf32, #tpu.memory_space<hbm>>
      %dma_start3A_175 = arith.constant 0 : i32
      %dma_start3A_176 = tpu.memref_slice %arg19[%mul3A_168, %dma_start3A_175] : memref<10240x16xf32, #tpu.memory_space<vmem_shared>> -> memref<640x16xf32, #tpu.memory_space<vmem_shared>>
      tpu.enqueue_dma source(%dma_start3A_176 : memref<640x16xf32, #tpu.memory_space<vmem_shared>>) target(%dma_start3A_174 : memref<640x16xf32, #tpu.memory_space<hbm>>) target_semaphore(%run_scoped3A_171 : memref<!tpu.dma_semaphore, #tpu.memory_space<semaphore_mem>>)
      %dma_wait3A_177 = arith.constant 0 : i32
      %dma_wait3A_178 = tpu.memref_slice %arg4[%arg0, %mul3A_170, %dma_wait3A_177] : memref<2x10240x16xf32, #tpu.memory_space<hbm>> -> memref<1x640x16xf32, #tpu.memory_space<hbm>>
      %dma_wait3A_179 = tpu.memref_squeeze %dma_wait3A_178 : memref<1x640x16xf32, #tpu.memory_space<hbm>> -> memref<640x16xf32, #tpu.memory_space<hbm>>
      %dma_wait3A_180 = arith.constant 0 : i32
      %dma_wait3A_181 = tpu.memref_slice %arg19[%mul3A_168, %dma_wait3A_180] : memref<10240x16xf32, #tpu.memory_space<vmem_shared>> -> memref<640x16xf32, #tpu.memory_space<vmem_shared>>
      tpu.wait_dma2 semaphore(%run_scoped3A_171 : memref<!tpu.dma_semaphore, #tpu.memory_space<semaphore_mem>>) src(%dma_wait3A_181 : memref<640x16xf32, #tpu.memory_space<vmem_shared>>) dst(%dma_wait3A_179 : memref<640x16xf32, #tpu.memory_space<hbm>>)
      tpu.yield
    }) : () -> ()
    "tpu.region"() ({
      %run_scoped3A_171 = tpu.sem_alloc : memref<!tpu.dma_semaphore, #tpu.memory_space<semaphore_mem>>
      %dma_start3A_172 = arith.constant 0 : i32
      %dma_start3A_173 = arith.constant 0 : i32
      %dma_start3A_174 = tpu.memref_slice %arg5[%add3A, %dma_start3A_172, %dma_start3A_173] : memref<32x640x16xf32, #tpu.memory_space<hbm>> -> memref<1x640x16xf32, #tpu.memory_space<hbm>>
      %dma_start3A_175 = tpu.memref_squeeze %dma_start3A_174 : memref<1x640x16xf32, #tpu.memory_space<hbm>> -> memref<640x16xf32, #tpu.memory_space<hbm>>
      %dma_start3A_176 = arith.constant 0 : i32
      %dma_start3A_177 = arith.constant 0 : i32
      %dma_start3A_178 = tpu.memref_slice %arg5[%add3A, %dma_start3A_176, %dma_start3A_177] : memref<32x640x16xf32, #tpu.memory_space<hbm>> -> memref<1x640x16xf32, #tpu.memory_space<hbm>>
      %dma_start3A_179 = tpu.memref_squeeze %dma_start3A_178 : memref<1x640x16xf32, #tpu.memory_space<hbm>> -> memref<640x16xf32, #tpu.memory_space<hbm>>
      tpu.enqueue_dma source(%arg15 : memref<640x16xf32, #tpu.memory_space<vmem>>) target(%dma_start3A_179 : memref<640x16xf32, #tpu.memory_space<hbm>>) target_semaphore(%run_scoped3A_171 : memref<!tpu.dma_semaphore, #tpu.memory_space<semaphore_mem>>)
      %dma_wait3A_180 = arith.constant 0 : i32
      %dma_wait3A_181 = arith.constant 0 : i32
      %dma_wait3A_182 = tpu.memref_slice %arg5[%add3A, %dma_wait3A_180, %dma_wait3A_181] : memref<32x640x16xf32, #tpu.memory_space<hbm>> -> memref<1x640x16xf32, #tpu.memory_space<hbm>>
      %dma_wait3A_183 = tpu.memref_squeeze %dma_wait3A_182 : memref<1x640x16xf32, #tpu.memory_space<hbm>> -> memref<640x16xf32, #tpu.memory_space<hbm>>
      %dma_wait3A_184 = arith.constant 0 : i32
      %dma_wait3A_185 = arith.constant 0 : i32
      %dma_wait3A_186 = tpu.memref_slice %arg5[%add3A, %dma_wait3A_184, %dma_wait3A_185] : memref<32x640x16xf32, #tpu.memory_space<hbm>> -> memref<1x640x16xf32, #tpu.memory_space<hbm>>
      %dma_wait3A_187 = tpu.memref_squeeze %dma_wait3A_186 : memref<1x640x16xf32, #tpu.memory_space<hbm>> -> memref<640x16xf32, #tpu.memory_space<hbm>>
      tpu.wait_dma2 semaphore(%run_scoped3A_171 : memref<!tpu.dma_semaphore, #tpu.memory_space<semaphore_mem>>) src(%arg15 : memref<640x16xf32, #tpu.memory_space<vmem>>) dst(%dma_wait3A_187 : memref<640x16xf32, #tpu.memory_space<hbm>>)
      tpu.yield
    }) : () -> ()
    return
  }
}

#map = affine_map<(d0, d1) -> (0, 0, 0)>
#map1 = affine_map<(d0, d1) -> (0, 0)>
#map2 = affine_map<(d0, d1) -> (0)>
module attributes {stable_mosaic.version = 14 : i64} {
  func.func @_sc_mid2(%arg0: i32, %arg1: i32, %arg2: memref<2x10240x16xf32, #tpu.memory_space<hbm>>, %arg3: memref<32x640x16xf32, #tpu.memory_space<hbm>>, %arg4: memref<10000x128xf32, #tpu.memory_space<hbm>>, %arg5: memref<16xf32, #tpu.memory_space<hbm>>, %arg6: memref<16xf32, #tpu.memory_space<hbm>>, %arg7: memref<16xf32, #tpu.memory_space<hbm>>, %arg8: memref<2x320000xi32, #tpu.memory_space<hbm>>, %arg9: memref<320000xf32, #tpu.memory_space<hbm>>, %arg10: memref<10240xf32, #tpu.memory_space<hbm>>, %arg11: memref<10240xf32, #tpu.memory_space<hbm>>, %arg12: memref<640x16xf32, #tpu.memory_space<vmem>>, %arg13: memref<640x16xf32, #tpu.memory_space<vmem>>, %arg14: memref<640x16xf32, #tpu.memory_space<vmem>>, %arg15: memref<32x40x16xf32, #tpu.memory_space<vmem>>, %arg16: memref<40x16xf32, #tpu.memory_space<vmem>>, %arg17: memref<640xf32, #tpu.memory_space<vmem>>, %arg18: memref<640xf32, #tpu.memory_space<vmem>>, %arg19: memref<640xf32, #tpu.memory_space<vmem>>, %arg20: memref<16xf32, #tpu.memory_space<vmem>>, %arg21: memref<16xf32, #tpu.memory_space<vmem>>, %arg22: memref<16xf32, #tpu.memory_space<vmem>>, %arg23: memref<10240xf32, #tpu.memory_space<vmem>>, %arg24: memref<10000xi32, #tpu.memory_space<vmem>>, %arg25: memref<10000xi32, #tpu.memory_space<vmem>>, %arg26: memref<10000xf32, #tpu.memory_space<vmem>>, %arg27: memref<!tpu.dma_semaphore, #tpu.memory_space<semaphore_mem>>, %arg28: memref<!tpu.dma_semaphore, #tpu.memory_space<semaphore_mem>>, %arg29: memref<10240xf32, #tpu.memory_space<vmem_shared>>) attributes {dimension_semantics = [#tpu.dimension_semantics<core_parallel>, #tpu.dimension_semantics<subcore_parallel>], iteration_bounds = array<i64: 2, 16>, scalar_prefetch = 0 : i64, scratch_operands = 18 : i64, tpu.core_type = #tpu.core_type<sc_vector_subcore>, window_params = [{transform_indices = #map}, {transform_indices = #map}, {transform_indices = #map1}, {transform_indices = #map2}, {transform_indices = #map2}, {transform_indices = #map2}, {transform_indices = #map1}, {transform_indices = #map2}, {transform_indices = #map2}, {transform_indices = #map2}]} {
    %mul3A = arith.constant 16 : i32
    %mul3A_0 = arith.muli %arg0, %mul3A : i32
    %add3A = arith.addi %mul3A_0, %arg1 : i32
    "tpu.region"() ({
      %run_scoped3A = tpu.sem_alloc : memref<!tpu.dma_semaphore, #tpu.memory_space<semaphore_mem>>
      tpu.enqueue_dma source(%arg5 : memref<16xf32, #tpu.memory_space<hbm>>) target(%arg20 : memref<16xf32, #tpu.memory_space<vmem>>) target_semaphore(%run_scoped3A : memref<!tpu.dma_semaphore, #tpu.memory_space<semaphore_mem>>)
      tpu.wait_dma2 semaphore(%run_scoped3A : memref<!tpu.dma_semaphore, #tpu.memory_space<semaphore_mem>>) src(%arg5 : memref<16xf32, #tpu.memory_space<hbm>>) dst(%arg20 : memref<16xf32, #tpu.memory_space<vmem>>)
      tpu.yield
    }) : () -> ()
    "tpu.region"() ({
      %run_scoped3A = tpu.sem_alloc : memref<!tpu.dma_semaphore, #tpu.memory_space<semaphore_mem>>
      tpu.enqueue_dma source(%arg6 : memref<16xf32, #tpu.memory_space<hbm>>) target(%arg21 : memref<16xf32, #tpu.memory_space<vmem>>) target_semaphore(%run_scoped3A : memref<!tpu.dma_semaphore, #tpu.memory_space<semaphore_mem>>)
      tpu.wait_dma2 semaphore(%run_scoped3A : memref<!tpu.dma_semaphore, #tpu.memory_space<semaphore_mem>>) src(%arg6 : memref<16xf32, #tpu.memory_space<hbm>>) dst(%arg21 : memref<16xf32, #tpu.memory_space<vmem>>)
      tpu.yield
    }) : () -> ()
    "tpu.region"() ({
      %run_scoped3A = tpu.sem_alloc : memref<!tpu.dma_semaphore, #tpu.memory_space<semaphore_mem>>
      tpu.enqueue_dma source(%arg7 : memref<16xf32, #tpu.memory_space<hbm>>) target(%arg22 : memref<16xf32, #tpu.memory_space<vmem>>) target_semaphore(%run_scoped3A : memref<!tpu.dma_semaphore, #tpu.memory_space<semaphore_mem>>)
      tpu.wait_dma2 semaphore(%run_scoped3A : memref<!tpu.dma_semaphore, #tpu.memory_space<semaphore_mem>>) src(%arg7 : memref<16xf32, #tpu.memory_space<hbm>>) dst(%arg22 : memref<16xf32, #tpu.memory_space<vmem>>)
      tpu.yield
    }) : () -> ()
    %mul3A_1 = arith.constant 10000 : i32
    %mul3A_2 = arith.muli %add3A, %mul3A_1 : i32
    %dma_start3A = arith.constant 0 : i32
    %dma_start3A_3 = tpu.memref_slice %arg8[%dma_start3A, %mul3A_2] : memref<2x320000xi32, #tpu.memory_space<hbm>> -> memref<1x10000xi32, #tpu.memory_space<hbm>>
    %dma_start3A_4 = tpu.memref_squeeze %dma_start3A_3 : memref<1x10000xi32, #tpu.memory_space<hbm>> -> memref<10000xi32, #tpu.memory_space<hbm>>
    %dma_start3A_5 = tpu.memref_slice %arg8[%dma_start3A, %mul3A_2] : memref<2x320000xi32, #tpu.memory_space<hbm>> -> memref<1x10000xi32, #tpu.memory_space<hbm>>
    %dma_start3A_6 = tpu.memref_squeeze %dma_start3A_5 : memref<1x10000xi32, #tpu.memory_space<hbm>> -> memref<10000xi32, #tpu.memory_space<hbm>>
    tpu.enqueue_dma source(%dma_start3A_6 : memref<10000xi32, #tpu.memory_space<hbm>>) target(%arg24 : memref<10000xi32, #tpu.memory_space<vmem>>) target_semaphore(%arg27 : memref<!tpu.dma_semaphore, #tpu.memory_space<semaphore_mem>>)
    %mul3A_7 = arith.constant 10000 : i32
    %mul3A_8 = arith.muli %add3A, %mul3A_7 : i32
    %dma_start3A_9 = arith.constant 1 : i32
    %dma_start3A_10 = tpu.memref_slice %arg8[%dma_start3A_9, %mul3A_8] : memref<2x320000xi32, #tpu.memory_space<hbm>> -> memref<1x10000xi32, #tpu.memory_space<hbm>>
    %dma_start3A_11 = tpu.memref_squeeze %dma_start3A_10 : memref<1x10000xi32, #tpu.memory_space<hbm>> -> memref<10000xi32, #tpu.memory_space<hbm>>
    %dma_start3A_12 = tpu.memref_slice %arg8[%dma_start3A_9, %mul3A_8] : memref<2x320000xi32, #tpu.memory_space<hbm>> -> memref<1x10000xi32, #tpu.memory_space<hbm>>
    %dma_start3A_13 = tpu.memref_squeeze %dma_start3A_12 : memref<1x10000xi32, #tpu.memory_space<hbm>> -> memref<10000xi32, #tpu.memory_space<hbm>>
    tpu.enqueue_dma source(%dma_start3A_13 : memref<10000xi32, #tpu.memory_space<hbm>>) target(%arg25 : memref<10000xi32, #tpu.memory_space<vmem>>) target_semaphore(%arg27 : memref<!tpu.dma_semaphore, #tpu.memory_space<semaphore_mem>>)
    %iota3A = tpu.iota {dimensions = array<i32: 0>} : vector<16xi32>
    %broadcast_in_dim3A = arith.constant 0.000000e+00 : f32
    %broadcast_in_dim3A_14 = vector.broadcast %broadcast_in_dim3A : f32 to vector<16xf32>
    %lt3A = arith.constant 15 : i32
    %lt3A_15 = arith.cmpi slt, %arg1, %lt3A : i32
    %convert_element_type3A = arith.extui %lt3A_15 : i1 to i32
    %cond3A = arith.constant 0 : i32
    %cond3A_16 = arith.cmpi ne, %convert_element_type3A, %cond3A : i32
    scf.if %cond3A_16 {
      %mul3A_37 = arith.constant 640 : i32
      %mul3A_38 = arith.muli %arg1, %mul3A_37 : i32
      %dma_start3A_39 = arith.constant 0 : i32
      %dma_start3A_40 = arith.constant 0 : i32
      %dma_start3A_41 = arith.constant 0 : i32
      %dma_start3A_42 = tpu.memref_slice %arg12[%dma_start3A_40, %dma_start3A_41] : memref<640x16xf32, #tpu.memory_space<vmem>> -> memref<640x16xf32, #tpu.memory_space<vmem>>
      %dma_start3A_43 = arith.constant 0 : i32
      %dma_start3A_44 = tpu.memref_slice %arg2[%dma_start3A_39, %mul3A_38, %dma_start3A_43] : memref<2x10240x16xf32, #tpu.memory_space<hbm>> -> memref<1x640x16xf32, #tpu.memory_space<hbm>>
      %dma_start3A_45 = tpu.memref_squeeze %dma_start3A_44 : memref<1x640x16xf32, #tpu.memory_space<hbm>> -> memref<640x16xf32, #tpu.memory_space<hbm>>
      %dma_start3A_46 = arith.constant 0 : i32
      %dma_start3A_47 = arith.constant 0 : i32
      %dma_start3A_48 = tpu.memref_slice %arg12[%dma_start3A_46, %dma_start3A_47] : memref<640x16xf32, #tpu.memory_space<vmem>> -> memref<640x16xf32, #tpu.memory_space<vmem>>
      %dma_start3A_49 = arith.constant 0 : i32
      %dma_start3A_50 = tpu.memref_slice %arg2[%dma_start3A_39, %mul3A_38, %dma_start3A_49] : memref<2x10240x16xf32, #tpu.memory_space<hbm>> -> memref<1x640x16xf32, #tpu.memory_space<hbm>>
      %dma_start3A_51 = tpu.memref_squeeze %dma_start3A_50 : memref<1x640x16xf32, #tpu.memory_space<hbm>> -> memref<640x16xf32, #tpu.memory_space<hbm>>
      tpu.enqueue_dma source(%dma_start3A_51 : memref<640x16xf32, #tpu.memory_space<hbm>>) target(%dma_start3A_48 : memref<640x16xf32, #tpu.memory_space<vmem>>) target_semaphore(%arg28 : memref<!tpu.dma_semaphore, #tpu.memory_space<semaphore_mem>>)
      %dma_start3A_52 = arith.constant 1 : i32
      %dma_start3A_53 = arith.constant 0 : i32
      %dma_start3A_54 = arith.constant 0 : i32
      %dma_start3A_55 = tpu.memref_slice %arg13[%dma_start3A_53, %dma_start3A_54] : memref<640x16xf32, #tpu.memory_space<vmem>> -> memref<640x16xf32, #tpu.memory_space<vmem>>
      %dma_start3A_56 = arith.constant 0 : i32
      %dma_start3A_57 = tpu.memref_slice %arg2[%dma_start3A_52, %mul3A_38, %dma_start3A_56] : memref<2x10240x16xf32, #tpu.memory_space<hbm>> -> memref<1x640x16xf32, #tpu.memory_space<hbm>>
      %dma_start3A_58 = tpu.memref_squeeze %dma_start3A_57 : memref<1x640x16xf32, #tpu.memory_space<hbm>> -> memref<640x16xf32, #tpu.memory_space<hbm>>
      %dma_start3A_59 = arith.constant 0 : i32
      %dma_start3A_60 = arith.constant 0 : i32
      %dma_start3A_61 = tpu.memref_slice %arg13[%dma_start3A_59, %dma_start3A_60] : memref<640x16xf32, #tpu.memory_space<vmem>> -> memref<640x16xf32, #tpu.memory_space<vmem>>
      %dma_start3A_62 = arith.constant 0 : i32
      %dma_start3A_63 = tpu.memref_slice %arg2[%dma_start3A_52, %mul3A_38, %dma_start3A_62] : memref<2x10240x16xf32, #tpu.memory_space<hbm>> -> memref<1x640x16xf32, #tpu.memory_space<hbm>>
      %dma_start3A_64 = tpu.memref_squeeze %dma_start3A_63 : memref<1x640x16xf32, #tpu.memory_space<hbm>> -> memref<640x16xf32, #tpu.memory_space<hbm>>
      tpu.enqueue_dma source(%dma_start3A_64 : memref<640x16xf32, #tpu.memory_space<hbm>>) target(%dma_start3A_61 : memref<640x16xf32, #tpu.memory_space<vmem>>) target_semaphore(%arg28 : memref<!tpu.dma_semaphore, #tpu.memory_space<semaphore_mem>>)
      %dma_start3A_65 = arith.constant 0 : i32
      %dma_start3A_66 = arith.constant 0 : i32
      %dma_start3A_67 = tpu.memref_slice %arg14[%dma_start3A_65, %dma_start3A_66] : memref<640x16xf32, #tpu.memory_space<vmem>> -> memref<640x16xf32, #tpu.memory_space<vmem>>
      %dma_start3A_68 = arith.constant 16 : i32
      %dma_start3A_69 = tpu.memref_slice %arg4[%mul3A_38, %dma_start3A_68] : memref<10000x128xf32, #tpu.memory_space<hbm>> -> memref<640x16xf32, #tpu.memory_space<hbm>>
      %dma_start3A_70 = arith.constant 0 : i32
      %dma_start3A_71 = arith.constant 0 : i32
      %dma_start3A_72 = tpu.memref_slice %arg14[%dma_start3A_70, %dma_start3A_71] : memref<640x16xf32, #tpu.memory_space<vmem>> -> memref<640x16xf32, #tpu.memory_space<vmem>>
      %dma_start3A_73 = arith.constant 16 : i32
      %dma_start3A_74 = tpu.memref_slice %arg4[%mul3A_38, %dma_start3A_73] : memref<10000x128xf32, #tpu.memory_space<hbm>> -> memref<640x16xf32, #tpu.memory_space<hbm>>
      tpu.enqueue_dma source(%dma_start3A_74 : memref<640x16xf32, #tpu.memory_space<hbm>>) target(%dma_start3A_72 : memref<640x16xf32, #tpu.memory_space<vmem>>) target_semaphore(%arg28 : memref<!tpu.dma_semaphore, #tpu.memory_space<semaphore_mem>>)
      %mul3A_75 = arith.constant 40 : i32
      %mul3A_76 = arith.muli %arg1, %mul3A_75 : i32
      %dma_start3A_77 = arith.constant 0 : i32
      %dma_start3A_78 = arith.constant 0 : i32
      %dma_start3A_79 = arith.constant 0 : i32
      %dma_start3A_80 = tpu.memref_slice %arg15[%dma_start3A_77, %dma_start3A_78, %dma_start3A_79] : memref<32x40x16xf32, #tpu.memory_space<vmem>> -> memref<32x40x16xf32, #tpu.memory_space<vmem>>
      %dma_start3A_81 = arith.constant 0 : i32
      %dma_start3A_82 = arith.constant 0 : i32
      %dma_start3A_83 = tpu.memref_slice %arg3[%dma_start3A_81, %mul3A_76, %dma_start3A_82] : memref<32x640x16xf32, #tpu.memory_space<hbm>> -> memref<32x40x16xf32, #tpu.memory_space<hbm>>
      %dma_start3A_84 = arith.constant 0 : i32
      %dma_start3A_85 = arith.constant 0 : i32
      %dma_start3A_86 = arith.constant 0 : i32
      %dma_start3A_87 = tpu.memref_slice %arg15[%dma_start3A_84, %dma_start3A_85, %dma_start3A_86] : memref<32x40x16xf32, #tpu.memory_space<vmem>> -> memref<32x40x16xf32, #tpu.memory_space<vmem>>
      %dma_start3A_88 = arith.constant 0 : i32
      %dma_start3A_89 = arith.constant 0 : i32
      %dma_start3A_90 = tpu.memref_slice %arg3[%dma_start3A_88, %mul3A_76, %dma_start3A_89] : memref<32x640x16xf32, #tpu.memory_space<hbm>> -> memref<32x40x16xf32, #tpu.memory_space<hbm>>
      tpu.enqueue_dma source(%dma_start3A_90 : memref<32x40x16xf32, #tpu.memory_space<hbm>>) target(%dma_start3A_87 : memref<32x40x16xf32, #tpu.memory_space<vmem>>) target_semaphore(%arg28 : memref<!tpu.dma_semaphore, #tpu.memory_space<semaphore_mem>>)
      %dma_wait3A_91 = arith.constant 0 : i32
      %dma_wait3A_92 = arith.constant 0 : i32
      %dma_wait3A_93 = arith.constant 0 : i32
      %dma_wait3A_94 = tpu.memref_slice %arg12[%dma_wait3A_92, %dma_wait3A_93] : memref<640x16xf32, #tpu.memory_space<vmem>> -> memref<640x16xf32, #tpu.memory_space<vmem>>
      %dma_wait3A_95 = arith.constant 0 : i32
      %dma_wait3A_96 = tpu.memref_slice %arg2[%dma_wait3A_91, %mul3A_38, %dma_wait3A_95] : memref<2x10240x16xf32, #tpu.memory_space<hbm>> -> memref<1x640x16xf32, #tpu.memory_space<hbm>>
      %dma_wait3A_97 = tpu.memref_squeeze %dma_wait3A_96 : memref<1x640x16xf32, #tpu.memory_space<hbm>> -> memref<640x16xf32, #tpu.memory_space<hbm>>
      %dma_wait3A_98 = arith.constant 0 : i32
      %dma_wait3A_99 = arith.constant 0 : i32
      %dma_wait3A_100 = tpu.memref_slice %arg12[%dma_wait3A_98, %dma_wait3A_99] : memref<640x16xf32, #tpu.memory_space<vmem>> -> memref<640x16xf32, #tpu.memory_space<vmem>>
      %dma_wait3A_101 = arith.constant 0 : i32
      %dma_wait3A_102 = tpu.memref_slice %arg2[%dma_wait3A_91, %mul3A_38, %dma_wait3A_101] : memref<2x10240x16xf32, #tpu.memory_space<hbm>> -> memref<1x640x16xf32, #tpu.memory_space<hbm>>
      %dma_wait3A_103 = tpu.memref_squeeze %dma_wait3A_102 : memref<1x640x16xf32, #tpu.memory_space<hbm>> -> memref<640x16xf32, #tpu.memory_space<hbm>>
      tpu.wait_dma2 semaphore(%arg28 : memref<!tpu.dma_semaphore, #tpu.memory_space<semaphore_mem>>) src(%dma_wait3A_103 : memref<640x16xf32, #tpu.memory_space<hbm>>) dst(%dma_wait3A_100 : memref<640x16xf32, #tpu.memory_space<vmem>>)
      %dma_wait3A_104 = arith.constant 1 : i32
      %dma_wait3A_105 = arith.constant 0 : i32
      %dma_wait3A_106 = arith.constant 0 : i32
      %dma_wait3A_107 = tpu.memref_slice %arg13[%dma_wait3A_105, %dma_wait3A_106] : memref<640x16xf32, #tpu.memory_space<vmem>> -> memref<640x16xf32, #tpu.memory_space<vmem>>
      %dma_wait3A_108 = arith.constant 0 : i32
      %dma_wait3A_109 = tpu.memref_slice %arg2[%dma_wait3A_104, %mul3A_38, %dma_wait3A_108] : memref<2x10240x16xf32, #tpu.memory_space<hbm>> -> memref<1x640x16xf32, #tpu.memory_space<hbm>>
      %dma_wait3A_110 = tpu.memref_squeeze %dma_wait3A_109 : memref<1x640x16xf32, #tpu.memory_space<hbm>> -> memref<640x16xf32, #tpu.memory_space<hbm>>
      %dma_wait3A_111 = arith.constant 0 : i32
      %dma_wait3A_112 = arith.constant 0 : i32
      %dma_wait3A_113 = tpu.memref_slice %arg13[%dma_wait3A_111, %dma_wait3A_112] : memref<640x16xf32, #tpu.memory_space<vmem>> -> memref<640x16xf32, #tpu.memory_space<vmem>>
      %dma_wait3A_114 = arith.constant 0 : i32
      %dma_wait3A_115 = tpu.memref_slice %arg2[%dma_wait3A_104, %mul3A_38, %dma_wait3A_114] : memref<2x10240x16xf32, #tpu.memory_space<hbm>> -> memref<1x640x16xf32, #tpu.memory_space<hbm>>
      %dma_wait3A_116 = tpu.memref_squeeze %dma_wait3A_115 : memref<1x640x16xf32, #tpu.memory_space<hbm>> -> memref<640x16xf32, #tpu.memory_space<hbm>>
      tpu.wait_dma2 semaphore(%arg28 : memref<!tpu.dma_semaphore, #tpu.memory_space<semaphore_mem>>) src(%dma_wait3A_116 : memref<640x16xf32, #tpu.memory_space<hbm>>) dst(%dma_wait3A_113 : memref<640x16xf32, #tpu.memory_space<vmem>>)
      %dma_wait3A_117 = arith.constant 0 : i32
      %dma_wait3A_118 = arith.constant 0 : i32
      %dma_wait3A_119 = tpu.memref_slice %arg14[%dma_wait3A_117, %dma_wait3A_118] : memref<640x16xf32, #tpu.memory_space<vmem>> -> memref<640x16xf32, #tpu.memory_space<vmem>>
      %dma_wait3A_120 = arith.constant 16 : i32
      %dma_wait3A_121 = tpu.memref_slice %arg4[%mul3A_38, %dma_wait3A_120] : memref<10000x128xf32, #tpu.memory_space<hbm>> -> memref<640x16xf32, #tpu.memory_space<hbm>>
      %dma_wait3A_122 = arith.constant 0 : i32
      %dma_wait3A_123 = arith.constant 0 : i32
      %dma_wait3A_124 = tpu.memref_slice %arg14[%dma_wait3A_122, %dma_wait3A_123] : memref<640x16xf32, #tpu.memory_space<vmem>> -> memref<640x16xf32, #tpu.memory_space<vmem>>
      %dma_wait3A_125 = arith.constant 16 : i32
      %dma_wait3A_126 = tpu.memref_slice %arg4[%mul3A_38, %dma_wait3A_125] : memref<10000x128xf32, #tpu.memory_space<hbm>> -> memref<640x16xf32, #tpu.memory_space<hbm>>
      tpu.wait_dma2 semaphore(%arg28 : memref<!tpu.dma_semaphore, #tpu.memory_space<semaphore_mem>>) src(%dma_wait3A_126 : memref<640x16xf32, #tpu.memory_space<hbm>>) dst(%dma_wait3A_124 : memref<640x16xf32, #tpu.memory_space<vmem>>)
      %dma_wait3A_127 = arith.constant 0 : i32
      %dma_wait3A_128 = arith.constant 0 : i32
      %dma_wait3A_129 = arith.constant 0 : i32
      %dma_wait3A_130 = tpu.memref_slice %arg15[%dma_wait3A_127, %dma_wait3A_128, %dma_wait3A_129] : memref<32x40x16xf32, #tpu.memory_space<vmem>> -> memref<32x40x16xf32, #tpu.memory_space<vmem>>
      %dma_wait3A_131 = arith.constant 0 : i32
      %dma_wait3A_132 = arith.constant 0 : i32
      %dma_wait3A_133 = tpu.memref_slice %arg3[%dma_wait3A_131, %mul3A_76, %dma_wait3A_132] : memref<32x640x16xf32, #tpu.memory_space<hbm>> -> memref<32x40x16xf32, #tpu.memory_space<hbm>>
      %dma_wait3A_134 = arith.constant 0 : i32
      %dma_wait3A_135 = arith.constant 0 : i32
      %dma_wait3A_136 = arith.constant 0 : i32
      %dma_wait3A_137 = tpu.memref_slice %arg15[%dma_wait3A_134, %dma_wait3A_135, %dma_wait3A_136] : memref<32x40x16xf32, #tpu.memory_space<vmem>> -> memref<32x40x16xf32, #tpu.memory_space<vmem>>
      %dma_wait3A_138 = arith.constant 0 : i32
      %dma_wait3A_139 = arith.constant 0 : i32
      %dma_wait3A_140 = tpu.memref_slice %arg3[%dma_wait3A_138, %mul3A_76, %dma_wait3A_139] : memref<32x640x16xf32, #tpu.memory_space<hbm>> -> memref<32x40x16xf32, #tpu.memory_space<hbm>>
      tpu.wait_dma2 semaphore(%arg28 : memref<!tpu.dma_semaphore, #tpu.memory_space<semaphore_mem>>) src(%dma_wait3A_140 : memref<32x40x16xf32, #tpu.memory_space<hbm>>) dst(%dma_wait3A_137 : memref<32x40x16xf32, #tpu.memory_space<vmem>>)
      %parallel_loop3A_141 = arith.constant 0 : i32
      %parallel_loop3A_142 = arith.constant 40 : i32
      %parallel_loop3A_143 = arith.constant 1 : i32
      scf.for %parallel_loop3A_157 = %parallel_loop3A_141 to %parallel_loop3A_142 step %parallel_loop3A_143  : i32 {
        %parallel_loop3A_158 = arith.constant 0 : i32
        %parallel_loop3A_159 = arith.index_cast %parallel_loop3A_158 : i32 to index
        %parallel_loop3A_160 = arith.index_cast %parallel_loop3A_157 : i32 to index
        %parallel_loop3A_161 = arith.constant 0 : index
        %parallel_loop3A_162 = tpu.vector_load %arg15[%parallel_loop3A_159, %parallel_loop3A_160, %parallel_loop3A_161] {strides = array<i32>} : memref<32x40x16xf32, #tpu.memory_space<vmem>>, vector<16xf32>,
        %parallel_loop3A_163 = arith.constant 1 : i32
        %parallel_loop3A_164 = arith.index_cast %parallel_loop3A_163 : i32 to index
        %parallel_loop3A_165 = arith.index_cast %parallel_loop3A_157 : i32 to index
        %parallel_loop3A_166 = arith.constant 0 : index
        %parallel_loop3A_167 = tpu.vector_load %arg15[%parallel_loop3A_164, %parallel_loop3A_165, %parallel_loop3A_166] {strides = array<i32>} : memref<32x40x16xf32, #tpu.memory_space<vmem>>, vector<16xf32>,
        %parallel_loop3A_168 = arith.addf %parallel_loop3A_162, %parallel_loop3A_167 : vector<16xf32>
        %parallel_loop3A_169 = arith.constant 2 : i32
        %parallel_loop3A_170 = arith.index_cast %parallel_loop3A_169 : i32 to index
        %parallel_loop3A_171 = arith.index_cast %parallel_loop3A_157 : i32 to index
        %parallel_loop3A_172 = arith.constant 0 : index
        %parallel_loop3A_173 = tpu.vector_load %arg15[%parallel_loop3A_170, %parallel_loop3A_171, %parallel_loop3A_172] {strides = array<i32>} : memref<32x40x16xf32, #tpu.memory_space<vmem>>, vector<16xf32>,
        %parallel_loop3A_174 = arith.addf %parallel_loop3A_168, %parallel_loop3A_173 : vector<16xf32>
        %parallel_loop3A_175 = arith.constant 3 : i32
        %parallel_loop3A_176 = arith.index_cast %parallel_loop3A_175 : i32 to index
        %parallel_loop3A_177 = arith.index_cast %parallel_loop3A_157 : i32 to index
        %parallel_loop3A_178 = arith.constant 0 : index
        %parallel_loop3A_179 = tpu.vector_load %arg15[%parallel_loop3A_176, %parallel_loop3A_177, %parallel_loop3A_178] {strides = array<i32>} : memref<32x40x16xf32, #tpu.memory_space<vmem>>, vector<16xf32>,
        %parallel_loop3A_180 = arith.addf %parallel_loop3A_174, %parallel_loop3A_179 : vector<16xf32>
        %parallel_loop3A_181 = arith.constant 4 : i32
        %parallel_loop3A_182 = arith.index_cast %parallel_loop3A_181 : i32 to index
        %parallel_loop3A_183 = arith.index_cast %parallel_loop3A_157 : i32 to index
        %parallel_loop3A_184 = arith.constant 0 : index
        %parallel_loop3A_185 = tpu.vector_load %arg15[%parallel_loop3A_182, %parallel_loop3A_183, %parallel_loop3A_184] {strides = array<i32>} : memref<32x40x16xf32, #tpu.memory_space<vmem>>, vector<16xf32>,
        %parallel_loop3A_186 = arith.addf %parallel_loop3A_180, %parallel_loop3A_185 : vector<16xf32>
        %parallel_loop3A_187 = arith.constant 5 : i32
        %parallel_loop3A_188 = arith.index_cast %parallel_loop3A_187 : i32 to index
        %parallel_loop3A_189 = arith.index_cast %parallel_loop3A_157 : i32 to index
        %parallel_loop3A_190 = arith.constant 0 : index
        %parallel_loop3A_191 = tpu.vector_load %arg15[%parallel_loop3A_188, %parallel_loop3A_189, %parallel_loop3A_190] {strides = array<i32>} : memref<32x40x16xf32, #tpu.memory_space<vmem>>, vector<16xf32>,
        %parallel_loop3A_192 = arith.addf %parallel_loop3A_186, %parallel_loop3A_191 : vector<16xf32>
        %parallel_loop3A_193 = arith.constant 6 : i32
        %parallel_loop3A_194 = arith.index_cast %parallel_loop3A_193 : i32 to index
        %parallel_loop3A_195 = arith.index_cast %parallel_loop3A_157 : i32 to index
        %parallel_loop3A_196 = arith.constant 0 : index
        %parallel_loop3A_197 = tpu.vector_load %arg15[%parallel_loop3A_194, %parallel_loop3A_195, %parallel_loop3A_196] {strides = array<i32>} : memref<32x40x16xf32, #tpu.memory_space<vmem>>, vector<16xf32>,
        %parallel_loop3A_198 = arith.addf %parallel_loop3A_192, %parallel_loop3A_197 : vector<16xf32>
        %parallel_loop3A_199 = arith.constant 7 : i32
        %parallel_loop3A_200 = arith.index_cast %parallel_loop3A_199 : i32 to index
        %parallel_loop3A_201 = arith.index_cast %parallel_loop3A_157 : i32 to index
        %parallel_loop3A_202 = arith.constant 0 : index
        %parallel_loop3A_203 = tpu.vector_load %arg15[%parallel_loop3A_200, %parallel_loop3A_201, %parallel_loop3A_202] {strides = array<i32>} : memref<32x40x16xf32, #tpu.memory_space<vmem>>, vector<16xf32>,
        %parallel_loop3A_204 = arith.addf %parallel_loop3A_198, %parallel_loop3A_203 : vector<16xf32>
        %parallel_loop3A_205 = arith.constant 8 : i32
        %parallel_loop3A_206 = arith.index_cast %parallel_loop3A_205 : i32 to index
        %parallel_loop3A_207 = arith.index_cast %parallel_loop3A_157 : i32 to index
        %parallel_loop3A_208 = arith.constant 0 : index
        %parallel_loop3A_209 = tpu.vector_load %arg15[%parallel_loop3A_206, %parallel_loop3A_207, %parallel_loop3A_208] {strides = array<i32>} : memref<32x40x16xf32, #tpu.memory_space<vmem>>, vector<16xf32>,
        %parallel_loop3A_210 = arith.addf %parallel_loop3A_204, %parallel_loop3A_209 : vector<16xf32>
        %parallel_loop3A_211 = arith.constant 9 : i32
        %parallel_loop3A_212 = arith.index_cast %parallel_loop3A_211 : i32 to index
        %parallel_loop3A_213 = arith.index_cast %parallel_loop3A_157 : i32 to index
        %parallel_loop3A_214 = arith.constant 0 : index
        %parallel_loop3A_215 = tpu.vector_load %arg15[%parallel_loop3A_212, %parallel_loop3A_213, %parallel_loop3A_214] {strides = array<i32>} : memref<32x40x16xf32, #tpu.memory_space<vmem>>, vector<16xf32>,
        %parallel_loop3A_216 = arith.addf %parallel_loop3A_210, %parallel_loop3A_215 : vector<16xf32>
        %parallel_loop3A_217 = arith.constant 10 : i32
        %parallel_loop3A_218 = arith.index_cast %parallel_loop3A_217 : i32 to index
        %parallel_loop3A_219 = arith.index_cast %parallel_loop3A_157 : i32 to index
        %parallel_loop3A_220 = arith.constant 0 : index
        %parallel_loop3A_221 = tpu.vector_load %arg15[%parallel_loop3A_218, %parallel_loop3A_219, %parallel_loop3A_220] {strides = array<i32>} : memref<32x40x16xf32, #tpu.memory_space<vmem>>, vector<16xf32>,
        %parallel_loop3A_222 = arith.addf %parallel_loop3A_216, %parallel_loop3A_221 : vector<16xf32>
        %parallel_loop3A_223 = arith.constant 11 : i32
        %parallel_loop3A_224 = arith.index_cast %parallel_loop3A_223 : i32 to index
        %parallel_loop3A_225 = arith.index_cast %parallel_loop3A_157 : i32 to index
        %parallel_loop3A_226 = arith.constant 0 : index
        %parallel_loop3A_227 = tpu.vector_load %arg15[%parallel_loop3A_224, %parallel_loop3A_225, %parallel_loop3A_226] {strides = array<i32>} : memref<32x40x16xf32, #tpu.memory_space<vmem>>, vector<16xf32>,
        %parallel_loop3A_228 = arith.addf %parallel_loop3A_222, %parallel_loop3A_227 : vector<16xf32>
        %parallel_loop3A_229 = arith.constant 12 : i32
        %parallel_loop3A_230 = arith.index_cast %parallel_loop3A_229 : i32 to index
        %parallel_loop3A_231 = arith.index_cast %parallel_loop3A_157 : i32 to index
        %parallel_loop3A_232 = arith.constant 0 : index
        %parallel_loop3A_233 = tpu.vector_load %arg15[%parallel_loop3A_230, %parallel_loop3A_231, %parallel_loop3A_232] {strides = array<i32>} : memref<32x40x16xf32, #tpu.memory_space<vmem>>, vector<16xf32>,
        %parallel_loop3A_234 = arith.addf %parallel_loop3A_228, %parallel_loop3A_233 : vector<16xf32>
        %parallel_loop3A_235 = arith.constant 13 : i32
        %parallel_loop3A_236 = arith.index_cast %parallel_loop3A_235 : i32 to index
        %parallel_loop3A_237 = arith.index_cast %parallel_loop3A_157 : i32 to index
        %parallel_loop3A_238 = arith.constant 0 : index
        %parallel_loop3A_239 = tpu.vector_load %arg15[%parallel_loop3A_236, %parallel_loop3A_237, %parallel_loop3A_238] {strides = array<i32>} : memref<32x40x16xf32, #tpu.memory_space<vmem>>, vector<16xf32>,
        %parallel_loop3A_240 = arith.addf %parallel_loop3A_234, %parallel_loop3A_239 : vector<16xf32>
        %parallel_loop3A_241 = arith.constant 14 : i32
        %parallel_loop3A_242 = arith.index_cast %parallel_loop3A_241 : i32 to index
        %parallel_loop3A_243 = arith.index_cast %parallel_loop3A_157 : i32 to index
        %parallel_loop3A_244 = arith.constant 0 : index
        %parallel_loop3A_245 = tpu.vector_load %arg15[%parallel_loop3A_242, %parallel_loop3A_243, %parallel_loop3A_244] {strides = array<i32>} : memref<32x40x16xf32, #tpu.memory_space<vmem>>, vector<16xf32>,
        %parallel_loop3A_246 = arith.addf %parallel_loop3A_240, %parallel_loop3A_245 : vector<16xf32>
        %parallel_loop3A_247 = arith.constant 15 : i32
        %parallel_loop3A_248 = arith.index_cast %parallel_loop3A_247 : i32 to index
        %parallel_loop3A_249 = arith.index_cast %parallel_loop3A_157 : i32 to index
        %parallel_loop3A_250 = arith.constant 0 : index
        %parallel_loop3A_251 = tpu.vector_load %arg15[%parallel_loop3A_248, %parallel_loop3A_249, %parallel_loop3A_250] {strides = array<i32>} : memref<32x40x16xf32, #tpu.memory_space<vmem>>, vector<16xf32>,
        %parallel_loop3A_252 = arith.addf %parallel_loop3A_246, %parallel_loop3A_251 : vector<16xf32>
        %parallel_loop3A_253 = arith.constant 16 : i32
        %parallel_loop3A_254 = arith.index_cast %parallel_loop3A_253 : i32 to index
        %parallel_loop3A_255 = arith.index_cast %parallel_loop3A_157 : i32 to index
        %parallel_loop3A_256 = arith.constant 0 : index
        %parallel_loop3A_257 = tpu.vector_load %arg15[%parallel_loop3A_254, %parallel_loop3A_255, %parallel_loop3A_256] {strides = array<i32>} : memref<32x40x16xf32, #tpu.memory_space<vmem>>, vector<16xf32>,
        %parallel_loop3A_258 = arith.addf %parallel_loop3A_252, %parallel_loop3A_257 : vector<16xf32>
        %parallel_loop3A_259 = arith.constant 17 : i32
        %parallel_loop3A_260 = arith.index_cast %parallel_loop3A_259 : i32 to index
        %parallel_loop3A_261 = arith.index_cast %parallel_loop3A_157 : i32 to index
        %parallel_loop3A_262 = arith.constant 0 : index
        %parallel_loop3A_263 = tpu.vector_load %arg15[%parallel_loop3A_260, %parallel_loop3A_261, %parallel_loop3A_262] {strides = array<i32>} : memref<32x40x16xf32, #tpu.memory_space<vmem>>, vector<16xf32>,
        %parallel_loop3A_264 = arith.addf %parallel_loop3A_258, %parallel_loop3A_263 : vector<16xf32>
        %parallel_loop3A_265 = arith.constant 18 : i32
        %parallel_loop3A_266 = arith.index_cast %parallel_loop3A_265 : i32 to index
        %parallel_loop3A_267 = arith.index_cast %parallel_loop3A_157 : i32 to index
        %parallel_loop3A_268 = arith.constant 0 : index
        %parallel_loop3A_269 = tpu.vector_load %arg15[%parallel_loop3A_266, %parallel_loop3A_267, %parallel_loop3A_268] {strides = array<i32>} : memref<32x40x16xf32, #tpu.memory_space<vmem>>, vector<16xf32>,
        %parallel_loop3A_270 = arith.addf %parallel_loop3A_264, %parallel_loop3A_269 : vector<16xf32>
        %parallel_loop3A_271 = arith.constant 19 : i32
        %parallel_loop3A_272 = arith.index_cast %parallel_loop3A_271 : i32 to index
        %parallel_loop3A_273 = arith.index_cast %parallel_loop3A_157 : i32 to index
        %parallel_loop3A_274 = arith.constant 0 : index
        %parallel_loop3A_275 = tpu.vector_load %arg15[%parallel_loop3A_272, %parallel_loop3A_273, %parallel_loop3A_274] {strides = array<i32>} : memref<32x40x16xf32, #tpu.memory_space<vmem>>, vector<16xf32>,
        %parallel_loop3A_276 = arith.addf %parallel_loop3A_270, %parallel_loop3A_275 : vector<16xf32>
        %parallel_loop3A_277 = arith.constant 20 : i32
        %parallel_loop3A_278 = arith.index_cast %parallel_loop3A_277 : i32 to index
        %parallel_loop3A_279 = arith.index_cast %parallel_loop3A_157 : i32 to index
        %parallel_loop3A_280 = arith.constant 0 : index
        %parallel_loop3A_281 = tpu.vector_load %arg15[%parallel_loop3A_278, %parallel_loop3A_279, %parallel_loop3A_280] {strides = array<i32>} : memref<32x40x16xf32, #tpu.memory_space<vmem>>, vector<16xf32>,
        %parallel_loop3A_282 = arith.addf %parallel_loop3A_276, %parallel_loop3A_281 : vector<16xf32>
        %parallel_loop3A_283 = arith.constant 21 : i32
        %parallel_loop3A_284 = arith.index_cast %parallel_loop3A_283 : i32 to index
        %parallel_loop3A_285 = arith.index_cast %parallel_loop3A_157 : i32 to index
        %parallel_loop3A_286 = arith.constant 0 : index
        %parallel_loop3A_287 = tpu.vector_load %arg15[%parallel_loop3A_284, %parallel_loop3A_285, %parallel_loop3A_286] {strides = array<i32>} : memref<32x40x16xf32, #tpu.memory_space<vmem>>, vector<16xf32>,
        %parallel_loop3A_288 = arith.addf %parallel_loop3A_282, %parallel_loop3A_287 : vector<16xf32>
        %parallel_loop3A_289 = arith.constant 22 : i32
        %parallel_loop3A_290 = arith.index_cast %parallel_loop3A_289 : i32 to index
        %parallel_loop3A_291 = arith.index_cast %parallel_loop3A_157 : i32 to index
        %parallel_loop3A_292 = arith.constant 0 : index
        %parallel_loop3A_293 = tpu.vector_load %arg15[%parallel_loop3A_290, %parallel_loop3A_291, %parallel_loop3A_292] {strides = array<i32>} : memref<32x40x16xf32, #tpu.memory_space<vmem>>, vector<16xf32>,
        %parallel_loop3A_294 = arith.addf %parallel_loop3A_288, %parallel_loop3A_293 : vector<16xf32>
        %parallel_loop3A_295 = arith.constant 23 : i32
        %parallel_loop3A_296 = arith.index_cast %parallel_loop3A_295 : i32 to index
        %parallel_loop3A_297 = arith.index_cast %parallel_loop3A_157 : i32 to index
        %parallel_loop3A_298 = arith.constant 0 : index
        %parallel_loop3A_299 = tpu.vector_load %arg15[%parallel_loop3A_296, %parallel_loop3A_297, %parallel_loop3A_298] {strides = array<i32>} : memref<32x40x16xf32, #tpu.memory_space<vmem>>, vector<16xf32>,
        %parallel_loop3A_300 = arith.addf %parallel_loop3A_294, %parallel_loop3A_299 : vector<16xf32>
        %parallel_loop3A_301 = arith.constant 24 : i32
        %parallel_loop3A_302 = arith.index_cast %parallel_loop3A_301 : i32 to index
        %parallel_loop3A_303 = arith.index_cast %parallel_loop3A_157 : i32 to index
        %parallel_loop3A_304 = arith.constant 0 : index
        %parallel_loop3A_305 = tpu.vector_load %arg15[%parallel_loop3A_302, %parallel_loop3A_303, %parallel_loop3A_304] {strides = array<i32>} : memref<32x40x16xf32, #tpu.memory_space<vmem>>, vector<16xf32>,
        %parallel_loop3A_306 = arith.addf %parallel_loop3A_300, %parallel_loop3A_305 : vector<16xf32>
        %parallel_loop3A_307 = arith.constant 25 : i32
        %parallel_loop3A_308 = arith.index_cast %parallel_loop3A_307 : i32 to index
        %parallel_loop3A_309 = arith.index_cast %parallel_loop3A_157 : i32 to index
        %parallel_loop3A_310 = arith.constant 0 : index
        %parallel_loop3A_311 = tpu.vector_load %arg15[%parallel_loop3A_308, %parallel_loop3A_309, %parallel_loop3A_310] {strides = array<i32>} : memref<32x40x16xf32, #tpu.memory_space<vmem>>, vector<16xf32>,
        %parallel_loop3A_312 = arith.addf %parallel_loop3A_306, %parallel_loop3A_311 : vector<16xf32>
        %parallel_loop3A_313 = arith.constant 26 : i32
        %parallel_loop3A_314 = arith.index_cast %parallel_loop3A_313 : i32 to index
        %parallel_loop3A_315 = arith.index_cast %parallel_loop3A_157 : i32 to index
        %parallel_loop3A_316 = arith.constant 0 : index
        %parallel_loop3A_317 = tpu.vector_load %arg15[%parallel_loop3A_314, %parallel_loop3A_315, %parallel_loop3A_316] {strides = array<i32>} : memref<32x40x16xf32, #tpu.memory_space<vmem>>, vector<16xf32>,
        %parallel_loop3A_318 = arith.addf %parallel_loop3A_312, %parallel_loop3A_317 : vector<16xf32>
        %parallel_loop3A_319 = arith.constant 27 : i32
        %parallel_loop3A_320 = arith.index_cast %parallel_loop3A_319 : i32 to index
        %parallel_loop3A_321 = arith.index_cast %parallel_loop3A_157 : i32 to index
        %parallel_loop3A_322 = arith.constant 0 : index
        %parallel_loop3A_323 = tpu.vector_load %arg15[%parallel_loop3A_320, %parallel_loop3A_321, %parallel_loop3A_322] {strides = array<i32>} : memref<32x40x16xf32, #tpu.memory_space<vmem>>, vector<16xf32>,
        %parallel_loop3A_324 = arith.addf %parallel_loop3A_318, %parallel_loop3A_323 : vector<16xf32>
        %parallel_loop3A_325 = arith.constant 28 : i32
        %parallel_loop3A_326 = arith.index_cast %parallel_loop3A_325 : i32 to index
        %parallel_loop3A_327 = arith.index_cast %parallel_loop3A_157 : i32 to index
        %parallel_loop3A_328 = arith.constant 0 : index
        %parallel_loop3A_329 = tpu.vector_load %arg15[%parallel_loop3A_326, %parallel_loop3A_327, %parallel_loop3A_328] {strides = array<i32>} : memref<32x40x16xf32, #tpu.memory_space<vmem>>, vector<16xf32>,
        %parallel_loop3A_330 = arith.addf %parallel_loop3A_324, %parallel_loop3A_329 : vector<16xf32>
        %parallel_loop3A_331 = arith.constant 29 : i32
        %parallel_loop3A_332 = arith.index_cast %parallel_loop3A_331 : i32 to index
        %parallel_loop3A_333 = arith.index_cast %parallel_loop3A_157 : i32 to index
        %parallel_loop3A_334 = arith.constant 0 : index
        %parallel_loop3A_335 = tpu.vector_load %arg15[%parallel_loop3A_332, %parallel_loop3A_333, %parallel_loop3A_334] {strides = array<i32>} : memref<32x40x16xf32, #tpu.memory_space<vmem>>, vector<16xf32>,
        %parallel_loop3A_336 = arith.addf %parallel_loop3A_330, %parallel_loop3A_335 : vector<16xf32>
        %parallel_loop3A_337 = arith.constant 30 : i32
        %parallel_loop3A_338 = arith.index_cast %parallel_loop3A_337 : i32 to index
        %parallel_loop3A_339 = arith.index_cast %parallel_loop3A_157 : i32 to index
        %parallel_loop3A_340 = arith.constant 0 : index
        %parallel_loop3A_341 = tpu.vector_load %arg15[%parallel_loop3A_338, %parallel_loop3A_339, %parallel_loop3A_340] {strides = array<i32>} : memref<32x40x16xf32, #tpu.memory_space<vmem>>, vector<16xf32>,
        %parallel_loop3A_342 = arith.addf %parallel_loop3A_336, %parallel_loop3A_341 : vector<16xf32>
        %parallel_loop3A_343 = arith.constant 31 : i32
        %parallel_loop3A_344 = arith.index_cast %parallel_loop3A_343 : i32 to index
        %parallel_loop3A_345 = arith.index_cast %parallel_loop3A_157 : i32 to index
        %parallel_loop3A_346 = arith.constant 0 : index
        %parallel_loop3A_347 = tpu.vector_load %arg15[%parallel_loop3A_344, %parallel_loop3A_345, %parallel_loop3A_346] {strides = array<i32>} : memref<32x40x16xf32, #tpu.memory_space<vmem>>, vector<16xf32>,
        %parallel_loop3A_348 = arith.addf %parallel_loop3A_342, %parallel_loop3A_347 : vector<16xf32>
        %parallel_loop3A_349 = arith.index_cast %parallel_loop3A_157 : i32 to index
        %parallel_loop3A_350 = arith.constant 0 : index
        %parallel_loop3A_351 = tpu.vector_load %arg16[%parallel_loop3A_349, %parallel_loop3A_350] {strides = array<i32>} : memref<40x16xf32, #tpu.memory_space<vmem>>, vector<16xf32>,
        tpu.vector_store %arg16[%parallel_loop3A_349, %parallel_loop3A_350], %parallel_loop3A_348 {strides = array<i32>} : memref<40x16xf32, #tpu.memory_space<vmem>>, vector<16xf32>,
      } {sc.loop_unroll_factor = 2 : i64, sc.parallel_access}
      %get3A = arith.constant 0 : index
      %get3A_144 = tpu.vector_load %arg20[%get3A] {strides = array<i32>} : memref<16xf32, #tpu.memory_space<vmem>>, vector<16xf32>,
      %get3A_145 = arith.constant 0 : index
      %get3A_146 = tpu.vector_load %arg21[%get3A_145] {strides = array<i32>} : memref<16xf32, #tpu.memory_space<vmem>>, vector<16xf32>,
      %get3A_147 = arith.constant 0 : index
      %get3A_148 = tpu.vector_load %arg22[%get3A_147] {strides = array<i32>} : memref<16xf32, #tpu.memory_space<vmem>>, vector<16xf32>,
      %parallel_loop3A_149 = arith.constant 0 : i32
      %parallel_loop3A_150 = arith.constant 40 : i32
      %parallel_loop3A_151 = arith.constant 1 : i32
      scf.for %parallel_loop3A_157 = %parallel_loop3A_149 to %parallel_loop3A_150 step %parallel_loop3A_151  : i32 {
        %parallel_loop3A_158 = arith.index_cast %parallel_loop3A_157 : i32 to index
        %parallel_loop3A_159 = arith.constant 0 : index
        %parallel_loop3A_160 = tpu.vector_load %arg16[%parallel_loop3A_158, %parallel_loop3A_159] {strides = array<i32>} : memref<40x16xf32, #tpu.memory_space<vmem>>, vector<16xf32>,
        %parallel_loop3A_161 = arith.constant 1.000000e+00 : f32
        %parallel_loop3A_162 = vector.broadcast %parallel_loop3A_161 : f32 to vector<16xf32>
        %parallel_loop3A_163 = arith.maximumf %parallel_loop3A_160, %parallel_loop3A_162 : vector<16xf32>
        %parallel_loop3A_164 = arith.constant 1.000000e+00 : f32
        %parallel_loop3A_165 = vector.broadcast %parallel_loop3A_164 : f32 to vector<16xf32>
        %parallel_loop3A_166 = arith.divf %parallel_loop3A_165, %parallel_loop3A_163 : vector<16xf32>
        %parallel_loop3A_167 = arith.constant 16 : i32
        %parallel_loop3A_168 = arith.muli %parallel_loop3A_157, %parallel_loop3A_167 : i32
        %parallel_loop3A_169 = vector.broadcast %parallel_loop3A_168 : i32 to vector<16xi32>
        %parallel_loop3A_170 = arith.addi %parallel_loop3A_169, %iota3A : vector<16xi32>
        %parallel_loop3A_171 = arith.constant 0 : i32
        %parallel_loop3A_172 = vector.broadcast %parallel_loop3A_171 : i32 to vector<16xi32>
        %parallel_loop3A_173 = tpu.vector_load_idx %arg12[%parallel_loop3A_170, %parallel_loop3A_172] : memref<640x16xf32, #tpu.memory_space<vmem>>[vector<16xi32>, vector<16xi32>], vector<16xf32>,
        %parallel_loop3A_174 = tpu.vector_load_idx %arg13[%parallel_loop3A_170, %parallel_loop3A_172] : memref<640x16xf32, #tpu.memory_space<vmem>>[vector<16xi32>, vector<16xi32>], vector<16xf32>,
        %parallel_loop3A_175 = tpu.vector_load_idx %arg14[%parallel_loop3A_170, %parallel_loop3A_172] : memref<640x16xf32, #tpu.memory_space<vmem>>[vector<16xi32>, vector<16xi32>], vector<16xf32>,
        %parallel_loop3A_176 = arith.addf %parallel_loop3A_173, %parallel_loop3A_174 : vector<16xf32>
        %parallel_loop3A_177 = arith.mulf %parallel_loop3A_176, %parallel_loop3A_166 : vector<16xf32>
        %parallel_loop3A_178 = arith.addf %parallel_loop3A_177, %parallel_loop3A_175 : vector<16xf32>
        %parallel_loop3A_179 = vector.extract_strided_slice %get3A_144 {offsets = [0], sizes = [1], strides = [1]} : vector<16xf32> to vector<1xf32>
        %parallel_loop3A_180 = vector.extract %parallel_loop3A_179[0] : f32 from vector<1xf32>
        %parallel_loop3A_181 = vector.broadcast %parallel_loop3A_180 : f32 to vector<16xf32>
        %parallel_loop3A_182 = arith.addf %parallel_loop3A_178, %parallel_loop3A_181 : vector<16xf32>
        %parallel_loop3A_183 = arith.constant 0.000000e+00 : f32
        %parallel_loop3A_184 = vector.broadcast %parallel_loop3A_183 : f32 to vector<16xf32>
        %parallel_loop3A_185 = arith.maximumf %parallel_loop3A_182, %parallel_loop3A_184 : vector<16xf32>
        %parallel_loop3A_186 = vector.extract_strided_slice %get3A_146 {offsets = [0], sizes = [1], strides = [1]} : vector<16xf32> to vector<1xf32>
        %parallel_loop3A_187 = vector.extract %parallel_loop3A_186[0] : f32 from vector<1xf32>
        %parallel_loop3A_188 = vector.broadcast %parallel_loop3A_187 : f32 to vector<16xf32>
        %parallel_loop3A_189 = arith.mulf %parallel_loop3A_185, %parallel_loop3A_188 : vector<16xf32>
        %parallel_loop3A_190 = arith.addf %broadcast_in_dim3A_14, %parallel_loop3A_189 : vector<16xf32>
        %parallel_loop3A_191 = vector.extract_strided_slice %get3A_148 {offsets = [0], sizes = [1], strides = [1]} : vector<16xf32> to vector<1xf32>
        %parallel_loop3A_192 = vector.extract %parallel_loop3A_191[0] : f32 from vector<1xf32>
        %parallel_loop3A_193 = vector.broadcast %parallel_loop3A_192 : f32 to vector<16xf32>
        %parallel_loop3A_194 = arith.mulf %parallel_loop3A_185, %parallel_loop3A_193 : vector<16xf32>
        %parallel_loop3A_195 = arith.addf %broadcast_in_dim3A_14, %parallel_loop3A_194 : vector<16xf32>
        %parallel_loop3A_196 = arith.constant 1 : i32
        %parallel_loop3A_197 = vector.broadcast %parallel_loop3A_196 : i32 to vector<16xi32>
        %parallel_loop3A_198 = tpu.vector_load_idx %arg12[%parallel_loop3A_170, %parallel_loop3A_197] : memref<640x16xf32, #tpu.memory_space<vmem>>[vector<16xi32>, vector<16xi32>], vector<16xf32>,
        %parallel_loop3A_199 = tpu.vector_load_idx %arg13[%parallel_loop3A_170, %parallel_loop3A_197] : memref<640x16xf32, #tpu.memory_space<vmem>>[vector<16xi32>, vector<16xi32>], vector<16xf32>,
        %parallel_loop3A_200 = tpu.vector_load_idx %arg14[%parallel_loop3A_170, %parallel_loop3A_197] : memref<640x16xf32, #tpu.memory_space<vmem>>[vector<16xi32>, vector<16xi32>], vector<16xf32>,
        %parallel_loop3A_201 = arith.addf %parallel_loop3A_198, %parallel_loop3A_199 : vector<16xf32>
        %parallel_loop3A_202 = arith.mulf %parallel_loop3A_201, %parallel_loop3A_166 : vector<16xf32>
        %parallel_loop3A_203 = arith.addf %parallel_loop3A_202, %parallel_loop3A_200 : vector<16xf32>
        %parallel_loop3A_204 = vector.extract_strided_slice %get3A_144 {offsets = [1], sizes = [1], strides = [1]} : vector<16xf32> to vector<1xf32>
        %parallel_loop3A_205 = vector.extract %parallel_loop3A_204[0] : f32 from vector<1xf32>
        %parallel_loop3A_206 = vector.broadcast %parallel_loop3A_205 : f32 to vector<16xf32>
        %parallel_loop3A_207 = arith.addf %parallel_loop3A_203, %parallel_loop3A_206 : vector<16xf32>
        %parallel_loop3A_208 = arith.constant 0.000000e+00 : f32
        %parallel_loop3A_209 = vector.broadcast %parallel_loop3A_208 : f32 to vector<16xf32>
        %parallel_loop3A_210 = arith.maximumf %parallel_loop3A_207, %parallel_loop3A_209 : vector<16xf32>
        %parallel_loop3A_211 = vector.extract_strided_slice %get3A_146 {offsets = [1], sizes = [1], strides = [1]} : vector<16xf32> to vector<1xf32>
        %parallel_loop3A_212 = vector.extract %parallel_loop3A_211[0] : f32 from vector<1xf32>
        %parallel_loop3A_213 = vector.broadcast %parallel_loop3A_212 : f32 to vector<16xf32>
        %parallel_loop3A_214 = arith.mulf %parallel_loop3A_210, %parallel_loop3A_213 : vector<16xf32>
        %parallel_loop3A_215 = arith.addf %parallel_loop3A_190, %parallel_loop3A_214 : vector<16xf32>
        %parallel_loop3A_216 = vector.extract_strided_slice %get3A_148 {offsets = [1], sizes = [1], strides = [1]} : vector<16xf32> to vector<1xf32>
        %parallel_loop3A_217 = vector.extract %parallel_loop3A_216[0] : f32 from vector<1xf32>
        %parallel_loop3A_218 = vector.broadcast %parallel_loop3A_217 : f32 to vector<16xf32>
        %parallel_loop3A_219 = arith.mulf %parallel_loop3A_210, %parallel_loop3A_218 : vector<16xf32>
        %parallel_loop3A_220 = arith.addf %parallel_loop3A_195, %parallel_loop3A_219 : vector<16xf32>
        %parallel_loop3A_221 = arith.constant 2 : i32
        %parallel_loop3A_222 = vector.broadcast %parallel_loop3A_221 : i32 to vector<16xi32>
        %parallel_loop3A_223 = tpu.vector_load_idx %arg12[%parallel_loop3A_170, %parallel_loop3A_222] : memref<640x16xf32, #tpu.memory_space<vmem>>[vector<16xi32>, vector<16xi32>], vector<16xf32>,
        %parallel_loop3A_224 = tpu.vector_load_idx %arg13[%parallel_loop3A_170, %parallel_loop3A_222] : memref<640x16xf32, #tpu.memory_space<vmem>>[vector<16xi32>, vector<16xi32>], vector<16xf32>,
        %parallel_loop3A_225 = tpu.vector_load_idx %arg14[%parallel_loop3A_170, %parallel_loop3A_222] : memref<640x16xf32, #tpu.memory_space<vmem>>[vector<16xi32>, vector<16xi32>], vector<16xf32>,
        %parallel_loop3A_226 = arith.addf %parallel_loop3A_223, %parallel_loop3A_224 : vector<16xf32>
        %parallel_loop3A_227 = arith.mulf %parallel_loop3A_226, %parallel_loop3A_166 : vector<16xf32>
        %parallel_loop3A_228 = arith.addf %parallel_loop3A_227, %parallel_loop3A_225 : vector<16xf32>
        %parallel_loop3A_229 = vector.extract_strided_slice %get3A_144 {offsets = [2], sizes = [1], strides = [1]} : vector<16xf32> to vector<1xf32>
        %parallel_loop3A_230 = vector.extract %parallel_loop3A_229[0] : f32 from vector<1xf32>
        %parallel_loop3A_231 = vector.broadcast %parallel_loop3A_230 : f32 to vector<16xf32>
        %parallel_loop3A_232 = arith.addf %parallel_loop3A_228, %parallel_loop3A_231 : vector<16xf32>
        %parallel_loop3A_233 = arith.constant 0.000000e+00 : f32
        %parallel_loop3A_234 = vector.broadcast %parallel_loop3A_233 : f32 to vector<16xf32>
        %parallel_loop3A_235 = arith.maximumf %parallel_loop3A_232, %parallel_loop3A_234 : vector<16xf32>
        %parallel_loop3A_236 = vector.extract_strided_slice %get3A_146 {offsets = [2], sizes = [1], strides = [1]} : vector<16xf32> to vector<1xf32>
        %parallel_loop3A_237 = vector.extract %parallel_loop3A_236[0] : f32 from vector<1xf32>
        %parallel_loop3A_238 = vector.broadcast %parallel_loop3A_237 : f32 to vector<16xf32>
        %parallel_loop3A_239 = arith.mulf %parallel_loop3A_235, %parallel_loop3A_238 : vector<16xf32>
        %parallel_loop3A_240 = arith.addf %parallel_loop3A_215, %parallel_loop3A_239 : vector<16xf32>
        %parallel_loop3A_241 = vector.extract_strided_slice %get3A_148 {offsets = [2], sizes = [1], strides = [1]} : vector<16xf32> to vector<1xf32>
        %parallel_loop3A_242 = vector.extract %parallel_loop3A_241[0] : f32 from vector<1xf32>
        %parallel_loop3A_243 = vector.broadcast %parallel_loop3A_242 : f32 to vector<16xf32>
        %parallel_loop3A_244 = arith.mulf %parallel_loop3A_235, %parallel_loop3A_243 : vector<16xf32>
        %parallel_loop3A_245 = arith.addf %parallel_loop3A_220, %parallel_loop3A_244 : vector<16xf32>
        %parallel_loop3A_246 = arith.constant 3 : i32
        %parallel_loop3A_247 = vector.broadcast %parallel_loop3A_246 : i32 to vector<16xi32>
        %parallel_loop3A_248 = tpu.vector_load_idx %arg12[%parallel_loop3A_170, %parallel_loop3A_247] : memref<640x16xf32, #tpu.memory_space<vmem>>[vector<16xi32>, vector<16xi32>], vector<16xf32>,
        %parallel_loop3A_249 = tpu.vector_load_idx %arg13[%parallel_loop3A_170, %parallel_loop3A_247] : memref<640x16xf32, #tpu.memory_space<vmem>>[vector<16xi32>, vector<16xi32>], vector<16xf32>,
        %parallel_loop3A_250 = tpu.vector_load_idx %arg14[%parallel_loop3A_170, %parallel_loop3A_247] : memref<640x16xf32, #tpu.memory_space<vmem>>[vector<16xi32>, vector<16xi32>], vector<16xf32>,
        %parallel_loop3A_251 = arith.addf %parallel_loop3A_248, %parallel_loop3A_249 : vector<16xf32>
        %parallel_loop3A_252 = arith.mulf %parallel_loop3A_251, %parallel_loop3A_166 : vector<16xf32>
        %parallel_loop3A_253 = arith.addf %parallel_loop3A_252, %parallel_loop3A_250 : vector<16xf32>
        %parallel_loop3A_254 = vector.extract_strided_slice %get3A_144 {offsets = [3], sizes = [1], strides = [1]} : vector<16xf32> to vector<1xf32>
        %parallel_loop3A_255 = vector.extract %parallel_loop3A_254[0] : f32 from vector<1xf32>
        %parallel_loop3A_256 = vector.broadcast %parallel_loop3A_255 : f32 to vector<16xf32>
        %parallel_loop3A_257 = arith.addf %parallel_loop3A_253, %parallel_loop3A_256 : vector<16xf32>
        %parallel_loop3A_258 = arith.constant 0.000000e+00 : f32
        %parallel_loop3A_259 = vector.broadcast %parallel_loop3A_258 : f32 to vector<16xf32>
        %parallel_loop3A_260 = arith.maximumf %parallel_loop3A_257, %parallel_loop3A_259 : vector<16xf32>
        %parallel_loop3A_261 = vector.extract_strided_slice %get3A_146 {offsets = [3], sizes = [1], strides = [1]} : vector<16xf32> to vector<1xf32>
        %parallel_loop3A_262 = vector.extract %parallel_loop3A_261[0] : f32 from vector<1xf32>
        %parallel_loop3A_263 = vector.broadcast %parallel_loop3A_262 : f32 to vector<16xf32>
        %parallel_loop3A_264 = arith.mulf %parallel_loop3A_260, %parallel_loop3A_263 : vector<16xf32>
        %parallel_loop3A_265 = arith.addf %parallel_loop3A_240, %parallel_loop3A_264 : vector<16xf32>
        %parallel_loop3A_266 = vector.extract_strided_slice %get3A_148 {offsets = [3], sizes = [1], strides = [1]} : vector<16xf32> to vector<1xf32>
        %parallel_loop3A_267 = vector.extract %parallel_loop3A_266[0] : f32 from vector<1xf32>
        %parallel_loop3A_268 = vector.broadcast %parallel_loop3A_267 : f32 to vector<16xf32>
        %parallel_loop3A_269 = arith.mulf %parallel_loop3A_260, %parallel_loop3A_268 : vector<16xf32>
        %parallel_loop3A_270 = arith.addf %parallel_loop3A_245, %parallel_loop3A_269 : vector<16xf32>
        %parallel_loop3A_271 = arith.constant 4 : i32
        %parallel_loop3A_272 = vector.broadcast %parallel_loop3A_271 : i32 to vector<16xi32>
        %parallel_loop3A_273 = tpu.vector_load_idx %arg12[%parallel_loop3A_170, %parallel_loop3A_272] : memref<640x16xf32, #tpu.memory_space<vmem>>[vector<16xi32>, vector<16xi32>], vector<16xf32>,
        %parallel_loop3A_274 = tpu.vector_load_idx %arg13[%parallel_loop3A_170, %parallel_loop3A_272] : memref<640x16xf32, #tpu.memory_space<vmem>>[vector<16xi32>, vector<16xi32>], vector<16xf32>,
        %parallel_loop3A_275 = tpu.vector_load_idx %arg14[%parallel_loop3A_170, %parallel_loop3A_272] : memref<640x16xf32, #tpu.memory_space<vmem>>[vector<16xi32>, vector<16xi32>], vector<16xf32>,
        %parallel_loop3A_276 = arith.addf %parallel_loop3A_273, %parallel_loop3A_274 : vector<16xf32>
        %parallel_loop3A_277 = arith.mulf %parallel_loop3A_276, %parallel_loop3A_166 : vector<16xf32>
        %parallel_loop3A_278 = arith.addf %parallel_loop3A_277, %parallel_loop3A_275 : vector<16xf32>
        %parallel_loop3A_279 = vector.extract_strided_slice %get3A_144 {offsets = [4], sizes = [1], strides = [1]} : vector<16xf32> to vector<1xf32>
        %parallel_loop3A_280 = vector.extract %parallel_loop3A_279[0] : f32 from vector<1xf32>
        %parallel_loop3A_281 = vector.broadcast %parallel_loop3A_280 : f32 to vector<16xf32>
        %parallel_loop3A_282 = arith.addf %parallel_loop3A_278, %parallel_loop3A_281 : vector<16xf32>
        %parallel_loop3A_283 = arith.constant 0.000000e+00 : f32
        %parallel_loop3A_284 = vector.broadcast %parallel_loop3A_283 : f32 to vector<16xf32>
        %parallel_loop3A_285 = arith.maximumf %parallel_loop3A_282, %parallel_loop3A_284 : vector<16xf32>
        %parallel_loop3A_286 = vector.extract_strided_slice %get3A_146 {offsets = [4], sizes = [1], strides = [1]} : vector<16xf32> to vector<1xf32>
        %parallel_loop3A_287 = vector.extract %parallel_loop3A_286[0] : f32 from vector<1xf32>
        %parallel_loop3A_288 = vector.broadcast %parallel_loop3A_287 : f32 to vector<16xf32>
        %parallel_loop3A_289 = arith.mulf %parallel_loop3A_285, %parallel_loop3A_288 : vector<16xf32>
        %parallel_loop3A_290 = arith.addf %parallel_loop3A_265, %parallel_loop3A_289 : vector<16xf32>
        %parallel_loop3A_291 = vector.extract_strided_slice %get3A_148 {offsets = [4], sizes = [1], strides = [1]} : vector<16xf32> to vector<1xf32>
        %parallel_loop3A_292 = vector.extract %parallel_loop3A_291[0] : f32 from vector<1xf32>
        %parallel_loop3A_293 = vector.broadcast %parallel_loop3A_292 : f32 to vector<16xf32>
        %parallel_loop3A_294 = arith.mulf %parallel_loop3A_285, %parallel_loop3A_293 : vector<16xf32>
        %parallel_loop3A_295 = arith.addf %parallel_loop3A_270, %parallel_loop3A_294 : vector<16xf32>
        %parallel_loop3A_296 = arith.constant 5 : i32
        %parallel_loop3A_297 = vector.broadcast %parallel_loop3A_296 : i32 to vector<16xi32>
        %parallel_loop3A_298 = tpu.vector_load_idx %arg12[%parallel_loop3A_170, %parallel_loop3A_297] : memref<640x16xf32, #tpu.memory_space<vmem>>[vector<16xi32>, vector<16xi32>], vector<16xf32>,
        %parallel_loop3A_299 = tpu.vector_load_idx %arg13[%parallel_loop3A_170, %parallel_loop3A_297] : memref<640x16xf32, #tpu.memory_space<vmem>>[vector<16xi32>, vector<16xi32>], vector<16xf32>,
        %parallel_loop3A_300 = tpu.vector_load_idx %arg14[%parallel_loop3A_170, %parallel_loop3A_297] : memref<640x16xf32, #tpu.memory_space<vmem>>[vector<16xi32>, vector<16xi32>], vector<16xf32>,
        %parallel_loop3A_301 = arith.addf %parallel_loop3A_298, %parallel_loop3A_299 : vector<16xf32>
        %parallel_loop3A_302 = arith.mulf %parallel_loop3A_301, %parallel_loop3A_166 : vector<16xf32>
        %parallel_loop3A_303 = arith.addf %parallel_loop3A_302, %parallel_loop3A_300 : vector<16xf32>
        %parallel_loop3A_304 = vector.extract_strided_slice %get3A_144 {offsets = [5], sizes = [1], strides = [1]} : vector<16xf32> to vector<1xf32>
        %parallel_loop3A_305 = vector.extract %parallel_loop3A_304[0] : f32 from vector<1xf32>
        %parallel_loop3A_306 = vector.broadcast %parallel_loop3A_305 : f32 to vector<16xf32>
        %parallel_loop3A_307 = arith.addf %parallel_loop3A_303, %parallel_loop3A_306 : vector<16xf32>
        %parallel_loop3A_308 = arith.constant 0.000000e+00 : f32
        %parallel_loop3A_309 = vector.broadcast %parallel_loop3A_308 : f32 to vector<16xf32>
        %parallel_loop3A_310 = arith.maximumf %parallel_loop3A_307, %parallel_loop3A_309 : vector<16xf32>
        %parallel_loop3A_311 = vector.extract_strided_slice %get3A_146 {offsets = [5], sizes = [1], strides = [1]} : vector<16xf32> to vector<1xf32>
        %parallel_loop3A_312 = vector.extract %parallel_loop3A_311[0] : f32 from vector<1xf32>
        %parallel_loop3A_313 = vector.broadcast %parallel_loop3A_312 : f32 to vector<16xf32>
        %parallel_loop3A_314 = arith.mulf %parallel_loop3A_310, %parallel_loop3A_313 : vector<16xf32>
        %parallel_loop3A_315 = arith.addf %parallel_loop3A_290, %parallel_loop3A_314 : vector<16xf32>
        %parallel_loop3A_316 = vector.extract_strided_slice %get3A_148 {offsets = [5], sizes = [1], strides = [1]} : vector<16xf32> to vector<1xf32>
        %parallel_loop3A_317 = vector.extract %parallel_loop3A_316[0] : f32 from vector<1xf32>
        %parallel_loop3A_318 = vector.broadcast %parallel_loop3A_317 : f32 to vector<16xf32>
        %parallel_loop3A_319 = arith.mulf %parallel_loop3A_310, %parallel_loop3A_318 : vector<16xf32>
        %parallel_loop3A_320 = arith.addf %parallel_loop3A_295, %parallel_loop3A_319 : vector<16xf32>
        %parallel_loop3A_321 = arith.constant 6 : i32
        %parallel_loop3A_322 = vector.broadcast %parallel_loop3A_321 : i32 to vector<16xi32>
        %parallel_loop3A_323 = tpu.vector_load_idx %arg12[%parallel_loop3A_170, %parallel_loop3A_322] : memref<640x16xf32, #tpu.memory_space<vmem>>[vector<16xi32>, vector<16xi32>], vector<16xf32>,
        %parallel_loop3A_324 = tpu.vector_load_idx %arg13[%parallel_loop3A_170, %parallel_loop3A_322] : memref<640x16xf32, #tpu.memory_space<vmem>>[vector<16xi32>, vector<16xi32>], vector<16xf32>,
        %parallel_loop3A_325 = tpu.vector_load_idx %arg14[%parallel_loop3A_170, %parallel_loop3A_322] : memref<640x16xf32, #tpu.memory_space<vmem>>[vector<16xi32>, vector<16xi32>], vector<16xf32>,
        %parallel_loop3A_326 = arith.addf %parallel_loop3A_323, %parallel_loop3A_324 : vector<16xf32>
        %parallel_loop3A_327 = arith.mulf %parallel_loop3A_326, %parallel_loop3A_166 : vector<16xf32>
        %parallel_loop3A_328 = arith.addf %parallel_loop3A_327, %parallel_loop3A_325 : vector<16xf32>
        %parallel_loop3A_329 = vector.extract_strided_slice %get3A_144 {offsets = [6], sizes = [1], strides = [1]} : vector<16xf32> to vector<1xf32>
        %parallel_loop3A_330 = vector.extract %parallel_loop3A_329[0] : f32 from vector<1xf32>
        %parallel_loop3A_331 = vector.broadcast %parallel_loop3A_330 : f32 to vector<16xf32>
        %parallel_loop3A_332 = arith.addf %parallel_loop3A_328, %parallel_loop3A_331 : vector<16xf32>
        %parallel_loop3A_333 = arith.constant 0.000000e+00 : f32
        %parallel_loop3A_334 = vector.broadcast %parallel_loop3A_333 : f32 to vector<16xf32>
        %parallel_loop3A_335 = arith.maximumf %parallel_loop3A_332, %parallel_loop3A_334 : vector<16xf32>
        %parallel_loop3A_336 = vector.extract_strided_slice %get3A_146 {offsets = [6], sizes = [1], strides = [1]} : vector<16xf32> to vector<1xf32>
        %parallel_loop3A_337 = vector.extract %parallel_loop3A_336[0] : f32 from vector<1xf32>
        %parallel_loop3A_338 = vector.broadcast %parallel_loop3A_337 : f32 to vector<16xf32>
        %parallel_loop3A_339 = arith.mulf %parallel_loop3A_335, %parallel_loop3A_338 : vector<16xf32>
        %parallel_loop3A_340 = arith.addf %parallel_loop3A_315, %parallel_loop3A_339 : vector<16xf32>
        %parallel_loop3A_341 = vector.extract_strided_slice %get3A_148 {offsets = [6], sizes = [1], strides = [1]} : vector<16xf32> to vector<1xf32>
        %parallel_loop3A_342 = vector.extract %parallel_loop3A_341[0] : f32 from vector<1xf32>
        %parallel_loop3A_343 = vector.broadcast %parallel_loop3A_342 : f32 to vector<16xf32>
        %parallel_loop3A_344 = arith.mulf %parallel_loop3A_335, %parallel_loop3A_343 : vector<16xf32>
        %parallel_loop3A_345 = arith.addf %parallel_loop3A_320, %parallel_loop3A_344 : vector<16xf32>
        %parallel_loop3A_346 = arith.constant 7 : i32
        %parallel_loop3A_347 = vector.broadcast %parallel_loop3A_346 : i32 to vector<16xi32>
        %parallel_loop3A_348 = tpu.vector_load_idx %arg12[%parallel_loop3A_170, %parallel_loop3A_347] : memref<640x16xf32, #tpu.memory_space<vmem>>[vector<16xi32>, vector<16xi32>], vector<16xf32>,
        %parallel_loop3A_349 = tpu.vector_load_idx %arg13[%parallel_loop3A_170, %parallel_loop3A_347] : memref<640x16xf32, #tpu.memory_space<vmem>>[vector<16xi32>, vector<16xi32>], vector<16xf32>,
        %parallel_loop3A_350 = tpu.vector_load_idx %arg14[%parallel_loop3A_170, %parallel_loop3A_347] : memref<640x16xf32, #tpu.memory_space<vmem>>[vector<16xi32>, vector<16xi32>], vector<16xf32>,
        %parallel_loop3A_351 = arith.addf %parallel_loop3A_348, %parallel_loop3A_349 : vector<16xf32>
        %parallel_loop3A_352 = arith.mulf %parallel_loop3A_351, %parallel_loop3A_166 : vector<16xf32>
        %parallel_loop3A_353 = arith.addf %parallel_loop3A_352, %parallel_loop3A_350 : vector<16xf32>
        %parallel_loop3A_354 = vector.extract_strided_slice %get3A_144 {offsets = [7], sizes = [1], strides = [1]} : vector<16xf32> to vector<1xf32>
        %parallel_loop3A_355 = vector.extract %parallel_loop3A_354[0] : f32 from vector<1xf32>
        %parallel_loop3A_356 = vector.broadcast %parallel_loop3A_355 : f32 to vector<16xf32>
        %parallel_loop3A_357 = arith.addf %parallel_loop3A_353, %parallel_loop3A_356 : vector<16xf32>
        %parallel_loop3A_358 = arith.constant 0.000000e+00 : f32
        %parallel_loop3A_359 = vector.broadcast %parallel_loop3A_358 : f32 to vector<16xf32>
        %parallel_loop3A_360 = arith.maximumf %parallel_loop3A_357, %parallel_loop3A_359 : vector<16xf32>
        %parallel_loop3A_361 = vector.extract_strided_slice %get3A_146 {offsets = [7], sizes = [1], strides = [1]} : vector<16xf32> to vector<1xf32>
        %parallel_loop3A_362 = vector.extract %parallel_loop3A_361[0] : f32 from vector<1xf32>
        %parallel_loop3A_363 = vector.broadcast %parallel_loop3A_362 : f32 to vector<16xf32>
        %parallel_loop3A_364 = arith.mulf %parallel_loop3A_360, %parallel_loop3A_363 : vector<16xf32>
        %parallel_loop3A_365 = arith.addf %parallel_loop3A_340, %parallel_loop3A_364 : vector<16xf32>
        %parallel_loop3A_366 = vector.extract_strided_slice %get3A_148 {offsets = [7], sizes = [1], strides = [1]} : vector<16xf32> to vector<1xf32>
        %parallel_loop3A_367 = vector.extract %parallel_loop3A_366[0] : f32 from vector<1xf32>
        %parallel_loop3A_368 = vector.broadcast %parallel_loop3A_367 : f32 to vector<16xf32>
        %parallel_loop3A_369 = arith.mulf %parallel_loop3A_360, %parallel_loop3A_368 : vector<16xf32>
        %parallel_loop3A_370 = arith.addf %parallel_loop3A_345, %parallel_loop3A_369 : vector<16xf32>
        %parallel_loop3A_371 = arith.constant 8 : i32
        %parallel_loop3A_372 = vector.broadcast %parallel_loop3A_371 : i32 to vector<16xi32>
        %parallel_loop3A_373 = tpu.vector_load_idx %arg12[%parallel_loop3A_170, %parallel_loop3A_372] : memref<640x16xf32, #tpu.memory_space<vmem>>[vector<16xi32>, vector<16xi32>], vector<16xf32>,
        %parallel_loop3A_374 = tpu.vector_load_idx %arg13[%parallel_loop3A_170, %parallel_loop3A_372] : memref<640x16xf32, #tpu.memory_space<vmem>>[vector<16xi32>, vector<16xi32>], vector<16xf32>,
        %parallel_loop3A_375 = tpu.vector_load_idx %arg14[%parallel_loop3A_170, %parallel_loop3A_372] : memref<640x16xf32, #tpu.memory_space<vmem>>[vector<16xi32>, vector<16xi32>], vector<16xf32>,
        %parallel_loop3A_376 = arith.addf %parallel_loop3A_373, %parallel_loop3A_374 : vector<16xf32>
        %parallel_loop3A_377 = arith.mulf %parallel_loop3A_376, %parallel_loop3A_166 : vector<16xf32>
        %parallel_loop3A_378 = arith.addf %parallel_loop3A_377, %parallel_loop3A_375 : vector<16xf32>
        %parallel_loop3A_379 = vector.extract_strided_slice %get3A_144 {offsets = [8], sizes = [1], strides = [1]} : vector<16xf32> to vector<1xf32>
        %parallel_loop3A_380 = vector.extract %parallel_loop3A_379[0] : f32 from vector<1xf32>
        %parallel_loop3A_381 = vector.broadcast %parallel_loop3A_380 : f32 to vector<16xf32>
        %parallel_loop3A_382 = arith.addf %parallel_loop3A_378, %parallel_loop3A_381 : vector<16xf32>
        %parallel_loop3A_383 = arith.constant 0.000000e+00 : f32
        %parallel_loop3A_384 = vector.broadcast %parallel_loop3A_383 : f32 to vector<16xf32>
        %parallel_loop3A_385 = arith.maximumf %parallel_loop3A_382, %parallel_loop3A_384 : vector<16xf32>
        %parallel_loop3A_386 = vector.extract_strided_slice %get3A_146 {offsets = [8], sizes = [1], strides = [1]} : vector<16xf32> to vector<1xf32>
        %parallel_loop3A_387 = vector.extract %parallel_loop3A_386[0] : f32 from vector<1xf32>
        %parallel_loop3A_388 = vector.broadcast %parallel_loop3A_387 : f32 to vector<16xf32>
        %parallel_loop3A_389 = arith.mulf %parallel_loop3A_385, %parallel_loop3A_388 : vector<16xf32>
        %parallel_loop3A_390 = arith.addf %parallel_loop3A_365, %parallel_loop3A_389 : vector<16xf32>
        %parallel_loop3A_391 = vector.extract_strided_slice %get3A_148 {offsets = [8], sizes = [1], strides = [1]} : vector<16xf32> to vector<1xf32>
        %parallel_loop3A_392 = vector.extract %parallel_loop3A_391[0] : f32 from vector<1xf32>
        %parallel_loop3A_393 = vector.broadcast %parallel_loop3A_392 : f32 to vector<16xf32>
        %parallel_loop3A_394 = arith.mulf %parallel_loop3A_385, %parallel_loop3A_393 : vector<16xf32>
        %parallel_loop3A_395 = arith.addf %parallel_loop3A_370, %parallel_loop3A_394 : vector<16xf32>
        %parallel_loop3A_396 = arith.constant 9 : i32
        %parallel_loop3A_397 = vector.broadcast %parallel_loop3A_396 : i32 to vector<16xi32>
        %parallel_loop3A_398 = tpu.vector_load_idx %arg12[%parallel_loop3A_170, %parallel_loop3A_397] : memref<640x16xf32, #tpu.memory_space<vmem>>[vector<16xi32>, vector<16xi32>], vector<16xf32>,
        %parallel_loop3A_399 = tpu.vector_load_idx %arg13[%parallel_loop3A_170, %parallel_loop3A_397] : memref<640x16xf32, #tpu.memory_space<vmem>>[vector<16xi32>, vector<16xi32>], vector<16xf32>,
        %parallel_loop3A_400 = tpu.vector_load_idx %arg14[%parallel_loop3A_170, %parallel_loop3A_397] : memref<640x16xf32, #tpu.memory_space<vmem>>[vector<16xi32>, vector<16xi32>], vector<16xf32>,
        %parallel_loop3A_401 = arith.addf %parallel_loop3A_398, %parallel_loop3A_399 : vector<16xf32>
        %parallel_loop3A_402 = arith.mulf %parallel_loop3A_401, %parallel_loop3A_166 : vector<16xf32>
        %parallel_loop3A_403 = arith.addf %parallel_loop3A_402, %parallel_loop3A_400 : vector<16xf32>
        %parallel_loop3A_404 = vector.extract_strided_slice %get3A_144 {offsets = [9], sizes = [1], strides = [1]} : vector<16xf32> to vector<1xf32>
        %parallel_loop3A_405 = vector.extract %parallel_loop3A_404[0] : f32 from vector<1xf32>
        %parallel_loop3A_406 = vector.broadcast %parallel_loop3A_405 : f32 to vector<16xf32>
        %parallel_loop3A_407 = arith.addf %parallel_loop3A_403, %parallel_loop3A_406 : vector<16xf32>
        %parallel_loop3A_408 = arith.constant 0.000000e+00 : f32
        %parallel_loop3A_409 = vector.broadcast %parallel_loop3A_408 : f32 to vector<16xf32>
        %parallel_loop3A_410 = arith.maximumf %parallel_loop3A_407, %parallel_loop3A_409 : vector<16xf32>
        %parallel_loop3A_411 = vector.extract_strided_slice %get3A_146 {offsets = [9], sizes = [1], strides = [1]} : vector<16xf32> to vector<1xf32>
        %parallel_loop3A_412 = vector.extract %parallel_loop3A_411[0] : f32 from vector<1xf32>
        %parallel_loop3A_413 = vector.broadcast %parallel_loop3A_412 : f32 to vector<16xf32>
        %parallel_loop3A_414 = arith.mulf %parallel_loop3A_410, %parallel_loop3A_413 : vector<16xf32>
        %parallel_loop3A_415 = arith.addf %parallel_loop3A_390, %parallel_loop3A_414 : vector<16xf32>
        %parallel_loop3A_416 = vector.extract_strided_slice %get3A_148 {offsets = [9], sizes = [1], strides = [1]} : vector<16xf32> to vector<1xf32>
        %parallel_loop3A_417 = vector.extract %parallel_loop3A_416[0] : f32 from vector<1xf32>
        %parallel_loop3A_418 = vector.broadcast %parallel_loop3A_417 : f32 to vector<16xf32>
        %parallel_loop3A_419 = arith.mulf %parallel_loop3A_410, %parallel_loop3A_418 : vector<16xf32>
        %parallel_loop3A_420 = arith.addf %parallel_loop3A_395, %parallel_loop3A_419 : vector<16xf32>
        %parallel_loop3A_421 = arith.constant 10 : i32
        %parallel_loop3A_422 = vector.broadcast %parallel_loop3A_421 : i32 to vector<16xi32>
        %parallel_loop3A_423 = tpu.vector_load_idx %arg12[%parallel_loop3A_170, %parallel_loop3A_422] : memref<640x16xf32, #tpu.memory_space<vmem>>[vector<16xi32>, vector<16xi32>], vector<16xf32>,
        %parallel_loop3A_424 = tpu.vector_load_idx %arg13[%parallel_loop3A_170, %parallel_loop3A_422] : memref<640x16xf32, #tpu.memory_space<vmem>>[vector<16xi32>, vector<16xi32>], vector<16xf32>,
        %parallel_loop3A_425 = tpu.vector_load_idx %arg14[%parallel_loop3A_170, %parallel_loop3A_422] : memref<640x16xf32, #tpu.memory_space<vmem>>[vector<16xi32>, vector<16xi32>], vector<16xf32>,
        %parallel_loop3A_426 = arith.addf %parallel_loop3A_423, %parallel_loop3A_424 : vector<16xf32>
        %parallel_loop3A_427 = arith.mulf %parallel_loop3A_426, %parallel_loop3A_166 : vector<16xf32>
        %parallel_loop3A_428 = arith.addf %parallel_loop3A_427, %parallel_loop3A_425 : vector<16xf32>
        %parallel_loop3A_429 = vector.extract_strided_slice %get3A_144 {offsets = [10], sizes = [1], strides = [1]} : vector<16xf32> to vector<1xf32>
        %parallel_loop3A_430 = vector.extract %parallel_loop3A_429[0] : f32 from vector<1xf32>
        %parallel_loop3A_431 = vector.broadcast %parallel_loop3A_430 : f32 to vector<16xf32>
        %parallel_loop3A_432 = arith.addf %parallel_loop3A_428, %parallel_loop3A_431 : vector<16xf32>
        %parallel_loop3A_433 = arith.constant 0.000000e+00 : f32
        %parallel_loop3A_434 = vector.broadcast %parallel_loop3A_433 : f32 to vector<16xf32>
        %parallel_loop3A_435 = arith.maximumf %parallel_loop3A_432, %parallel_loop3A_434 : vector<16xf32>
        %parallel_loop3A_436 = vector.extract_strided_slice %get3A_146 {offsets = [10], sizes = [1], strides = [1]} : vector<16xf32> to vector<1xf32>
        %parallel_loop3A_437 = vector.extract %parallel_loop3A_436[0] : f32 from vector<1xf32>
        %parallel_loop3A_438 = vector.broadcast %parallel_loop3A_437 : f32 to vector<16xf32>
        %parallel_loop3A_439 = arith.mulf %parallel_loop3A_435, %parallel_loop3A_438 : vector<16xf32>
        %parallel_loop3A_440 = arith.addf %parallel_loop3A_415, %parallel_loop3A_439 : vector<16xf32>
        %parallel_loop3A_441 = vector.extract_strided_slice %get3A_148 {offsets = [10], sizes = [1], strides = [1]} : vector<16xf32> to vector<1xf32>
        %parallel_loop3A_442 = vector.extract %parallel_loop3A_441[0] : f32 from vector<1xf32>
        %parallel_loop3A_443 = vector.broadcast %parallel_loop3A_442 : f32 to vector<16xf32>
        %parallel_loop3A_444 = arith.mulf %parallel_loop3A_435, %parallel_loop3A_443 : vector<16xf32>
        %parallel_loop3A_445 = arith.addf %parallel_loop3A_420, %parallel_loop3A_444 : vector<16xf32>
        %parallel_loop3A_446 = arith.constant 11 : i32
        %parallel_loop3A_447 = vector.broadcast %parallel_loop3A_446 : i32 to vector<16xi32>
        %parallel_loop3A_448 = tpu.vector_load_idx %arg12[%parallel_loop3A_170, %parallel_loop3A_447] : memref<640x16xf32, #tpu.memory_space<vmem>>[vector<16xi32>, vector<16xi32>], vector<16xf32>,
        %parallel_loop3A_449 = tpu.vector_load_idx %arg13[%parallel_loop3A_170, %parallel_loop3A_447] : memref<640x16xf32, #tpu.memory_space<vmem>>[vector<16xi32>, vector<16xi32>], vector<16xf32>,
        %parallel_loop3A_450 = tpu.vector_load_idx %arg14[%parallel_loop3A_170, %parallel_loop3A_447] : memref<640x16xf32, #tpu.memory_space<vmem>>[vector<16xi32>, vector<16xi32>], vector<16xf32>,
        %parallel_loop3A_451 = arith.addf %parallel_loop3A_448, %parallel_loop3A_449 : vector<16xf32>
        %parallel_loop3A_452 = arith.mulf %parallel_loop3A_451, %parallel_loop3A_166 : vector<16xf32>
        %parallel_loop3A_453 = arith.addf %parallel_loop3A_452, %parallel_loop3A_450 : vector<16xf32>
        %parallel_loop3A_454 = vector.extract_strided_slice %get3A_144 {offsets = [11], sizes = [1], strides = [1]} : vector<16xf32> to vector<1xf32>
        %parallel_loop3A_455 = vector.extract %parallel_loop3A_454[0] : f32 from vector<1xf32>
        %parallel_loop3A_456 = vector.broadcast %parallel_loop3A_455 : f32 to vector<16xf32>
        %parallel_loop3A_457 = arith.addf %parallel_loop3A_453, %parallel_loop3A_456 : vector<16xf32>
        %parallel_loop3A_458 = arith.constant 0.000000e+00 : f32
        %parallel_loop3A_459 = vector.broadcast %parallel_loop3A_458 : f32 to vector<16xf32>
        %parallel_loop3A_460 = arith.maximumf %parallel_loop3A_457, %parallel_loop3A_459 : vector<16xf32>
        %parallel_loop3A_461 = vector.extract_strided_slice %get3A_146 {offsets = [11], sizes = [1], strides = [1]} : vector<16xf32> to vector<1xf32>
        %parallel_loop3A_462 = vector.extract %parallel_loop3A_461[0] : f32 from vector<1xf32>
        %parallel_loop3A_463 = vector.broadcast %parallel_loop3A_462 : f32 to vector<16xf32>
        %parallel_loop3A_464 = arith.mulf %parallel_loop3A_460, %parallel_loop3A_463 : vector<16xf32>
        %parallel_loop3A_465 = arith.addf %parallel_loop3A_440, %parallel_loop3A_464 : vector<16xf32>
        %parallel_loop3A_466 = vector.extract_strided_slice %get3A_148 {offsets = [11], sizes = [1], strides = [1]} : vector<16xf32> to vector<1xf32>
        %parallel_loop3A_467 = vector.extract %parallel_loop3A_466[0] : f32 from vector<1xf32>
        %parallel_loop3A_468 = vector.broadcast %parallel_loop3A_467 : f32 to vector<16xf32>
        %parallel_loop3A_469 = arith.mulf %parallel_loop3A_460, %parallel_loop3A_468 : vector<16xf32>
        %parallel_loop3A_470 = arith.addf %parallel_loop3A_445, %parallel_loop3A_469 : vector<16xf32>
        %parallel_loop3A_471 = arith.constant 12 : i32
        %parallel_loop3A_472 = vector.broadcast %parallel_loop3A_471 : i32 to vector<16xi32>
        %parallel_loop3A_473 = tpu.vector_load_idx %arg12[%parallel_loop3A_170, %parallel_loop3A_472] : memref<640x16xf32, #tpu.memory_space<vmem>>[vector<16xi32>, vector<16xi32>], vector<16xf32>,
        %parallel_loop3A_474 = tpu.vector_load_idx %arg13[%parallel_loop3A_170, %parallel_loop3A_472] : memref<640x16xf32, #tpu.memory_space<vmem>>[vector<16xi32>, vector<16xi32>], vector<16xf32>,
        %parallel_loop3A_475 = tpu.vector_load_idx %arg14[%parallel_loop3A_170, %parallel_loop3A_472] : memref<640x16xf32, #tpu.memory_space<vmem>>[vector<16xi32>, vector<16xi32>], vector<16xf32>,
        %parallel_loop3A_476 = arith.addf %parallel_loop3A_473, %parallel_loop3A_474 : vector<16xf32>
        %parallel_loop3A_477 = arith.mulf %parallel_loop3A_476, %parallel_loop3A_166 : vector<16xf32>
        %parallel_loop3A_478 = arith.addf %parallel_loop3A_477, %parallel_loop3A_475 : vector<16xf32>
        %parallel_loop3A_479 = vector.extract_strided_slice %get3A_144 {offsets = [12], sizes = [1], strides = [1]} : vector<16xf32> to vector<1xf32>
        %parallel_loop3A_480 = vector.extract %parallel_loop3A_479[0] : f32 from vector<1xf32>
        %parallel_loop3A_481 = vector.broadcast %parallel_loop3A_480 : f32 to vector<16xf32>
        %parallel_loop3A_482 = arith.addf %parallel_loop3A_478, %parallel_loop3A_481 : vector<16xf32>
        %parallel_loop3A_483 = arith.constant 0.000000e+00 : f32
        %parallel_loop3A_484 = vector.broadcast %parallel_loop3A_483 : f32 to vector<16xf32>
        %parallel_loop3A_485 = arith.maximumf %parallel_loop3A_482, %parallel_loop3A_484 : vector<16xf32>
        %parallel_loop3A_486 = vector.extract_strided_slice %get3A_146 {offsets = [12], sizes = [1], strides = [1]} : vector<16xf32> to vector<1xf32>
        %parallel_loop3A_487 = vector.extract %parallel_loop3A_486[0] : f32 from vector<1xf32>
        %parallel_loop3A_488 = vector.broadcast %parallel_loop3A_487 : f32 to vector<16xf32>
        %parallel_loop3A_489 = arith.mulf %parallel_loop3A_485, %parallel_loop3A_488 : vector<16xf32>
        %parallel_loop3A_490 = arith.addf %parallel_loop3A_465, %parallel_loop3A_489 : vector<16xf32>
        %parallel_loop3A_491 = vector.extract_strided_slice %get3A_148 {offsets = [12], sizes = [1], strides = [1]} : vector<16xf32> to vector<1xf32>
        %parallel_loop3A_492 = vector.extract %parallel_loop3A_491[0] : f32 from vector<1xf32>
        %parallel_loop3A_493 = vector.broadcast %parallel_loop3A_492 : f32 to vector<16xf32>
        %parallel_loop3A_494 = arith.mulf %parallel_loop3A_485, %parallel_loop3A_493 : vector<16xf32>
        %parallel_loop3A_495 = arith.addf %parallel_loop3A_470, %parallel_loop3A_494 : vector<16xf32>
        %parallel_loop3A_496 = arith.constant 13 : i32
        %parallel_loop3A_497 = vector.broadcast %parallel_loop3A_496 : i32 to vector<16xi32>
        %parallel_loop3A_498 = tpu.vector_load_idx %arg12[%parallel_loop3A_170, %parallel_loop3A_497] : memref<640x16xf32, #tpu.memory_space<vmem>>[vector<16xi32>, vector<16xi32>], vector<16xf32>,
        %parallel_loop3A_499 = tpu.vector_load_idx %arg13[%parallel_loop3A_170, %parallel_loop3A_497] : memref<640x16xf32, #tpu.memory_space<vmem>>[vector<16xi32>, vector<16xi32>], vector<16xf32>,
        %parallel_loop3A_500 = tpu.vector_load_idx %arg14[%parallel_loop3A_170, %parallel_loop3A_497] : memref<640x16xf32, #tpu.memory_space<vmem>>[vector<16xi32>, vector<16xi32>], vector<16xf32>,
        %parallel_loop3A_501 = arith.addf %parallel_loop3A_498, %parallel_loop3A_499 : vector<16xf32>
        %parallel_loop3A_502 = arith.mulf %parallel_loop3A_501, %parallel_loop3A_166 : vector<16xf32>
        %parallel_loop3A_503 = arith.addf %parallel_loop3A_502, %parallel_loop3A_500 : vector<16xf32>
        %parallel_loop3A_504 = vector.extract_strided_slice %get3A_144 {offsets = [13], sizes = [1], strides = [1]} : vector<16xf32> to vector<1xf32>
        %parallel_loop3A_505 = vector.extract %parallel_loop3A_504[0] : f32 from vector<1xf32>
        %parallel_loop3A_506 = vector.broadcast %parallel_loop3A_505 : f32 to vector<16xf32>
        %parallel_loop3A_507 = arith.addf %parallel_loop3A_503, %parallel_loop3A_506 : vector<16xf32>
        %parallel_loop3A_508 = arith.constant 0.000000e+00 : f32
        %parallel_loop3A_509 = vector.broadcast %parallel_loop3A_508 : f32 to vector<16xf32>
        %parallel_loop3A_510 = arith.maximumf %parallel_loop3A_507, %parallel_loop3A_509 : vector<16xf32>
        %parallel_loop3A_511 = vector.extract_strided_slice %get3A_146 {offsets = [13], sizes = [1], strides = [1]} : vector<16xf32> to vector<1xf32>
        %parallel_loop3A_512 = vector.extract %parallel_loop3A_511[0] : f32 from vector<1xf32>
        %parallel_loop3A_513 = vector.broadcast %parallel_loop3A_512 : f32 to vector<16xf32>
        %parallel_loop3A_514 = arith.mulf %parallel_loop3A_510, %parallel_loop3A_513 : vector<16xf32>
        %parallel_loop3A_515 = arith.addf %parallel_loop3A_490, %parallel_loop3A_514 : vector<16xf32>
        %parallel_loop3A_516 = vector.extract_strided_slice %get3A_148 {offsets = [13], sizes = [1], strides = [1]} : vector<16xf32> to vector<1xf32>
        %parallel_loop3A_517 = vector.extract %parallel_loop3A_516[0] : f32 from vector<1xf32>
        %parallel_loop3A_518 = vector.broadcast %parallel_loop3A_517 : f32 to vector<16xf32>
        %parallel_loop3A_519 = arith.mulf %parallel_loop3A_510, %parallel_loop3A_518 : vector<16xf32>
        %parallel_loop3A_520 = arith.addf %parallel_loop3A_495, %parallel_loop3A_519 : vector<16xf32>
        %parallel_loop3A_521 = arith.constant 14 : i32
        %parallel_loop3A_522 = vector.broadcast %parallel_loop3A_521 : i32 to vector<16xi32>
        %parallel_loop3A_523 = tpu.vector_load_idx %arg12[%parallel_loop3A_170, %parallel_loop3A_522] : memref<640x16xf32, #tpu.memory_space<vmem>>[vector<16xi32>, vector<16xi32>], vector<16xf32>,
        %parallel_loop3A_524 = tpu.vector_load_idx %arg13[%parallel_loop3A_170, %parallel_loop3A_522] : memref<640x16xf32, #tpu.memory_space<vmem>>[vector<16xi32>, vector<16xi32>], vector<16xf32>,
        %parallel_loop3A_525 = tpu.vector_load_idx %arg14[%parallel_loop3A_170, %parallel_loop3A_522] : memref<640x16xf32, #tpu.memory_space<vmem>>[vector<16xi32>, vector<16xi32>], vector<16xf32>,
        %parallel_loop3A_526 = arith.addf %parallel_loop3A_523, %parallel_loop3A_524 : vector<16xf32>
        %parallel_loop3A_527 = arith.mulf %parallel_loop3A_526, %parallel_loop3A_166 : vector<16xf32>
        %parallel_loop3A_528 = arith.addf %parallel_loop3A_527, %parallel_loop3A_525 : vector<16xf32>
        %parallel_loop3A_529 = vector.extract_strided_slice %get3A_144 {offsets = [14], sizes = [1], strides = [1]} : vector<16xf32> to vector<1xf32>
        %parallel_loop3A_530 = vector.extract %parallel_loop3A_529[0] : f32 from vector<1xf32>
        %parallel_loop3A_531 = vector.broadcast %parallel_loop3A_530 : f32 to vector<16xf32>
        %parallel_loop3A_532 = arith.addf %parallel_loop3A_528, %parallel_loop3A_531 : vector<16xf32>
        %parallel_loop3A_533 = arith.constant 0.000000e+00 : f32
        %parallel_loop3A_534 = vector.broadcast %parallel_loop3A_533 : f32 to vector<16xf32>
        %parallel_loop3A_535 = arith.maximumf %parallel_loop3A_532, %parallel_loop3A_534 : vector<16xf32>
        %parallel_loop3A_536 = vector.extract_strided_slice %get3A_146 {offsets = [14], sizes = [1], strides = [1]} : vector<16xf32> to vector<1xf32>
        %parallel_loop3A_537 = vector.extract %parallel_loop3A_536[0] : f32 from vector<1xf32>
        %parallel_loop3A_538 = vector.broadcast %parallel_loop3A_537 : f32 to vector<16xf32>
        %parallel_loop3A_539 = arith.mulf %parallel_loop3A_535, %parallel_loop3A_538 : vector<16xf32>
        %parallel_loop3A_540 = arith.addf %parallel_loop3A_515, %parallel_loop3A_539 : vector<16xf32>
        %parallel_loop3A_541 = vector.extract_strided_slice %get3A_148 {offsets = [14], sizes = [1], strides = [1]} : vector<16xf32> to vector<1xf32>
        %parallel_loop3A_542 = vector.extract %parallel_loop3A_541[0] : f32 from vector<1xf32>
        %parallel_loop3A_543 = vector.broadcast %parallel_loop3A_542 : f32 to vector<16xf32>
        %parallel_loop3A_544 = arith.mulf %parallel_loop3A_535, %parallel_loop3A_543 : vector<16xf32>
        %parallel_loop3A_545 = arith.addf %parallel_loop3A_520, %parallel_loop3A_544 : vector<16xf32>
        %parallel_loop3A_546 = arith.constant 15 : i32
        %parallel_loop3A_547 = vector.broadcast %parallel_loop3A_546 : i32 to vector<16xi32>
        %parallel_loop3A_548 = tpu.vector_load_idx %arg12[%parallel_loop3A_170, %parallel_loop3A_547] : memref<640x16xf32, #tpu.memory_space<vmem>>[vector<16xi32>, vector<16xi32>], vector<16xf32>,
        %parallel_loop3A_549 = tpu.vector_load_idx %arg13[%parallel_loop3A_170, %parallel_loop3A_547] : memref<640x16xf32, #tpu.memory_space<vmem>>[vector<16xi32>, vector<16xi32>], vector<16xf32>,
        %parallel_loop3A_550 = tpu.vector_load_idx %arg14[%parallel_loop3A_170, %parallel_loop3A_547] : memref<640x16xf32, #tpu.memory_space<vmem>>[vector<16xi32>, vector<16xi32>], vector<16xf32>,
        %parallel_loop3A_551 = arith.addf %parallel_loop3A_548, %parallel_loop3A_549 : vector<16xf32>
        %parallel_loop3A_552 = arith.mulf %parallel_loop3A_551, %parallel_loop3A_166 : vector<16xf32>
        %parallel_loop3A_553 = arith.addf %parallel_loop3A_552, %parallel_loop3A_550 : vector<16xf32>
        %parallel_loop3A_554 = vector.extract_strided_slice %get3A_144 {offsets = [15], sizes = [1], strides = [1]} : vector<16xf32> to vector<1xf32>
        %parallel_loop3A_555 = vector.extract %parallel_loop3A_554[0] : f32 from vector<1xf32>
        %parallel_loop3A_556 = vector.broadcast %parallel_loop3A_555 : f32 to vector<16xf32>
        %parallel_loop3A_557 = arith.addf %parallel_loop3A_553, %parallel_loop3A_556 : vector<16xf32>
        %parallel_loop3A_558 = arith.constant 0.000000e+00 : f32
        %parallel_loop3A_559 = vector.broadcast %parallel_loop3A_558 : f32 to vector<16xf32>
        %parallel_loop3A_560 = arith.maximumf %parallel_loop3A_557, %parallel_loop3A_559 : vector<16xf32>
        %parallel_loop3A_561 = vector.extract_strided_slice %get3A_146 {offsets = [15], sizes = [1], strides = [1]} : vector<16xf32> to vector<1xf32>
        %parallel_loop3A_562 = vector.extract %parallel_loop3A_561[0] : f32 from vector<1xf32>
        %parallel_loop3A_563 = vector.broadcast %parallel_loop3A_562 : f32 to vector<16xf32>
        %parallel_loop3A_564 = arith.mulf %parallel_loop3A_560, %parallel_loop3A_563 : vector<16xf32>
        %parallel_loop3A_565 = arith.addf %parallel_loop3A_540, %parallel_loop3A_564 : vector<16xf32>
        %parallel_loop3A_566 = vector.extract_strided_slice %get3A_148 {offsets = [15], sizes = [1], strides = [1]} : vector<16xf32> to vector<1xf32>
        %parallel_loop3A_567 = vector.extract %parallel_loop3A_566[0] : f32 from vector<1xf32>
        %parallel_loop3A_568 = vector.broadcast %parallel_loop3A_567 : f32 to vector<16xf32>
        %parallel_loop3A_569 = arith.mulf %parallel_loop3A_560, %parallel_loop3A_568 : vector<16xf32>
        %parallel_loop3A_570 = arith.addf %parallel_loop3A_545, %parallel_loop3A_569 : vector<16xf32>
        %parallel_loop3A_571 = arith.constant 16 : i32
        %parallel_loop3A_572 = arith.muli %parallel_loop3A_157, %parallel_loop3A_571 : i32
        %parallel_loop3A_573 = arith.index_cast %parallel_loop3A_572 : i32 to index
        %parallel_loop3A_574 = tpu.vector_load %arg17[%parallel_loop3A_573] {strides = array<i32>} : memref<640xf32, #tpu.memory_space<vmem>>, vector<16xf32>,
        tpu.vector_store %arg17[%parallel_loop3A_573], %parallel_loop3A_565 {strides = array<i32>} : memref<640xf32, #tpu.memory_space<vmem>>, vector<16xf32>,
        %parallel_loop3A_575 = arith.constant 16 : i32
        %parallel_loop3A_576 = arith.muli %parallel_loop3A_157, %parallel_loop3A_575 : i32
        %parallel_loop3A_577 = arith.index_cast %parallel_loop3A_576 : i32 to index
        %parallel_loop3A_578 = tpu.vector_load %arg18[%parallel_loop3A_577] {strides = array<i32>} : memref<640xf32, #tpu.memory_space<vmem>>, vector<16xf32>,
        tpu.vector_store %arg18[%parallel_loop3A_577], %parallel_loop3A_570 {strides = array<i32>} : memref<640xf32, #tpu.memory_space<vmem>>, vector<16xf32>,
        %parallel_loop3A_579 = arith.constant 16 : i32
        %parallel_loop3A_580 = arith.muli %parallel_loop3A_157, %parallel_loop3A_579 : i32
        %parallel_loop3A_581 = arith.index_cast %parallel_loop3A_580 : i32 to index
        %parallel_loop3A_582 = tpu.vector_load %arg19[%parallel_loop3A_581] {strides = array<i32>} : memref<640xf32, #tpu.memory_space<vmem>>, vector<16xf32>,
        tpu.vector_store %arg19[%parallel_loop3A_581], %parallel_loop3A_163 {strides = array<i32>} : memref<640xf32, #tpu.memory_space<vmem>>, vector<16xf32>,
      } {sc.loop_unroll_factor = 1 : i64, sc.parallel_access}
      "tpu.region"() ({
        %run_scoped3A = tpu.sem_alloc : memref<!tpu.dma_semaphore, #tpu.memory_space<semaphore_mem>>
        %dma_start3A_157 = arith.constant 0 : i32
        %dma_start3A_158 = tpu.memref_slice %arg17[%dma_start3A_157] : memref<640xf32, #tpu.memory_space<vmem>> -> memref<640xf32, #tpu.memory_space<vmem>>
        %dma_start3A_159 = tpu.memref_slice %arg29[%mul3A_38] : memref<10240xf32, #tpu.memory_space<vmem_shared>> -> memref<640xf32, #tpu.memory_space<vmem_shared>>
        %dma_start3A_160 = tpu.memref_slice %arg29[%mul3A_38] : memref<10240xf32, #tpu.memory_space<vmem_shared>> -> memref<640xf32, #tpu.memory_space<vmem_shared>>
        %dma_start3A_161 = arith.constant 0 : i32
        %dma_start3A_162 = tpu.memref_slice %arg17[%dma_start3A_161] : memref<640xf32, #tpu.memory_space<vmem>> -> memref<640xf32, #tpu.memory_space<vmem>>
        tpu.enqueue_dma source(%dma_start3A_162 : memref<640xf32, #tpu.memory_space<vmem>>) target(%dma_start3A_160 : memref<640xf32, #tpu.memory_space<vmem_shared>>) target_semaphore(%run_scoped3A : memref<!tpu.dma_semaphore, #tpu.memory_space<semaphore_mem>>)
        %dma_wait3A_163 = arith.constant 0 : i32
        %dma_wait3A_164 = tpu.memref_slice %arg17[%dma_wait3A_163] : memref<640xf32, #tpu.memory_space<vmem>> -> memref<640xf32, #tpu.memory_space<vmem>>
        %dma_wait3A_165 = tpu.memref_slice %arg29[%mul3A_38] : memref<10240xf32, #tpu.memory_space<vmem_shared>> -> memref<640xf32, #tpu.memory_space<vmem_shared>>
        %dma_wait3A_166 = tpu.memref_slice %arg29[%mul3A_38] : memref<10240xf32, #tpu.memory_space<vmem_shared>> -> memref<640xf32, #tpu.memory_space<vmem_shared>>
        %dma_wait3A_167 = arith.constant 0 : i32
        %dma_wait3A_168 = tpu.memref_slice %arg17[%dma_wait3A_167] : memref<640xf32, #tpu.memory_space<vmem>> -> memref<640xf32, #tpu.memory_space<vmem>>
        tpu.wait_dma2 semaphore(%run_scoped3A : memref<!tpu.dma_semaphore, #tpu.memory_space<semaphore_mem>>) src(%dma_wait3A_168 : memref<640xf32, #tpu.memory_space<vmem>>) dst(%dma_wait3A_166 : memref<640xf32, #tpu.memory_space<vmem_shared>>)
        tpu.yield
      }) : () -> ()
      %eq3A_152 = arith.constant 0 : i32
      %eq3A_153 = arith.cmpi eq, %arg0, %eq3A_152 : i32
      %convert_element_type3A_154 = arith.extui %eq3A_153 : i1 to i32
      %cond3A_155 = arith.constant 0 : i32
      %cond3A_156 = arith.cmpi ne, %convert_element_type3A_154, %cond3A_155 : i32
      scf.if %cond3A_156 {
        "tpu.region"() ({
          %run_scoped3A = tpu.sem_alloc : memref<!tpu.dma_semaphore, #tpu.memory_space<semaphore_mem>>
          %dma_start3A_157 = arith.constant 0 : i32
          %dma_start3A_158 = tpu.memref_slice %arg18[%dma_start3A_157] : memref<640xf32, #tpu.memory_space<vmem>> -> memref<640xf32, #tpu.memory_space<vmem>>
          %dma_start3A_159 = tpu.memref_slice %arg10[%mul3A_38] : memref<10240xf32, #tpu.memory_space<hbm>> -> memref<640xf32, #tpu.memory_space<hbm>>
          %dma_start3A_160 = tpu.memref_slice %arg10[%mul3A_38] : memref<10240xf32, #tpu.memory_space<hbm>> -> memref<640xf32, #tpu.memory_space<hbm>>
          %dma_start3A_161 = arith.constant 0 : i32
          %dma_start3A_162 = tpu.memref_slice %arg18[%dma_start3A_161] : memref<640xf32, #tpu.memory_space<vmem>> -> memref<640xf32, #tpu.memory_space<vmem>>
          tpu.enqueue_dma source(%dma_start3A_162 : memref<640xf32, #tpu.memory_space<vmem>>) target(%dma_start3A_160 : memref<640xf32, #tpu.memory_space<hbm>>) target_semaphore(%run_scoped3A : memref<!tpu.dma_semaphore, #tpu.memory_space<semaphore_mem>>)
          %dma_wait3A_163 = arith.constant 0 : i32
          %dma_wait3A_164 = tpu.memref_slice %arg18[%dma_wait3A_163] : memref<640xf32, #tpu.memory_space<vmem>> -> memref<640xf32, #tpu.memory_space<vmem>>
          %dma_wait3A_165 = tpu.memref_slice %arg10[%mul3A_38] : memref<10240xf32, #tpu.memory_space<hbm>> -> memref<640xf32, #tpu.memory_space<hbm>>
          %dma_wait3A_166 = tpu.memref_slice %arg10[%mul3A_38] : memref<10240xf32, #tpu.memory_space<hbm>> -> memref<640xf32, #tpu.memory_space<hbm>>
          %dma_wait3A_167 = arith.constant 0 : i32
          %dma_wait3A_168 = tpu.memref_slice %arg18[%dma_wait3A_167] : memref<640xf32, #tpu.memory_space<vmem>> -> memref<640xf32, #tpu.memory_space<vmem>>
          tpu.wait_dma2 semaphore(%run_scoped3A : memref<!tpu.dma_semaphore, #tpu.memory_space<semaphore_mem>>) src(%dma_wait3A_168 : memref<640xf32, #tpu.memory_space<vmem>>) dst(%dma_wait3A_166 : memref<640xf32, #tpu.memory_space<hbm>>)
          tpu.yield
        }) : () -> ()
        "tpu.region"() ({
          %run_scoped3A = tpu.sem_alloc : memref<!tpu.dma_semaphore, #tpu.memory_space<semaphore_mem>>
          %dma_start3A_157 = arith.constant 0 : i32
          %dma_start3A_158 = tpu.memref_slice %arg19[%dma_start3A_157] : memref<640xf32, #tpu.memory_space<vmem>> -> memref<640xf32, #tpu.memory_space<vmem>>
          %dma_start3A_159 = tpu.memref_slice %arg11[%mul3A_38] : memref<10240xf32, #tpu.memory_space<hbm>> -> memref<640xf32, #tpu.memory_space<hbm>>
          %dma_start3A_160 = tpu.memref_slice %arg11[%mul3A_38] : memref<10240xf32, #tpu.memory_space<hbm>> -> memref<640xf32, #tpu.memory_space<hbm>>
          %dma_start3A_161 = arith.constant 0 : i32
          %dma_start3A_162 = tpu.memref_slice %arg19[%dma_start3A_161] : memref<640xf32, #tpu.memory_space<vmem>> -> memref<640xf32, #tpu.memory_space<vmem>>
          tpu.enqueue_dma source(%dma_start3A_162 : memref<640xf32, #tpu.memory_space<vmem>>) target(%dma_start3A_160 : memref<640xf32, #tpu.memory_space<hbm>>) target_semaphore(%run_scoped3A : memref<!tpu.dma_semaphore, #tpu.memory_space<semaphore_mem>>)
          %dma_wait3A_163 = arith.constant 0 : i32
          %dma_wait3A_164 = tpu.memref_slice %arg19[%dma_wait3A_163] : memref<640xf32, #tpu.memory_space<vmem>> -> memref<640xf32, #tpu.memory_space<vmem>>
          %dma_wait3A_165 = tpu.memref_slice %arg11[%mul3A_38] : memref<10240xf32, #tpu.memory_space<hbm>> -> memref<640xf32, #tpu.memory_space<hbm>>
          %dma_wait3A_166 = tpu.memref_slice %arg11[%mul3A_38] : memref<10240xf32, #tpu.memory_space<hbm>> -> memref<640xf32, #tpu.memory_space<hbm>>
          %dma_wait3A_167 = arith.constant 0 : i32
          %dma_wait3A_168 = tpu.memref_slice %arg19[%dma_wait3A_167] : memref<640xf32, #tpu.memory_space<vmem>> -> memref<640xf32, #tpu.memory_space<vmem>>
          tpu.wait_dma2 semaphore(%run_scoped3A : memref<!tpu.dma_semaphore, #tpu.memory_space<semaphore_mem>>) src(%dma_wait3A_168 : memref<640xf32, #tpu.memory_space<vmem>>) dst(%dma_wait3A_166 : memref<640xf32, #tpu.memory_space<hbm>>)
          tpu.yield
        }) : () -> ()
      } else {
      }
    } else {
    }
    %eq3A = arith.constant 15 : i32
    %eq3A_17 = arith.cmpi eq, %arg1, %eq3A : i32
    %convert_element_type3A_18 = arith.extui %eq3A_17 : i1 to i32
    %cond3A_19 = arith.constant 0 : i32
    %cond3A_20 = arith.cmpi ne, %convert_element_type3A_18, %cond3A_19 : i32
    scf.if %cond3A_20 {
      %mul3A_37 = arith.constant 640 : i32
      %mul3A_38 = arith.muli %arg1, %mul3A_37 : i32
      %dma_start3A_39 = arith.constant 0 : i32
      %dma_start3A_40 = arith.constant 0 : i32
      %dma_start3A_41 = arith.constant 0 : i32
      %dma_start3A_42 = tpu.memref_slice %arg12[%dma_start3A_40, %dma_start3A_41] : memref<640x16xf32, #tpu.memory_space<vmem>> -> memref<400x16xf32, #tpu.memory_space<vmem>>
      %dma_start3A_43 = arith.constant 0 : i32
      %dma_start3A_44 = tpu.memref_slice %arg2[%dma_start3A_39, %mul3A_38, %dma_start3A_43] : memref<2x10240x16xf32, #tpu.memory_space<hbm>> -> memref<1x400x16xf32, #tpu.memory_space<hbm>>
      %dma_start3A_45 = tpu.memref_squeeze %dma_start3A_44 : memref<1x400x16xf32, #tpu.memory_space<hbm>> -> memref<400x16xf32, #tpu.memory_space<hbm>>
      %dma_start3A_46 = arith.constant 0 : i32
      %dma_start3A_47 = arith.constant 0 : i32
      %dma_start3A_48 = tpu.memref_slice %arg12[%dma_start3A_46, %dma_start3A_47] : memref<640x16xf32, #tpu.memory_space<vmem>> -> memref<400x16xf32, #tpu.memory_space<vmem>>
      %dma_start3A_49 = arith.constant 0 : i32
      %dma_start3A_50 = tpu.memref_slice %arg2[%dma_start3A_39, %mul3A_38, %dma_start3A_49] : memref<2x10240x16xf32, #tpu.memory_space<hbm>> -> memref<1x400x16xf32, #tpu.memory_space<hbm>>
      %dma_start3A_51 = tpu.memref_squeeze %dma_start3A_50 : memref<1x400x16xf32, #tpu.memory_space<hbm>> -> memref<400x16xf32, #tpu.memory_space<hbm>>
      tpu.enqueue_dma source(%dma_start3A_51 : memref<400x16xf32, #tpu.memory_space<hbm>>) target(%dma_start3A_48 : memref<400x16xf32, #tpu.memory_space<vmem>>) target_semaphore(%arg28 : memref<!tpu.dma_semaphore, #tpu.memory_space<semaphore_mem>>)
      %dma_start3A_52 = arith.constant 1 : i32
      %dma_start3A_53 = arith.constant 0 : i32
      %dma_start3A_54 = arith.constant 0 : i32
      %dma_start3A_55 = tpu.memref_slice %arg13[%dma_start3A_53, %dma_start3A_54] : memref<640x16xf32, #tpu.memory_space<vmem>> -> memref<400x16xf32, #tpu.memory_space<vmem>>
      %dma_start3A_56 = arith.constant 0 : i32
      %dma_start3A_57 = tpu.memref_slice %arg2[%dma_start3A_52, %mul3A_38, %dma_start3A_56] : memref<2x10240x16xf32, #tpu.memory_space<hbm>> -> memref<1x400x16xf32, #tpu.memory_space<hbm>>
      %dma_start3A_58 = tpu.memref_squeeze %dma_start3A_57 : memref<1x400x16xf32, #tpu.memory_space<hbm>> -> memref<400x16xf32, #tpu.memory_space<hbm>>
      %dma_start3A_59 = arith.constant 0 : i32
      %dma_start3A_60 = arith.constant 0 : i32
      %dma_start3A_61 = tpu.memref_slice %arg13[%dma_start3A_59, %dma_start3A_60] : memref<640x16xf32, #tpu.memory_space<vmem>> -> memref<400x16xf32, #tpu.memory_space<vmem>>
      %dma_start3A_62 = arith.constant 0 : i32
      %dma_start3A_63 = tpu.memref_slice %arg2[%dma_start3A_52, %mul3A_38, %dma_start3A_62] : memref<2x10240x16xf32, #tpu.memory_space<hbm>> -> memref<1x400x16xf32, #tpu.memory_space<hbm>>
      %dma_start3A_64 = tpu.memref_squeeze %dma_start3A_63 : memref<1x400x16xf32, #tpu.memory_space<hbm>> -> memref<400x16xf32, #tpu.memory_space<hbm>>
      tpu.enqueue_dma source(%dma_start3A_64 : memref<400x16xf32, #tpu.memory_space<hbm>>) target(%dma_start3A_61 : memref<400x16xf32, #tpu.memory_space<vmem>>) target_semaphore(%arg28 : memref<!tpu.dma_semaphore, #tpu.memory_space<semaphore_mem>>)
      %dma_start3A_65 = arith.constant 0 : i32
      %dma_start3A_66 = arith.constant 0 : i32
      %dma_start3A_67 = tpu.memref_slice %arg14[%dma_start3A_65, %dma_start3A_66] : memref<640x16xf32, #tpu.memory_space<vmem>> -> memref<400x16xf32, #tpu.memory_space<vmem>>
      %dma_start3A_68 = arith.constant 16 : i32
      %dma_start3A_69 = tpu.memref_slice %arg4[%mul3A_38, %dma_start3A_68] : memref<10000x128xf32, #tpu.memory_space<hbm>> -> memref<400x16xf32, #tpu.memory_space<hbm>>
      %dma_start3A_70 = arith.constant 0 : i32
      %dma_start3A_71 = arith.constant 0 : i32
      %dma_start3A_72 = tpu.memref_slice %arg14[%dma_start3A_70, %dma_start3A_71] : memref<640x16xf32, #tpu.memory_space<vmem>> -> memref<400x16xf32, #tpu.memory_space<vmem>>
      %dma_start3A_73 = arith.constant 16 : i32
      %dma_start3A_74 = tpu.memref_slice %arg4[%mul3A_38, %dma_start3A_73] : memref<10000x128xf32, #tpu.memory_space<hbm>> -> memref<400x16xf32, #tpu.memory_space<hbm>>
      tpu.enqueue_dma source(%dma_start3A_74 : memref<400x16xf32, #tpu.memory_space<hbm>>) target(%dma_start3A_72 : memref<400x16xf32, #tpu.memory_space<vmem>>) target_semaphore(%arg28 : memref<!tpu.dma_semaphore, #tpu.memory_space<semaphore_mem>>)
      %mul3A_75 = arith.constant 40 : i32
      %mul3A_76 = arith.muli %arg1, %mul3A_75 : i32
      %dma_start3A_77 = arith.constant 0 : i32
      %dma_start3A_78 = arith.constant 0 : i32
      %dma_start3A_79 = arith.constant 0 : i32
      %dma_start3A_80 = tpu.memref_slice %arg15[%dma_start3A_77, %dma_start3A_78, %dma_start3A_79] : memref<32x40x16xf32, #tpu.memory_space<vmem>> -> memref<32x25x16xf32, #tpu.memory_space<vmem>>
      %dma_start3A_81 = arith.constant 0 : i32
      %dma_start3A_82 = arith.constant 0 : i32
      %dma_start3A_83 = tpu.memref_slice %arg3[%dma_start3A_81, %mul3A_76, %dma_start3A_82] : memref<32x640x16xf32, #tpu.memory_space<hbm>> -> memref<32x25x16xf32, #tpu.memory_space<hbm>>
      %dma_start3A_84 = arith.constant 0 : i32
      %dma_start3A_85 = arith.constant 0 : i32
      %dma_start3A_86 = arith.constant 0 : i32
      %dma_start3A_87 = tpu.memref_slice %arg15[%dma_start3A_84, %dma_start3A_85, %dma_start3A_86] : memref<32x40x16xf32, #tpu.memory_space<vmem>> -> memref<32x25x16xf32, #tpu.memory_space<vmem>>
      %dma_start3A_88 = arith.constant 0 : i32
      %dma_start3A_89 = arith.constant 0 : i32
      %dma_start3A_90 = tpu.memref_slice %arg3[%dma_start3A_88, %mul3A_76, %dma_start3A_89] : memref<32x640x16xf32, #tpu.memory_space<hbm>> -> memref<32x25x16xf32, #tpu.memory_space<hbm>>
      tpu.enqueue_dma source(%dma_start3A_90 : memref<32x25x16xf32, #tpu.memory_space<hbm>>) target(%dma_start3A_87 : memref<32x25x16xf32, #tpu.memory_space<vmem>>) target_semaphore(%arg28 : memref<!tpu.dma_semaphore, #tpu.memory_space<semaphore_mem>>)
      %dma_wait3A_91 = arith.constant 0 : i32
      %dma_wait3A_92 = arith.constant 0 : i32
      %dma_wait3A_93 = arith.constant 0 : i32
      %dma_wait3A_94 = tpu.memref_slice %arg12[%dma_wait3A_92, %dma_wait3A_93] : memref<640x16xf32, #tpu.memory_space<vmem>> -> memref<400x16xf32, #tpu.memory_space<vmem>>
      %dma_wait3A_95 = arith.constant 0 : i32
      %dma_wait3A_96 = tpu.memref_slice %arg2[%dma_wait3A_91, %mul3A_38, %dma_wait3A_95] : memref<2x10240x16xf32, #tpu.memory_space<hbm>> -> memref<1x400x16xf32, #tpu.memory_space<hbm>>
      %dma_wait3A_97 = tpu.memref_squeeze %dma_wait3A_96 : memref<1x400x16xf32, #tpu.memory_space<hbm>> -> memref<400x16xf32, #tpu.memory_space<hbm>>
      %dma_wait3A_98 = arith.constant 0 : i32
      %dma_wait3A_99 = arith.constant 0 : i32
      %dma_wait3A_100 = tpu.memref_slice %arg12[%dma_wait3A_98, %dma_wait3A_99] : memref<640x16xf32, #tpu.memory_space<vmem>> -> memref<400x16xf32, #tpu.memory_space<vmem>>
      %dma_wait3A_101 = arith.constant 0 : i32
      %dma_wait3A_102 = tpu.memref_slice %arg2[%dma_wait3A_91, %mul3A_38, %dma_wait3A_101] : memref<2x10240x16xf32, #tpu.memory_space<hbm>> -> memref<1x400x16xf32, #tpu.memory_space<hbm>>
      %dma_wait3A_103 = tpu.memref_squeeze %dma_wait3A_102 : memref<1x400x16xf32, #tpu.memory_space<hbm>> -> memref<400x16xf32, #tpu.memory_space<hbm>>
      tpu.wait_dma2 semaphore(%arg28 : memref<!tpu.dma_semaphore, #tpu.memory_space<semaphore_mem>>) src(%dma_wait3A_103 : memref<400x16xf32, #tpu.memory_space<hbm>>) dst(%dma_wait3A_100 : memref<400x16xf32, #tpu.memory_space<vmem>>)
      %dma_wait3A_104 = arith.constant 1 : i32
      %dma_wait3A_105 = arith.constant 0 : i32
      %dma_wait3A_106 = arith.constant 0 : i32
      %dma_wait3A_107 = tpu.memref_slice %arg13[%dma_wait3A_105, %dma_wait3A_106] : memref<640x16xf32, #tpu.memory_space<vmem>> -> memref<400x16xf32, #tpu.memory_space<vmem>>
      %dma_wait3A_108 = arith.constant 0 : i32
      %dma_wait3A_109 = tpu.memref_slice %arg2[%dma_wait3A_104, %mul3A_38, %dma_wait3A_108] : memref<2x10240x16xf32, #tpu.memory_space<hbm>> -> memref<1x400x16xf32, #tpu.memory_space<hbm>>
      %dma_wait3A_110 = tpu.memref_squeeze %dma_wait3A_109 : memref<1x400x16xf32, #tpu.memory_space<hbm>> -> memref<400x16xf32, #tpu.memory_space<hbm>>
      %dma_wait3A_111 = arith.constant 0 : i32
      %dma_wait3A_112 = arith.constant 0 : i32
      %dma_wait3A_113 = tpu.memref_slice %arg13[%dma_wait3A_111, %dma_wait3A_112] : memref<640x16xf32, #tpu.memory_space<vmem>> -> memref<400x16xf32, #tpu.memory_space<vmem>>
      %dma_wait3A_114 = arith.constant 0 : i32
      %dma_wait3A_115 = tpu.memref_slice %arg2[%dma_wait3A_104, %mul3A_38, %dma_wait3A_114] : memref<2x10240x16xf32, #tpu.memory_space<hbm>> -> memref<1x400x16xf32, #tpu.memory_space<hbm>>
      %dma_wait3A_116 = tpu.memref_squeeze %dma_wait3A_115 : memref<1x400x16xf32, #tpu.memory_space<hbm>> -> memref<400x16xf32, #tpu.memory_space<hbm>>
      tpu.wait_dma2 semaphore(%arg28 : memref<!tpu.dma_semaphore, #tpu.memory_space<semaphore_mem>>) src(%dma_wait3A_116 : memref<400x16xf32, #tpu.memory_space<hbm>>) dst(%dma_wait3A_113 : memref<400x16xf32, #tpu.memory_space<vmem>>)
      %dma_wait3A_117 = arith.constant 0 : i32
      %dma_wait3A_118 = arith.constant 0 : i32
      %dma_wait3A_119 = tpu.memref_slice %arg14[%dma_wait3A_117, %dma_wait3A_118] : memref<640x16xf32, #tpu.memory_space<vmem>> -> memref<400x16xf32, #tpu.memory_space<vmem>>
      %dma_wait3A_120 = arith.constant 16 : i32
      %dma_wait3A_121 = tpu.memref_slice %arg4[%mul3A_38, %dma_wait3A_120] : memref<10000x128xf32, #tpu.memory_space<hbm>> -> memref<400x16xf32, #tpu.memory_space<hbm>>
      %dma_wait3A_122 = arith.constant 0 : i32
      %dma_wait3A_123 = arith.constant 0 : i32
      %dma_wait3A_124 = tpu.memref_slice %arg14[%dma_wait3A_122, %dma_wait3A_123] : memref<640x16xf32, #tpu.memory_space<vmem>> -> memref<400x16xf32, #tpu.memory_space<vmem>>
      %dma_wait3A_125 = arith.constant 16 : i32
      %dma_wait3A_126 = tpu.memref_slice %arg4[%mul3A_38, %dma_wait3A_125] : memref<10000x128xf32, #tpu.memory_space<hbm>> -> memref<400x16xf32, #tpu.memory_space<hbm>>
      tpu.wait_dma2 semaphore(%arg28 : memref<!tpu.dma_semaphore, #tpu.memory_space<semaphore_mem>>) src(%dma_wait3A_126 : memref<400x16xf32, #tpu.memory_space<hbm>>) dst(%dma_wait3A_124 : memref<400x16xf32, #tpu.memory_space<vmem>>)
      %dma_wait3A_127 = arith.constant 0 : i32
      %dma_wait3A_128 = arith.constant 0 : i32
      %dma_wait3A_129 = arith.constant 0 : i32
      %dma_wait3A_130 = tpu.memref_slice %arg15[%dma_wait3A_127, %dma_wait3A_128, %dma_wait3A_129] : memref<32x40x16xf32, #tpu.memory_space<vmem>> -> memref<32x25x16xf32, #tpu.memory_space<vmem>>
      %dma_wait3A_131 = arith.constant 0 : i32
      %dma_wait3A_132 = arith.constant 0 : i32
      %dma_wait3A_133 = tpu.memref_slice %arg3[%dma_wait3A_131, %mul3A_76, %dma_wait3A_132] : memref<32x640x16xf32, #tpu.memory_space<hbm>> -> memref<32x25x16xf32, #tpu.memory_space<hbm>>
      %dma_wait3A_134 = arith.constant 0 : i32
      %dma_wait3A_135 = arith.constant 0 : i32
      %dma_wait3A_136 = arith.constant 0 : i32
      %dma_wait3A_137 = tpu.memref_slice %arg15[%dma_wait3A_134, %dma_wait3A_135, %dma_wait3A_136] : memref<32x40x16xf32, #tpu.memory_space<vmem>> -> memref<32x25x16xf32, #tpu.memory_space<vmem>>
      %dma_wait3A_138 = arith.constant 0 : i32
      %dma_wait3A_139 = arith.constant 0 : i32
      %dma_wait3A_140 = tpu.memref_slice %arg3[%dma_wait3A_138, %mul3A_76, %dma_wait3A_139] : memref<32x640x16xf32, #tpu.memory_space<hbm>> -> memref<32x25x16xf32, #tpu.memory_space<hbm>>
      tpu.wait_dma2 semaphore(%arg28 : memref<!tpu.dma_semaphore, #tpu.memory_space<semaphore_mem>>) src(%dma_wait3A_140 : memref<32x25x16xf32, #tpu.memory_space<hbm>>) dst(%dma_wait3A_137 : memref<32x25x16xf32, #tpu.memory_space<vmem>>)
      %parallel_loop3A_141 = arith.constant 0 : i32
      %parallel_loop3A_142 = arith.constant 25 : i32
      %parallel_loop3A_143 = arith.constant 1 : i32
      scf.for %parallel_loop3A_157 = %parallel_loop3A_141 to %parallel_loop3A_142 step %parallel_loop3A_143  : i32 {
        %parallel_loop3A_158 = arith.constant 0 : i32
        %parallel_loop3A_159 = arith.index_cast %parallel_loop3A_158 : i32 to index
        %parallel_loop3A_160 = arith.index_cast %parallel_loop3A_157 : i32 to index
        %parallel_loop3A_161 = arith.constant 0 : index
        %parallel_loop3A_162 = tpu.vector_load %arg15[%parallel_loop3A_159, %parallel_loop3A_160, %parallel_loop3A_161] {strides = array<i32>} : memref<32x40x16xf32, #tpu.memory_space<vmem>>, vector<16xf32>,
        %parallel_loop3A_163 = arith.constant 1 : i32
        %parallel_loop3A_164 = arith.index_cast %parallel_loop3A_163 : i32 to index
        %parallel_loop3A_165 = arith.index_cast %parallel_loop3A_157 : i32 to index
        %parallel_loop3A_166 = arith.constant 0 : index
        %parallel_loop3A_167 = tpu.vector_load %arg15[%parallel_loop3A_164, %parallel_loop3A_165, %parallel_loop3A_166] {strides = array<i32>} : memref<32x40x16xf32, #tpu.memory_space<vmem>>, vector<16xf32>,
        %parallel_loop3A_168 = arith.addf %parallel_loop3A_162, %parallel_loop3A_167 : vector<16xf32>
        %parallel_loop3A_169 = arith.constant 2 : i32
        %parallel_loop3A_170 = arith.index_cast %parallel_loop3A_169 : i32 to index
        %parallel_loop3A_171 = arith.index_cast %parallel_loop3A_157 : i32 to index
        %parallel_loop3A_172 = arith.constant 0 : index
        %parallel_loop3A_173 = tpu.vector_load %arg15[%parallel_loop3A_170, %parallel_loop3A_171, %parallel_loop3A_172] {strides = array<i32>} : memref<32x40x16xf32, #tpu.memory_space<vmem>>, vector<16xf32>,
        %parallel_loop3A_174 = arith.addf %parallel_loop3A_168, %parallel_loop3A_173 : vector<16xf32>
        %parallel_loop3A_175 = arith.constant 3 : i32
        %parallel_loop3A_176 = arith.index_cast %parallel_loop3A_175 : i32 to index
        %parallel_loop3A_177 = arith.index_cast %parallel_loop3A_157 : i32 to index
        %parallel_loop3A_178 = arith.constant 0 : index
        %parallel_loop3A_179 = tpu.vector_load %arg15[%parallel_loop3A_176, %parallel_loop3A_177, %parallel_loop3A_178] {strides = array<i32>} : memref<32x40x16xf32, #tpu.memory_space<vmem>>, vector<16xf32>,
        %parallel_loop3A_180 = arith.addf %parallel_loop3A_174, %parallel_loop3A_179 : vector<16xf32>
        %parallel_loop3A_181 = arith.constant 4 : i32
        %parallel_loop3A_182 = arith.index_cast %parallel_loop3A_181 : i32 to index
        %parallel_loop3A_183 = arith.index_cast %parallel_loop3A_157 : i32 to index
        %parallel_loop3A_184 = arith.constant 0 : index
        %parallel_loop3A_185 = tpu.vector_load %arg15[%parallel_loop3A_182, %parallel_loop3A_183, %parallel_loop3A_184] {strides = array<i32>} : memref<32x40x16xf32, #tpu.memory_space<vmem>>, vector<16xf32>,
        %parallel_loop3A_186 = arith.addf %parallel_loop3A_180, %parallel_loop3A_185 : vector<16xf32>
        %parallel_loop3A_187 = arith.constant 5 : i32
        %parallel_loop3A_188 = arith.index_cast %parallel_loop3A_187 : i32 to index
        %parallel_loop3A_189 = arith.index_cast %parallel_loop3A_157 : i32 to index
        %parallel_loop3A_190 = arith.constant 0 : index
        %parallel_loop3A_191 = tpu.vector_load %arg15[%parallel_loop3A_188, %parallel_loop3A_189, %parallel_loop3A_190] {strides = array<i32>} : memref<32x40x16xf32, #tpu.memory_space<vmem>>, vector<16xf32>,
        %parallel_loop3A_192 = arith.addf %parallel_loop3A_186, %parallel_loop3A_191 : vector<16xf32>
        %parallel_loop3A_193 = arith.constant 6 : i32
        %parallel_loop3A_194 = arith.index_cast %parallel_loop3A_193 : i32 to index
        %parallel_loop3A_195 = arith.index_cast %parallel_loop3A_157 : i32 to index
        %parallel_loop3A_196 = arith.constant 0 : index
        %parallel_loop3A_197 = tpu.vector_load %arg15[%parallel_loop3A_194, %parallel_loop3A_195, %parallel_loop3A_196] {strides = array<i32>} : memref<32x40x16xf32, #tpu.memory_space<vmem>>, vector<16xf32>,
        %parallel_loop3A_198 = arith.addf %parallel_loop3A_192, %parallel_loop3A_197 : vector<16xf32>
        %parallel_loop3A_199 = arith.constant 7 : i32
        %parallel_loop3A_200 = arith.index_cast %parallel_loop3A_199 : i32 to index
        %parallel_loop3A_201 = arith.index_cast %parallel_loop3A_157 : i32 to index
        %parallel_loop3A_202 = arith.constant 0 : index
        %parallel_loop3A_203 = tpu.vector_load %arg15[%parallel_loop3A_200, %parallel_loop3A_201, %parallel_loop3A_202] {strides = array<i32>} : memref<32x40x16xf32, #tpu.memory_space<vmem>>, vector<16xf32>,
        %parallel_loop3A_204 = arith.addf %parallel_loop3A_198, %parallel_loop3A_203 : vector<16xf32>
        %parallel_loop3A_205 = arith.constant 8 : i32
        %parallel_loop3A_206 = arith.index_cast %parallel_loop3A_205 : i32 to index
        %parallel_loop3A_207 = arith.index_cast %parallel_loop3A_157 : i32 to index
        %parallel_loop3A_208 = arith.constant 0 : index
        %parallel_loop3A_209 = tpu.vector_load %arg15[%parallel_loop3A_206, %parallel_loop3A_207, %parallel_loop3A_208] {strides = array<i32>} : memref<32x40x16xf32, #tpu.memory_space<vmem>>, vector<16xf32>,
        %parallel_loop3A_210 = arith.addf %parallel_loop3A_204, %parallel_loop3A_209 : vector<16xf32>
        %parallel_loop3A_211 = arith.constant 9 : i32
        %parallel_loop3A_212 = arith.index_cast %parallel_loop3A_211 : i32 to index
        %parallel_loop3A_213 = arith.index_cast %parallel_loop3A_157 : i32 to index
        %parallel_loop3A_214 = arith.constant 0 : index
        %parallel_loop3A_215 = tpu.vector_load %arg15[%parallel_loop3A_212, %parallel_loop3A_213, %parallel_loop3A_214] {strides = array<i32>} : memref<32x40x16xf32, #tpu.memory_space<vmem>>, vector<16xf32>,
        %parallel_loop3A_216 = arith.addf %parallel_loop3A_210, %parallel_loop3A_215 : vector<16xf32>
        %parallel_loop3A_217 = arith.constant 10 : i32
        %parallel_loop3A_218 = arith.index_cast %parallel_loop3A_217 : i32 to index
        %parallel_loop3A_219 = arith.index_cast %parallel_loop3A_157 : i32 to index
        %parallel_loop3A_220 = arith.constant 0 : index
        %parallel_loop3A_221 = tpu.vector_load %arg15[%parallel_loop3A_218, %parallel_loop3A_219, %parallel_loop3A_220] {strides = array<i32>} : memref<32x40x16xf32, #tpu.memory_space<vmem>>, vector<16xf32>,
        %parallel_loop3A_222 = arith.addf %parallel_loop3A_216, %parallel_loop3A_221 : vector<16xf32>
        %parallel_loop3A_223 = arith.constant 11 : i32
        %parallel_loop3A_224 = arith.index_cast %parallel_loop3A_223 : i32 to index
        %parallel_loop3A_225 = arith.index_cast %parallel_loop3A_157 : i32 to index
        %parallel_loop3A_226 = arith.constant 0 : index
        %parallel_loop3A_227 = tpu.vector_load %arg15[%parallel_loop3A_224, %parallel_loop3A_225, %parallel_loop3A_226] {strides = array<i32>} : memref<32x40x16xf32, #tpu.memory_space<vmem>>, vector<16xf32>,
        %parallel_loop3A_228 = arith.addf %parallel_loop3A_222, %parallel_loop3A_227 : vector<16xf32>
        %parallel_loop3A_229 = arith.constant 12 : i32
        %parallel_loop3A_230 = arith.index_cast %parallel_loop3A_229 : i32 to index
        %parallel_loop3A_231 = arith.index_cast %parallel_loop3A_157 : i32 to index
        %parallel_loop3A_232 = arith.constant 0 : index
        %parallel_loop3A_233 = tpu.vector_load %arg15[%parallel_loop3A_230, %parallel_loop3A_231, %parallel_loop3A_232] {strides = array<i32>} : memref<32x40x16xf32, #tpu.memory_space<vmem>>, vector<16xf32>,
        %parallel_loop3A_234 = arith.addf %parallel_loop3A_228, %parallel_loop3A_233 : vector<16xf32>
        %parallel_loop3A_235 = arith.constant 13 : i32
        %parallel_loop3A_236 = arith.index_cast %parallel_loop3A_235 : i32 to index
        %parallel_loop3A_237 = arith.index_cast %parallel_loop3A_157 : i32 to index
        %parallel_loop3A_238 = arith.constant 0 : index
        %parallel_loop3A_239 = tpu.vector_load %arg15[%parallel_loop3A_236, %parallel_loop3A_237, %parallel_loop3A_238] {strides = array<i32>} : memref<32x40x16xf32, #tpu.memory_space<vmem>>, vector<16xf32>,
        %parallel_loop3A_240 = arith.addf %parallel_loop3A_234, %parallel_loop3A_239 : vector<16xf32>
        %parallel_loop3A_241 = arith.constant 14 : i32
        %parallel_loop3A_242 = arith.index_cast %parallel_loop3A_241 : i32 to index
        %parallel_loop3A_243 = arith.index_cast %parallel_loop3A_157 : i32 to index
        %parallel_loop3A_244 = arith.constant 0 : index
        %parallel_loop3A_245 = tpu.vector_load %arg15[%parallel_loop3A_242, %parallel_loop3A_243, %parallel_loop3A_244] {strides = array<i32>} : memref<32x40x16xf32, #tpu.memory_space<vmem>>, vector<16xf32>,
        %parallel_loop3A_246 = arith.addf %parallel_loop3A_240, %parallel_loop3A_245 : vector<16xf32>
        %parallel_loop3A_247 = arith.constant 15 : i32
        %parallel_loop3A_248 = arith.index_cast %parallel_loop3A_247 : i32 to index
        %parallel_loop3A_249 = arith.index_cast %parallel_loop3A_157 : i32 to index
        %parallel_loop3A_250 = arith.constant 0 : index
        %parallel_loop3A_251 = tpu.vector_load %arg15[%parallel_loop3A_248, %parallel_loop3A_249, %parallel_loop3A_250] {strides = array<i32>} : memref<32x40x16xf32, #tpu.memory_space<vmem>>, vector<16xf32>,
        %parallel_loop3A_252 = arith.addf %parallel_loop3A_246, %parallel_loop3A_251 : vector<16xf32>
        %parallel_loop3A_253 = arith.constant 16 : i32
        %parallel_loop3A_254 = arith.index_cast %parallel_loop3A_253 : i32 to index
        %parallel_loop3A_255 = arith.index_cast %parallel_loop3A_157 : i32 to index
        %parallel_loop3A_256 = arith.constant 0 : index
        %parallel_loop3A_257 = tpu.vector_load %arg15[%parallel_loop3A_254, %parallel_loop3A_255, %parallel_loop3A_256] {strides = array<i32>} : memref<32x40x16xf32, #tpu.memory_space<vmem>>, vector<16xf32>,
        %parallel_loop3A_258 = arith.addf %parallel_loop3A_252, %parallel_loop3A_257 : vector<16xf32>
        %parallel_loop3A_259 = arith.constant 17 : i32
        %parallel_loop3A_260 = arith.index_cast %parallel_loop3A_259 : i32 to index
        %parallel_loop3A_261 = arith.index_cast %parallel_loop3A_157 : i32 to index
        %parallel_loop3A_262 = arith.constant 0 : index
        %parallel_loop3A_263 = tpu.vector_load %arg15[%parallel_loop3A_260, %parallel_loop3A_261, %parallel_loop3A_262] {strides = array<i32>} : memref<32x40x16xf32, #tpu.memory_space<vmem>>, vector<16xf32>,
        %parallel_loop3A_264 = arith.addf %parallel_loop3A_258, %parallel_loop3A_263 : vector<16xf32>
        %parallel_loop3A_265 = arith.constant 18 : i32
        %parallel_loop3A_266 = arith.index_cast %parallel_loop3A_265 : i32 to index
        %parallel_loop3A_267 = arith.index_cast %parallel_loop3A_157 : i32 to index
        %parallel_loop3A_268 = arith.constant 0 : index
        %parallel_loop3A_269 = tpu.vector_load %arg15[%parallel_loop3A_266, %parallel_loop3A_267, %parallel_loop3A_268] {strides = array<i32>} : memref<32x40x16xf32, #tpu.memory_space<vmem>>, vector<16xf32>,
        %parallel_loop3A_270 = arith.addf %parallel_loop3A_264, %parallel_loop3A_269 : vector<16xf32>
        %parallel_loop3A_271 = arith.constant 19 : i32
        %parallel_loop3A_272 = arith.index_cast %parallel_loop3A_271 : i32 to index
        %parallel_loop3A_273 = arith.index_cast %parallel_loop3A_157 : i32 to index
        %parallel_loop3A_274 = arith.constant 0 : index
        %parallel_loop3A_275 = tpu.vector_load %arg15[%parallel_loop3A_272, %parallel_loop3A_273, %parallel_loop3A_274] {strides = array<i32>} : memref<32x40x16xf32, #tpu.memory_space<vmem>>, vector<16xf32>,
        %parallel_loop3A_276 = arith.addf %parallel_loop3A_270, %parallel_loop3A_275 : vector<16xf32>
        %parallel_loop3A_277 = arith.constant 20 : i32
        %parallel_loop3A_278 = arith.index_cast %parallel_loop3A_277 : i32 to index
        %parallel_loop3A_279 = arith.index_cast %parallel_loop3A_157 : i32 to index
        %parallel_loop3A_280 = arith.constant 0 : index
        %parallel_loop3A_281 = tpu.vector_load %arg15[%parallel_loop3A_278, %parallel_loop3A_279, %parallel_loop3A_280] {strides = array<i32>} : memref<32x40x16xf32, #tpu.memory_space<vmem>>, vector<16xf32>,
        %parallel_loop3A_282 = arith.addf %parallel_loop3A_276, %parallel_loop3A_281 : vector<16xf32>
        %parallel_loop3A_283 = arith.constant 21 : i32
        %parallel_loop3A_284 = arith.index_cast %parallel_loop3A_283 : i32 to index
        %parallel_loop3A_285 = arith.index_cast %parallel_loop3A_157 : i32 to index
        %parallel_loop3A_286 = arith.constant 0 : index
        %parallel_loop3A_287 = tpu.vector_load %arg15[%parallel_loop3A_284, %parallel_loop3A_285, %parallel_loop3A_286] {strides = array<i32>} : memref<32x40x16xf32, #tpu.memory_space<vmem>>, vector<16xf32>,
        %parallel_loop3A_288 = arith.addf %parallel_loop3A_282, %parallel_loop3A_287 : vector<16xf32>
        %parallel_loop3A_289 = arith.constant 22 : i32
        %parallel_loop3A_290 = arith.index_cast %parallel_loop3A_289 : i32 to index
        %parallel_loop3A_291 = arith.index_cast %parallel_loop3A_157 : i32 to index
        %parallel_loop3A_292 = arith.constant 0 : index
        %parallel_loop3A_293 = tpu.vector_load %arg15[%parallel_loop3A_290, %parallel_loop3A_291, %parallel_loop3A_292] {strides = array<i32>} : memref<32x40x16xf32, #tpu.memory_space<vmem>>, vector<16xf32>,
        %parallel_loop3A_294 = arith.addf %parallel_loop3A_288, %parallel_loop3A_293 : vector<16xf32>
        %parallel_loop3A_295 = arith.constant 23 : i32
        %parallel_loop3A_296 = arith.index_cast %parallel_loop3A_295 : i32 to index
        %parallel_loop3A_297 = arith.index_cast %parallel_loop3A_157 : i32 to index
        %parallel_loop3A_298 = arith.constant 0 : index
        %parallel_loop3A_299 = tpu.vector_load %arg15[%parallel_loop3A_296, %parallel_loop3A_297, %parallel_loop3A_298] {strides = array<i32>} : memref<32x40x16xf32, #tpu.memory_space<vmem>>, vector<16xf32>,
        %parallel_loop3A_300 = arith.addf %parallel_loop3A_294, %parallel_loop3A_299 : vector<16xf32>
        %parallel_loop3A_301 = arith.constant 24 : i32
        %parallel_loop3A_302 = arith.index_cast %parallel_loop3A_301 : i32 to index
        %parallel_loop3A_303 = arith.index_cast %parallel_loop3A_157 : i32 to index
        %parallel_loop3A_304 = arith.constant 0 : index
        %parallel_loop3A_305 = tpu.vector_load %arg15[%parallel_loop3A_302, %parallel_loop3A_303, %parallel_loop3A_304] {strides = array<i32>} : memref<32x40x16xf32, #tpu.memory_space<vmem>>, vector<16xf32>,
        %parallel_loop3A_306 = arith.addf %parallel_loop3A_300, %parallel_loop3A_305 : vector<16xf32>
        %parallel_loop3A_307 = arith.constant 25 : i32
        %parallel_loop3A_308 = arith.index_cast %parallel_loop3A_307 : i32 to index
        %parallel_loop3A_309 = arith.index_cast %parallel_loop3A_157 : i32 to index
        %parallel_loop3A_310 = arith.constant 0 : index
        %parallel_loop3A_311 = tpu.vector_load %arg15[%parallel_loop3A_308, %parallel_loop3A_309, %parallel_loop3A_310] {strides = array<i32>} : memref<32x40x16xf32, #tpu.memory_space<vmem>>, vector<16xf32>,
        %parallel_loop3A_312 = arith.addf %parallel_loop3A_306, %parallel_loop3A_311 : vector<16xf32>
        %parallel_loop3A_313 = arith.constant 26 : i32
        %parallel_loop3A_314 = arith.index_cast %parallel_loop3A_313 : i32 to index
        %parallel_loop3A_315 = arith.index_cast %parallel_loop3A_157 : i32 to index
        %parallel_loop3A_316 = arith.constant 0 : index
        %parallel_loop3A_317 = tpu.vector_load %arg15[%parallel_loop3A_314, %parallel_loop3A_315, %parallel_loop3A_316] {strides = array<i32>} : memref<32x40x16xf32, #tpu.memory_space<vmem>>, vector<16xf32>,
        %parallel_loop3A_318 = arith.addf %parallel_loop3A_312, %parallel_loop3A_317 : vector<16xf32>
        %parallel_loop3A_319 = arith.constant 27 : i32
        %parallel_loop3A_320 = arith.index_cast %parallel_loop3A_319 : i32 to index
        %parallel_loop3A_321 = arith.index_cast %parallel_loop3A_157 : i32 to index
        %parallel_loop3A_322 = arith.constant 0 : index
        %parallel_loop3A_323 = tpu.vector_load %arg15[%parallel_loop3A_320, %parallel_loop3A_321, %parallel_loop3A_322] {strides = array<i32>} : memref<32x40x16xf32, #tpu.memory_space<vmem>>, vector<16xf32>,
        %parallel_loop3A_324 = arith.addf %parallel_loop3A_318, %parallel_loop3A_323 : vector<16xf32>
        %parallel_loop3A_325 = arith.constant 28 : i32
        %parallel_loop3A_326 = arith.index_cast %parallel_loop3A_325 : i32 to index
        %parallel_loop3A_327 = arith.index_cast %parallel_loop3A_157 : i32 to index
        %parallel_loop3A_328 = arith.constant 0 : index
        %parallel_loop3A_329 = tpu.vector_load %arg15[%parallel_loop3A_326, %parallel_loop3A_327, %parallel_loop3A_328] {strides = array<i32>} : memref<32x40x16xf32, #tpu.memory_space<vmem>>, vector<16xf32>,
        %parallel_loop3A_330 = arith.addf %parallel_loop3A_324, %parallel_loop3A_329 : vector<16xf32>
        %parallel_loop3A_331 = arith.constant 29 : i32
        %parallel_loop3A_332 = arith.index_cast %parallel_loop3A_331 : i32 to index
        %parallel_loop3A_333 = arith.index_cast %parallel_loop3A_157 : i32 to index
        %parallel_loop3A_334 = arith.constant 0 : index
        %parallel_loop3A_335 = tpu.vector_load %arg15[%parallel_loop3A_332, %parallel_loop3A_333, %parallel_loop3A_334] {strides = array<i32>} : memref<32x40x16xf32, #tpu.memory_space<vmem>>, vector<16xf32>,
        %parallel_loop3A_336 = arith.addf %parallel_loop3A_330, %parallel_loop3A_335 : vector<16xf32>
        %parallel_loop3A_337 = arith.constant 30 : i32
        %parallel_loop3A_338 = arith.index_cast %parallel_loop3A_337 : i32 to index
        %parallel_loop3A_339 = arith.index_cast %parallel_loop3A_157 : i32 to index
        %parallel_loop3A_340 = arith.constant 0 : index
        %parallel_loop3A_341 = tpu.vector_load %arg15[%parallel_loop3A_338, %parallel_loop3A_339, %parallel_loop3A_340] {strides = array<i32>} : memref<32x40x16xf32, #tpu.memory_space<vmem>>, vector<16xf32>,
        %parallel_loop3A_342 = arith.addf %parallel_loop3A_336, %parallel_loop3A_341 : vector<16xf32>
        %parallel_loop3A_343 = arith.constant 31 : i32
        %parallel_loop3A_344 = arith.index_cast %parallel_loop3A_343 : i32 to index
        %parallel_loop3A_345 = arith.index_cast %parallel_loop3A_157 : i32 to index
        %parallel_loop3A_346 = arith.constant 0 : index
        %parallel_loop3A_347 = tpu.vector_load %arg15[%parallel_loop3A_344, %parallel_loop3A_345, %parallel_loop3A_346] {strides = array<i32>} : memref<32x40x16xf32, #tpu.memory_space<vmem>>, vector<16xf32>,
        %parallel_loop3A_348 = arith.addf %parallel_loop3A_342, %parallel_loop3A_347 : vector<16xf32>
        %parallel_loop3A_349 = arith.index_cast %parallel_loop3A_157 : i32 to index
        %parallel_loop3A_350 = arith.constant 0 : index
        %parallel_loop3A_351 = tpu.vector_load %arg16[%parallel_loop3A_349, %parallel_loop3A_350] {strides = array<i32>} : memref<40x16xf32, #tpu.memory_space<vmem>>, vector<16xf32>,
        tpu.vector_store %arg16[%parallel_loop3A_349, %parallel_loop3A_350], %parallel_loop3A_348 {strides = array<i32>} : memref<40x16xf32, #tpu.memory_space<vmem>>, vector<16xf32>,
      } {sc.loop_unroll_factor = 2 : i64, sc.parallel_access}
      %get3A = arith.constant 0 : index
      %get3A_144 = tpu.vector_load %arg20[%get3A] {strides = array<i32>} : memref<16xf32, #tpu.memory_space<vmem>>, vector<16xf32>,
      %get3A_145 = arith.constant 0 : index
      %get3A_146 = tpu.vector_load %arg21[%get3A_145] {strides = array<i32>} : memref<16xf32, #tpu.memory_space<vmem>>, vector<16xf32>,
      %get3A_147 = arith.constant 0 : index
      %get3A_148 = tpu.vector_load %arg22[%get3A_147] {strides = array<i32>} : memref<16xf32, #tpu.memory_space<vmem>>, vector<16xf32>,
      %parallel_loop3A_149 = arith.constant 0 : i32
      %parallel_loop3A_150 = arith.constant 25 : i32
      %parallel_loop3A_151 = arith.constant 1 : i32
      scf.for %parallel_loop3A_157 = %parallel_loop3A_149 to %parallel_loop3A_150 step %parallel_loop3A_151  : i32 {
        %parallel_loop3A_158 = arith.index_cast %parallel_loop3A_157 : i32 to index
        %parallel_loop3A_159 = arith.constant 0 : index
        %parallel_loop3A_160 = tpu.vector_load %arg16[%parallel_loop3A_158, %parallel_loop3A_159] {strides = array<i32>} : memref<40x16xf32, #tpu.memory_space<vmem>>, vector<16xf32>,
        %parallel_loop3A_161 = arith.constant 1.000000e+00 : f32
        %parallel_loop3A_162 = vector.broadcast %parallel_loop3A_161 : f32 to vector<16xf32>
        %parallel_loop3A_163 = arith.maximumf %parallel_loop3A_160, %parallel_loop3A_162 : vector<16xf32>
        %parallel_loop3A_164 = arith.constant 1.000000e+00 : f32
        %parallel_loop3A_165 = vector.broadcast %parallel_loop3A_164 : f32 to vector<16xf32>
        %parallel_loop3A_166 = arith.divf %parallel_loop3A_165, %parallel_loop3A_163 : vector<16xf32>
        %parallel_loop3A_167 = arith.constant 16 : i32
        %parallel_loop3A_168 = arith.muli %parallel_loop3A_157, %parallel_loop3A_167 : i32
        %parallel_loop3A_169 = vector.broadcast %parallel_loop3A_168 : i32 to vector<16xi32>
        %parallel_loop3A_170 = arith.addi %parallel_loop3A_169, %iota3A : vector<16xi32>
        %parallel_loop3A_171 = arith.constant 0 : i32
        %parallel_loop3A_172 = vector.broadcast %parallel_loop3A_171 : i32 to vector<16xi32>
        %parallel_loop3A_173 = tpu.vector_load_idx %arg12[%parallel_loop3A_170, %parallel_loop3A_172] : memref<640x16xf32, #tpu.memory_space<vmem>>[vector<16xi32>, vector<16xi32>], vector<16xf32>,
        %parallel_loop3A_174 = tpu.vector_load_idx %arg13[%parallel_loop3A_170, %parallel_loop3A_172] : memref<640x16xf32, #tpu.memory_space<vmem>>[vector<16xi32>, vector<16xi32>], vector<16xf32>,
        %parallel_loop3A_175 = tpu.vector_load_idx %arg14[%parallel_loop3A_170, %parallel_loop3A_172] : memref<640x16xf32, #tpu.memory_space<vmem>>[vector<16xi32>, vector<16xi32>], vector<16xf32>,
        %parallel_loop3A_176 = arith.addf %parallel_loop3A_173, %parallel_loop3A_174 : vector<16xf32>
        %parallel_loop3A_177 = arith.mulf %parallel_loop3A_176, %parallel_loop3A_166 : vector<16xf32>
        %parallel_loop3A_178 = arith.addf %parallel_loop3A_177, %parallel_loop3A_175 : vector<16xf32>
        %parallel_loop3A_179 = vector.extract_strided_slice %get3A_144 {offsets = [0], sizes = [1], strides = [1]} : vector<16xf32> to vector<1xf32>
        %parallel_loop3A_180 = vector.extract %parallel_loop3A_179[0] : f32 from vector<1xf32>
        %parallel_loop3A_181 = vector.broadcast %parallel_loop3A_180 : f32 to vector<16xf32>
        %parallel_loop3A_182 = arith.addf %parallel_loop3A_178, %parallel_loop3A_181 : vector<16xf32>
        %parallel_loop3A_183 = arith.constant 0.000000e+00 : f32
        %parallel_loop3A_184 = vector.broadcast %parallel_loop3A_183 : f32 to vector<16xf32>
        %parallel_loop3A_185 = arith.maximumf %parallel_loop3A_182, %parallel_loop3A_184 : vector<16xf32>
        %parallel_loop3A_186 = vector.extract_strided_slice %get3A_146 {offsets = [0], sizes = [1], strides = [1]} : vector<16xf32> to vector<1xf32>
        %parallel_loop3A_187 = vector.extract %parallel_loop3A_186[0] : f32 from vector<1xf32>
        %parallel_loop3A_188 = vector.broadcast %parallel_loop3A_187 : f32 to vector<16xf32>
        %parallel_loop3A_189 = arith.mulf %parallel_loop3A_185, %parallel_loop3A_188 : vector<16xf32>
        %parallel_loop3A_190 = arith.addf %broadcast_in_dim3A_14, %parallel_loop3A_189 : vector<16xf32>
        %parallel_loop3A_191 = vector.extract_strided_slice %get3A_148 {offsets = [0], sizes = [1], strides = [1]} : vector<16xf32> to vector<1xf32>
        %parallel_loop3A_192 = vector.extract %parallel_loop3A_191[0] : f32 from vector<1xf32>
        %parallel_loop3A_193 = vector.broadcast %parallel_loop3A_192 : f32 to vector<16xf32>
        %parallel_loop3A_194 = arith.mulf %parallel_loop3A_185, %parallel_loop3A_193 : vector<16xf32>
        %parallel_loop3A_195 = arith.addf %broadcast_in_dim3A_14, %parallel_loop3A_194 : vector<16xf32>
        %parallel_loop3A_196 = arith.constant 1 : i32
        %parallel_loop3A_197 = vector.broadcast %parallel_loop3A_196 : i32 to vector<16xi32>
        %parallel_loop3A_198 = tpu.vector_load_idx %arg12[%parallel_loop3A_170, %parallel_loop3A_197] : memref<640x16xf32, #tpu.memory_space<vmem>>[vector<16xi32>, vector<16xi32>], vector<16xf32>,
        %parallel_loop3A_199 = tpu.vector_load_idx %arg13[%parallel_loop3A_170, %parallel_loop3A_197] : memref<640x16xf32, #tpu.memory_space<vmem>>[vector<16xi32>, vector<16xi32>], vector<16xf32>,
        %parallel_loop3A_200 = tpu.vector_load_idx %arg14[%parallel_loop3A_170, %parallel_loop3A_197] : memref<640x16xf32, #tpu.memory_space<vmem>>[vector<16xi32>, vector<16xi32>], vector<16xf32>,
        %parallel_loop3A_201 = arith.addf %parallel_loop3A_198, %parallel_loop3A_199 : vector<16xf32>
        %parallel_loop3A_202 = arith.mulf %parallel_loop3A_201, %parallel_loop3A_166 : vector<16xf32>
        %parallel_loop3A_203 = arith.addf %parallel_loop3A_202, %parallel_loop3A_200 : vector<16xf32>
        %parallel_loop3A_204 = vector.extract_strided_slice %get3A_144 {offsets = [1], sizes = [1], strides = [1]} : vector<16xf32> to vector<1xf32>
        %parallel_loop3A_205 = vector.extract %parallel_loop3A_204[0] : f32 from vector<1xf32>
        %parallel_loop3A_206 = vector.broadcast %parallel_loop3A_205 : f32 to vector<16xf32>
        %parallel_loop3A_207 = arith.addf %parallel_loop3A_203, %parallel_loop3A_206 : vector<16xf32>
        %parallel_loop3A_208 = arith.constant 0.000000e+00 : f32
        %parallel_loop3A_209 = vector.broadcast %parallel_loop3A_208 : f32 to vector<16xf32>
        %parallel_loop3A_210 = arith.maximumf %parallel_loop3A_207, %parallel_loop3A_209 : vector<16xf32>
        %parallel_loop3A_211 = vector.extract_strided_slice %get3A_146 {offsets = [1], sizes = [1], strides = [1]} : vector<16xf32> to vector<1xf32>
        %parallel_loop3A_212 = vector.extract %parallel_loop3A_211[0] : f32 from vector<1xf32>
        %parallel_loop3A_213 = vector.broadcast %parallel_loop3A_212 : f32 to vector<16xf32>
        %parallel_loop3A_214 = arith.mulf %parallel_loop3A_210, %parallel_loop3A_213 : vector<16xf32>
        %parallel_loop3A_215 = arith.addf %parallel_loop3A_190, %parallel_loop3A_214 : vector<16xf32>
        %parallel_loop3A_216 = vector.extract_strided_slice %get3A_148 {offsets = [1], sizes = [1], strides = [1]} : vector<16xf32> to vector<1xf32>
        %parallel_loop3A_217 = vector.extract %parallel_loop3A_216[0] : f32 from vector<1xf32>
        %parallel_loop3A_218 = vector.broadcast %parallel_loop3A_217 : f32 to vector<16xf32>
        %parallel_loop3A_219 = arith.mulf %parallel_loop3A_210, %parallel_loop3A_218 : vector<16xf32>
        %parallel_loop3A_220 = arith.addf %parallel_loop3A_195, %parallel_loop3A_219 : vector<16xf32>
        %parallel_loop3A_221 = arith.constant 2 : i32
        %parallel_loop3A_222 = vector.broadcast %parallel_loop3A_221 : i32 to vector<16xi32>
        %parallel_loop3A_223 = tpu.vector_load_idx %arg12[%parallel_loop3A_170, %parallel_loop3A_222] : memref<640x16xf32, #tpu.memory_space<vmem>>[vector<16xi32>, vector<16xi32>], vector<16xf32>,
        %parallel_loop3A_224 = tpu.vector_load_idx %arg13[%parallel_loop3A_170, %parallel_loop3A_222] : memref<640x16xf32, #tpu.memory_space<vmem>>[vector<16xi32>, vector<16xi32>], vector<16xf32>,
        %parallel_loop3A_225 = tpu.vector_load_idx %arg14[%parallel_loop3A_170, %parallel_loop3A_222] : memref<640x16xf32, #tpu.memory_space<vmem>>[vector<16xi32>, vector<16xi32>], vector<16xf32>,
        %parallel_loop3A_226 = arith.addf %parallel_loop3A_223, %parallel_loop3A_224 : vector<16xf32>
        %parallel_loop3A_227 = arith.mulf %parallel_loop3A_226, %parallel_loop3A_166 : vector<16xf32>
        %parallel_loop3A_228 = arith.addf %parallel_loop3A_227, %parallel_loop3A_225 : vector<16xf32>
        %parallel_loop3A_229 = vector.extract_strided_slice %get3A_144 {offsets = [2], sizes = [1], strides = [1]} : vector<16xf32> to vector<1xf32>
        %parallel_loop3A_230 = vector.extract %parallel_loop3A_229[0] : f32 from vector<1xf32>
        %parallel_loop3A_231 = vector.broadcast %parallel_loop3A_230 : f32 to vector<16xf32>
        %parallel_loop3A_232 = arith.addf %parallel_loop3A_228, %parallel_loop3A_231 : vector<16xf32>
        %parallel_loop3A_233 = arith.constant 0.000000e+00 : f32
        %parallel_loop3A_234 = vector.broadcast %parallel_loop3A_233 : f32 to vector<16xf32>
        %parallel_loop3A_235 = arith.maximumf %parallel_loop3A_232, %parallel_loop3A_234 : vector<16xf32>
        %parallel_loop3A_236 = vector.extract_strided_slice %get3A_146 {offsets = [2], sizes = [1], strides = [1]} : vector<16xf32> to vector<1xf32>
        %parallel_loop3A_237 = vector.extract %parallel_loop3A_236[0] : f32 from vector<1xf32>
        %parallel_loop3A_238 = vector.broadcast %parallel_loop3A_237 : f32 to vector<16xf32>
        %parallel_loop3A_239 = arith.mulf %parallel_loop3A_235, %parallel_loop3A_238 : vector<16xf32>
        %parallel_loop3A_240 = arith.addf %parallel_loop3A_215, %parallel_loop3A_239 : vector<16xf32>
        %parallel_loop3A_241 = vector.extract_strided_slice %get3A_148 {offsets = [2], sizes = [1], strides = [1]} : vector<16xf32> to vector<1xf32>
        %parallel_loop3A_242 = vector.extract %parallel_loop3A_241[0] : f32 from vector<1xf32>
        %parallel_loop3A_243 = vector.broadcast %parallel_loop3A_242 : f32 to vector<16xf32>
        %parallel_loop3A_244 = arith.mulf %parallel_loop3A_235, %parallel_loop3A_243 : vector<16xf32>
        %parallel_loop3A_245 = arith.addf %parallel_loop3A_220, %parallel_loop3A_244 : vector<16xf32>
        %parallel_loop3A_246 = arith.constant 3 : i32
        %parallel_loop3A_247 = vector.broadcast %parallel_loop3A_246 : i32 to vector<16xi32>
        %parallel_loop3A_248 = tpu.vector_load_idx %arg12[%parallel_loop3A_170, %parallel_loop3A_247] : memref<640x16xf32, #tpu.memory_space<vmem>>[vector<16xi32>, vector<16xi32>], vector<16xf32>,
        %parallel_loop3A_249 = tpu.vector_load_idx %arg13[%parallel_loop3A_170, %parallel_loop3A_247] : memref<640x16xf32, #tpu.memory_space<vmem>>[vector<16xi32>, vector<16xi32>], vector<16xf32>,
        %parallel_loop3A_250 = tpu.vector_load_idx %arg14[%parallel_loop3A_170, %parallel_loop3A_247] : memref<640x16xf32, #tpu.memory_space<vmem>>[vector<16xi32>, vector<16xi32>], vector<16xf32>,
        %parallel_loop3A_251 = arith.addf %parallel_loop3A_248, %parallel_loop3A_249 : vector<16xf32>
        %parallel_loop3A_252 = arith.mulf %parallel_loop3A_251, %parallel_loop3A_166 : vector<16xf32>
        %parallel_loop3A_253 = arith.addf %parallel_loop3A_252, %parallel_loop3A_250 : vector<16xf32>
        %parallel_loop3A_254 = vector.extract_strided_slice %get3A_144 {offsets = [3], sizes = [1], strides = [1]} : vector<16xf32> to vector<1xf32>
        %parallel_loop3A_255 = vector.extract %parallel_loop3A_254[0] : f32 from vector<1xf32>
        %parallel_loop3A_256 = vector.broadcast %parallel_loop3A_255 : f32 to vector<16xf32>
        %parallel_loop3A_257 = arith.addf %parallel_loop3A_253, %parallel_loop3A_256 : vector<16xf32>
        %parallel_loop3A_258 = arith.constant 0.000000e+00 : f32
        %parallel_loop3A_259 = vector.broadcast %parallel_loop3A_258 : f32 to vector<16xf32>
        %parallel_loop3A_260 = arith.maximumf %parallel_loop3A_257, %parallel_loop3A_259 : vector<16xf32>
        %parallel_loop3A_261 = vector.extract_strided_slice %get3A_146 {offsets = [3], sizes = [1], strides = [1]} : vector<16xf32> to vector<1xf32>
        %parallel_loop3A_262 = vector.extract %parallel_loop3A_261[0] : f32 from vector<1xf32>
        %parallel_loop3A_263 = vector.broadcast %parallel_loop3A_262 : f32 to vector<16xf32>
        %parallel_loop3A_264 = arith.mulf %parallel_loop3A_260, %parallel_loop3A_263 : vector<16xf32>
        %parallel_loop3A_265 = arith.addf %parallel_loop3A_240, %parallel_loop3A_264 : vector<16xf32>
        %parallel_loop3A_266 = vector.extract_strided_slice %get3A_148 {offsets = [3], sizes = [1], strides = [1]} : vector<16xf32> to vector<1xf32>
        %parallel_loop3A_267 = vector.extract %parallel_loop3A_266[0] : f32 from vector<1xf32>
        %parallel_loop3A_268 = vector.broadcast %parallel_loop3A_267 : f32 to vector<16xf32>
        %parallel_loop3A_269 = arith.mulf %parallel_loop3A_260, %parallel_loop3A_268 : vector<16xf32>
        %parallel_loop3A_270 = arith.addf %parallel_loop3A_245, %parallel_loop3A_269 : vector<16xf32>
        %parallel_loop3A_271 = arith.constant 4 : i32
        %parallel_loop3A_272 = vector.broadcast %parallel_loop3A_271 : i32 to vector<16xi32>
        %parallel_loop3A_273 = tpu.vector_load_idx %arg12[%parallel_loop3A_170, %parallel_loop3A_272] : memref<640x16xf32, #tpu.memory_space<vmem>>[vector<16xi32>, vector<16xi32>], vector<16xf32>,
        %parallel_loop3A_274 = tpu.vector_load_idx %arg13[%parallel_loop3A_170, %parallel_loop3A_272] : memref<640x16xf32, #tpu.memory_space<vmem>>[vector<16xi32>, vector<16xi32>], vector<16xf32>,
        %parallel_loop3A_275 = tpu.vector_load_idx %arg14[%parallel_loop3A_170, %parallel_loop3A_272] : memref<640x16xf32, #tpu.memory_space<vmem>>[vector<16xi32>, vector<16xi32>], vector<16xf32>,
        %parallel_loop3A_276 = arith.addf %parallel_loop3A_273, %parallel_loop3A_274 : vector<16xf32>
        %parallel_loop3A_277 = arith.mulf %parallel_loop3A_276, %parallel_loop3A_166 : vector<16xf32>
        %parallel_loop3A_278 = arith.addf %parallel_loop3A_277, %parallel_loop3A_275 : vector<16xf32>
        %parallel_loop3A_279 = vector.extract_strided_slice %get3A_144 {offsets = [4], sizes = [1], strides = [1]} : vector<16xf32> to vector<1xf32>
        %parallel_loop3A_280 = vector.extract %parallel_loop3A_279[0] : f32 from vector<1xf32>
        %parallel_loop3A_281 = vector.broadcast %parallel_loop3A_280 : f32 to vector<16xf32>
        %parallel_loop3A_282 = arith.addf %parallel_loop3A_278, %parallel_loop3A_281 : vector<16xf32>
        %parallel_loop3A_283 = arith.constant 0.000000e+00 : f32
        %parallel_loop3A_284 = vector.broadcast %parallel_loop3A_283 : f32 to vector<16xf32>
        %parallel_loop3A_285 = arith.maximumf %parallel_loop3A_282, %parallel_loop3A_284 : vector<16xf32>
        %parallel_loop3A_286 = vector.extract_strided_slice %get3A_146 {offsets = [4], sizes = [1], strides = [1]} : vector<16xf32> to vector<1xf32>
        %parallel_loop3A_287 = vector.extract %parallel_loop3A_286[0] : f32 from vector<1xf32>
        %parallel_loop3A_288 = vector.broadcast %parallel_loop3A_287 : f32 to vector<16xf32>
        %parallel_loop3A_289 = arith.mulf %parallel_loop3A_285, %parallel_loop3A_288 : vector<16xf32>
        %parallel_loop3A_290 = arith.addf %parallel_loop3A_265, %parallel_loop3A_289 : vector<16xf32>
        %parallel_loop3A_291 = vector.extract_strided_slice %get3A_148 {offsets = [4], sizes = [1], strides = [1]} : vector<16xf32> to vector<1xf32>
        %parallel_loop3A_292 = vector.extract %parallel_loop3A_291[0] : f32 from vector<1xf32>
        %parallel_loop3A_293 = vector.broadcast %parallel_loop3A_292 : f32 to vector<16xf32>
        %parallel_loop3A_294 = arith.mulf %parallel_loop3A_285, %parallel_loop3A_293 : vector<16xf32>
        %parallel_loop3A_295 = arith.addf %parallel_loop3A_270, %parallel_loop3A_294 : vector<16xf32>
        %parallel_loop3A_296 = arith.constant 5 : i32
        %parallel_loop3A_297 = vector.broadcast %parallel_loop3A_296 : i32 to vector<16xi32>
        %parallel_loop3A_298 = tpu.vector_load_idx %arg12[%parallel_loop3A_170, %parallel_loop3A_297] : memref<640x16xf32, #tpu.memory_space<vmem>>[vector<16xi32>, vector<16xi32>], vector<16xf32>,
        %parallel_loop3A_299 = tpu.vector_load_idx %arg13[%parallel_loop3A_170, %parallel_loop3A_297] : memref<640x16xf32, #tpu.memory_space<vmem>>[vector<16xi32>, vector<16xi32>], vector<16xf32>,
        %parallel_loop3A_300 = tpu.vector_load_idx %arg14[%parallel_loop3A_170, %parallel_loop3A_297] : memref<640x16xf32, #tpu.memory_space<vmem>>[vector<16xi32>, vector<16xi32>], vector<16xf32>,
        %parallel_loop3A_301 = arith.addf %parallel_loop3A_298, %parallel_loop3A_299 : vector<16xf32>
        %parallel_loop3A_302 = arith.mulf %parallel_loop3A_301, %parallel_loop3A_166 : vector<16xf32>
        %parallel_loop3A_303 = arith.addf %parallel_loop3A_302, %parallel_loop3A_300 : vector<16xf32>
        %parallel_loop3A_304 = vector.extract_strided_slice %get3A_144 {offsets = [5], sizes = [1], strides = [1]} : vector<16xf32> to vector<1xf32>
        %parallel_loop3A_305 = vector.extract %parallel_loop3A_304[0] : f32 from vector<1xf32>
        %parallel_loop3A_306 = vector.broadcast %parallel_loop3A_305 : f32 to vector<16xf32>
        %parallel_loop3A_307 = arith.addf %parallel_loop3A_303, %parallel_loop3A_306 : vector<16xf32>
        %parallel_loop3A_308 = arith.constant 0.000000e+00 : f32
        %parallel_loop3A_309 = vector.broadcast %parallel_loop3A_308 : f32 to vector<16xf32>
        %parallel_loop3A_310 = arith.maximumf %parallel_loop3A_307, %parallel_loop3A_309 : vector<16xf32>
        %parallel_loop3A_311 = vector.extract_strided_slice %get3A_146 {offsets = [5], sizes = [1], strides = [1]} : vector<16xf32> to vector<1xf32>
        %parallel_loop3A_312 = vector.extract %parallel_loop3A_311[0] : f32 from vector<1xf32>
        %parallel_loop3A_313 = vector.broadcast %parallel_loop3A_312 : f32 to vector<16xf32>
        %parallel_loop3A_314 = arith.mulf %parallel_loop3A_310, %parallel_loop3A_313 : vector<16xf32>
        %parallel_loop3A_315 = arith.addf %parallel_loop3A_290, %parallel_loop3A_314 : vector<16xf32>
        %parallel_loop3A_316 = vector.extract_strided_slice %get3A_148 {offsets = [5], sizes = [1], strides = [1]} : vector<16xf32> to vector<1xf32>
        %parallel_loop3A_317 = vector.extract %parallel_loop3A_316[0] : f32 from vector<1xf32>
        %parallel_loop3A_318 = vector.broadcast %parallel_loop3A_317 : f32 to vector<16xf32>
        %parallel_loop3A_319 = arith.mulf %parallel_loop3A_310, %parallel_loop3A_318 : vector<16xf32>
        %parallel_loop3A_320 = arith.addf %parallel_loop3A_295, %parallel_loop3A_319 : vector<16xf32>
        %parallel_loop3A_321 = arith.constant 6 : i32
        %parallel_loop3A_322 = vector.broadcast %parallel_loop3A_321 : i32 to vector<16xi32>
        %parallel_loop3A_323 = tpu.vector_load_idx %arg12[%parallel_loop3A_170, %parallel_loop3A_322] : memref<640x16xf32, #tpu.memory_space<vmem>>[vector<16xi32>, vector<16xi32>], vector<16xf32>,
        %parallel_loop3A_324 = tpu.vector_load_idx %arg13[%parallel_loop3A_170, %parallel_loop3A_322] : memref<640x16xf32, #tpu.memory_space<vmem>>[vector<16xi32>, vector<16xi32>], vector<16xf32>,
        %parallel_loop3A_325 = tpu.vector_load_idx %arg14[%parallel_loop3A_170, %parallel_loop3A_322] : memref<640x16xf32, #tpu.memory_space<vmem>>[vector<16xi32>, vector<16xi32>], vector<16xf32>,
        %parallel_loop3A_326 = arith.addf %parallel_loop3A_323, %parallel_loop3A_324 : vector<16xf32>
        %parallel_loop3A_327 = arith.mulf %parallel_loop3A_326, %parallel_loop3A_166 : vector<16xf32>
        %parallel_loop3A_328 = arith.addf %parallel_loop3A_327, %parallel_loop3A_325 : vector<16xf32>
        %parallel_loop3A_329 = vector.extract_strided_slice %get3A_144 {offsets = [6], sizes = [1], strides = [1]} : vector<16xf32> to vector<1xf32>
        %parallel_loop3A_330 = vector.extract %parallel_loop3A_329[0] : f32 from vector<1xf32>
        %parallel_loop3A_331 = vector.broadcast %parallel_loop3A_330 : f32 to vector<16xf32>
        %parallel_loop3A_332 = arith.addf %parallel_loop3A_328, %parallel_loop3A_331 : vector<16xf32>
        %parallel_loop3A_333 = arith.constant 0.000000e+00 : f32
        %parallel_loop3A_334 = vector.broadcast %parallel_loop3A_333 : f32 to vector<16xf32>
        %parallel_loop3A_335 = arith.maximumf %parallel_loop3A_332, %parallel_loop3A_334 : vector<16xf32>
        %parallel_loop3A_336 = vector.extract_strided_slice %get3A_146 {offsets = [6], sizes = [1], strides = [1]} : vector<16xf32> to vector<1xf32>
        %parallel_loop3A_337 = vector.extract %parallel_loop3A_336[0] : f32 from vector<1xf32>
        %parallel_loop3A_338 = vector.broadcast %parallel_loop3A_337 : f32 to vector<16xf32>
        %parallel_loop3A_339 = arith.mulf %parallel_loop3A_335, %parallel_loop3A_338 : vector<16xf32>
        %parallel_loop3A_340 = arith.addf %parallel_loop3A_315, %parallel_loop3A_339 : vector<16xf32>
        %parallel_loop3A_341 = vector.extract_strided_slice %get3A_148 {offsets = [6], sizes = [1], strides = [1]} : vector<16xf32> to vector<1xf32>
        %parallel_loop3A_342 = vector.extract %parallel_loop3A_341[0] : f32 from vector<1xf32>
        %parallel_loop3A_343 = vector.broadcast %parallel_loop3A_342 : f32 to vector<16xf32>
        %parallel_loop3A_344 = arith.mulf %parallel_loop3A_335, %parallel_loop3A_343 : vector<16xf32>
        %parallel_loop3A_345 = arith.addf %parallel_loop3A_320, %parallel_loop3A_344 : vector<16xf32>
        %parallel_loop3A_346 = arith.constant 7 : i32
        %parallel_loop3A_347 = vector.broadcast %parallel_loop3A_346 : i32 to vector<16xi32>
        %parallel_loop3A_348 = tpu.vector_load_idx %arg12[%parallel_loop3A_170, %parallel_loop3A_347] : memref<640x16xf32, #tpu.memory_space<vmem>>[vector<16xi32>, vector<16xi32>], vector<16xf32>,
        %parallel_loop3A_349 = tpu.vector_load_idx %arg13[%parallel_loop3A_170, %parallel_loop3A_347] : memref<640x16xf32, #tpu.memory_space<vmem>>[vector<16xi32>, vector<16xi32>], vector<16xf32>,
        %parallel_loop3A_350 = tpu.vector_load_idx %arg14[%parallel_loop3A_170, %parallel_loop3A_347] : memref<640x16xf32, #tpu.memory_space<vmem>>[vector<16xi32>, vector<16xi32>], vector<16xf32>,
        %parallel_loop3A_351 = arith.addf %parallel_loop3A_348, %parallel_loop3A_349 : vector<16xf32>
        %parallel_loop3A_352 = arith.mulf %parallel_loop3A_351, %parallel_loop3A_166 : vector<16xf32>
        %parallel_loop3A_353 = arith.addf %parallel_loop3A_352, %parallel_loop3A_350 : vector<16xf32>
        %parallel_loop3A_354 = vector.extract_strided_slice %get3A_144 {offsets = [7], sizes = [1], strides = [1]} : vector<16xf32> to vector<1xf32>
        %parallel_loop3A_355 = vector.extract %parallel_loop3A_354[0] : f32 from vector<1xf32>
        %parallel_loop3A_356 = vector.broadcast %parallel_loop3A_355 : f32 to vector<16xf32>
        %parallel_loop3A_357 = arith.addf %parallel_loop3A_353, %parallel_loop3A_356 : vector<16xf32>
        %parallel_loop3A_358 = arith.constant 0.000000e+00 : f32
        %parallel_loop3A_359 = vector.broadcast %parallel_loop3A_358 : f32 to vector<16xf32>
        %parallel_loop3A_360 = arith.maximumf %parallel_loop3A_357, %parallel_loop3A_359 : vector<16xf32>
        %parallel_loop3A_361 = vector.extract_strided_slice %get3A_146 {offsets = [7], sizes = [1], strides = [1]} : vector<16xf32> to vector<1xf32>
        %parallel_loop3A_362 = vector.extract %parallel_loop3A_361[0] : f32 from vector<1xf32>
        %parallel_loop3A_363 = vector.broadcast %parallel_loop3A_362 : f32 to vector<16xf32>
        %parallel_loop3A_364 = arith.mulf %parallel_loop3A_360, %parallel_loop3A_363 : vector<16xf32>
        %parallel_loop3A_365 = arith.addf %parallel_loop3A_340, %parallel_loop3A_364 : vector<16xf32>
        %parallel_loop3A_366 = vector.extract_strided_slice %get3A_148 {offsets = [7], sizes = [1], strides = [1]} : vector<16xf32> to vector<1xf32>
        %parallel_loop3A_367 = vector.extract %parallel_loop3A_366[0] : f32 from vector<1xf32>
        %parallel_loop3A_368 = vector.broadcast %parallel_loop3A_367 : f32 to vector<16xf32>
        %parallel_loop3A_369 = arith.mulf %parallel_loop3A_360, %parallel_loop3A_368 : vector<16xf32>
        %parallel_loop3A_370 = arith.addf %parallel_loop3A_345, %parallel_loop3A_369 : vector<16xf32>
        %parallel_loop3A_371 = arith.constant 8 : i32
        %parallel_loop3A_372 = vector.broadcast %parallel_loop3A_371 : i32 to vector<16xi32>
        %parallel_loop3A_373 = tpu.vector_load_idx %arg12[%parallel_loop3A_170, %parallel_loop3A_372] : memref<640x16xf32, #tpu.memory_space<vmem>>[vector<16xi32>, vector<16xi32>], vector<16xf32>,
        %parallel_loop3A_374 = tpu.vector_load_idx %arg13[%parallel_loop3A_170, %parallel_loop3A_372] : memref<640x16xf32, #tpu.memory_space<vmem>>[vector<16xi32>, vector<16xi32>], vector<16xf32>,
        %parallel_loop3A_375 = tpu.vector_load_idx %arg14[%parallel_loop3A_170, %parallel_loop3A_372] : memref<640x16xf32, #tpu.memory_space<vmem>>[vector<16xi32>, vector<16xi32>], vector<16xf32>,
        %parallel_loop3A_376 = arith.addf %parallel_loop3A_373, %parallel_loop3A_374 : vector<16xf32>
        %parallel_loop3A_377 = arith.mulf %parallel_loop3A_376, %parallel_loop3A_166 : vector<16xf32>
        %parallel_loop3A_378 = arith.addf %parallel_loop3A_377, %parallel_loop3A_375 : vector<16xf32>
        %parallel_loop3A_379 = vector.extract_strided_slice %get3A_144 {offsets = [8], sizes = [1], strides = [1]} : vector<16xf32> to vector<1xf32>
        %parallel_loop3A_380 = vector.extract %parallel_loop3A_379[0] : f32 from vector<1xf32>
        %parallel_loop3A_381 = vector.broadcast %parallel_loop3A_380 : f32 to vector<16xf32>
        %parallel_loop3A_382 = arith.addf %parallel_loop3A_378, %parallel_loop3A_381 : vector<16xf32>
        %parallel_loop3A_383 = arith.constant 0.000000e+00 : f32
        %parallel_loop3A_384 = vector.broadcast %parallel_loop3A_383 : f32 to vector<16xf32>
        %parallel_loop3A_385 = arith.maximumf %parallel_loop3A_382, %parallel_loop3A_384 : vector<16xf32>
        %parallel_loop3A_386 = vector.extract_strided_slice %get3A_146 {offsets = [8], sizes = [1], strides = [1]} : vector<16xf32> to vector<1xf32>
        %parallel_loop3A_387 = vector.extract %parallel_loop3A_386[0] : f32 from vector<1xf32>
        %parallel_loop3A_388 = vector.broadcast %parallel_loop3A_387 : f32 to vector<16xf32>
        %parallel_loop3A_389 = arith.mulf %parallel_loop3A_385, %parallel_loop3A_388 : vector<16xf32>
        %parallel_loop3A_390 = arith.addf %parallel_loop3A_365, %parallel_loop3A_389 : vector<16xf32>
        %parallel_loop3A_391 = vector.extract_strided_slice %get3A_148 {offsets = [8], sizes = [1], strides = [1]} : vector<16xf32> to vector<1xf32>
        %parallel_loop3A_392 = vector.extract %parallel_loop3A_391[0] : f32 from vector<1xf32>
        %parallel_loop3A_393 = vector.broadcast %parallel_loop3A_392 : f32 to vector<16xf32>
        %parallel_loop3A_394 = arith.mulf %parallel_loop3A_385, %parallel_loop3A_393 : vector<16xf32>
        %parallel_loop3A_395 = arith.addf %parallel_loop3A_370, %parallel_loop3A_394 : vector<16xf32>
        %parallel_loop3A_396 = arith.constant 9 : i32
        %parallel_loop3A_397 = vector.broadcast %parallel_loop3A_396 : i32 to vector<16xi32>
        %parallel_loop3A_398 = tpu.vector_load_idx %arg12[%parallel_loop3A_170, %parallel_loop3A_397] : memref<640x16xf32, #tpu.memory_space<vmem>>[vector<16xi32>, vector<16xi32>], vector<16xf32>,
        %parallel_loop3A_399 = tpu.vector_load_idx %arg13[%parallel_loop3A_170, %parallel_loop3A_397] : memref<640x16xf32, #tpu.memory_space<vmem>>[vector<16xi32>, vector<16xi32>], vector<16xf32>,
        %parallel_loop3A_400 = tpu.vector_load_idx %arg14[%parallel_loop3A_170, %parallel_loop3A_397] : memref<640x16xf32, #tpu.memory_space<vmem>>[vector<16xi32>, vector<16xi32>], vector<16xf32>,
        %parallel_loop3A_401 = arith.addf %parallel_loop3A_398, %parallel_loop3A_399 : vector<16xf32>
        %parallel_loop3A_402 = arith.mulf %parallel_loop3A_401, %parallel_loop3A_166 : vector<16xf32>
        %parallel_loop3A_403 = arith.addf %parallel_loop3A_402, %parallel_loop3A_400 : vector<16xf32>
        %parallel_loop3A_404 = vector.extract_strided_slice %get3A_144 {offsets = [9], sizes = [1], strides = [1]} : vector<16xf32> to vector<1xf32>
        %parallel_loop3A_405 = vector.extract %parallel_loop3A_404[0] : f32 from vector<1xf32>
        %parallel_loop3A_406 = vector.broadcast %parallel_loop3A_405 : f32 to vector<16xf32>
        %parallel_loop3A_407 = arith.addf %parallel_loop3A_403, %parallel_loop3A_406 : vector<16xf32>
        %parallel_loop3A_408 = arith.constant 0.000000e+00 : f32
        %parallel_loop3A_409 = vector.broadcast %parallel_loop3A_408 : f32 to vector<16xf32>
        %parallel_loop3A_410 = arith.maximumf %parallel_loop3A_407, %parallel_loop3A_409 : vector<16xf32>
        %parallel_loop3A_411 = vector.extract_strided_slice %get3A_146 {offsets = [9], sizes = [1], strides = [1]} : vector<16xf32> to vector<1xf32>
        %parallel_loop3A_412 = vector.extract %parallel_loop3A_411[0] : f32 from vector<1xf32>
        %parallel_loop3A_413 = vector.broadcast %parallel_loop3A_412 : f32 to vector<16xf32>
        %parallel_loop3A_414 = arith.mulf %parallel_loop3A_410, %parallel_loop3A_413 : vector<16xf32>
        %parallel_loop3A_415 = arith.addf %parallel_loop3A_390, %parallel_loop3A_414 : vector<16xf32>
        %parallel_loop3A_416 = vector.extract_strided_slice %get3A_148 {offsets = [9], sizes = [1], strides = [1]} : vector<16xf32> to vector<1xf32>
        %parallel_loop3A_417 = vector.extract %parallel_loop3A_416[0] : f32 from vector<1xf32>
        %parallel_loop3A_418 = vector.broadcast %parallel_loop3A_417 : f32 to vector<16xf32>
        %parallel_loop3A_419 = arith.mulf %parallel_loop3A_410, %parallel_loop3A_418 : vector<16xf32>
        %parallel_loop3A_420 = arith.addf %parallel_loop3A_395, %parallel_loop3A_419 : vector<16xf32>
        %parallel_loop3A_421 = arith.constant 10 : i32
        %parallel_loop3A_422 = vector.broadcast %parallel_loop3A_421 : i32 to vector<16xi32>
        %parallel_loop3A_423 = tpu.vector_load_idx %arg12[%parallel_loop3A_170, %parallel_loop3A_422] : memref<640x16xf32, #tpu.memory_space<vmem>>[vector<16xi32>, vector<16xi32>], vector<16xf32>,
        %parallel_loop3A_424 = tpu.vector_load_idx %arg13[%parallel_loop3A_170, %parallel_loop3A_422] : memref<640x16xf32, #tpu.memory_space<vmem>>[vector<16xi32>, vector<16xi32>], vector<16xf32>,
        %parallel_loop3A_425 = tpu.vector_load_idx %arg14[%parallel_loop3A_170, %parallel_loop3A_422] : memref<640x16xf32, #tpu.memory_space<vmem>>[vector<16xi32>, vector<16xi32>], vector<16xf32>,
        %parallel_loop3A_426 = arith.addf %parallel_loop3A_423, %parallel_loop3A_424 : vector<16xf32>
        %parallel_loop3A_427 = arith.mulf %parallel_loop3A_426, %parallel_loop3A_166 : vector<16xf32>
        %parallel_loop3A_428 = arith.addf %parallel_loop3A_427, %parallel_loop3A_425 : vector<16xf32>
        %parallel_loop3A_429 = vector.extract_strided_slice %get3A_144 {offsets = [10], sizes = [1], strides = [1]} : vector<16xf32> to vector<1xf32>
        %parallel_loop3A_430 = vector.extract %parallel_loop3A_429[0] : f32 from vector<1xf32>
        %parallel_loop3A_431 = vector.broadcast %parallel_loop3A_430 : f32 to vector<16xf32>
        %parallel_loop3A_432 = arith.addf %parallel_loop3A_428, %parallel_loop3A_431 : vector<16xf32>
        %parallel_loop3A_433 = arith.constant 0.000000e+00 : f32
        %parallel_loop3A_434 = vector.broadcast %parallel_loop3A_433 : f32 to vector<16xf32>
        %parallel_loop3A_435 = arith.maximumf %parallel_loop3A_432, %parallel_loop3A_434 : vector<16xf32>
        %parallel_loop3A_436 = vector.extract_strided_slice %get3A_146 {offsets = [10], sizes = [1], strides = [1]} : vector<16xf32> to vector<1xf32>
        %parallel_loop3A_437 = vector.extract %parallel_loop3A_436[0] : f32 from vector<1xf32>
        %parallel_loop3A_438 = vector.broadcast %parallel_loop3A_437 : f32 to vector<16xf32>
        %parallel_loop3A_439 = arith.mulf %parallel_loop3A_435, %parallel_loop3A_438 : vector<16xf32>
        %parallel_loop3A_440 = arith.addf %parallel_loop3A_415, %parallel_loop3A_439 : vector<16xf32>
        %parallel_loop3A_441 = vector.extract_strided_slice %get3A_148 {offsets = [10], sizes = [1], strides = [1]} : vector<16xf32> to vector<1xf32>
        %parallel_loop3A_442 = vector.extract %parallel_loop3A_441[0] : f32 from vector<1xf32>
        %parallel_loop3A_443 = vector.broadcast %parallel_loop3A_442 : f32 to vector<16xf32>
        %parallel_loop3A_444 = arith.mulf %parallel_loop3A_435, %parallel_loop3A_443 : vector<16xf32>
        %parallel_loop3A_445 = arith.addf %parallel_loop3A_420, %parallel_loop3A_444 : vector<16xf32>
        %parallel_loop3A_446 = arith.constant 11 : i32
        %parallel_loop3A_447 = vector.broadcast %parallel_loop3A_446 : i32 to vector<16xi32>
        %parallel_loop3A_448 = tpu.vector_load_idx %arg12[%parallel_loop3A_170, %parallel_loop3A_447] : memref<640x16xf32, #tpu.memory_space<vmem>>[vector<16xi32>, vector<16xi32>], vector<16xf32>,
        %parallel_loop3A_449 = tpu.vector_load_idx %arg13[%parallel_loop3A_170, %parallel_loop3A_447] : memref<640x16xf32, #tpu.memory_space<vmem>>[vector<16xi32>, vector<16xi32>], vector<16xf32>,
        %parallel_loop3A_450 = tpu.vector_load_idx %arg14[%parallel_loop3A_170, %parallel_loop3A_447] : memref<640x16xf32, #tpu.memory_space<vmem>>[vector<16xi32>, vector<16xi32>], vector<16xf32>,
        %parallel_loop3A_451 = arith.addf %parallel_loop3A_448, %parallel_loop3A_449 : vector<16xf32>
        %parallel_loop3A_452 = arith.mulf %parallel_loop3A_451, %parallel_loop3A_166 : vector<16xf32>
        %parallel_loop3A_453 = arith.addf %parallel_loop3A_452, %parallel_loop3A_450 : vector<16xf32>
        %parallel_loop3A_454 = vector.extract_strided_slice %get3A_144 {offsets = [11], sizes = [1], strides = [1]} : vector<16xf32> to vector<1xf32>
        %parallel_loop3A_455 = vector.extract %parallel_loop3A_454[0] : f32 from vector<1xf32>
        %parallel_loop3A_456 = vector.broadcast %parallel_loop3A_455 : f32 to vector<16xf32>
        %parallel_loop3A_457 = arith.addf %parallel_loop3A_453, %parallel_loop3A_456 : vector<16xf32>
        %parallel_loop3A_458 = arith.constant 0.000000e+00 : f32
        %parallel_loop3A_459 = vector.broadcast %parallel_loop3A_458 : f32 to vector<16xf32>
        %parallel_loop3A_460 = arith.maximumf %parallel_loop3A_457, %parallel_loop3A_459 : vector<16xf32>
        %parallel_loop3A_461 = vector.extract_strided_slice %get3A_146 {offsets = [11], sizes = [1], strides = [1]} : vector<16xf32> to vector<1xf32>
        %parallel_loop3A_462 = vector.extract %parallel_loop3A_461[0] : f32 from vector<1xf32>
        %parallel_loop3A_463 = vector.broadcast %parallel_loop3A_462 : f32 to vector<16xf32>
        %parallel_loop3A_464 = arith.mulf %parallel_loop3A_460, %parallel_loop3A_463 : vector<16xf32>
        %parallel_loop3A_465 = arith.addf %parallel_loop3A_440, %parallel_loop3A_464 : vector<16xf32>
        %parallel_loop3A_466 = vector.extract_strided_slice %get3A_148 {offsets = [11], sizes = [1], strides = [1]} : vector<16xf32> to vector<1xf32>
        %parallel_loop3A_467 = vector.extract %parallel_loop3A_466[0] : f32 from vector<1xf32>
        %parallel_loop3A_468 = vector.broadcast %parallel_loop3A_467 : f32 to vector<16xf32>
        %parallel_loop3A_469 = arith.mulf %parallel_loop3A_460, %parallel_loop3A_468 : vector<16xf32>
        %parallel_loop3A_470 = arith.addf %parallel_loop3A_445, %parallel_loop3A_469 : vector<16xf32>
        %parallel_loop3A_471 = arith.constant 12 : i32
        %parallel_loop3A_472 = vector.broadcast %parallel_loop3A_471 : i32 to vector<16xi32>
        %parallel_loop3A_473 = tpu.vector_load_idx %arg12[%parallel_loop3A_170, %parallel_loop3A_472] : memref<640x16xf32, #tpu.memory_space<vmem>>[vector<16xi32>, vector<16xi32>], vector<16xf32>,
        %parallel_loop3A_474 = tpu.vector_load_idx %arg13[%parallel_loop3A_170, %parallel_loop3A_472] : memref<640x16xf32, #tpu.memory_space<vmem>>[vector<16xi32>, vector<16xi32>], vector<16xf32>,
        %parallel_loop3A_475 = tpu.vector_load_idx %arg14[%parallel_loop3A_170, %parallel_loop3A_472] : memref<640x16xf32, #tpu.memory_space<vmem>>[vector<16xi32>, vector<16xi32>], vector<16xf32>,
        %parallel_loop3A_476 = arith.addf %parallel_loop3A_473, %parallel_loop3A_474 : vector<16xf32>
        %parallel_loop3A_477 = arith.mulf %parallel_loop3A_476, %parallel_loop3A_166 : vector<16xf32>
        %parallel_loop3A_478 = arith.addf %parallel_loop3A_477, %parallel_loop3A_475 : vector<16xf32>
        %parallel_loop3A_479 = vector.extract_strided_slice %get3A_144 {offsets = [12], sizes = [1], strides = [1]} : vector<16xf32> to vector<1xf32>
        %parallel_loop3A_480 = vector.extract %parallel_loop3A_479[0] : f32 from vector<1xf32>
        %parallel_loop3A_481 = vector.broadcast %parallel_loop3A_480 : f32 to vector<16xf32>
        %parallel_loop3A_482 = arith.addf %parallel_loop3A_478, %parallel_loop3A_481 : vector<16xf32>
        %parallel_loop3A_483 = arith.constant 0.000000e+00 : f32
        %parallel_loop3A_484 = vector.broadcast %parallel_loop3A_483 : f32 to vector<16xf32>
        %parallel_loop3A_485 = arith.maximumf %parallel_loop3A_482, %parallel_loop3A_484 : vector<16xf32>
        %parallel_loop3A_486 = vector.extract_strided_slice %get3A_146 {offsets = [12], sizes = [1], strides = [1]} : vector<16xf32> to vector<1xf32>
        %parallel_loop3A_487 = vector.extract %parallel_loop3A_486[0] : f32 from vector<1xf32>
        %parallel_loop3A_488 = vector.broadcast %parallel_loop3A_487 : f32 to vector<16xf32>
        %parallel_loop3A_489 = arith.mulf %parallel_loop3A_485, %parallel_loop3A_488 : vector<16xf32>
        %parallel_loop3A_490 = arith.addf %parallel_loop3A_465, %parallel_loop3A_489 : vector<16xf32>
        %parallel_loop3A_491 = vector.extract_strided_slice %get3A_148 {offsets = [12], sizes = [1], strides = [1]} : vector<16xf32> to vector<1xf32>
        %parallel_loop3A_492 = vector.extract %parallel_loop3A_491[0] : f32 from vector<1xf32>
        %parallel_loop3A_493 = vector.broadcast %parallel_loop3A_492 : f32 to vector<16xf32>
        %parallel_loop3A_494 = arith.mulf %parallel_loop3A_485, %parallel_loop3A_493 : vector<16xf32>
        %parallel_loop3A_495 = arith.addf %parallel_loop3A_470, %parallel_loop3A_494 : vector<16xf32>
        %parallel_loop3A_496 = arith.constant 13 : i32
        %parallel_loop3A_497 = vector.broadcast %parallel_loop3A_496 : i32 to vector<16xi32>
        %parallel_loop3A_498 = tpu.vector_load_idx %arg12[%parallel_loop3A_170, %parallel_loop3A_497] : memref<640x16xf32, #tpu.memory_space<vmem>>[vector<16xi32>, vector<16xi32>], vector<16xf32>,
        %parallel_loop3A_499 = tpu.vector_load_idx %arg13[%parallel_loop3A_170, %parallel_loop3A_497] : memref<640x16xf32, #tpu.memory_space<vmem>>[vector<16xi32>, vector<16xi32>], vector<16xf32>,
        %parallel_loop3A_500 = tpu.vector_load_idx %arg14[%parallel_loop3A_170, %parallel_loop3A_497] : memref<640x16xf32, #tpu.memory_space<vmem>>[vector<16xi32>, vector<16xi32>], vector<16xf32>,
        %parallel_loop3A_501 = arith.addf %parallel_loop3A_498, %parallel_loop3A_499 : vector<16xf32>
        %parallel_loop3A_502 = arith.mulf %parallel_loop3A_501, %parallel_loop3A_166 : vector<16xf32>
        %parallel_loop3A_503 = arith.addf %parallel_loop3A_502, %parallel_loop3A_500 : vector<16xf32>
        %parallel_loop3A_504 = vector.extract_strided_slice %get3A_144 {offsets = [13], sizes = [1], strides = [1]} : vector<16xf32> to vector<1xf32>
        %parallel_loop3A_505 = vector.extract %parallel_loop3A_504[0] : f32 from vector<1xf32>
        %parallel_loop3A_506 = vector.broadcast %parallel_loop3A_505 : f32 to vector<16xf32>
        %parallel_loop3A_507 = arith.addf %parallel_loop3A_503, %parallel_loop3A_506 : vector<16xf32>
        %parallel_loop3A_508 = arith.constant 0.000000e+00 : f32
        %parallel_loop3A_509 = vector.broadcast %parallel_loop3A_508 : f32 to vector<16xf32>
        %parallel_loop3A_510 = arith.maximumf %parallel_loop3A_507, %parallel_loop3A_509 : vector<16xf32>
        %parallel_loop3A_511 = vector.extract_strided_slice %get3A_146 {offsets = [13], sizes = [1], strides = [1]} : vector<16xf32> to vector<1xf32>
        %parallel_loop3A_512 = vector.extract %parallel_loop3A_511[0] : f32 from vector<1xf32>
        %parallel_loop3A_513 = vector.broadcast %parallel_loop3A_512 : f32 to vector<16xf32>
        %parallel_loop3A_514 = arith.mulf %parallel_loop3A_510, %parallel_loop3A_513 : vector<16xf32>
        %parallel_loop3A_515 = arith.addf %parallel_loop3A_490, %parallel_loop3A_514 : vector<16xf32>
        %parallel_loop3A_516 = vector.extract_strided_slice %get3A_148 {offsets = [13], sizes = [1], strides = [1]} : vector<16xf32> to vector<1xf32>
        %parallel_loop3A_517 = vector.extract %parallel_loop3A_516[0] : f32 from vector<1xf32>
        %parallel_loop3A_518 = vector.broadcast %parallel_loop3A_517 : f32 to vector<16xf32>
        %parallel_loop3A_519 = arith.mulf %parallel_loop3A_510, %parallel_loop3A_518 : vector<16xf32>
        %parallel_loop3A_520 = arith.addf %parallel_loop3A_495, %parallel_loop3A_519 : vector<16xf32>
        %parallel_loop3A_521 = arith.constant 14 : i32
        %parallel_loop3A_522 = vector.broadcast %parallel_loop3A_521 : i32 to vector<16xi32>
        %parallel_loop3A_523 = tpu.vector_load_idx %arg12[%parallel_loop3A_170, %parallel_loop3A_522] : memref<640x16xf32, #tpu.memory_space<vmem>>[vector<16xi32>, vector<16xi32>], vector<16xf32>,
        %parallel_loop3A_524 = tpu.vector_load_idx %arg13[%parallel_loop3A_170, %parallel_loop3A_522] : memref<640x16xf32, #tpu.memory_space<vmem>>[vector<16xi32>, vector<16xi32>], vector<16xf32>,
        %parallel_loop3A_525 = tpu.vector_load_idx %arg14[%parallel_loop3A_170, %parallel_loop3A_522] : memref<640x16xf32, #tpu.memory_space<vmem>>[vector<16xi32>, vector<16xi32>], vector<16xf32>,
        %parallel_loop3A_526 = arith.addf %parallel_loop3A_523, %parallel_loop3A_524 : vector<16xf32>
        %parallel_loop3A_527 = arith.mulf %parallel_loop3A_526, %parallel_loop3A_166 : vector<16xf32>
        %parallel_loop3A_528 = arith.addf %parallel_loop3A_527, %parallel_loop3A_525 : vector<16xf32>
        %parallel_loop3A_529 = vector.extract_strided_slice %get3A_144 {offsets = [14], sizes = [1], strides = [1]} : vector<16xf32> to vector<1xf32>
        %parallel_loop3A_530 = vector.extract %parallel_loop3A_529[0] : f32 from vector<1xf32>
        %parallel_loop3A_531 = vector.broadcast %parallel_loop3A_530 : f32 to vector<16xf32>
        %parallel_loop3A_532 = arith.addf %parallel_loop3A_528, %parallel_loop3A_531 : vector<16xf32>
        %parallel_loop3A_533 = arith.constant 0.000000e+00 : f32
        %parallel_loop3A_534 = vector.broadcast %parallel_loop3A_533 : f32 to vector<16xf32>
        %parallel_loop3A_535 = arith.maximumf %parallel_loop3A_532, %parallel_loop3A_534 : vector<16xf32>
        %parallel_loop3A_536 = vector.extract_strided_slice %get3A_146 {offsets = [14], sizes = [1], strides = [1]} : vector<16xf32> to vector<1xf32>
        %parallel_loop3A_537 = vector.extract %parallel_loop3A_536[0] : f32 from vector<1xf32>
        %parallel_loop3A_538 = vector.broadcast %parallel_loop3A_537 : f32 to vector<16xf32>
        %parallel_loop3A_539 = arith.mulf %parallel_loop3A_535, %parallel_loop3A_538 : vector<16xf32>
        %parallel_loop3A_540 = arith.addf %parallel_loop3A_515, %parallel_loop3A_539 : vector<16xf32>
        %parallel_loop3A_541 = vector.extract_strided_slice %get3A_148 {offsets = [14], sizes = [1], strides = [1]} : vector<16xf32> to vector<1xf32>
        %parallel_loop3A_542 = vector.extract %parallel_loop3A_541[0] : f32 from vector<1xf32>
        %parallel_loop3A_543 = vector.broadcast %parallel_loop3A_542 : f32 to vector<16xf32>
        %parallel_loop3A_544 = arith.mulf %parallel_loop3A_535, %parallel_loop3A_543 : vector<16xf32>
        %parallel_loop3A_545 = arith.addf %parallel_loop3A_520, %parallel_loop3A_544 : vector<16xf32>
        %parallel_loop3A_546 = arith.constant 15 : i32
        %parallel_loop3A_547 = vector.broadcast %parallel_loop3A_546 : i32 to vector<16xi32>
        %parallel_loop3A_548 = tpu.vector_load_idx %arg12[%parallel_loop3A_170, %parallel_loop3A_547] : memref<640x16xf32, #tpu.memory_space<vmem>>[vector<16xi32>, vector<16xi32>], vector<16xf32>,
        %parallel_loop3A_549 = tpu.vector_load_idx %arg13[%parallel_loop3A_170, %parallel_loop3A_547] : memref<640x16xf32, #tpu.memory_space<vmem>>[vector<16xi32>, vector<16xi32>], vector<16xf32>,
        %parallel_loop3A_550 = tpu.vector_load_idx %arg14[%parallel_loop3A_170, %parallel_loop3A_547] : memref<640x16xf32, #tpu.memory_space<vmem>>[vector<16xi32>, vector<16xi32>], vector<16xf32>,
        %parallel_loop3A_551 = arith.addf %parallel_loop3A_548, %parallel_loop3A_549 : vector<16xf32>
        %parallel_loop3A_552 = arith.mulf %parallel_loop3A_551, %parallel_loop3A_166 : vector<16xf32>
        %parallel_loop3A_553 = arith.addf %parallel_loop3A_552, %parallel_loop3A_550 : vector<16xf32>
        %parallel_loop3A_554 = vector.extract_strided_slice %get3A_144 {offsets = [15], sizes = [1], strides = [1]} : vector<16xf32> to vector<1xf32>
        %parallel_loop3A_555 = vector.extract %parallel_loop3A_554[0] : f32 from vector<1xf32>
        %parallel_loop3A_556 = vector.broadcast %parallel_loop3A_555 : f32 to vector<16xf32>
        %parallel_loop3A_557 = arith.addf %parallel_loop3A_553, %parallel_loop3A_556 : vector<16xf32>
        %parallel_loop3A_558 = arith.constant 0.000000e+00 : f32
        %parallel_loop3A_559 = vector.broadcast %parallel_loop3A_558 : f32 to vector<16xf32>
        %parallel_loop3A_560 = arith.maximumf %parallel_loop3A_557, %parallel_loop3A_559 : vector<16xf32>
        %parallel_loop3A_561 = vector.extract_strided_slice %get3A_146 {offsets = [15], sizes = [1], strides = [1]} : vector<16xf32> to vector<1xf32>
        %parallel_loop3A_562 = vector.extract %parallel_loop3A_561[0] : f32 from vector<1xf32>
        %parallel_loop3A_563 = vector.broadcast %parallel_loop3A_562 : f32 to vector<16xf32>
        %parallel_loop3A_564 = arith.mulf %parallel_loop3A_560, %parallel_loop3A_563 : vector<16xf32>
        %parallel_loop3A_565 = arith.addf %parallel_loop3A_540, %parallel_loop3A_564 : vector<16xf32>
        %parallel_loop3A_566 = vector.extract_strided_slice %get3A_148 {offsets = [15], sizes = [1], strides = [1]} : vector<16xf32> to vector<1xf32>
        %parallel_loop3A_567 = vector.extract %parallel_loop3A_566[0] : f32 from vector<1xf32>
        %parallel_loop3A_568 = vector.broadcast %parallel_loop3A_567 : f32 to vector<16xf32>
        %parallel_loop3A_569 = arith.mulf %parallel_loop3A_560, %parallel_loop3A_568 : vector<16xf32>
        %parallel_loop3A_570 = arith.addf %parallel_loop3A_545, %parallel_loop3A_569 : vector<16xf32>
        %parallel_loop3A_571 = arith.constant 16 : i32
        %parallel_loop3A_572 = arith.muli %parallel_loop3A_157, %parallel_loop3A_571 : i32
        %parallel_loop3A_573 = arith.index_cast %parallel_loop3A_572 : i32 to index
        %parallel_loop3A_574 = tpu.vector_load %arg17[%parallel_loop3A_573] {strides = array<i32>} : memref<640xf32, #tpu.memory_space<vmem>>, vector<16xf32>,
        tpu.vector_store %arg17[%parallel_loop3A_573], %parallel_loop3A_565 {strides = array<i32>} : memref<640xf32, #tpu.memory_space<vmem>>, vector<16xf32>,
        %parallel_loop3A_575 = arith.constant 16 : i32
        %parallel_loop3A_576 = arith.muli %parallel_loop3A_157, %parallel_loop3A_575 : i32
        %parallel_loop3A_577 = arith.index_cast %parallel_loop3A_576 : i32 to index
        %parallel_loop3A_578 = tpu.vector_load %arg18[%parallel_loop3A_577] {strides = array<i32>} : memref<640xf32, #tpu.memory_space<vmem>>, vector<16xf32>,
        tpu.vector_store %arg18[%parallel_loop3A_577], %parallel_loop3A_570 {strides = array<i32>} : memref<640xf32, #tpu.memory_space<vmem>>, vector<16xf32>,
        %parallel_loop3A_579 = arith.constant 16 : i32
        %parallel_loop3A_580 = arith.muli %parallel_loop3A_157, %parallel_loop3A_579 : i32
        %parallel_loop3A_581 = arith.index_cast %parallel_loop3A_580 : i32 to index
        %parallel_loop3A_582 = tpu.vector_load %arg19[%parallel_loop3A_581] {strides = array<i32>} : memref<640xf32, #tpu.memory_space<vmem>>, vector<16xf32>,
        tpu.vector_store %arg19[%parallel_loop3A_581], %parallel_loop3A_163 {strides = array<i32>} : memref<640xf32, #tpu.memory_space<vmem>>, vector<16xf32>,
      } {sc.loop_unroll_factor = 1 : i64, sc.parallel_access}
      "tpu.region"() ({
        %run_scoped3A = tpu.sem_alloc : memref<!tpu.dma_semaphore, #tpu.memory_space<semaphore_mem>>
        %dma_start3A_157 = arith.constant 0 : i32
        %dma_start3A_158 = tpu.memref_slice %arg17[%dma_start3A_157] : memref<640xf32, #tpu.memory_space<vmem>> -> memref<400xf32, #tpu.memory_space<vmem>>
        %dma_start3A_159 = tpu.memref_slice %arg29[%mul3A_38] : memref<10240xf32, #tpu.memory_space<vmem_shared>> -> memref<400xf32, #tpu.memory_space<vmem_shared>>
        %dma_start3A_160 = tpu.memref_slice %arg29[%mul3A_38] : memref<10240xf32, #tpu.memory_space<vmem_shared>> -> memref<400xf32, #tpu.memory_space<vmem_shared>>
        %dma_start3A_161 = arith.constant 0 : i32
        %dma_start3A_162 = tpu.memref_slice %arg17[%dma_start3A_161] : memref<640xf32, #tpu.memory_space<vmem>> -> memref<400xf32, #tpu.memory_space<vmem>>
        tpu.enqueue_dma source(%dma_start3A_162 : memref<400xf32, #tpu.memory_space<vmem>>) target(%dma_start3A_160 : memref<400xf32, #tpu.memory_space<vmem_shared>>) target_semaphore(%run_scoped3A : memref<!tpu.dma_semaphore, #tpu.memory_space<semaphore_mem>>)
        %dma_wait3A_163 = arith.constant 0 : i32
        %dma_wait3A_164 = tpu.memref_slice %arg17[%dma_wait3A_163] : memref<640xf32, #tpu.memory_space<vmem>> -> memref<400xf32, #tpu.memory_space<vmem>>
        %dma_wait3A_165 = tpu.memref_slice %arg29[%mul3A_38] : memref<10240xf32, #tpu.memory_space<vmem_shared>> -> memref<400xf32, #tpu.memory_space<vmem_shared>>
        %dma_wait3A_166 = tpu.memref_slice %arg29[%mul3A_38] : memref<10240xf32, #tpu.memory_space<vmem_shared>> -> memref<400xf32, #tpu.memory_space<vmem_shared>>
        %dma_wait3A_167 = arith.constant 0 : i32
        %dma_wait3A_168 = tpu.memref_slice %arg17[%dma_wait3A_167] : memref<640xf32, #tpu.memory_space<vmem>> -> memref<400xf32, #tpu.memory_space<vmem>>
        tpu.wait_dma2 semaphore(%run_scoped3A : memref<!tpu.dma_semaphore, #tpu.memory_space<semaphore_mem>>) src(%dma_wait3A_168 : memref<400xf32, #tpu.memory_space<vmem>>) dst(%dma_wait3A_166 : memref<400xf32, #tpu.memory_space<vmem_shared>>)
        tpu.yield
      }) : () -> ()
      %eq3A_152 = arith.constant 0 : i32
      %eq3A_153 = arith.cmpi eq, %arg0, %eq3A_152 : i32
      %convert_element_type3A_154 = arith.extui %eq3A_153 : i1 to i32
      %cond3A_155 = arith.constant 0 : i32
      %cond3A_156 = arith.cmpi ne, %convert_element_type3A_154, %cond3A_155 : i32
      scf.if %cond3A_156 {
        "tpu.region"() ({
          %run_scoped3A = tpu.sem_alloc : memref<!tpu.dma_semaphore, #tpu.memory_space<semaphore_mem>>
          %dma_start3A_157 = arith.constant 0 : i32
          %dma_start3A_158 = tpu.memref_slice %arg18[%dma_start3A_157] : memref<640xf32, #tpu.memory_space<vmem>> -> memref<400xf32, #tpu.memory_space<vmem>>
          %dma_start3A_159 = tpu.memref_slice %arg10[%mul3A_38] : memref<10240xf32, #tpu.memory_space<hbm>> -> memref<400xf32, #tpu.memory_space<hbm>>
          %dma_start3A_160 = tpu.memref_slice %arg10[%mul3A_38] : memref<10240xf32, #tpu.memory_space<hbm>> -> memref<400xf32, #tpu.memory_space<hbm>>
          %dma_start3A_161 = arith.constant 0 : i32
          %dma_start3A_162 = tpu.memref_slice %arg18[%dma_start3A_161] : memref<640xf32, #tpu.memory_space<vmem>> -> memref<400xf32, #tpu.memory_space<vmem>>
          tpu.enqueue_dma source(%dma_start3A_162 : memref<400xf32, #tpu.memory_space<vmem>>) target(%dma_start3A_160 : memref<400xf32, #tpu.memory_space<hbm>>) target_semaphore(%run_scoped3A : memref<!tpu.dma_semaphore, #tpu.memory_space<semaphore_mem>>)
          %dma_wait3A_163 = arith.constant 0 : i32
          %dma_wait3A_164 = tpu.memref_slice %arg18[%dma_wait3A_163] : memref<640xf32, #tpu.memory_space<vmem>> -> memref<400xf32, #tpu.memory_space<vmem>>
          %dma_wait3A_165 = tpu.memref_slice %arg10[%mul3A_38] : memref<10240xf32, #tpu.memory_space<hbm>> -> memref<400xf32, #tpu.memory_space<hbm>>
          %dma_wait3A_166 = tpu.memref_slice %arg10[%mul3A_38] : memref<10240xf32, #tpu.memory_space<hbm>> -> memref<400xf32, #tpu.memory_space<hbm>>
          %dma_wait3A_167 = arith.constant 0 : i32
          %dma_wait3A_168 = tpu.memref_slice %arg18[%dma_wait3A_167] : memref<640xf32, #tpu.memory_space<vmem>> -> memref<400xf32, #tpu.memory_space<vmem>>
          tpu.wait_dma2 semaphore(%run_scoped3A : memref<!tpu.dma_semaphore, #tpu.memory_space<semaphore_mem>>) src(%dma_wait3A_168 : memref<400xf32, #tpu.memory_space<vmem>>) dst(%dma_wait3A_166 : memref<400xf32, #tpu.memory_space<hbm>>)
          tpu.yield
        }) : () -> ()
        "tpu.region"() ({
          %run_scoped3A = tpu.sem_alloc : memref<!tpu.dma_semaphore, #tpu.memory_space<semaphore_mem>>
          %dma_start3A_157 = arith.constant 0 : i32
          %dma_start3A_158 = tpu.memref_slice %arg19[%dma_start3A_157] : memref<640xf32, #tpu.memory_space<vmem>> -> memref<400xf32, #tpu.memory_space<vmem>>
          %dma_start3A_159 = tpu.memref_slice %arg11[%mul3A_38] : memref<10240xf32, #tpu.memory_space<hbm>> -> memref<400xf32, #tpu.memory_space<hbm>>
          %dma_start3A_160 = tpu.memref_slice %arg11[%mul3A_38] : memref<10240xf32, #tpu.memory_space<hbm>> -> memref<400xf32, #tpu.memory_space<hbm>>
          %dma_start3A_161 = arith.constant 0 : i32
          %dma_start3A_162 = tpu.memref_slice %arg19[%dma_start3A_161] : memref<640xf32, #tpu.memory_space<vmem>> -> memref<400xf32, #tpu.memory_space<vmem>>
          tpu.enqueue_dma source(%dma_start3A_162 : memref<400xf32, #tpu.memory_space<vmem>>) target(%dma_start3A_160 : memref<400xf32, #tpu.memory_space<hbm>>) target_semaphore(%run_scoped3A : memref<!tpu.dma_semaphore, #tpu.memory_space<semaphore_mem>>)
          %dma_wait3A_163 = arith.constant 0 : i32
          %dma_wait3A_164 = tpu.memref_slice %arg19[%dma_wait3A_163] : memref<640xf32, #tpu.memory_space<vmem>> -> memref<400xf32, #tpu.memory_space<vmem>>
          %dma_wait3A_165 = tpu.memref_slice %arg11[%mul3A_38] : memref<10240xf32, #tpu.memory_space<hbm>> -> memref<400xf32, #tpu.memory_space<hbm>>
          %dma_wait3A_166 = tpu.memref_slice %arg11[%mul3A_38] : memref<10240xf32, #tpu.memory_space<hbm>> -> memref<400xf32, #tpu.memory_space<hbm>>
          %dma_wait3A_167 = arith.constant 0 : i32
          %dma_wait3A_168 = tpu.memref_slice %arg19[%dma_wait3A_167] : memref<640xf32, #tpu.memory_space<vmem>> -> memref<400xf32, #tpu.memory_space<vmem>>
          tpu.wait_dma2 semaphore(%run_scoped3A : memref<!tpu.dma_semaphore, #tpu.memory_space<semaphore_mem>>) src(%dma_wait3A_168 : memref<400xf32, #tpu.memory_space<vmem>>) dst(%dma_wait3A_166 : memref<400xf32, #tpu.memory_space<hbm>>)
          tpu.yield
        }) : () -> ()
      } else {
      }
    } else {
    }
    %parallel_loop3A = arith.constant 0 : i32
    %parallel_loop3A_21 = arith.constant 625 : i32
    %parallel_loop3A_22 = arith.constant 1 : i32
    scf.for %parallel_loop3A_37 = %parallel_loop3A to %parallel_loop3A_21 step %parallel_loop3A_22  : i32 {
      %parallel_loop3A_38 = arith.constant 16 : i32
      %parallel_loop3A_39 = arith.muli %parallel_loop3A_37, %parallel_loop3A_38 : i32
      %parallel_loop3A_40 = arith.index_cast %parallel_loop3A_39 : i32 to index
      %parallel_loop3A_41 = tpu.vector_load %arg26[%parallel_loop3A_40] {strides = array<i32>} : memref<10000xf32, #tpu.memory_space<vmem>>, vector<16xf32>,
      tpu.vector_store %arg26[%parallel_loop3A_40], %broadcast_in_dim3A_14 {strides = array<i32>} : memref<10000xf32, #tpu.memory_space<vmem>>, vector<16xf32>,
    } {sc.loop_unroll_factor = 8 : i64, sc.parallel_access}
    %dma_wait3A = arith.constant 0 : i32
    %dma_wait3A_23 = tpu.memref_slice %arg8[%dma_wait3A, %mul3A_2] : memref<2x320000xi32, #tpu.memory_space<hbm>> -> memref<1x10000xi32, #tpu.memory_space<hbm>>
    %dma_wait3A_24 = tpu.memref_squeeze %dma_wait3A_23 : memref<1x10000xi32, #tpu.memory_space<hbm>> -> memref<10000xi32, #tpu.memory_space<hbm>>
    %dma_wait3A_25 = tpu.memref_slice %arg8[%dma_wait3A, %mul3A_2] : memref<2x320000xi32, #tpu.memory_space<hbm>> -> memref<1x10000xi32, #tpu.memory_space<hbm>>
    %dma_wait3A_26 = tpu.memref_squeeze %dma_wait3A_25 : memref<1x10000xi32, #tpu.memory_space<hbm>> -> memref<10000xi32, #tpu.memory_space<hbm>>
    tpu.wait_dma2 semaphore(%arg27 : memref<!tpu.dma_semaphore, #tpu.memory_space<semaphore_mem>>) src(%dma_wait3A_26 : memref<10000xi32, #tpu.memory_space<hbm>>) dst(%arg24 : memref<10000xi32, #tpu.memory_space<vmem>>)
    %dma_wait3A_27 = arith.constant 1 : i32
    %dma_wait3A_28 = tpu.memref_slice %arg8[%dma_wait3A_27, %mul3A_8] : memref<2x320000xi32, #tpu.memory_space<hbm>> -> memref<1x10000xi32, #tpu.memory_space<hbm>>
    %dma_wait3A_29 = tpu.memref_squeeze %dma_wait3A_28 : memref<1x10000xi32, #tpu.memory_space<hbm>> -> memref<10000xi32, #tpu.memory_space<hbm>>
    %dma_wait3A_30 = tpu.memref_slice %arg8[%dma_wait3A_27, %mul3A_8] : memref<2x320000xi32, #tpu.memory_space<hbm>> -> memref<1x10000xi32, #tpu.memory_space<hbm>>
    %dma_wait3A_31 = tpu.memref_squeeze %dma_wait3A_30 : memref<1x10000xi32, #tpu.memory_space<hbm>> -> memref<10000xi32, #tpu.memory_space<hbm>>
    tpu.wait_dma2 semaphore(%arg27 : memref<!tpu.dma_semaphore, #tpu.memory_space<semaphore_mem>>) src(%dma_wait3A_31 : memref<10000xi32, #tpu.memory_space<hbm>>) dst(%arg25 : memref<10000xi32, #tpu.memory_space<vmem>>)
    %barrier3A = arith.constant 0 : index
    tpu.barrier barrier_id(%barrier3A)
    "tpu.region"() ({
      %run_scoped3A = tpu.sem_alloc : memref<!tpu.dma_semaphore, #tpu.memory_space<semaphore_mem>>
      tpu.enqueue_dma source(%arg29 : memref<10240xf32, #tpu.memory_space<vmem_shared>>) target(%arg23 : memref<10240xf32, #tpu.memory_space<vmem>>) target_semaphore(%run_scoped3A : memref<!tpu.dma_semaphore, #tpu.memory_space<semaphore_mem>>)
      tpu.wait_dma2 semaphore(%run_scoped3A : memref<!tpu.dma_semaphore, #tpu.memory_space<semaphore_mem>>) src(%arg29 : memref<10240xf32, #tpu.memory_space<vmem_shared>>) dst(%arg23 : memref<10240xf32, #tpu.memory_space<vmem>>)
      tpu.yield
    }) : () -> ()
    %parallel_loop3A_32 = arith.constant 0 : i32
    %parallel_loop3A_33 = arith.constant 625 : i32
    %parallel_loop3A_34 = arith.constant 1 : i32
    scf.for %parallel_loop3A_37 = %parallel_loop3A_32 to %parallel_loop3A_33 step %parallel_loop3A_34  : i32 {
      %parallel_loop3A_38 = arith.constant 16 : i32
      %parallel_loop3A_39 = arith.muli %parallel_loop3A_37, %parallel_loop3A_38 : i32
      %parallel_loop3A_40 = arith.index_cast %parallel_loop3A_39 : i32 to index
      %parallel_loop3A_41 = tpu.vector_load %arg24[%parallel_loop3A_40] {strides = array<i32>} : memref<10000xi32, #tpu.memory_space<vmem>>, vector<16xi32>,
      %parallel_loop3A_42 = arith.constant 16 : i32
      %parallel_loop3A_43 = arith.muli %parallel_loop3A_37, %parallel_loop3A_42 : i32
      %parallel_loop3A_44 = arith.index_cast %parallel_loop3A_43 : i32 to index
      %parallel_loop3A_45 = tpu.vector_load %arg25[%parallel_loop3A_44] {strides = array<i32>} : memref<10000xi32, #tpu.memory_space<vmem>>, vector<16xi32>,
      %parallel_loop3A_46 = tpu.vector_load_idx %arg23[%parallel_loop3A_41] : memref<10240xf32, #tpu.memory_space<vmem>>[vector<16xi32>], vector<16xf32>,
      tpu.vector_store_idx %arg26[%parallel_loop3A_45], %parallel_loop3A_46 {add = true} : memref<10000xf32, #tpu.memory_space<vmem>>[vector<16xi32>], vector<16xf32>,
    } {sc.loop_unroll_factor = 5 : i64, sc.parallel_access}
    %mul3A_35 = arith.constant 10000 : i32
    %mul3A_36 = arith.muli %add3A, %mul3A_35 : i32
    "tpu.region"() ({
      %run_scoped3A = tpu.sem_alloc : memref<!tpu.dma_semaphore, #tpu.memory_space<semaphore_mem>>
      %dma_start3A_37 = arith.constant 0 : i32
      %dma_start3A_38 = tpu.memref_slice %arg26[%dma_start3A_37] : memref<10000xf32, #tpu.memory_space<vmem>> -> memref<10000xf32, #tpu.memory_space<vmem>>
      %dma_start3A_39 = tpu.memref_slice %arg9[%mul3A_36] : memref<320000xf32, #tpu.memory_space<hbm>> -> memref<10000xf32, #tpu.memory_space<hbm>>
      %dma_start3A_40 = tpu.memref_slice %arg9[%mul3A_36] : memref<320000xf32, #tpu.memory_space<hbm>> -> memref<10000xf32, #tpu.memory_space<hbm>>
      %dma_start3A_41 = arith.constant 0 : i32
      %dma_start3A_42 = tpu.memref_slice %arg26[%dma_start3A_41] : memref<10000xf32, #tpu.memory_space<vmem>> -> memref<10000xf32, #tpu.memory_space<vmem>>
      tpu.enqueue_dma source(%dma_start3A_42 : memref<10000xf32, #tpu.memory_space<vmem>>) target(%dma_start3A_40 : memref<10000xf32, #tpu.memory_space<hbm>>) target_semaphore(%run_scoped3A : memref<!tpu.dma_semaphore, #tpu.memory_space<semaphore_mem>>)
      %dma_wait3A_43 = arith.constant 0 : i32
      %dma_wait3A_44 = tpu.memref_slice %arg26[%dma_wait3A_43] : memref<10000xf32, #tpu.memory_space<vmem>> -> memref<10000xf32, #tpu.memory_space<vmem>>
      %dma_wait3A_45 = tpu.memref_slice %arg9[%mul3A_36] : memref<320000xf32, #tpu.memory_space<hbm>> -> memref<10000xf32, #tpu.memory_space<hbm>>
      %dma_wait3A_46 = tpu.memref_slice %arg9[%mul3A_36] : memref<320000xf32, #tpu.memory_space<hbm>> -> memref<10000xf32, #tpu.memory_space<hbm>>
      %dma_wait3A_47 = arith.constant 0 : i32
      %dma_wait3A_48 = tpu.memref_slice %arg26[%dma_wait3A_47] : memref<10000xf32, #tpu.memory_space<vmem>> -> memref<10000xf32, #tpu.memory_space<vmem>>
      tpu.wait_dma2 semaphore(%run_scoped3A : memref<!tpu.dma_semaphore, #tpu.memory_space<semaphore_mem>>) src(%dma_wait3A_48 : memref<10000xf32, #tpu.memory_space<vmem>>) dst(%dma_wait3A_46 : memref<10000xf32, #tpu.memory_space<hbm>>)
      tpu.yield
    }) : () -> ()
    return
  }
}

module attributes {stable_mosaic.version = 14 : i64} {
  func.func @_tc_transform(%arg0: memref<10000x128xf32, #tpu.memory_space<vmem>>, %arg1: memref<128x16xf32, #tpu.memory_space<vmem>>, %arg2: memref<128x16xf32, #tpu.memory_space<vmem>>, %arg3: memref<10000x128xf32, #tpu.memory_space<vmem>>) attributes {dimension_semantics = [], scalar_prefetch = 0 : i64, scratch_operands = 0 : i64, tpu.core_type = #tpu.core_type<tc>} {
    %get3A = arith.constant 0 : index
    %get3A_0 = arith.constant 0 : index
    %get3A_1 = vector.load %arg1[%get3A, %get3A_0] : memref<128x16xf32, #tpu.memory_space<vmem>>, vector<128x16xf32>
    %get3A_2 = arith.constant 0 : index
    %get3A_3 = arith.constant 0 : index
    %get3A_4 = vector.load %arg2[%get3A_2, %get3A_3] : memref<128x16xf32, #tpu.memory_space<vmem>>, vector<128x16xf32>
    %concatenate3A = tpu.concatenate %get3A_1, %get3A_4 in 1 : vector<128x16xf32>, vector<128x16xf32> -> vector<128x32xf32>
    %get3A_5 = arith.constant 0 : index
    %get3A_6 = arith.constant 0 : index
    %get3A_7 = vector.load %arg0[%get3A_5, %get3A_6] : memref<10000x128xf32, #tpu.memory_space<vmem>>, vector<10000x128xf32>
    %dot_general3A = arith.constant dense<0.000000e+00> : vector<10000x32xf32>
    %dot_general3A_8 = tpu.matmul %get3A_7, %concatenate3A, %dot_general3A {dimension_numbers = #tpu.dot_dimension_numbers<[1], [0], [0], [1], [0, 0, 1, 1], [], []>, precision = #tpu.contract_precision<fp32>, transpose_lhs_hint = false} : vector<10000x128xf32>, vector<128x32xf32>, vector<10000x32xf32> -> vector<10000x32xf32>
    %swap3A = arith.constant 0 : index
    %swap3A_9 = arith.constant 0 : index
    %swap3A_10 = vector.load %arg3[%swap3A, %swap3A_9] : memref<10000x128xf32, #tpu.memory_space<vmem>>, vector<10000x32xf32>
    tpu.vector_store %arg3[%swap3A, %swap3A_9], %dot_general3A_8 {strides = array<i32>} : memref<10000x128xf32, #tpu.memory_space<vmem>>, vector<10000x32xf32>,
    return
  }
}

module attributes {stable_mosaic.version = 14 : i64} {
  func.func @_tc_final(%arg0: memref<320000xf32, #tpu.memory_space<vmem>>, %arg1: memref<10240xf32, #tpu.memory_space<vmem>>, %arg2: memref<10240xf32, #tpu.memory_space<vmem>>, %arg3: memref<1xf32, #tpu.memory_space<vmem>>, %arg4: memref<10000xf32, #tpu.memory_space<vmem>>) attributes {dimension_semantics = [], scalar_prefetch = 0 : i64, scratch_operands = 0 : i64, tpu.core_type = #tpu.core_type<tc>} {
    %get3A = arith.constant 0 : index
    %get3A_0 = vector.load %arg0[%get3A] : memref<320000xf32, #tpu.memory_space<vmem>>, vector<10000xf32>
    %get3A_1 = arith.constant 10000 : index
    %get3A_2 = vector.load %arg0[%get3A_1] : memref<320000xf32, #tpu.memory_space<vmem>>, vector<10000xf32>
    %add3A = arith.addf %get3A_0, %get3A_2 : vector<10000xf32>
    %get3A_3 = arith.constant 20000 : index
    %get3A_4 = vector.load %arg0[%get3A_3] : memref<320000xf32, #tpu.memory_space<vmem>>, vector<10000xf32>
    %add3A_5 = arith.addf %add3A, %get3A_4 : vector<10000xf32>
    %get3A_6 = arith.constant 30000 : index
    %get3A_7 = vector.load %arg0[%get3A_6] : memref<320000xf32, #tpu.memory_space<vmem>>, vector<10000xf32>
    %add3A_8 = arith.addf %add3A_5, %get3A_7 : vector<10000xf32>
    %get3A_9 = arith.constant 40000 : index
    %get3A_10 = vector.load %arg0[%get3A_9] : memref<320000xf32, #tpu.memory_space<vmem>>, vector<10000xf32>
    %add3A_11 = arith.addf %add3A_8, %get3A_10 : vector<10000xf32>
    %get3A_12 = arith.constant 50000 : index
    %get3A_13 = vector.load %arg0[%get3A_12] : memref<320000xf32, #tpu.memory_space<vmem>>, vector<10000xf32>
    %add3A_14 = arith.addf %add3A_11, %get3A_13 : vector<10000xf32>
    %get3A_15 = arith.constant 60000 : index
    %get3A_16 = vector.load %arg0[%get3A_15] : memref<320000xf32, #tpu.memory_space<vmem>>, vector<10000xf32>
    %add3A_17 = arith.addf %add3A_14, %get3A_16 : vector<10000xf32>
    %get3A_18 = arith.constant 70000 : index
    %get3A_19 = vector.load %arg0[%get3A_18] : memref<320000xf32, #tpu.memory_space<vmem>>, vector<10000xf32>
    %add3A_20 = arith.addf %add3A_17, %get3A_19 : vector<10000xf32>
    %get3A_21 = arith.constant 80000 : index
    %get3A_22 = vector.load %arg0[%get3A_21] : memref<320000xf32, #tpu.memory_space<vmem>>, vector<10000xf32>
    %add3A_23 = arith.addf %add3A_20, %get3A_22 : vector<10000xf32>
    %get3A_24 = arith.constant 90000 : index
    %get3A_25 = vector.load %arg0[%get3A_24] : memref<320000xf32, #tpu.memory_space<vmem>>, vector<10000xf32>
    %add3A_26 = arith.addf %add3A_23, %get3A_25 : vector<10000xf32>
    %get3A_27 = arith.constant 100000 : index
    %get3A_28 = vector.load %arg0[%get3A_27] : memref<320000xf32, #tpu.memory_space<vmem>>, vector<10000xf32>
    %add3A_29 = arith.addf %add3A_26, %get3A_28 : vector<10000xf32>
    %get3A_30 = arith.constant 110000 : index
    %get3A_31 = vector.load %arg0[%get3A_30] : memref<320000xf32, #tpu.memory_space<vmem>>, vector<10000xf32>
    %add3A_32 = arith.addf %add3A_29, %get3A_31 : vector<10000xf32>
    %get3A_33 = arith.constant 120000 : index
    %get3A_34 = vector.load %arg0[%get3A_33] : memref<320000xf32, #tpu.memory_space<vmem>>, vector<10000xf32>
    %add3A_35 = arith.addf %add3A_32, %get3A_34 : vector<10000xf32>
    %get3A_36 = arith.constant 130000 : index
    %get3A_37 = vector.load %arg0[%get3A_36] : memref<320000xf32, #tpu.memory_space<vmem>>, vector<10000xf32>
    %add3A_38 = arith.addf %add3A_35, %get3A_37 : vector<10000xf32>
    %get3A_39 = arith.constant 140000 : index
    %get3A_40 = vector.load %arg0[%get3A_39] : memref<320000xf32, #tpu.memory_space<vmem>>, vector<10000xf32>
    %add3A_41 = arith.addf %add3A_38, %get3A_40 : vector<10000xf32>
    %get3A_42 = arith.constant 150000 : index
    %get3A_43 = vector.load %arg0[%get3A_42] : memref<320000xf32, #tpu.memory_space<vmem>>, vector<10000xf32>
    %add3A_44 = arith.addf %add3A_41, %get3A_43 : vector<10000xf32>
    %get3A_45 = arith.constant 160000 : index
    %get3A_46 = vector.load %arg0[%get3A_45] : memref<320000xf32, #tpu.memory_space<vmem>>, vector<10000xf32>
    %add3A_47 = arith.addf %add3A_44, %get3A_46 : vector<10000xf32>
    %get3A_48 = arith.constant 170000 : index
    %get3A_49 = vector.load %arg0[%get3A_48] : memref<320000xf32, #tpu.memory_space<vmem>>, vector<10000xf32>
    %add3A_50 = arith.addf %add3A_47, %get3A_49 : vector<10000xf32>
    %get3A_51 = arith.constant 180000 : index
    %get3A_52 = vector.load %arg0[%get3A_51] : memref<320000xf32, #tpu.memory_space<vmem>>, vector<10000xf32>
    %add3A_53 = arith.addf %add3A_50, %get3A_52 : vector<10000xf32>
    %get3A_54 = arith.constant 190000 : index
    %get3A_55 = vector.load %arg0[%get3A_54] : memref<320000xf32, #tpu.memory_space<vmem>>, vector<10000xf32>
    %add3A_56 = arith.addf %add3A_53, %get3A_55 : vector<10000xf32>
    %get3A_57 = arith.constant 200000 : index
    %get3A_58 = vector.load %arg0[%get3A_57] : memref<320000xf32, #tpu.memory_space<vmem>>, vector<10000xf32>
    %add3A_59 = arith.addf %add3A_56, %get3A_58 : vector<10000xf32>
    %get3A_60 = arith.constant 210000 : index
    %get3A_61 = vector.load %arg0[%get3A_60] : memref<320000xf32, #tpu.memory_space<vmem>>, vector<10000xf32>
    %add3A_62 = arith.addf %add3A_59, %get3A_61 : vector<10000xf32>
    %get3A_63 = arith.constant 220000 : index
    %get3A_64 = vector.load %arg0[%get3A_63] : memref<320000xf32, #tpu.memory_space<vmem>>, vector<10000xf32>
    %add3A_65 = arith.addf %add3A_62, %get3A_64 : vector<10000xf32>
    %get3A_66 = arith.constant 230000 : index
    %get3A_67 = vector.load %arg0[%get3A_66] : memref<320000xf32, #tpu.memory_space<vmem>>, vector<10000xf32>
    %add3A_68 = arith.addf %add3A_65, %get3A_67 : vector<10000xf32>
    %get3A_69 = arith.constant 240000 : index
    %get3A_70 = vector.load %arg0[%get3A_69] : memref<320000xf32, #tpu.memory_space<vmem>>, vector<10000xf32>
    %add3A_71 = arith.addf %add3A_68, %get3A_70 : vector<10000xf32>
    %get3A_72 = arith.constant 250000 : index
    %get3A_73 = vector.load %arg0[%get3A_72] : memref<320000xf32, #tpu.memory_space<vmem>>, vector<10000xf32>
    %add3A_74 = arith.addf %add3A_71, %get3A_73 : vector<10000xf32>
    %get3A_75 = arith.constant 260000 : index
    %get3A_76 = vector.load %arg0[%get3A_75] : memref<320000xf32, #tpu.memory_space<vmem>>, vector<10000xf32>
    %add3A_77 = arith.addf %add3A_74, %get3A_76 : vector<10000xf32>
    %get3A_78 = arith.constant 270000 : index
    %get3A_79 = vector.load %arg0[%get3A_78] : memref<320000xf32, #tpu.memory_space<vmem>>, vector<10000xf32>
    %add3A_80 = arith.addf %add3A_77, %get3A_79 : vector<10000xf32>
    %get3A_81 = arith.constant 280000 : index
    %get3A_82 = vector.load %arg0[%get3A_81] : memref<320000xf32, #tpu.memory_space<vmem>>, vector<10000xf32>
    %add3A_83 = arith.addf %add3A_80, %get3A_82 : vector<10000xf32>
    %get3A_84 = arith.constant 290000 : index
    %get3A_85 = vector.load %arg0[%get3A_84] : memref<320000xf32, #tpu.memory_space<vmem>>, vector<10000xf32>
    %add3A_86 = arith.addf %add3A_83, %get3A_85 : vector<10000xf32>
    %get3A_87 = arith.constant 300000 : index
    %get3A_88 = vector.load %arg0[%get3A_87] : memref<320000xf32, #tpu.memory_space<vmem>>, vector<10000xf32>
    %add3A_89 = arith.addf %add3A_86, %get3A_88 : vector<10000xf32>
    %get3A_90 = arith.constant 310000 : index
    %get3A_91 = vector.load %arg0[%get3A_90] : memref<320000xf32, #tpu.memory_space<vmem>>, vector<10000xf32>
    %add3A_92 = arith.addf %add3A_89, %get3A_91 : vector<10000xf32>
    %get3A_93 = arith.constant 0 : index
    %get3A_94 = vector.load %arg1[%get3A_93] : memref<10240xf32, #tpu.memory_space<vmem>>, vector<10000xf32>
    %div3A = arith.divf %add3A_92, %get3A_94 : vector<10000xf32>
    %get3A_95 = arith.constant 0 : index
    %get3A_96 = vector.load %arg2[%get3A_95] : memref<10240xf32, #tpu.memory_space<vmem>>, vector<10000xf32>
    %add3A_97 = arith.addf %div3A, %get3A_96 : vector<10000xf32>
    %get3A_98 = arith.constant 0 : index
    %get3A_99 = vector.load %arg3[%get3A_98] : memref<1xf32, #tpu.memory_space<vmem>>, vector<1xf32>
    %squeeze3A = vector.extract %get3A_99[0] : f32 from vector<1xf32>
    %add3A_100 = vector.broadcast %squeeze3A : f32 to vector<10000xf32>
    %add3A_101 = arith.addf %add3A_97, %add3A_100 : vector<10000xf32>
    %swap3A = arith.constant 0 : index
    %swap3A_102 = vector.load %arg4[%swap3A] : memref<10000xf32, #tpu.memory_space<vmem>>, vector<10000xf32>
    tpu.vector_store %arg4[%swap3A], %add3A_101 {strides = array<i32>} : memref<10000xf32, #tpu.memory_space<vmem>>, vector<10000xf32>,
    return
  }
}

</mosaic_0001>

<sc_bundles>
// kernel: kernel.6.cloned.1.call-start
scs
__scs_entry_jumppad:
0x0: {  	(pc) =	sbr.rel $0x88, $3  }
0x1: {  	(tag) =	ssettag $0x0;
	lr =	simm.s32 $0x1  }
0x2: {  	[smem:$0x3F99] =	sst lr;
	_ =	strace $0xD0000000  }
0x3: {  	_ = 	snop  }
0x4: {  	_ = 	snop  }
0x5: {  	_ = 	snop  }
0x6: {  	_ = 	snop  }
0x7: {  	_ = 	snop  }
__scs_overlays_trampoline_lowered:
0x8: {  	[smem:$0x3FA8] =	sst s0  }
0x9: {  	[smem:$0x3FA9] =	sst s1  }
0xa: {  	[smem:$0x3FAA] =	sst s2  }
0xb: {  	[smem:$0x3FAB] =	sst s3  }
0xc: {  	[smem:$0x3FAC] =	sst s4  }
0xd: {  	[smem:$0x3FAD] =	sst s5  }
0xe: {  	[smem:$0x3FAE] =	sst s6  }
0xf: {  	[smem:$0x3FAF] =	sst s7  }
0x10: {  	[smem:$0x3FB0] =	sst s8  }
0x11: {  	[smem:$0x3FB1] =	sst s9;
	s0 =	simm.s32 @!p0 $0x0  }
0x12: {  	s1 =	sld [smem:$0x3F97];
	s0 =	simm.s32 @p0 $0x1  }
0x13: {  	[smem:$0x3FB2] =	sst s0;
	s0 =	simm.s32 @!p1 $0x0  }
0x14: {  	s2 =	sld [smem:$0x3F96];
	s0 =	simm.s32 @p1 $0x1  }
0x15: {  	[smem:$0x3FB3] =	sst s0;
	s0 =	simm.s32 @!p2 $0x0  }
0x16: {  	s3 =	sld [smem:$0x3FDB];
	s0 =	simm.s32 @p2 $0x1  }
0x17: {  	s4 =	simm.s32 $0x1BF5;
	[smem:$0x3FB5] =	sst s0  }
0x18: {  	s0 =	sld [smem:$0x3F98];
	_ =	swait.ge [sflag:s4], $0x0  }
0x19: {  	s7 =	sld [smem:$0x3F99]  }
0x1a: {  	s8 =	sadd.s32 $0xFFFFE003, lr  }
0x1b: {  	s9 =	sadd.s32 $0xFFFFFEF7, lr;
	s5 =	simm.s32 $0xFFFFFFFF;
	p2 =	slt.u32 s8, $0xFFFFF086  }
0x1c: {  	p1 =	slt.u32 s9, $0xF7A;
	s5 =	simm.s32 @!p2 $0x0  }
0x1d: {  	s5 =	simm.s32 @p1 $0x1;
	p0 =	seq.s32 s7, s2  }
0x1e: {  	s7 =	smul.u32 @!p0 $0xF7A, s2;
	p2 =	seq.s32 @!p0 s5, $0x0  }
0x1f: {  	s9 =	smul.u32 $0xF7A, s1;
	s8 =	simm.s32 @!p0 $0x1BF5;
	p2 =	por !p2, p0  }
0x20: {  	[sflag:s8] =	ssyncset.s32 @!p0 $0xFFFFF086;
	s6 =	sadd.s32 @!p0 s3, s7;
	s7 =	simm.s32 @!p0 $0x108  }
0x21: {  	s3 =	sadd.s32 s3, s9;
	s6 =	sadd.s32 @!p0 $0x88, s6;
	s7 =	simm.s32 @p2 $0x1082  }
0x22: {  	[simem:s7], [sflag:s8] =	dma.local @!p0 [hbm:s6], $0xF7A  }
0x23: {  	s9 =	sor.u32 $0xD0000000, s2;
	s6 =	simm.s32 $0x108;
	_ =	swait.ge @!p0 [sflag:s8], $0x0  }
0x24: {  	s3 =	sadd.s32 $0x88, s3;
	s6 =	simm.s32 @!p1 $0x1082;
	[sflag:s4] =	ssyncset.s32 $0xFFFFF086  }
0x25: {  	[simem:s6], [sflag:s4] =	dma.local [hbm:s3], $0xF7A  }
0x26: {  	[smem:$0x3F99] =	sst s1;
	(tag) =	ssettag s2;
	_ =	strace s9  }
0x27: {  	s1 =	sld [smem:$0x3FA9]  }
0x28: {  	s2 =	sld [smem:$0x3FAA]  }
0x29: {  	s4 =	sld [smem:$0x3FAC]  }
0x2a: {  	p0 =	seq.s32 s5, $0x0;
	s5 =	sld [smem:$0x3FAD]  }
0x2b: {  	s6 =	sld [smem:$0x3FAE]  }
0x2c: {  	s7 =	sld [smem:$0x3FAF]  }
0x2d: {  	s3 =	simm.s32 $0x108;
	s8 =	sld [smem:$0x3FB0]  }
0x2e: {  	s3 =	simm.s32 @!p0 $0x1082;
	s9 =	sld [smem:$0x3FB1]  }
0x2f: {  	lr =	sadd.s32 s0, s3;
	s0 =	sld [smem:$0x3FA8]  }
0x30: {  	s3 =	sld [smem:$0x3FAB]  }
0x31: {  	[smem:$0x3FB4] =	sst s10  }
0x32: {  	s10 =	sld [smem:$0x3FB2];
	_ =	sdelay $0x3  }
0x33: {  	p0 =	seq.s32 s10, $0x1;
	s10 =	sld [smem:$0x3FB4];
	_ =	sdelay $0x3  }
0x34: {  	[smem:$0x3FB4] =	sst s10  }
0x35: {  	s10 =	sld [smem:$0x3FB3];
	_ =	sdelay $0x3  }
0x36: {  	p1 =	seq.s32 s10, $0x1;
	s10 =	sld [smem:$0x3FB4];
	_ =	sdelay $0x3  }
0x37: {  	[smem:$0x3FB4] =	sst s10  }
0x38: {  	s10 =	sld [smem:$0x3FB5]  }
0x39: {  	_ = 	snop;
	(pc) =	sbr.ind lr, $3  }
0x3a: {  	_ = 	snop  }
0x3b: {  	_ = 	snop  }
0x3c: {  	p2 =	seq.s32 s10, $0x1;
	s10 =	sld [smem:$0x3FB4]  }
0x3d: {  	_ =	shalt  }
0x3e: {  	_ =	shalt  }
0x3f: {  	_ =	shalt  }
0x40: {  	_ =	shalt  }
0x41: {  	_ =	shalt  }
0x42: {  	_ =	shalt  }
0x43: {  	_ =	shalt  }
0x44: {  	_ =	shalt  }
0x45: {  	_ =	shalt  }
0x46: {  	_ =	shalt  }
0x47: {  	_ =	shalt  }
0x48: {  	_ =	shalt  }
0x49: {  	_ =	shalt  }
0x4a: {  	_ =	shalt  }
0x4b: {  	_ =	shalt  }
0x4c: {  	_ =	shalt  }
0x4d: {  	_ =	shalt  }
0x4e: {  	_ =	shalt  }
0x4f: {  	_ =	shalt  }
0x50: {  	_ =	shalt  }
0x51: {  	_ =	shalt  }
0x52: {  	_ =	shalt  }
0x53: {  	_ =	shalt  }
0x54: {  	_ =	shalt  }
0x55: {  	_ =	shalt  }
0x56: {  	_ =	shalt  }
0x57: {  	_ =	shalt  }
0x58: {  	_ =	shalt  }
0x59: {  	_ =	shalt  }
0x5a: {  	_ =	shalt  }
0x5b: {  	_ =	shalt  }
0x5c: {  	_ =	shalt  }
0x5d: {  	_ =	shalt  }
0x5e: {  	_ =	shalt  }
0x5f: {  	_ =	shalt  }
0x60: {  	_ =	shalt  }
0x61: {  	_ =	shalt  }
0x62: {  	_ =	shalt  }
0x63: {  	_ =	shalt  }
0x64: {  	_ =	shalt  }
0x65: {  	_ =	shalt  }
0x66: {  	_ =	shalt  }
0x67: {  	_ =	shalt  }
0x68: {  	_ =	shalt  }
0x69: {  	_ =	shalt  }
0x6a: {  	_ =	shalt  }
0x6b: {  	_ =	shalt  }
0x6c: {  	_ =	shalt  }
0x6d: {  	_ =	shalt  }
0x6e: {  	_ =	shalt  }
0x6f: {  	_ =	shalt  }
0x70: {  	_ =	shalt  }
0x71: {  	_ =	shalt  }
0x72: {  	_ =	shalt  }
0x73: {  	_ =	shalt  }
0x74: {  	_ =	shalt  }
0x75: {  	_ =	shalt  }
0x76: {  	_ =	shalt  }
0x77: {  	_ =	shalt  }
0x78: {  	_ =	shalt  }
0x79: {  	_ =	shalt  }
0x7a: {  	_ =	shalt  }
0x7b: {  	_ =	shalt  }
0x7c: {  	_ =	shalt  }
0x7d: {  	_ =	shalt  }
0x7e: {  	_ =	shalt  }
0x7f: {  	_ =	shalt  }
0x80: {  	_ =	shalt  }
0x81: {  	_ =	shalt  }
0x82: {  	_ =	shalt  }
0x83: {  	_ =	shalt  }
0x84: {  	_ =	shalt  }
0x85: {  	_ =	shalt  }
0x86: {  	_ =	shalt  }
0x87: {  	_ =	shalt  }
.Lfunc_end0:
.L_simem_size_0:
called_computation_lowered:
.L_overlay_start_0:
0x88: {  	s2 =	sld [smem:$0x3FD9]  }
0x89: {  	s3 =	sld [smem:$0x3FFE];
	_ =	sdelay $0x1  }
0x8a: {  	s1 =	srdreg.scid  }
0x8b: {  	s0 =	sand.u32 $0x1, s1  }
0x8c: {  	s16 =	sshll.u32 s0, $0xA;
	s2 =	sadd.s32 s3, s2  }
0x8d: {  	s2 =	sadd.s32 s2, s16  }
0x8e: {  	[smem:$0x3FC0] =	sst s2  }
0x8f: {  	_ = 	snop  }
0x90: {  	(tm) =	ssettm $0x1  }
0x91: {  	s17 =	sld [smem:$0x3FFB];
	_ =	sdelay $0x3  }
0x92: {  	_ =	strace s17  }
0x93: {  	s2 =	sld [smem:$0x3FFC];
	_ =	sdelay $0x3  }
0x94: {  	_ =	strace s2  }
0x95: {  	s2 =	sld [smem:$0x3FFD];
	_ =	sdelay $0x3  }
0x96: {  	_ =	strace s2  }
0x97: {  	_ =	strace $0x8FFFFFFF  }
0x98: {  	s18 =	sld [smem:$0x3FDB];
	_ =	sdelay $0x1  }
0x99: {  	s19 =	simm.s32 $_scs_section_size  }
0x9a: {  	s4 =	simm.s32 $_size__tile_overlayer_lowered;
	s5 =	simm.s32 $_tile_overlayer_lowered  }
0x9b: {  	s22 =	simm.s32 $0x1BFF;
	s21 =	sshll.u32 s5, $0x1;
	s2 =	sadd.s32 s19, s18  }
0x9c: {  	s6 =	simm.s32 $0x0;
	s20 =	sshll.u32 s4, $0x1;
	s4 =	sadd.s32 s21, s2  }
0x9d: {  	[timem:s6], [sflag:s22] =	dma.local [hbm:s4], s20  }
0x9e: {  	_ =	swait.ge [sflag:s22], s20  }
0x9f: {  	s3 =	ssub.s32 $0x0, s20;
	[sflag:s22] =	ssyncset.done $0x0  }
0xa0: {  	[sflag:s22] =	ssyncadd.s32 s3;
	_ =	sdelay $0x1  }
0xa1: {  	s23 =	simm.s32 $0x1B8B  }
0xa2: {  	_ =	swait.ge [sflag:s23], $0x1  }
0xa3: {  	[sflag:s23] =	ssyncset.done $0x0  }
0xa4: {  	s25 =	simm.s32 $0x1B8E;
	s24 =	sld [smem:$0x3FFE];
	[sflag:s23] =	ssyncadd.s32 $0xFFFFFFFF  }
0xa5: {  	s26 =	simm.s32 $execute0_lowered;
	[smem:$0x3FD2] =	sst s25  }
0xa6: {  	s4 =	sshll.u32 s26, $0x1;
	_ =	strace $0x80000046;
	[dreg:$0x1] =	wrdreg $0xFFFFFFFF  }
0xa7: {  	s28 =	simm.s32 $_size_execute0_lowered;
	s2 =	sadd.s32 s2, s4;
	[dreg:$0x0] =	wrdreg $0x0  }
0xa8: {  	s4 =	sshll.u32 s28, $0x1;
	[dreg:$0x2] =	wrdreg s2  }
0xa9: {  	[dreg:$0x3] =	wrdreg s4  }
0xaa: {  	[dreg:$0x4] =	wrdreg $0xC0  }
0xab: {  	_ =	task [dreg:s6], $0x5FFFF  }
0xac: {  	[dreg:$0x1] =	wrdreg $0xFFFFFFFF  }
0xad: {  	[dreg:$0x0] =	wrdreg $0x60  }
0xae: {  	[dreg:$0x2] =	wrdreg s24  }
0xaf: {  	[dreg:$0x3] =	wrdreg $0x17E200  }
0xb0: {  	[dreg:$0x4] =	wrdreg $0x1A5300  }
0xb1: {  	[dreg:$0x5] =	wrdreg $0x9  }
0xb2: {  	_ =	task.clear_ibuf [dreg:s6], $0x6FFFF;
	_ =	strace $0x90000046  }
0xb3: {  	s29 =	simm.s32 $0x9;
	_ =	strace $0x80000048  }
0xb4: {  	_ =	swait.ge [sflag:s29], $0x1  }
0xb5: {  	[sflag:s29] =	ssyncadd.s32 $0xFFFFFFFF  }
0xb6: {  	_ =	strace $0x90000048  }
0xb7: {  	_ =	sfence  }
0xb8: {  	s30 =	sld [smem:$0x0];
	_ =	sdelay $0x2  }
0xb9: {  	s31 =	sshll.u32 s1, $0xD;
	s1 =	sshrl.u32 s1, $0x2  }
0xba: {  	s3 =	sand.u32 $0x4000, s31;
	s1 =	sadd.s32 s1, s30  }
0xbb: {  	s0 =	sor.u32 s3, s0;
	s1 =	sshll.u32 s1, $0x11  }
0xbc: {  	s0 =	sor.u32 s1, s0  }
0xbd: {  	s0 =	sadd.s32 $0x8F2B, s0  }
0xbe: {  	[sflag:s0] =	ssyncadd.remote.s32 $0x1  }
0xbf: {  	_ =	sfence.sel $0xFFFF  }
0xc0: {  	[dreg:$0x0] =	wrdreg $0xFFFFFFFF;
	(pc) =	sbr.abs _section_cstart, $3  }
0xc1: {  	[dreg:$0x1] =	wrdreg $0xFFFFFFFF  }
0xc2: {  	_ =	task.clear_ibuf [dreg:s6], $0x2FFFF;
	_ =	strace $0x9FFFFFFF  }
0xc3: {  	(tm) =	ssettm $0x7FFFFFFF  }
tec
execute0_lowered:
.L_overlay_start_1:
0x0: {  	(tag) =	ssettag $0x1  }
0x1: {  	s1 =	rddreg [dreg:$0x0]  }
0x2: {  	s0 =	srdreg.scid;
	s2 =	rddreg [dreg:$0x1]  }
0x3: {  	s12 =	stileid.u32;
	s3 =	rddreg [dreg:$0x2];
	s28 =	simm.s32 $0x1000  }
0x4: {  	s29 =	simm.s32 $0x1800;
	s30 =	simm.s32 $0x2E20;
	s5 =	smul.u32 $0x2800, s12  }
0x5: {  	s31 =	simm.s32 $0x15620;
	s0 =	sand.u32 $0x1, s0;
	s17 =	smul.u32 $0xA000, s12  }
0x6: {  	p0 =	seq.s32 s12, $0xF;
	s4 =	sshll.u32 s0, $0x4;
	s8 =	smul.u32 $0x28000, s0  }
0x7: {  	s0 =	ssub.s32 $0x2, s0;
	s6 =	sor.u32 s12, s4;
	s4 =	simm.s32 $0x0  }
0x8: {  	s9 =	sadd.s32 s5, s1;
	s18 =	sshrl.u32 s0, $0x1;
	s7 =	smul.u32 $0x2710, s6  }
0x9: {  	[smem:$0x7FF] =	sst s4;
	s16 =	sadd.s32 s5, s8;
	s6 =	smul.u32 $0x500, s6  }
0xa: {  	s8 =	sshrl.u32 s17, $0x2;
	s0 =	ssub.s32 s0, s18;
	s19 =	sadd.s32 $0x15400, s9  }
0xb: {  	s9 =	sadd.s32 $0x25800, s2;
	_ =	strace $0x80000047;
	s7 =	sshrl.u32 s7, $0x3  }
0xc: {  	[dreg:$0x4] =	wrdreg s19;
	s10 =	sadd.s32 s7, s1;
	s7 =	sshrl.u32 s16, $0x3  }
0xd: {  	s6 =	sadd.s32 s6, s1;
	s11 =	sadd.s32 s7, s1;
	s1 =	sadd.s32 $0x3AC00, s1  }
0xe: {  	s8 =	sadd.s32 s8, s2;
	s20 =	sadd.s32 $0x1A00, s10;
	[dreg:$0x5] =	wrdreg s1  }
0xf: {  	s19 =	sadd.s32 $0x46600, s6;
	s21 =	sadd.s32 $0xB640, s10;
	[dreg:$0x6] =	wrdreg s20  }
0x10: {  	s6 =	simm.s32 $0x2710;
	s22 =	sadd.s32 $0x1B00, s10;
	[dreg:$0x7] =	wrdreg s21  }
0x11: {  	s7 =	sadd.s32 s5, s3;
	s23 =	sadd.s32 $0xB740, s10;
	[dreg:$0x8] =	wrdreg s22  }
0x12: {  	s24 =	sadd.s32 $0x1C00, s10;
	s25 =	sadd.s32 $0xB840, s10;
	[dreg:$0x9] =	wrdreg s23  }
0x13: {  	s26 =	sadd.s32 $0x1D00, s10;
	s15 =	sadd.s32 $0xB940, s10;
	[dreg:$0xa] =	wrdreg s24  }
0x14: {  	s16 =	sadd.s32 $0x1E00, s10;
	s17 =	sadd.s32 $0xBA40, s10;
	[dreg:$0xb] =	wrdreg s25  }
0x15: {  	s5 =	simm.s32 $0x2000;
	[dreg:$0xc] =	wrdreg s26;
	s18 =	sadd.s32 $0x3C600, s11  }
0x16: {  	s1 =	sshll.u32 @!p0 s12, $0x6;
	s20 =	smax.u32 s0, $0x1;
	s21 =	sshrl.u32 @p0 s9, $0x3  }
0x17: {  	s23 =	sshrl.u32 @!p0 s8, $0x3;
	s25 =	simm.s32 $0x3;
	s26 =	simm.s32 $0x800  }
0x18: {  	s24 =	simm.s32 $0x2;
	s0 =	simm.s32 $0xAE20;
	s8 =	simm.s32 $0x710  }
0x19: {  	v0 =	vimm.f32 $0.0e+00;
	v1 =	vimm.f32 $1.000000000e+00;
	s9 =	simm.s32 $0x0;
	s22 =	sor.u32 @!p0 $0x1C03, s1;
	s1 =	simm.s32 $0x1  }
.LBB2_1:
0x1a: {  	s10 =	simm.s32 @p0 $0x1;
	s11 =	simm.s32 @p0 $0x2  }
0x1b: {  	s12 =	simm.s32 @p0 $0x10;
	s13 =	simm.s32 @p0 $0x1FC3;
	s14 =	rddreg [dreg:$0x5]  }
0x1c: {  	[spmem:s21@s11], [sflag:s13] =	dma.strided @p0 [hbm:s14@s12], $0x320, s10, $0x2   }
0x1d: {  	s10 =	simm.s32 @p0 $0x3  }
0x1e: {  	_ =	swait.ge @p0 [sflag:s10], $0x320  }
0x1f: {  	s11 =	simm.s32 @!p0 $0x2;
	s12 =	simm.s32 @!p0 $0x10;
	[sflag:s10] =	ssyncset.done @p0 $0x0  }
0x20: {  	s13 =	rddreg [dreg:$0x4];
	[sflag:s10] =	ssyncadd.s32 @p0 $0xFFFFFCE0;
	s10 =	simm.s32 @!p0 $0x1  }
0x21: {  	[spmem:s23@s11], [sflag:s22] =	dma.strided @!p0 [hbm:s13@s12], $0x500, s10, $0x2   }
0x22: {  	s10 =	simm.s32 @!p0 $0x3  }
0x23: {  	_ =	swait.ge @!p0 [sflag:s10], $0x500  }
0x24: {  	[sflag:s10] =	ssyncset.done @!p0 $0x0  }
0x25: {  	s11 =	simm.s32 $0x0;
	[sflag:s10] =	ssyncadd.s32 @!p0 $0xFFFFFB00;
	s10 =	simm.s32 $0x40  }
.LBB2_2:
0x26: {  	p1 =	sne.s32 s10, $0x9FC0;
	[tilespmem:s11+$0x12E20] =	vst v0;
	s12 =	smov.u32 s10;
	s10 =	sadd.s32 $0x40, s10  }
.Ltmp0:
0x27: {  	[tilespmem:s11+$0x15620] =	vst v0;
	(pc) =	sbr.rel @p1 .LBB2_2-.Ltmp0, $2  }
0x28: {  	_ =	sdelay $0x2  }
0x29: {  	s11 =	sshra.s32 s12, $0x2  }
0x2a: {  	[tilespmem:s11+$0x12E20] =	vst v0  }
0x2b: {  	[tilespmem:s11+$0x15620] =	vst v0;
	s10 =	simm.s32 $0x12E20  }
0x2c: {  	[spmem:s7] =	stream.linear.scatter [tilespmem:s10], [sflag:$0x3], $0x2800, $0x38;
	[tilespmem:$0x1CD30] =	vst v63  }
0x2d: {  	_ =	swait.ge [sflag:s25], $0x2800  }
0x2e: {  	[sflag:s25] =	ssyncset.done $0x0  }
0x2f: {  	[sflag:s25] =	ssyncadd.s32 $0xFFFFD800  }
0x30: {  	[bflag:$0x0] =	sbarrier.arrive $0xFFFF  }
0x31: {  	s14 =	rddreg [dreg:$0x6]  }
0x32: {  	[tilespmem:s4], [sflag:$0x3] =	stream.linear.gather [hbm4b:s14+s4], $0x800, $0x38;
	[tilespmem:$0x1CD30] =	vst v63  }
0x33: {  	_ =	swait.ge [sflag:s25], $0x800  }
0x34: {  	[sflag:s25] =	ssyncset.done $0x0  }
0x35: {  	s11 =	rddreg [dreg:$0x7];
	[sflag:s25] =	ssyncadd.s32 $0xFFFFF800  }
0x36: {  	[tilespmem:s26], [sflag:$0x3] =	stream.linear.gather [hbm4b:s11+s4], $0x800, $0x38;
	[tilespmem:$0x1CD30] =	vst v63  }
0x37: {  	_ =	swait.ge [sflag:s25], $0x800  }
0x38: {  	[sflag:s25] =	ssyncset.done $0x0  }
0x39: {  	s12 =	rddreg [dreg:$0x8];
	[sflag:s25] =	ssyncadd.s32 $0xFFFFF800  }
0x3a: {  	[tilespmem:s28], [sflag:$0x1] =	stream.linear.gather [hbm4b:s12+s4], $0x800, $0x38;
	[tilespmem:$0x1CD30] =	vst v63  }
0x3b: {  	s13 =	rddreg [dreg:$0x9]  }
0x3c: {  	[tilespmem:s29], [sflag:$0x1] =	stream.linear.gather [hbm4b:s13+s4], $0x800, $0x38;
	[tilespmem:$0x1CD30] =	vst v63  }
0x3d: {  	_ = 	snop  }
0x3e: {  	[tilespmem:s30], [sflag:$0x3] =	stream.indirect.gather [spmem:s2], $0x10, s4, s26, $0xb8;
	[tilespmem:$0x1CD30] =	vst v63  }
0x3f: {  	_ =	swait.ge [sflag:s25], $0x8000  }
0x40: {  	[sflag:s25] =	ssyncset.done $0x0  }
0x41: {  	s14 =	simm.s32 $0x820;
	[sflag:s25] =	ssyncadd.s32 $0xFFFF8000  }
0x42: {  	[spmem:s3] =	stream.indirect.scatter.add.f32 [tilespmem:s30], [sflag:$0x2], $0x10, s26, s26, $0xb8;
	[tilespmem:$0x1CD30] =	vst v63  }
0x43: {  	v5 =	vld [tilespmem:s14+$0x10];
	_ =	sdelay $0x4  }
0x44: {  	v4 =	vld [tilespmem:s14+$0xFFFFFFE0]  }
0x45: {  	v2 =	vld [tilespmem:s14+$0xFFFFFFF0]  }
0x46: {  	v3 =	vld [tilespmem:s14+$0x0]  }
0x47: {  	s10 =	simm.s32 $0x0;
	s11 =	simm.s32 $0x860;
	[tilespmem:v5+s31+$0x0] =	vst.idx.add.f32.msk $0xffff, v1  }
.LBB2_4:
0x48: {  	v5 =	vld [tilespmem:s11+$0x10];
	s10 =	sadd.s32 $0x4, s10  }
0x49: {  	v6 =	vld [tilespmem:s11+$0xFFFFFFF0];
	p1 =	slt.u32 s10, $0x7C  }
0x4a: {  	v7 =	vld [tilespmem:s11+$0x0]  }
0x4b: {  	v8 =	vld [tilespmem:s11+$0xFFFFFFE0]  }
.Ltmp1:
0x4c: {  	[tilespmem:v4+s31+$0x0] =	vst.idx.add.f32.msk $0xffff, v1;
	(pc) =	sbr.rel @p1 .LBB2_4-.Ltmp1, $4  }
0x4d: {  	[tilespmem:v2+s31+$0x0] =	vst.idx.add.f32.msk $0xffff, v1  }
0x4e: {  	[tilespmem:v3+s31+$0x0] =	vst.idx.add.f32.msk $0xffff, v1;
	v2 =	vmov v6  }
0x4f: {  	v3 =	vmov v7  }
0x50: {  	s11 =	sadd.s32 $0x40, s11;
	[tilespmem:v5+s31+$0x0] =	vst.idx.add.f32.msk $0xffff, v1;
	v4 =	vmov v8  }
0x51: {  	_ =	sdelay $0x3  }
0x52: {  	[tilespmem:v4+s31+$0x0] =	vst.idx.add.f32.msk $0xffff, v1  }
0x53: {  	[tilespmem:v2+s31+$0x0] =	vst.idx.add.f32.msk $0xffff, v1  }
0x54: {  	[tilespmem:v3+s31+$0x0] =	vst.idx.add.f32.msk $0xffff, v1  }
0x55: {  	_ =	swait.ge [sflag:s1], $0x800  }
0x56: {  	[sflag:s1] =	ssyncset.done $0x0  }
0x57: {  	[sflag:s1] =	ssyncadd.s32 $0xFFFFF800  }
0x58: {  	_ =	swait.ge [sflag:s1], $0x800  }
0x59: {  	[sflag:s1] =	ssyncset.done $0x0  }
0x5a: {  	[sflag:s1] =	ssyncadd.s32 $0xFFFFF800  }
0x5b: {  	_ =	swait.ge [sflag:s24], $0x8000  }
0x5c: {  	[sflag:s24] =	ssyncset.done $0x0  }
0x5d: {  	s10 =	rddreg [dreg:$0xa];
	[sflag:s24] =	ssyncadd.s32 $0xFFFF8000  }
0x5e: {  	[tilespmem:s4], [sflag:$0x1] =	stream.linear.gather [hbm4b:s10+s4], $0x800, $0x38;
	[tilespmem:$0x1CD30] =	vst v63  }
0x5f: {  	s13 =	rddreg [dreg:$0xb]  }
0x60: {  	[tilespmem:s26], [sflag:$0x1] =	stream.linear.gather [hbm4b:s13+s4], $0x800, $0x38;
	[tilespmem:$0x1CD30] =	vst v63  }
0x61: {  	_ = 	snop  }
0x62: {  	[tilespmem:s0], [sflag:$0x3] =	stream.indirect.gather [spmem:s2], $0x10, s28, s26, $0xb8;
	[tilespmem:$0x1CD30] =	vst v63  }
0x63: {  	_ =	swait.ge [sflag:s25], $0x8000  }
0x64: {  	[sflag:s25] =	ssyncset.done $0x0  }
0x65: {  	s14 =	simm.s32 $0x1820;
	[sflag:s25] =	ssyncadd.s32 $0xFFFF8000  }
0x66: {  	[spmem:s3] =	stream.indirect.scatter.add.f32 [tilespmem:s0], [sflag:$0x2], $0x10, s29, s26, $0xb8;
	[tilespmem:$0x1CD30] =	vst v63  }
0x67: {  	v5 =	vld [tilespmem:s14+$0x10];
	_ =	sdelay $0x4  }
0x68: {  	v4 =	vld [tilespmem:s14+$0xFFFFFFE0]  }
0x69: {  	v2 =	vld [tilespmem:s14+$0xFFFFFFF0]  }
0x6a: {  	v3 =	vld [tilespmem:s14+$0x0]  }
0x6b: {  	s11 =	simm.s32 $0x1860;
	s10 =	simm.s32 $0x0;
	[tilespmem:v5+s31+$0x0] =	vst.idx.add.f32.msk $0xffff, v1  }
.LBB2_6:
0x6c: {  	v5 =	vld [tilespmem:s11+$0x10];
	s10 =	sadd.s32 $0x4, s10  }
0x6d: {  	v6 =	vld [tilespmem:s11+$0xFFFFFFF0];
	p1 =	slt.u32 s10, $0x7C  }
0x6e: {  	v7 =	vld [tilespmem:s11+$0x0]  }
0x6f: {  	v8 =	vld [tilespmem:s11+$0xFFFFFFE0]  }
.Ltmp2:
0x70: {  	[tilespmem:v4+s31+$0x0] =	vst.idx.add.f32.msk $0xffff, v1;
	(pc) =	sbr.rel @p1 .LBB2_6-.Ltmp2, $4  }
0x71: {  	[tilespmem:v2+s31+$0x0] =	vst.idx.add.f32.msk $0xffff, v1  }
0x72: {  	[tilespmem:v3+s31+$0x0] =	vst.idx.add.f32.msk $0xffff, v1;
	v2 =	vmov v6  }
0x73: {  	v3 =	vmov v7  }
0x74: {  	s11 =	sadd.s32 $0x40, s11;
	[tilespmem:v5+s31+$0x0] =	vst.idx.add.f32.msk $0xffff, v1;
	v4 =	vmov v8  }
0x75: {  	_ =	sdelay $0x3  }
0x76: {  	[tilespmem:v4+s31+$0x0] =	vst.idx.add.f32.msk $0xffff, v1  }
0x77: {  	[tilespmem:v2+s31+$0x0] =	vst.idx.add.f32.msk $0xffff, v1  }
0x78: {  	[tilespmem:v3+s31+$0x0] =	vst.idx.add.f32.msk $0xffff, v1  }
0x79: {  	_ =	swait.ge [sflag:s1], $0x800  }
0x7a: {  	[sflag:s1] =	ssyncset.done $0x0  }
0x7b: {  	[sflag:s1] =	ssyncadd.s32 $0xFFFFF800  }
0x7c: {  	_ =	swait.ge [sflag:s1], $0x800  }
0x7d: {  	[sflag:s1] =	ssyncset.done $0x0  }
0x7e: {  	[sflag:s1] =	ssyncadd.s32 $0xFFFFF800  }
0x7f: {  	_ =	swait.ge [sflag:s24], $0x8000  }
0x80: {  	[sflag:s24] =	ssyncset.done $0x0  }
0x81: {  	s10 =	rddreg [dreg:$0xc];
	[sflag:s24] =	ssyncadd.s32 $0xFFFF8000  }
0x82: {  	[tilespmem:s28], [sflag:$0x1] =	stream.linear.gather [hbm4b:s10+s4], $0x800, $0x38;
	[tilespmem:$0x1CD30] =	vst v63  }
0x83: {  	_ = 	snop  }
0x84: {  	[tilespmem:s29], [sflag:$0x1] =	stream.linear.gather [hbm4b:s15+s4], $0x800, $0x38;
	[tilespmem:$0x1CD30] =	vst v63  }
0x85: {  	_ = 	snop  }
0x86: {  	[tilespmem:s30], [sflag:$0x3] =	stream.indirect.gather [spmem:s2], $0x10, s4, s26, $0xb8;
	[tilespmem:$0x1CD30] =	vst v63  }
0x87: {  	_ =	swait.ge [sflag:s25], $0x8000  }
0x88: {  	[sflag:s25] =	ssyncset.done $0x0  }
0x89: {  	s14 =	simm.s32 $0x820;
	[sflag:s25] =	ssyncadd.s32 $0xFFFF8000  }
0x8a: {  	[spmem:s3] =	stream.indirect.scatter.add.f32 [tilespmem:s30], [sflag:$0x2], $0x10, s26, s26, $0xb8;
	[tilespmem:$0x1CD30] =	vst v63  }
0x8b: {  	v5 =	vld [tilespmem:s14+$0x10];
	_ =	sdelay $0x4  }
0x8c: {  	v4 =	vld [tilespmem:s14+$0xFFFFFFE0]  }
0x8d: {  	v2 =	vld [tilespmem:s14+$0xFFFFFFF0]  }
0x8e: {  	v3 =	vld [tilespmem:s14+$0x0]  }
0x8f: {  	s11 =	simm.s32 $0x860;
	s10 =	simm.s32 $0x0;
	[tilespmem:v5+s31+$0x0] =	vst.idx.add.f32.msk $0xffff, v1  }
.LBB2_8:
0x90: {  	v5 =	vld [tilespmem:s11+$0x10];
	s10 =	sadd.s32 $0x4, s10  }
0x91: {  	v6 =	vld [tilespmem:s11+$0xFFFFFFF0];
	p1 =	slt.u32 s10, $0x7C  }
0x92: {  	v7 =	vld [tilespmem:s11+$0x0]  }
0x93: {  	v8 =	vld [tilespmem:s11+$0xFFFFFFE0]  }
.Ltmp3:
0x94: {  	[tilespmem:v4+s31+$0x0] =	vst.idx.add.f32.msk $0xffff, v1;
	(pc) =	sbr.rel @p1 .LBB2_8-.Ltmp3, $4  }
0x95: {  	[tilespmem:v2+s31+$0x0] =	vst.idx.add.f32.msk $0xffff, v1  }
0x96: {  	[tilespmem:v3+s31+$0x0] =	vst.idx.add.f32.msk $0xffff, v1;
	v2 =	vmov v6  }
0x97: {  	v3 =	vmov v7  }
0x98: {  	s11 =	sadd.s32 $0x40, s11;
	[tilespmem:v5+s31+$0x0] =	vst.idx.add.f32.msk $0xffff, v1;
	v4 =	vmov v8  }
0x99: {  	_ =	sdelay $0x3  }
0x9a: {  	[tilespmem:v4+s31+$0x0] =	vst.idx.add.f32.msk $0xffff, v1  }
0x9b: {  	[tilespmem:v2+s31+$0x0] =	vst.idx.add.f32.msk $0xffff, v1  }
0x9c: {  	[tilespmem:v3+s31+$0x0] =	vst.idx.add.f32.msk $0xffff, v1  }
0x9d: {  	_ =	swait.ge [sflag:s1], $0x800  }
0x9e: {  	[sflag:s1] =	ssyncset.done $0x0  }
0x9f: {  	[sflag:s1] =	ssyncadd.s32 $0xFFFFF800  }
0xa0: {  	_ =	swait.ge [sflag:s1], $0x800  }
0xa1: {  	[sflag:s1] =	ssyncset.done $0x0  }
0xa2: {  	[sflag:s1] =	ssyncadd.s32 $0xFFFFF800  }
0xa3: {  	_ =	swait.ge [sflag:s24], $0x8000  }
0xa4: {  	[sflag:s24] =	ssyncset.done $0x0  }
0xa5: {  	[sflag:s24] =	ssyncadd.s32 $0xFFFF8000  }
0xa6: {  	[tilespmem:s5], [sflag:$0x1] =	stream.linear.gather [hbm4b:s16+s4], $0x710, $0x38;
	[tilespmem:$0x1CD30] =	vst v63  }
0xa7: {  	_ = 	snop  }
0xa8: {  	[tilespmem:s6], [sflag:$0x1] =	stream.linear.gather [hbm4b:s17+s4], $0x710, $0x38;
	[tilespmem:$0x1CD30] =	vst v63  }
0xa9: {  	_ = 	snop  }
0xaa: {  	[tilespmem:s0], [sflag:$0x3] =	stream.indirect.gather [spmem:s2], $0x10, s28, s26, $0xb8;
	[tilespmem:$0x1CD30] =	vst v63  }
0xab: {  	_ =	swait.ge [sflag:s25], $0x8000  }
0xac: {  	[sflag:s25] =	ssyncset.done $0x0  }
0xad: {  	s10 =	simm.s32 $0x1820;
	[sflag:s25] =	ssyncadd.s32 $0xFFFF8000  }
0xae: {  	[spmem:s3] =	stream.indirect.scatter.add.f32 [tilespmem:s0], [sflag:$0x2], $0x10, s29, s26, $0xb8;
	[tilespmem:$0x1CD30] =	vst v63  }
0xaf: {  	v5 =	vld [tilespmem:s10+$0x10];
	_ =	sdelay $0x4  }
0xb0: {  	v4 =	vld [tilespmem:s10+$0xFFFFFFE0]  }
0xb1: {  	v2 =	vld [tilespmem:s10+$0xFFFFFFF0]  }
0xb2: {  	v3 =	vld [tilespmem:s10+$0x0]  }
0xb3: {  	s11 =	simm.s32 $0x1860;
	s10 =	simm.s32 $0x0;
	[tilespmem:v5+s31+$0x0] =	vst.idx.add.f32.msk $0xffff, v1  }
.LBB2_10:
0xb4: {  	v5 =	vld [tilespmem:s11+$0x10];
	s10 =	sadd.s32 $0x4, s10  }
0xb5: {  	v6 =	vld [tilespmem:s11+$0xFFFFFFF0];
	p1 =	slt.u32 s10, $0x7C  }
0xb6: {  	v7 =	vld [tilespmem:s11+$0x0]  }
0xb7: {  	v8 =	vld [tilespmem:s11+$0xFFFFFFE0]  }
.Ltmp4:
0xb8: {  	[tilespmem:v4+s31+$0x0] =	vst.idx.add.f32.msk $0xffff, v1;
	(pc) =	sbr.rel @p1 .LBB2_10-.Ltmp4, $4  }
0xb9: {  	[tilespmem:v2+s31+$0x0] =	vst.idx.add.f32.msk $0xffff, v1  }
0xba: {  	[tilespmem:v3+s31+$0x0] =	vst.idx.add.f32.msk $0xffff, v1;
	v2 =	vmov v6  }
0xbb: {  	v3 =	vmov v7  }
0xbc: {  	s11 =	sadd.s32 $0x40, s11;
	[tilespmem:v5+s31+$0x0] =	vst.idx.add.f32.msk $0xffff, v1;
	v4 =	vmov v8  }
0xbd: {  	_ =	sdelay $0x3  }
0xbe: {  	[tilespmem:v4+s31+$0x0] =	vst.idx.add.f32.msk $0xffff, v1  }
0xbf: {  	[tilespmem:v2+s31+$0x0] =	vst.idx.add.f32.msk $0xffff, v1  }
0xc0: {  	[tilespmem:v3+s31+$0x0] =	vst.idx.add.f32.msk $0xffff, v1  }
0xc1: {  	_ =	swait.ge [sflag:s1], $0x710  }
0xc2: {  	[sflag:s1] =	ssyncset.done $0x0  }
0xc3: {  	[sflag:s1] =	ssyncadd.s32 $0xFFFFF8F0  }
0xc4: {  	_ =	swait.ge [sflag:s1], $0x710  }
0xc5: {  	[sflag:s1] =	ssyncset.done $0x0  }
0xc6: {  	[sflag:s1] =	ssyncadd.s32 $0xFFFFF8F0  }
0xc7: {  	_ =	swait.ge [sflag:s24], $0x8000  }
0xc8: {  	[sflag:s24] =	ssyncset.done $0x0  }
0xc9: {  	[sflag:s24] =	ssyncadd.s32 $0xFFFF8000  }
0xca: {  	[tilespmem:s30], [sflag:$0x3] =	stream.indirect.gather [spmem:s2], $0x10, s5, s8, $0xb8;
	[tilespmem:$0x1CD30] =	vst v63  }
0xcb: {  	_ =	swait.ge [sflag:s25], $0x7100  }
0xcc: {  	[sflag:s25] =	ssyncset.done $0x0  }
0xcd: {  	s10 =	simm.s32 $0x2730;
	[sflag:s25] =	ssyncadd.s32 $0xFFFF8F00  }
0xce: {  	[spmem:s3] =	stream.indirect.scatter.add.f32 [tilespmem:s30], [sflag:$0x2], $0x10, s6, s8, $0xb8;
	[tilespmem:$0x1CD30] =	vst v63  }
0xcf: {  	v5 =	vld [tilespmem:s10+$0x10];
	_ =	sdelay $0x4  }
0xd0: {  	v4 =	vld [tilespmem:s10+$0xFFFFFFE0]  }
0xd1: {  	v2 =	vld [tilespmem:s10+$0xFFFFFFF0]  }
0xd2: {  	v3 =	vld [tilespmem:s10+$0x0]  }
0xd3: {  	s11 =	simm.s32 $0x2770;
	s10 =	simm.s32 $0x0;
	[tilespmem:v5+s31+$0x0] =	vst.idx.add.f32.msk $0xffff, v1  }
.LBB2_12:
0xd4: {  	v5 =	vld [tilespmem:s11+$0x10];
	s10 =	sadd.s32 $0x4, s10  }
0xd5: {  	v6 =	vld [tilespmem:s11+$0xFFFFFFF0];
	p1 =	slt.u32 s10, $0x6C  }
0xd6: {  	v7 =	vld [tilespmem:s11+$0x0]  }
0xd7: {  	v8 =	vld [tilespmem:s11+$0xFFFFFFE0]  }
.Ltmp5:
0xd8: {  	[tilespmem:v4+s31+$0x0] =	vst.idx.add.f32.msk $0xffff, v1;
	(pc) =	sbr.rel @p1 .LBB2_12-.Ltmp5, $4  }
0xd9: {  	[tilespmem:v2+s31+$0x0] =	vst.idx.add.f32.msk $0xffff, v1  }
0xda: {  	[tilespmem:v3+s31+$0x0] =	vst.idx.add.f32.msk $0xffff, v1;
	v2 =	vmov v6  }
0xdb: {  	v3 =	vmov v7  }
0xdc: {  	s11 =	sadd.s32 $0x40, s11;
	[tilespmem:v5+s31+$0x0] =	vst.idx.add.f32.msk $0xffff, v1;
	v4 =	vmov v8  }
0xdd: {  	_ =	sdelay $0x3  }
0xde: {  	[tilespmem:v4+s31+$0x0] =	vst.idx.add.f32.msk $0xffff, v1  }
0xdf: {  	[tilespmem:v2+s31+$0x0] =	vst.idx.add.f32.msk $0xffff, v1  }
0xe0: {  	[tilespmem:v3+s31+$0x0] =	vst.idx.add.f32.msk $0xffff, v1  }
0xe1: {  	v2 =	vld [tilespmem:$0x2E10];
	_ =	sdelay $0x7  }
0xe2: {  	[tilespmem:v2+s31+$0x0] =	vst.idx.add.f32.msk $0xffff, v1  }
0xe3: {  	_ =	swait.ge [sflag:s24], $0x7100  }
0xe4: {  	s10 =	stileid.u32;
	[sflag:s24] =	ssyncset.done $0x0  }
0xe5: {  	s10 =	sshll.u32 s10, $0x6;
	[sflag:s24] =	ssyncadd.s32 $0xFFFF8F00  }
0xe6: {  	s11 =	sshrl.u32 s7, $0x3;
	s10 =	sor.u32 $0x1C03, s10;
	[bflag:$0x0] =	sbarrier.arrive $0xFFFF  }
0xe7: {  	[hbm:s18], [sflag:s10] =	dma.local [spmem:s11], $0x500  }
0xe8: {  	s9 =	sadd.s32 $0x1, s9;
	_ =	swait.ge [sflag:s25], $0x500  }
0xe9: {  	p1 =	sne.s32 s9, s20;
	[sflag:s25] =	ssyncset.done $0x0  }
.Ltmp6:
0xea: {  	[sflag:s25] =	ssyncadd.s32 $0xFFFFFB00;
	(pc) =	sbr.rel @p1 .LBB2_1-.Ltmp6, $4  }
0xeb: {  	[hbm4b:s19+s4] =	stream.linear.scatter [tilespmem:s31], [sflag:$0x3], $0x2800, $0x38;
	[tilespmem:$0x1CD30] =	vst v63  }
0xec: {  	_ =	swait.ge [sflag:s25], $0x2800  }
0xed: {  	[sflag:s25] =	ssyncset.done $0x0  }
0xee: {  	[sflag:s25] =	ssyncadd.s32 $0xFFFFD800  }
0xef: {  	_ =	sfence.sel $0x180000  }
0xf0: {  	[bflag:$0x0] =	sbarrier.arrive $0xFFFF  }
0xf1: {  	_ =	strace $0x90000047  }
0xf2: {  	s0 =	stileid.u32;
	[bflag:$0x2] =	sbarrier.arrive $0xFFFF  }
0xf3: {  	p0 =	sne.s32 s0, $0x0;
	s0 =	rddreg [dreg:$0x3]  }
0xf4: {  	s0 =	sadd.s32 @!p0 $0x100000, s0  }
0xf5: {  	[sflag:s0] =	ssyncadd.tile.s32 @!p0 $0x1;
	_ =	shalt  }
.Lfunc_end2:
_tile_overlayer_lowered:
.L_overlay_start_2:
0xf6: {  	(tag) =	ssettag $0x2  }
0xf7: {  	s0 =	rddreg [dreg:$0x0];
	s2 =	stileid.u32  }
0xf8: {  	s1 =	rddreg [dreg:$0x1];
	p0 =	sne.s32 s2, $0x0  }
0xf9: {  	s3 =	rddreg [dreg:$0x2];
	[bflag:$0x3] =	sbarrier.arrive $0xFFFF;
	s2 =	simm.s32 @!p0 $0x1C03  }
0xfa: {  	[timem:s3], [sflag:s2] =	dma.local @!p0 [hbm:s0], s1  }
0xfb: {  	s0 =	simm.s32 @!p0 $0x3  }
0xfc: {  	_ =	swait.ge @!p0 [sflag:s0], s1  }
0xfd: {  	s1 =	ssub.s32 @!p0 $0x0, s1;
	[sflag:s0] =	ssyncset.done @!p0 $0x0  }
0xfe: {  	[sflag:s0] =	ssyncadd.s32 @!p0 s1  }
0xff: {  	[bflag:$0x3] =	sbarrier.arrive $0xFFFF  }
0x100: {  	_ =	shalt  }

// kernel: kernel.9.cloned.1.call-start
scs
__scs_entry_jumppad:
0x0: {  	(pc) =	sbr.rel $0x88, $3  }
0x1: {  	(tag) =	ssettag $0x0;
	lr =	simm.s32 $0x1  }
0x2: {  	[smem:$0x3F99] =	sst lr;
	_ =	strace $0xD0000000  }
0x3: {  	_ = 	snop  }
0x4: {  	_ = 	snop  }
0x5: {  	_ = 	snop  }
0x6: {  	_ = 	snop  }
0x7: {  	_ = 	snop  }
__scs_overlays_trampoline_lowered:
0x8: {  	[smem:$0x3FA8] =	sst s0  }
0x9: {  	[smem:$0x3FA9] =	sst s1  }
0xa: {  	[smem:$0x3FAA] =	sst s2  }
0xb: {  	[smem:$0x3FAB] =	sst s3  }
0xc: {  	[smem:$0x3FAC] =	sst s4  }
0xd: {  	[smem:$0x3FAD] =	sst s5  }
0xe: {  	[smem:$0x3FAE] =	sst s6  }
0xf: {  	[smem:$0x3FAF] =	sst s7  }
0x10: {  	[smem:$0x3FB0] =	sst s8  }
0x11: {  	[smem:$0x3FB1] =	sst s9;
	s0 =	simm.s32 @!p0 $0x0  }
0x12: {  	s1 =	sld [smem:$0x3F97];
	s0 =	simm.s32 @p0 $0x1  }
0x13: {  	[smem:$0x3FB2] =	sst s0;
	s0 =	simm.s32 @!p1 $0x0  }
0x14: {  	s2 =	sld [smem:$0x3F96];
	s0 =	simm.s32 @p1 $0x1  }
0x15: {  	[smem:$0x3FB3] =	sst s0;
	s0 =	simm.s32 @!p2 $0x0  }
0x16: {  	s3 =	sld [smem:$0x3FDB];
	s0 =	simm.s32 @p2 $0x1  }
0x17: {  	s4 =	simm.s32 $0x1BF5;
	[smem:$0x3FB5] =	sst s0  }
0x18: {  	s0 =	sld [smem:$0x3F98];
	_ =	swait.ge [sflag:s4], $0x0  }
0x19: {  	s7 =	sld [smem:$0x3F99]  }
0x1a: {  	s8 =	sadd.s32 $0xFFFFE003, lr  }
0x1b: {  	s9 =	sadd.s32 $0xFFFFFEF7, lr;
	s5 =	simm.s32 $0xFFFFFFFF;
	p2 =	slt.u32 s8, $0xFFFFF086  }
0x1c: {  	p1 =	slt.u32 s9, $0xF7A;
	s5 =	simm.s32 @!p2 $0x0  }
0x1d: {  	s5 =	simm.s32 @p1 $0x1;
	p0 =	seq.s32 s7, s2  }
0x1e: {  	s7 =	smul.u32 @!p0 $0xF7A, s2;
	p2 =	seq.s32 @!p0 s5, $0x0  }
0x1f: {  	s9 =	smul.u32 $0xF7A, s1;
	s8 =	simm.s32 @!p0 $0x1BF5;
	p2 =	por !p2, p0  }
0x20: {  	[sflag:s8] =	ssyncset.s32 @!p0 $0xFFFFF086;
	s6 =	sadd.s32 @!p0 s3, s7;
	s7 =	simm.s32 @!p0 $0x108  }
0x21: {  	s3 =	sadd.s32 s3, s9;
	s6 =	sadd.s32 @!p0 $0x88, s6;
	s7 =	simm.s32 @p2 $0x1082  }
0x22: {  	[simem:s7], [sflag:s8] =	dma.local @!p0 [hbm:s6], $0xF7A  }
0x23: {  	s9 =	sor.u32 $0xD0000000, s2;
	s6 =	simm.s32 $0x108;
	_ =	swait.ge @!p0 [sflag:s8], $0x0  }
0x24: {  	s3 =	sadd.s32 $0x88, s3;
	s6 =	simm.s32 @!p1 $0x1082;
	[sflag:s4] =	ssyncset.s32 $0xFFFFF086  }
0x25: {  	[simem:s6], [sflag:s4] =	dma.local [hbm:s3], $0xF7A  }
0x26: {  	[smem:$0x3F99] =	sst s1;
	(tag) =	ssettag s2;
	_ =	strace s9  }
0x27: {  	s1 =	sld [smem:$0x3FA9]  }
0x28: {  	s2 =	sld [smem:$0x3FAA]  }
0x29: {  	s4 =	sld [smem:$0x3FAC]  }
0x2a: {  	p0 =	seq.s32 s5, $0x0;
	s5 =	sld [smem:$0x3FAD]  }
0x2b: {  	s6 =	sld [smem:$0x3FAE]  }
0x2c: {  	s7 =	sld [smem:$0x3FAF]  }
0x2d: {  	s3 =	simm.s32 $0x108;
	s8 =	sld [smem:$0x3FB0]  }
0x2e: {  	s3 =	simm.s32 @!p0 $0x1082;
	s9 =	sld [smem:$0x3FB1]  }
0x2f: {  	lr =	sadd.s32 s0, s3;
	s0 =	sld [smem:$0x3FA8]  }
0x30: {  	s3 =	sld [smem:$0x3FAB]  }
0x31: {  	[smem:$0x3FB4] =	sst s10  }
0x32: {  	s10 =	sld [smem:$0x3FB2];
	_ =	sdelay $0x3  }
0x33: {  	p0 =	seq.s32 s10, $0x1;
	s10 =	sld [smem:$0x3FB4];
	_ =	sdelay $0x3  }
0x34: {  	[smem:$0x3FB4] =	sst s10  }
0x35: {  	s10 =	sld [smem:$0x3FB3];
	_ =	sdelay $0x3  }
0x36: {  	p1 =	seq.s32 s10, $0x1;
	s10 =	sld [smem:$0x3FB4];
	_ =	sdelay $0x3  }
0x37: {  	[smem:$0x3FB4] =	sst s10  }
0x38: {  	s10 =	sld [smem:$0x3FB5]  }
0x39: {  	_ = 	snop;
	(pc) =	sbr.ind lr, $3  }
0x3a: {  	_ = 	snop  }
0x3b: {  	_ = 	snop  }
0x3c: {  	p2 =	seq.s32 s10, $0x1;
	s10 =	sld [smem:$0x3FB4]  }
0x3d: {  	_ =	shalt  }
0x3e: {  	_ =	shalt  }
0x3f: {  	_ =	shalt  }
0x40: {  	_ =	shalt  }
0x41: {  	_ =	shalt  }
0x42: {  	_ =	shalt  }
0x43: {  	_ =	shalt  }
0x44: {  	_ =	shalt  }
0x45: {  	_ =	shalt  }
0x46: {  	_ =	shalt  }
0x47: {  	_ =	shalt  }
0x48: {  	_ =	shalt  }
0x49: {  	_ =	shalt  }
0x4a: {  	_ =	shalt  }
0x4b: {  	_ =	shalt  }
0x4c: {  	_ =	shalt  }
0x4d: {  	_ =	shalt  }
0x4e: {  	_ =	shalt  }
0x4f: {  	_ =	shalt  }
0x50: {  	_ =	shalt  }
0x51: {  	_ =	shalt  }
0x52: {  	_ =	shalt  }
0x53: {  	_ =	shalt  }
0x54: {  	_ =	shalt  }
0x55: {  	_ =	shalt  }
0x56: {  	_ =	shalt  }
0x57: {  	_ =	shalt  }
0x58: {  	_ =	shalt  }
0x59: {  	_ =	shalt  }
0x5a: {  	_ =	shalt  }
0x5b: {  	_ =	shalt  }
0x5c: {  	_ =	shalt  }
0x5d: {  	_ =	shalt  }
0x5e: {  	_ =	shalt  }
0x5f: {  	_ =	shalt  }
0x60: {  	_ =	shalt  }
0x61: {  	_ =	shalt  }
0x62: {  	_ =	shalt  }
0x63: {  	_ =	shalt  }
0x64: {  	_ =	shalt  }
0x65: {  	_ =	shalt  }
0x66: {  	_ =	shalt  }
0x67: {  	_ =	shalt  }
0x68: {  	_ =	shalt  }
0x69: {  	_ =	shalt  }
0x6a: {  	_ =	shalt  }
0x6b: {  	_ =	shalt  }
0x6c: {  	_ =	shalt  }
0x6d: {  	_ =	shalt  }
0x6e: {  	_ =	shalt  }
0x6f: {  	_ =	shalt  }
0x70: {  	_ =	shalt  }
0x71: {  	_ =	shalt  }
0x72: {  	_ =	shalt  }
0x73: {  	_ =	shalt  }
0x74: {  	_ =	shalt  }
0x75: {  	_ =	shalt  }
0x76: {  	_ =	shalt  }
0x77: {  	_ =	shalt  }
0x78: {  	_ =	shalt  }
0x79: {  	_ =	shalt  }
0x7a: {  	_ =	shalt  }
0x7b: {  	_ =	shalt  }
0x7c: {  	_ =	shalt  }
0x7d: {  	_ =	shalt  }
0x7e: {  	_ =	shalt  }
0x7f: {  	_ =	shalt  }
0x80: {  	_ =	shalt  }
0x81: {  	_ =	shalt  }
0x82: {  	_ =	shalt  }
0x83: {  	_ =	shalt  }
0x84: {  	_ =	shalt  }
0x85: {  	_ =	shalt  }
0x86: {  	_ =	shalt  }
0x87: {  	_ =	shalt  }
.Lfunc_end0:
.L_simem_size_0:
called_computation.1_lowered:
.L_overlay_start_0:
0x88: {  	s2 =	sld [smem:$0x3FD9]  }
0x89: {  	s3 =	sld [smem:$0x3FFE];
	_ =	sdelay $0x1  }
0x8a: {  	s1 =	srdreg.scid  }
0x8b: {  	s0 =	sand.u32 $0x1, s1  }
0x8c: {  	s17 =	sshll.u32 s0, $0xA;
	s2 =	sadd.s32 s3, s2  }
0x8d: {  	s2 =	sadd.s32 s2, s17  }
0x8e: {  	[smem:$0x3FC0] =	sst s2  }
0x8f: {  	_ = 	snop  }
0x90: {  	s2 =	sld [smem:$0x3FC5]  }
0x91: {  	s18 =	sld [smem:$0x3FC4]  }
0x92: {  	s4 =	sld [smem:$0x3FC3]  }
0x93: {  	s5 =	sld [smem:$0x3FD0];
	(tm) =	ssettm $0x1  }
0x94: {  	s6 =	sld [smem:$0x3FFB];
	_ =	sdelay $0x3  }
0x95: {  	_ =	strace s6  }
0x96: {  	s6 =	sld [smem:$0x3FFC];
	_ =	sdelay $0x3  }
0x97: {  	_ =	strace s6  }
0x98: {  	s6 =	sld [smem:$0x3FFD];
	_ =	sdelay $0x3  }
0x99: {  	_ =	strace s6  }
0x9a: {  	_ =	strace $0x8FFFFFFF  }
0x9b: {  	s19 =	sld [smem:$0x3FDB];
	_ =	sdelay $0x1  }
0x9c: {  	s7 =	simm.s32 $_scs_section_size  }
0x9d: {  	s8 =	simm.s32 $_size__tile_overlayer_lowered;
	s9 =	simm.s32 $_tile_overlayer_lowered  }
0x9e: {  	s22 =	simm.s32 $0x1BFF;
	s21 =	sshll.u32 s9, $0x1;
	s6 =	sadd.s32 s7, s19  }
0x9f: {  	s10 =	simm.s32 $0x0;
	s20 =	sshll.u32 s8, $0x1;
	s8 =	sadd.s32 s21, s6  }
0xa0: {  	[timem:s10], [sflag:s22] =	dma.local [hbm:s8], s20  }
0xa1: {  	_ =	swait.ge [sflag:s22], s20  }
0xa2: {  	s7 =	ssub.s32 $0x0, s20;
	[sflag:s22] =	ssyncset.done $0x0  }
0xa3: {  	[sflag:s22] =	ssyncadd.s32 s7;
	_ =	sdelay $0x1  }
0xa4: {  	s23 =	simm.s32 $0x1B8B  }
0xa5: {  	_ =	swait.ge [sflag:s23], $0x1  }
0xa6: {  	[sflag:s23] =	ssyncset.done $0x0  }
0xa7: {  	s25 =	simm.s32 $0x1B8E;
	s24 =	sld [smem:$0x3FFE];
	[sflag:s23] =	ssyncadd.s32 $0xFFFFFFFF  }
0xa8: {  	s26 =	simm.s32 $execute0_lowered;
	[smem:$0x3FD2] =	sst s25  }
0xa9: {  	s8 =	sshll.u32 s26, $0x1;
	_ =	strace $0x80000049;
	[dreg:$0x1] =	wrdreg $0xFFFFFFFF  }
0xaa: {  	s28 =	simm.s32 $_size_execute0_lowered;
	s6 =	sadd.s32 s6, s8;
	[dreg:$0x0] =	wrdreg $0x0  }
0xab: {  	s8 =	sshll.u32 s28, $0x1;
	[dreg:$0x2] =	wrdreg s6  }
0xac: {  	[dreg:$0x3] =	wrdreg s8  }
0xad: {  	[dreg:$0x4] =	wrdreg $0xC0  }
0xae: {  	_ =	task [dreg:s10], $0x5FFFF  }
0xaf: {  	[dreg:$0x1] =	wrdreg $0xFFFFFFFF  }
0xb0: {  	[dreg:$0x0] =	wrdreg $0x60  }
0xb1: {  	[dreg:$0x2] =	wrdreg s24  }
0xb2: {  	[dreg:$0x3] =	wrdreg s2  }
0xb3: {  	[dreg:$0x4] =	wrdreg s18  }
0xb4: {  	[dreg:$0x5] =	wrdreg s4  }
0xb5: {  	[dreg:$0x6] =	wrdreg s5  }
0xb6: {  	[dreg:$0x7] =	wrdreg $0x16F600  }
0xb7: {  	[dreg:$0x8] =	wrdreg $0x9  }
0xb8: {  	_ =	task.clear_ibuf [dreg:s10], $0x9FFFF;
	_ =	strace $0x90000049  }
0xb9: {  	s29 =	simm.s32 $0x9;
	_ =	strace $0x8000004B  }
0xba: {  	_ =	swait.ge [sflag:s29], $0x1  }
0xbb: {  	[sflag:s29] =	ssyncadd.s32 $0xFFFFFFFF  }
0xbc: {  	_ =	strace $0x9000004B  }
0xbd: {  	_ =	sfence  }
0xbe: {  	s30 =	sld [smem:$0x0];
	_ =	sdelay $0x2  }
0xbf: {  	s31 =	sshll.u32 s1, $0xD;
	s1 =	sshrl.u32 s1, $0x2  }
0xc0: {  	s3 =	sand.u32 $0x4000, s31;
	s1 =	sadd.s32 s1, s30  }
0xc1: {  	s0 =	sor.u32 s3, s0;
	s1 =	sshll.u32 s1, $0x11  }
0xc2: {  	s0 =	sor.u32 s1, s0  }
0xc3: {  	s0 =	sadd.s32 $0x8F2B, s0  }
0xc4: {  	[sflag:s0] =	ssyncadd.remote.s32 $0x1  }
0xc5: {  	_ =	sfence.sel $0xFFFF  }
0xc6: {  	[dreg:$0x0] =	wrdreg $0xFFFFFFFF;
	(pc) =	sbr.abs _section_cstart, $3  }
0xc7: {  	[dreg:$0x1] =	wrdreg $0xFFFFFFFF  }
0xc8: {  	_ =	task.clear_ibuf [dreg:s10], $0x2FFFF;
	_ =	strace $0x9FFFFFFF  }
0xc9: {  	(tm) =	ssettm $0x7FFFFFFF  }
tec
execute0_lowered:
.L_overlay_start_1:
0x0: {  	(tag) =	ssettag $0x1  }
0x1: {  	s0 =	rddreg [dreg:$0x0]  }
0x2: {  	s1 =	rddreg [dreg:$0x4]  }
0x3: {  	s2 =	srdreg.scid;
	s5 =	rddreg [dreg:$0x5]  }
0x4: {  	s15 =	stileid.u32;
	s6 =	simm.s32 $0x0;
	s28 =	simm.s32 $0x1  }
0x5: {  	s29 =	simm.s32 $0xD230;
	s30 =	simm.s32 $0x14850;
	s3 =	smul.u32 $0x2800, s15  }
0x6: {  	s31 =	simm.s32 $0x0;
	s2 =	sand.u32 $0x1, s2;
	s7 =	smul.u32 $0x50, s15  }
0x7: {  	[smem:$0x7FF] =	sst s6;
	s9 =	smul.u32 $0x280, s15;
	s17 =	sadd.s32 $0x46100, s0  }
0x8: {  	s18 =	sadd.s32 $0x3AC02, s0;
	s19 =	sadd.s32 $0x46AB0, s0;
	s20 =	sadd.s32 $0x2580, s5  }
0x9: {  	p0 =	seq.s32 s15, $0xF;
	s4 =	sshll.u32 s2, $0x4;
	_ =	strace $0x8000004A  }
0xa: {  	s21 =	ssub.s32 $0x2, s2;
	p1 =	sne.s32 s2, $0x0;
	s2 =	simm.s32 $0x2800  }
0xb: {  	s4 =	sor.u32 s15, s4;
	s8 =	sshrl.u32 s3, $0x3;
	s11 =	sadd.s32 s7, s0  }
0xc: {  	s3 =	sadd.s32 s3, s0;
	s12 =	sshrl.u32 s9, $0x3;
	s22 =	sshrl.u32 s21, $0x1  }
0xd: {  	s24 =	sadd.s32 s9, s5;
	s4 =	smul.u32 $0x2710, s4;
	s10 =	sadd.s32 s8, s0  }
0xe: {  	s13 =	sadd.s32 s12, s0;
	s3 =	sadd.s32 $0x15402, s3;
	[dreg:$0xb] =	wrdreg s24  }
0xf: {  	s14 =	ssub.s32 s21, s22;
	s23 =	sadd.s32 $0x46600, s11;
	[dreg:$0x9] =	wrdreg s3  }
0x10: {  	s25 =	sadd.s32 s1, s12;
	s21 =	sadd.s32 $0x4B0, s1;
	[dreg:$0xa] =	wrdreg s23  }
0x11: {  	s22 =	sadd.s32 $0x5A8B0, s0;
	s16 =	sadd.s32 $0x3C600, s10;
	[dreg:$0xc] =	wrdreg s25  }
0x12: {  	s1 =	simm.s32 $0x5000;
	s10 =	sadd.s32 $0x41600, s10;
	[dreg:$0x7] =	wrdreg s16  }
0x13: {  	v0 =	vlaneseq.u32;
	s26 =	sadd.s32 $0x5A400, s13;
	s4 =	sshrl.u32 s4, $0x3;
	[dreg:$0x8] =	wrdreg s10  }
0x14: {  	v49 =	vmul.u32 $0x10, v0;
	s24 =	smax.u32 s14, $0x1;
	[dreg:$0xd] =	wrdreg s26;
	s4 =	sadd.s32 s4, s0  }
0x15: {  	s16 =	sadd.s32 $0x41100, s0;
	s26 =	simm.s32 $0x3;
	s7 =	sadd.s32 $0x1A00, s4  }
0x16: {  	v1 =	vimm.f32 $0.0e+00;
	[tilespmem:$0x1FFF0] =	vst v49;
	s8 =	sadd.s32 $0xB640, s4;
	s23 =	sadd.s32 $0x50600, s4;
	s4 =	simm.s32 $0x2  }
.LBB2_1:
0x17: {  	s0 =	rddreg [dreg:$0x1];
	s3 =	simm.s32 $0xD200  }
0x18: {  	[tilespmem:s3], [sflag:$0x3] =	stream.linear.gather [hbm4b:s0+s6], $0x10, $0x38;
	[tilespmem:$0x171E0] =	vst v63  }
0x19: {  	_ =	swait.ge [sflag:s26], $0x10  }
0x1a: {  	[sflag:s26] =	ssyncset.done $0x0  }
0x1b: {  	[sflag:s26] =	ssyncadd.s32 $0xFFFFFFF0  }
0x1c: {  	s12 =	simm.s32 $0xD210;
	s11 =	rddreg [dreg:$0x2]  }
0x1d: {  	[tilespmem:s12], [sflag:$0x3] =	stream.linear.gather [hbm4b:s11+s6], $0x10, $0x38;
	[tilespmem:$0x171E0] =	vst v63  }
0x1e: {  	_ =	swait.ge [sflag:s26], $0x10  }
0x1f: {  	[sflag:s26] =	ssyncset.done $0x0  }
0x20: {  	[sflag:s26] =	ssyncadd.s32 $0xFFFFFFF0  }
0x21: {  	s14 =	simm.s32 $0xD220;
	s13 =	rddreg [dreg:$0x3]  }
0x22: {  	[tilespmem:s14], [sflag:$0x3] =	stream.linear.gather [hbm4b:s13+s6], $0x10, $0x38;
	[tilespmem:$0x171E0] =	vst v63  }
0x23: {  	_ =	swait.ge [sflag:s26], $0x10  }
.Ltmp0:
0x24: {  	[sflag:s26] =	ssyncset.done $0x0;
	(pc) =	sbr.rel @!p0 .LBB2_2-.Ltmp0, $4  }
0x25: {  	s15 =	simm.s32 $0xFA30;
	[sflag:s26] =	ssyncadd.s32 $0xFFFFFFF0  }
0x26: {  	[tilespmem:s15], [sflag:$0x1] =	stream.linear.gather [hbm4b:s7+s6], $0x2710, $0x38;
	[tilespmem:$0x171E0] =	vst v63  }
0x27: {  	s25 =	simm.s32 $0x12140;
	s0 =	simm.s32 $0x0  }
0x28: {  	[tilespmem:s25], [sflag:$0x1] =	stream.linear.gather [hbm4b:s8+s6], $0x2710, $0x38;
	[tilespmem:$0x171E0] =	vst v63  }
0x29: {  	[tilespmem:s0], [sflag:$0x2] =	stream.linear.gather [hbm4b:s16+s0], $0x1900, $0x38;
	[tilespmem:$0x171E0] =	vst v63  }
0x2a: {  	_ = 	snop  }
0x2b: {  	[tilespmem:s2], [sflag:$0x2] =	stream.linear.gather [hbm4b:s17+s0], $0x1900, $0x38;
	[tilespmem:$0x171E0] =	vst v63  }
0x2c: {  	s25 =	simm.s32 $0x10;
	s3 =	simm.s32 $0x80;
	s10 =	sadd.s32 $0x0, s19  }
0x2d: {  	[tilespmem:s1], [sflag:$0x2] =	stream.strided.gather [hbm4b:s18+s25], $0x1900, s3, s25, $0x38;
	[tilespmem:$0x171E0] =	vst v63  }
0x2e: {  	s9 =	simm.s32 $0x7A80;
	s0 =	simm.s32 $0x7800;
	s3 =	simm.s32 $0x500  }
.LBB2_8:
0x2f: {  	[tilespmem:s0], [sflag:$0x2] =	stream.linear.gather [hbm4b:s10+s6], $0x190, $0x38;
	[tilespmem:$0x171E0] =	vst v63  }
0x30: {  	s10 =	smov.u32 s3;
	s0 =	smov.u32 s9;
	p2 =	sne.s32 s3, $0x9B00  }
.Ltmp1:
0x31: {  	s3 =	sadd.s32 $0x500, s3;
	(pc) =	sbr.rel @p2 .LBB2_8-.Ltmp1, $2  }
0x32: {  	_ =	sdelay $0x2  }
0x33: {  	s9 =	sadd.s32 $0x280, s9;
	s10 =	sadd.s32 s10, s19  }
0x34: {  	[tilespmem:s0], [sflag:$0x2] =	stream.linear.gather [hbm4b:s10+s6], $0x190, $0x38;
	[tilespmem:$0x171E0] =	vst v63  }
0x35: {  	_ =	swait.ge [sflag:s4], $0x1900  }
0x36: {  	[sflag:s4] =	ssyncset.done $0x0  }
0x37: {  	[sflag:s4] =	ssyncadd.s32 $0xFFFFE700  }
0x38: {  	_ =	swait.ge [sflag:s4], $0x1900  }
0x39: {  	[sflag:s4] =	ssyncset.done $0x0  }
0x3a: {  	[sflag:s4] =	ssyncadd.s32 $0xFFFFE700  }
0x3b: {  	_ =	swait.ge [sflag:s4], $0x1900  }
0x3c: {  	[sflag:s4] =	ssyncset.done $0x0  }
0x3d: {  	[sflag:s4] =	ssyncadd.s32 $0xFFFFE700  }
0x3e: {  	_ =	swait.ge [sflag:s4], $0x3200  }
0x3f: {  	[sflag:s4] =	ssyncset.done $0x0  }
0x40: {  	s0 =	simm.s32 $0x0;
	[sflag:s4] =	ssyncadd.s32 $0xFFFFCE00  }
0x41: {  	v0 =	vld [tilespmem:s0+$0x7810]  }
0x42: {  	v2 =	vld [tilespmem:s0+$0x7A90]  }
0x43: {  	v3 =	vld [tilespmem:s0+$0x7800]  }
0x44: {  	v4 =	vld [tilespmem:s0+$0x7D10]  }
0x45: {  	v5 =	vld [tilespmem:s0+$0x7A80]  }
0x46: {  	v6 =	vld [tilespmem:s0+$0x7F90]  }
0x47: {  	v7 =	vld [tilespmem:s0+$0x7D00];
	v0 =	vadd.f32 v2, v0  }
0x48: {  	v2 =	vld [tilespmem:s0+$0x8210]  }
0x49: {  	v8 =	vld [tilespmem:s0+$0x7F80];
	v0 =	vadd.f32 v4, v0  }
0x4a: {  	v3 =	vadd.f32 v5, v3;
	v4 =	vld [tilespmem:s0+$0x8490]  }
0x4b: {  	v5 =	vld [tilespmem:s0+$0x8200];
	v0 =	vadd.f32 v6, v0  }
0x4c: {  	v3 =	vadd.f32 v7, v3;
	v6 =	vld [tilespmem:s0+$0x8710]  }
0x4d: {  	v7 =	vld [tilespmem:s0+$0x8480];
	v0 =	vadd.f32 v2, v0  }
0x4e: {  	v3 =	vadd.f32 v8, v3;
	v2 =	vld [tilespmem:s0+$0x8990]  }
0x4f: {  	v8 =	vld [tilespmem:s0+$0x8700];
	v0 =	vadd.f32 v4, v0  }
0x50: {  	v3 =	vadd.f32 v5, v3;
	v4 =	vld [tilespmem:s0+$0x8C10]  }
0x51: {  	v5 =	vld [tilespmem:s0+$0x8980];
	v0 =	vadd.f32 v6, v0  }
0x52: {  	v3 =	vadd.f32 v7, v3;
	v6 =	vld [tilespmem:s0+$0x8E90]  }
0x53: {  	v7 =	vld [tilespmem:s0+$0x8C00];
	v0 =	vadd.f32 v2, v0  }
0x54: {  	v3 =	vadd.f32 v8, v3;
	v2 =	vld [tilespmem:s0+$0x9110]  }
0x55: {  	v8 =	vld [tilespmem:s0+$0x8E80];
	v0 =	vadd.f32 v4, v0  }
0x56: {  	v3 =	vadd.f32 v5, v3;
	v4 =	vld [tilespmem:s0+$0x9390]  }
0x57: {  	v5 =	vld [tilespmem:s0+$0x9100];
	v0 =	vadd.f32 v6, v0  }
0x58: {  	v3 =	vadd.f32 v7, v3;
	v6 =	vld [tilespmem:s0+$0x9610]  }
0x59: {  	v7 =	vld [tilespmem:s0+$0x9380];
	v0 =	vadd.f32 v2, v0  }
0x5a: {  	v3 =	vadd.f32 v8, v3;
	v2 =	vld [tilespmem:s0+$0x9890]  }
0x5b: {  	v8 =	vld [tilespmem:s0+$0x9600];
	v0 =	vadd.f32 v4, v0  }
0x5c: {  	v3 =	vadd.f32 v5, v3;
	v4 =	vld [tilespmem:s0+$0x9B10]  }
0x5d: {  	v5 =	vld [tilespmem:s0+$0x9880];
	v0 =	vadd.f32 v6, v0  }
0x5e: {  	v3 =	vadd.f32 v7, v3;
	v6 =	vld [tilespmem:s0+$0x9D90]  }
0x5f: {  	v7 =	vld [tilespmem:s0+$0x9B00];
	v0 =	vadd.f32 v2, v0  }
0x60: {  	v3 =	vadd.f32 v8, v3;
	v2 =	vld [tilespmem:s0+$0xA010]  }
0x61: {  	v8 =	vld [tilespmem:s0+$0x9D80];
	v0 =	vadd.f32 v4, v0  }
0x62: {  	v3 =	vadd.f32 v5, v3;
	v4 =	vld [tilespmem:s0+$0xA290]  }
0x63: {  	v5 =	vld [tilespmem:s0+$0xA000];
	v0 =	vadd.f32 v6, v0  }
0x64: {  	v3 =	vadd.f32 v7, v3;
	v6 =	vld [tilespmem:s0+$0xA510]  }
0x65: {  	v7 =	vld [tilespmem:s0+$0xA280];
	v0 =	vadd.f32 v2, v0  }
0x66: {  	v3 =	vadd.f32 v8, v3;
	v2 =	vld [tilespmem:s0+$0xA790]  }
0x67: {  	v8 =	vld [tilespmem:s0+$0xA500];
	v0 =	vadd.f32 v4, v0  }
0x68: {  	v3 =	vadd.f32 v5, v3;
	v4 =	vld [tilespmem:s0+$0xAA10]  }
0x69: {  	v5 =	vld [tilespmem:s0+$0xA780];
	v0 =	vadd.f32 v6, v0  }
0x6a: {  	v3 =	vadd.f32 v7, v3;
	v6 =	vld [tilespmem:s0+$0xAC90]  }
0x6b: {  	v7 =	vld [tilespmem:s0+$0xAA00];
	v0 =	vadd.f32 v2, v0  }
0x6c: {  	v3 =	vadd.f32 v8, v3;
	v2 =	vld [tilespmem:s0+$0xAF10]  }
0x6d: {  	v8 =	vld [tilespmem:s0+$0xAC80];
	v0 =	vadd.f32 v4, v0  }
0x6e: {  	v3 =	vadd.f32 v5, v3;
	v4 =	vld [tilespmem:s0+$0xB190]  }
0x6f: {  	v5 =	vld [tilespmem:s0+$0xAF00];
	v0 =	vadd.f32 v6, v0  }
0x70: {  	v3 =	vadd.f32 v7, v3;
	v6 =	vld [tilespmem:s0+$0xB410]  }
0x71: {  	v7 =	vld [tilespmem:s0+$0xB180];
	v0 =	vadd.f32 v2, v0  }
0x72: {  	v3 =	vadd.f32 v8, v3;
	v2 =	vld [tilespmem:s0+$0xB690]  }
0x73: {  	v8 =	vld [tilespmem:s0+$0xB400];
	v0 =	vadd.f32 v4, v0  }
0x74: {  	v3 =	vadd.f32 v5, v3;
	v4 =	vld [tilespmem:s0+$0xB910]  }
0x75: {  	v5 =	vld [tilespmem:s0+$0xB680];
	v0 =	vadd.f32 v6, v0  }
0x76: {  	v3 =	vadd.f32 v7, v3;
	v6 =	vld [tilespmem:s0+$0xBB90]  }
0x77: {  	v7 =	vld [tilespmem:s0+$0xB900];
	v0 =	vadd.f32 v2, v0  }
0x78: {  	v9 =	vld [tilespmem:s0+$0xBE10];
	v2 =	vadd.f32 v8, v3  }
0x79: {  	v8 =	vld [tilespmem:s0+$0xBB80];
	v0 =	vadd.f32 v4, v0  }
0x7a: {  	v10 =	vld [tilespmem:s0+$0xC090];
	v2 =	vadd.f32 v5, v2  }
0x7b: {  	v4 =	vld [tilespmem:s0+$0xBE00];
	v3 =	vadd.f32 v6, v0  }
0x7c: {  	v0 =	vld [tilespmem:s0+$0xC310];
	v5 =	vadd.f32 v7, v2  }
0x7d: {  	v2 =	vld [tilespmem:s0+$0xC080];
	v6 =	vadd.f32 v9, v3  }
0x7e: {  	v3 =	vld [tilespmem:s0+$0xC590];
	v7 =	vadd.f32 v8, v5  }
0x7f: {  	s3 =	simm.s32 $0x0;
	s9 =	simm.s32 $0x80;
	v5 =	vld [tilespmem:s0+$0xC300];
	v6 =	vadd.f32 v10, v6  }
.LBB2_10:
0x80: {  	s10 =	sshra.s32 s9, $0x2;
	v4 =	vadd.f32 v4, v7;
	v7 =	vld [tilespmem:s0+$0xC580]  }
0x81: {  	s3 =	sadd.s32 $0x2, s3;
	v8 =	vld [tilespmem:s10+$0x7810];
	v0 =	vadd.f32 v0, v6  }
0x82: {  	p2 =	slt.u32 s3, $0x16;
	v6 =	vld [tilespmem:s10+$0x7A90];
	v2 =	vadd.f32 v2, v4  }
0x83: {  	v4 =	vld [tilespmem:s10+$0x7800];
	v0 =	vadd.f32 v3, v0  }
0x84: {  	v3 =	vld [tilespmem:s10+$0x7D10];
	v2 =	vadd.f32 v5, v2  }
0x85: {  	v5 =	vld [tilespmem:s10+$0x7A80];
	[tilespmem:s0+$0xC810] =	vst v0  }
0x86: {  	v0 =	vld [tilespmem:s10+$0x7F90];
	v2 =	vadd.f32 v7, v2  }
0x87: {  	v7 =	vld [tilespmem:s10+$0x7D00];
	v6 =	vadd.f32 v6, v8  }
0x88: {  	v8 =	vld [tilespmem:s10+$0x8210];
	[tilespmem:s0+$0xC800] =	vst v2;
	s0 =	smov.u32 s10  }
0x89: {  	v2 =	vld [tilespmem:s0+$0x7F80];
	v3 =	vadd.f32 v3, v6  }
0x8a: {  	v4 =	vadd.f32 v5, v4;
	v5 =	vld [tilespmem:s0+$0x8490]  }
0x8b: {  	v6 =	vld [tilespmem:s0+$0x8200];
	v0 =	vadd.f32 v0, v3  }
0x8c: {  	v3 =	vadd.f32 v7, v4;
	v4 =	vld [tilespmem:s0+$0x8710]  }
0x8d: {  	v7 =	vld [tilespmem:s0+$0x8480];
	v0 =	vadd.f32 v8, v0  }
0x8e: {  	v2 =	vadd.f32 v2, v3;
	v3 =	vld [tilespmem:s0+$0x8990]  }
0x8f: {  	v8 =	vld [tilespmem:s0+$0x8700];
	v0 =	vadd.f32 v5, v0  }
0x90: {  	v2 =	vadd.f32 v6, v2;
	v5 =	vld [tilespmem:s0+$0x8C10]  }
0x91: {  	v6 =	vld [tilespmem:s0+$0x8980];
	v0 =	vadd.f32 v4, v0  }
0x92: {  	v2 =	vadd.f32 v7, v2;
	v4 =	vld [tilespmem:s0+$0x8E90]  }
0x93: {  	v7 =	vld [tilespmem:s0+$0x8C00];
	v0 =	vadd.f32 v3, v0  }
0x94: {  	v2 =	vadd.f32 v8, v2;
	v3 =	vld [tilespmem:s0+$0x9110]  }
0x95: {  	v8 =	vld [tilespmem:s0+$0x8E80];
	v0 =	vadd.f32 v5, v0  }
0x96: {  	v2 =	vadd.f32 v6, v2;
	v5 =	vld [tilespmem:s0+$0x9390]  }
0x97: {  	v6 =	vld [tilespmem:s0+$0x9100];
	v0 =	vadd.f32 v4, v0  }
0x98: {  	v2 =	vadd.f32 v7, v2;
	v4 =	vld [tilespmem:s0+$0x9610]  }
0x99: {  	v7 =	vld [tilespmem:s0+$0x9380];
	v0 =	vadd.f32 v3, v0  }
0x9a: {  	v2 =	vadd.f32 v8, v2;
	v3 =	vld [tilespmem:s0+$0x9890]  }
0x9b: {  	v8 =	vld [tilespmem:s0+$0x9600];
	v0 =	vadd.f32 v5, v0  }
0x9c: {  	v2 =	vadd.f32 v6, v2;
	v5 =	vld [tilespmem:s0+$0x9B10]  }
0x9d: {  	v6 =	vld [tilespmem:s0+$0x9880];
	v0 =	vadd.f32 v4, v0  }
0x9e: {  	v2 =	vadd.f32 v7, v2;
	v4 =	vld [tilespmem:s0+$0x9D90]  }
0x9f: {  	v7 =	vld [tilespmem:s0+$0x9B00];
	v0 =	vadd.f32 v3, v0  }
0xa0: {  	v2 =	vadd.f32 v8, v2;
	v3 =	vld [tilespmem:s0+$0xA010]  }
0xa1: {  	v8 =	vld [tilespmem:s0+$0x9D80];
	v0 =	vadd.f32 v5, v0  }
0xa2: {  	v2 =	vadd.f32 v6, v2;
	v5 =	vld [tilespmem:s0+$0xA290]  }
0xa3: {  	v6 =	vld [tilespmem:s0+$0xA000];
	v0 =	vadd.f32 v4, v0  }
0xa4: {  	v2 =	vadd.f32 v7, v2;
	v4 =	vld [tilespmem:s0+$0xA510]  }
0xa5: {  	v7 =	vld [tilespmem:s0+$0xA280];
	v0 =	vadd.f32 v3, v0  }
0xa6: {  	v2 =	vadd.f32 v8, v2;
	v3 =	vld [tilespmem:s0+$0xA790]  }
0xa7: {  	v8 =	vld [tilespmem:s0+$0xA500];
	v0 =	vadd.f32 v5, v0  }
0xa8: {  	v2 =	vadd.f32 v6, v2;
	v5 =	vld [tilespmem:s0+$0xAA10]  }
0xa9: {  	v6 =	vld [tilespmem:s0+$0xA780];
	v0 =	vadd.f32 v4, v0  }
0xaa: {  	v2 =	vadd.f32 v7, v2;
	v4 =	vld [tilespmem:s0+$0xAC90]  }
0xab: {  	v7 =	vld [tilespmem:s0+$0xAA00];
	v0 =	vadd.f32 v3, v0  }
0xac: {  	v2 =	vadd.f32 v8, v2;
	v3 =	vld [tilespmem:s0+$0xAF10]  }
0xad: {  	v8 =	vld [tilespmem:s0+$0xAC80];
	v0 =	vadd.f32 v5, v0  }
0xae: {  	v2 =	vadd.f32 v6, v2;
	v5 =	vld [tilespmem:s0+$0xB190]  }
0xaf: {  	v6 =	vld [tilespmem:s0+$0xAF00];
	v0 =	vadd.f32 v4, v0  }
0xb0: {  	v2 =	vadd.f32 v7, v2;
	v4 =	vld [tilespmem:s0+$0xB410]  }
0xb1: {  	v7 =	vld [tilespmem:s0+$0xB180];
	v0 =	vadd.f32 v3, v0  }
0xb2: {  	v2 =	vadd.f32 v8, v2;
	v3 =	vld [tilespmem:s0+$0xB690]  }
0xb3: {  	v8 =	vld [tilespmem:s0+$0xB400];
	v0 =	vadd.f32 v5, v0  }
0xb4: {  	v2 =	vadd.f32 v6, v2;
	v5 =	vld [tilespmem:s0+$0xB910]  }
0xb5: {  	v6 =	vld [tilespmem:s0+$0xB680];
	v0 =	vadd.f32 v4, v0  }
0xb6: {  	v2 =	vadd.f32 v7, v2;
	v7 =	vld [tilespmem:s0+$0xBB90]  }
0xb7: {  	v9 =	vld [tilespmem:s0+$0xB900];
	v0 =	vadd.f32 v3, v0  }
0xb8: {  	v2 =	vadd.f32 v8, v2;
	v3 =	vld [tilespmem:s0+$0xBE10]  }
0xb9: {  	v8 =	vld [tilespmem:s0+$0xBB80];
	v0 =	vadd.f32 v5, v0  }
0xba: {  	v2 =	vadd.f32 v6, v2;
	v6 =	vld [tilespmem:s0+$0xC090]  }
.Ltmp2:
0xbb: {  	v4 =	vld [tilespmem:s0+$0xBE00];
	v5 =	vadd.f32 v7, v0;
	(pc) =	sbr.rel @p2 .LBB2_10-.Ltmp2, $4  }
0xbc: {  	v7 =	vadd.f32 v9, v2;
	v0 =	vld [tilespmem:s0+$0xC310]  }
0xbd: {  	v2 =	vld [tilespmem:s0+$0xC080];
	v9 =	vadd.f32 v3, v5  }
0xbe: {  	v7 =	vadd.f32 v8, v7;
	v3 =	vld [tilespmem:s0+$0xC590]  }
0xbf: {  	s9 =	sadd.s32 $0x80, s9;
	v5 =	vld [tilespmem:s0+$0xC300];
	v6 =	vadd.f32 v6, v9  }
0xc0: {  	v4 =	vadd.f32 v4, v7  }
0xc1: {  	v7 =	vld [tilespmem:s0+$0xC580]  }
0xc2: {  	v2 =	vadd.f32 v2, v4  }
0xc3: {  	v0 =	vadd.f32 v0, v6  }
0xc4: {  	v2 =	vadd.f32 v5, v2  }
0xc5: {  	v0 =	vadd.f32 v3, v0  }
0xc6: {  	v2 =	vadd.f32 v7, v2  }
0xc7: {  	[tilespmem:s0+$0xC810] =	vst v0  }
0xc8: {  	[tilespmem:s0+$0xC800] =	vst v2  }
0xc9: {  	v0 =	vld [tilespmem:$0x7980]  }
0xca: {  	v2 =	vld [tilespmem:$0x7C00];
	_ =	sdelay $0x1  }
0xcb: {  	v3 =	vld [tilespmem:$0x7E80];
	_ =	sdelay $0x1  }
0xcc: {  	v4 =	vld [tilespmem:$0x8100]  }
0xcd: {  	v0 =	vadd.f32 v2, v0  }
0xce: {  	v2 =	vld [tilespmem:$0x8380]  }
0xcf: {  	v0 =	vadd.f32 v3, v0  }
0xd0: {  	v3 =	vld [tilespmem:$0x8600]  }
0xd1: {  	v0 =	vadd.f32 v4, v0  }
0xd2: {  	v4 =	vld [tilespmem:$0x8880]  }
0xd3: {  	v0 =	vadd.f32 v2, v0  }
0xd4: {  	v2 =	vld [tilespmem:$0x8B00]  }
0xd5: {  	v0 =	vadd.f32 v3, v0  }
0xd6: {  	v3 =	vld [tilespmem:$0x8D80]  }
0xd7: {  	v0 =	vadd.f32 v4, v0  }
0xd8: {  	v4 =	vld [tilespmem:$0x9000]  }
0xd9: {  	v0 =	vadd.f32 v2, v0  }
0xda: {  	v2 =	vld [tilespmem:$0x9280]  }
0xdb: {  	v0 =	vadd.f32 v3, v0  }
0xdc: {  	v3 =	vld [tilespmem:$0x9500]  }
0xdd: {  	v0 =	vadd.f32 v4, v0  }
0xde: {  	v4 =	vld [tilespmem:$0x9780]  }
0xdf: {  	v0 =	vadd.f32 v2, v0  }
0xe0: {  	v2 =	vld [tilespmem:$0x9A00]  }
0xe1: {  	v0 =	vadd.f32 v3, v0  }
0xe2: {  	v3 =	vld [tilespmem:$0x9C80]  }
0xe3: {  	v0 =	vadd.f32 v4, v0  }
0xe4: {  	v4 =	vld [tilespmem:$0x9F00]  }
0xe5: {  	v0 =	vadd.f32 v2, v0  }
0xe6: {  	v2 =	vld [tilespmem:$0xA180]  }
0xe7: {  	v0 =	vadd.f32 v3, v0  }
0xe8: {  	v3 =	vld [tilespmem:$0xA400]  }
0xe9: {  	v0 =	vadd.f32 v4, v0  }
0xea: {  	v4 =	vld [tilespmem:$0xA680]  }
0xeb: {  	v0 =	vadd.f32 v2, v0  }
0xec: {  	v2 =	vld [tilespmem:$0xA900]  }
0xed: {  	v0 =	vadd.f32 v3, v0  }
0xee: {  	v3 =	vld [tilespmem:$0xAB80]  }
0xef: {  	v0 =	vadd.f32 v4, v0  }
0xf0: {  	v4 =	vld [tilespmem:$0xAE00]  }
0xf1: {  	v0 =	vadd.f32 v2, v0  }
0xf2: {  	v2 =	vld [tilespmem:$0xB080]  }
0xf3: {  	v0 =	vadd.f32 v3, v0  }
0xf4: {  	v3 =	vld [tilespmem:$0xB300]  }
0xf5: {  	v0 =	vadd.f32 v4, v0  }
0xf6: {  	v4 =	vld [tilespmem:$0xB580]  }
0xf7: {  	v0 =	vadd.f32 v2, v0  }
0xf8: {  	v2 =	vld [tilespmem:$0xB800]  }
0xf9: {  	v0 =	vadd.f32 v3, v0  }
0xfa: {  	v3 =	vld [tilespmem:$0xBA80]  }
0xfb: {  	v0 =	vadd.f32 v4, v0  }
0xfc: {  	v4 =	vld [tilespmem:$0xBD00]  }
0xfd: {  	v0 =	vadd.f32 v2, v0  }
0xfe: {  	v2 =	vld [tilespmem:$0xBF80]  }
0xff: {  	v0 =	vadd.f32 v3, v0  }
0x100: {  	v3 =	vld [tilespmem:$0xC200]  }
0x101: {  	v0 =	vadd.f32 v4, v0  }
0x102: {  	v4 =	vld [tilespmem:$0xC480]  }
0x103: {  	v0 =	vadd.f32 v2, v0  }
0x104: {  	s14 =	simm.s32 $0x0;
	v2 =	vld [tilespmem:$0xC700]  }
0x105: {  	v0 =	vadd.f32 v3, v0;
	v3 =	vmov s14  }
0x106: {  	v3 =	vshll.u32 v3, $0x4  }
0x107: {  	v0 =	vadd.f32 v4, v0;
	v3 =	vor.u32 v49, v3;
	_ =	sdelay $0x1  }
0x108: {  	v0 =	vadd.f32 v2, v0;
	_ =	sdelay $0x1  }
0x109: {  	[tilespmem:$0xC980] =	vst v0  }
0x10a: {  	v5 =	vld.idx.msk [tilespmem:v3+s1+$0x0], $0xffff  }
0x10b: {  	v4 =	vor.u32 $0x1, v3;
	_ =	sdelay $0x2  }
0x10c: {  	s15 =	simm.s32 $0xC800  }
0x10d: {  	v6 =	vld [tilespmem:s15+$0x0];
	[tilespmem:$0x1F9F0] =	vst v5  }
0x10e: {  	v5 =	vld.idx.msk [tilespmem:v4+s1+$0x0], $0xffff  }
0x10f: {  	v2 =	vor.u32 $0x4, v3  }
0x110: {  	v0 =	vor.u32 $0xD, v3  }
0x111: {  	v38 =	vld [tilespmem:$0xD200];
	v14 =	vor.u32 $0xE, v3  }
0x112: {  	v35 =	vld [tilespmem:$0xD210]  }
0x113: {  	v39 =	vld [tilespmem:$0xD220];
	[tilespmem:$0x1FA00] =	vst v5  }
0x114: {  	v7 =	vor.u32 $0x5, v3;
	v11 =	vld.idx.msk [tilespmem:v2+s1+$0x0], $0xffff  }
0x115: {  	v9 =	vld.idx.msk [tilespmem:v0+s1+$0x0], $0xffff  }
0x116: {  	v8 =	vor.u32 $0xA, v3;
	v5 =	vld.idx.msk [tilespmem:v14+s1+$0x0], $0xffff  }
0x117: {  	v15 =	vor.u32 $0x9, v3;
	v13 =	vld.idx.msk [tilespmem:v0+s6+$0x0], $0xffff  }
0x118: {  	v0 =	vld.idx.msk [tilespmem:v0+s2+$0x0], $0xffff  }
0x119: {  	v16 =	vld.idx.msk [tilespmem:v7+s1+$0x0], $0xffff  }
0x11a: {  	v17 =	vld.idx.msk [tilespmem:v2+s2+$0x0], $0xffff  }
0x11b: {  	v19 =	vor.u32 $0xB, v3;
	v18 =	vld.idx.msk [tilespmem:v8+s1+$0x0], $0xffff;
	[tilespmem:$0x1FA70] =	vst v5  }
0x11c: {  	v20 =	vld.idx.msk [tilespmem:v15+s1+$0x0], $0xffff  }
0x11d: {  	v21 =	vld.idx.msk [tilespmem:v14+s2+$0x0], $0xffff  }
0x11e: {  	v22 =	vld.idx.msk [tilespmem:v8+s2+$0x0], $0xffff  }
0x11f: {  	v14 =	vld.idx.msk [tilespmem:v14+s6+$0x0], $0xffff  }
0x120: {  	v23 =	vld.idx.msk [tilespmem:v19+s2+$0x0], $0xffff  }
0x121: {  	v24 =	vor.u32 $0x7, v3;
	v25 =	vld.idx.msk [tilespmem:v15+s2+$0x0], $0xffff  }
0x122: {  	v15 =	vld.idx.msk [tilespmem:v15+s6+$0x0], $0xffff  }
0x123: {  	v26 =	vor.u32 $0x6, v3;
	v27 =	vld.idx.msk [tilespmem:v19+s6+$0x0], $0xffff  }
0x124: {  	v28 =	vld.idx.msk [tilespmem:v7+s6+$0x0], $0xffff  }
0x125: {  	v8 =	vld.idx.msk [tilespmem:v8+s6+$0x0], $0xffff  }
0x126: {  	v29 =	vld.idx.msk [tilespmem:v24+s2+$0x0], $0xffff  }
0x127: {  	v30 =	vor.u32 $0x8, v3;
	v31 =	vld.idx.msk [tilespmem:v24+s6+$0x0], $0xffff  }
0x128: {  	v32 =	vld.idx.msk [tilespmem:v26+s2+$0x0], $0xffff  }
0x129: {  	v33 =	vld.idx.msk [tilespmem:v26+s6+$0x0], $0xffff  }
0x12a: {  	v37 =	vld.idx.msk [tilespmem:v2+s6+$0x0], $0xffff;
	v2 =	vmax.f32 v6, $1.000000000e+00  }
0x12b: {  	v36 =	vor.u32 $0x3, v3;
	v34 =	vld.idx.msk [tilespmem:v4+s2+$0x0], $0xffff;
	(erf) = vrcp.f32 v2  }
0x12c: {  	v6 =	vld.idx.msk [tilespmem:v30+s2+$0x0], $0xffff  }
0x12d: {  	v40 =	vld.idx.msk [tilespmem:v7+s2+$0x0], $0xffff  }
0x12e: {  	v41 =	vld.idx.msk [tilespmem:v30+s6+$0x0], $0xffff  }
0x12f: {  	v42 =	vld.idx.msk [tilespmem:v4+s6+$0x0], $0xffff  }
0x130: {  	v43 =	vor.u32 $0x2, v3;
	v44 =	vld.idx.msk [tilespmem:v36+s6+$0x0], $0xffff  }
0x131: {  	v45 =	vld.idx.msk [tilespmem:v36+s1+$0x0], $0xffff  }
0x132: {  	v5 =	vbroadcast v38, $0x4;
	v46 =	vld.idx.msk [tilespmem:v3+s2+$0x0], $0xffff  }
0x133: {  	v0 =	vadd.f32 v0, v13;
	v4 =	vor.u32 $0xC, v3;
	v47 =	vld.idx.msk [tilespmem:v3+s6+$0x0], $0xffff;
	v17 =	vadd.f32 v17, v37  }
0x134: {  	v26 =	vld.idx.msk [tilespmem:v26+s1+$0x0], $0xffff;
	[tilespmem:$0x1FCD0] =	vst v5;
	v48 =	vpop (erf)  }
0x135: {  	v13 =	vld.idx.msk [tilespmem:v43+s6+$0x0], $0xffff;
	v0 =	vmul.f32 v0, v48;
	v17 =	vmul.f32 v17, v48  }
0x136: {  	v61 =	vbroadcast v38, $0x0;
	v7 =	vadd.f32 v25, v15;
	v15 =	vld.idx.msk [tilespmem:v24+s1+$0x0], $0xffff;
	v14 =	vadd.f32 v21, v14  }
0x137: {  	v53 =	vbroadcast v35, $0x0;
	v21 =	vld.idx.msk [tilespmem:v43+s2+$0x0], $0xffff;
	v0 =	vadd.f32 v0, v9;
	v11 =	vadd.f32 v17, v11  }
0x138: {  	v58 =	vbroadcast v39, $0x0;
	v12 =	vbroadcast v38, $0x1;
	v8 =	vadd.f32 v22, v8;
	v22 =	vld.idx.msk [tilespmem:v4+s2+$0x0], $0xffff  }
0x139: {  	v59 =	vbroadcast v35, $0x1;
	v3 =	vor.u32 $0xF, v3;
	[tilespmem:$0x1FC40] =	vst v0;
	v11 =	vadd.f32 v11, v5;
	v5 =	vld [tilespmem:$0x1FA00]  }
0x13a: {  	v60 =	vbroadcast v39, $0x1;
	v0 =	vmul.f32 v14, v48;
	v14 =	vadd.f32 v23, v27;
	v23 =	vld.idx.msk [tilespmem:v4+s6+$0x0], $0xffff  }
0x13b: {  	v62 =	vbroadcast v38, $0x2;
	v25 =	vadd.f32 v32, v33;
	v8 =	vmul.f32 v8, v48;
	v24 =	vld.idx.msk [tilespmem:v36+s2+$0x0], $0xffff  }
0x13c: {  	s3 =	simm.s32 $0xC810;
	v52 =	vbroadcast v35, $0x2;
	v57 =	vbroadcast v39, $0x2;
	v27 =	vld.idx.msk [tilespmem:v4+s1+$0x0], $0xffff  }
0x13d: {  	s25 =	simm.s32 $0x10;
	v63 =	vbroadcast v38, $0x3;
	v25 =	vmul.f32 v25, v48;
	v8 =	vadd.f32 v8, v18;
	v18 =	vld [tilespmem:s3+$0x0]  }
0x13e: {  	v56 =	vbroadcast v35, $0x3;
	v51 =	vbroadcast v39, $0x3;
	v4 =	vmov s25;
	v17 =	vld.idx.msk [tilespmem:v3+s1+$0x0], $0xffff  }
0x13f: {  	v7 =	vmul.f32 v7, v48;
	v25 =	vadd.f32 v25, v26;
	v26 =	vld.idx.msk [tilespmem:v3+s6+$0x0], $0xffff;
	v4 =	vshll.u32 v4, $0x4  }
0x140: {  	v28 =	vadd.f32 v40, v28;
	v4 =	vor.u32 v49, v4;
	v49 =	vadd.f32 v34, v42;
	v34 =	vld.idx.msk [tilespmem:v3+s2+$0x0], $0xffff  }
0x141: {  	v7 =	vadd.f32 v7, v20;
	v20 =	vadd.f32 v29, v31;
	v3 =	vld [tilespmem:$0x1F9F0];
	v31 =	vor.u32 $0x4, v4  }
0x142: {  	v10 =	vbroadcast v38, $0x5;
	v29 =	vld.idx.msk [tilespmem:v30+s1+$0x0], $0xffff;
	v30 =	vadd.f32 v46, v47;
	v47 =	vor.u32 $0xD, v4  }
0x143: {  	v6 =	vadd.f32 v6, v41;
	v28 =	vmul.f32 v28, v48;
	v9 =	vadd.f32 v21, v13;
	v19 =	vld.idx.msk [tilespmem:v19+s1+$0x0], $0xffff  }
0x144: {  	v20 =	vmul.f32 v20, v48;
	v37 =	vld.idx.msk [tilespmem:v43+s1+$0x0], $0xffff;
	v30 =	vmul.f32 v30, v48  }
0x145: {  	v16 =	vadd.f32 v28, v16;
	v36 =	vmul.f32 v6, v48;
	v42 =	vmul.f32 v9, v48;
	v9 =	vld [tilespmem:$0x1FA70]  }
0x146: {  	v28 =	vadd.f32 v30, v3;
	v3 =	vadd.f32 v22, v23;
	v23 =	vor.u32 $0xA, v4;
	v40 =	vld.idx.msk [tilespmem:v31+s1+$0x0], $0xffff  }
0x147: {  	v6 =	vor.u32 $0xE, v4;
	v13 =	vadd.f32 v24, v44;
	v24 =	vor.u32 $0x9, v4;
	v41 =	vld.idx.msk [tilespmem:v47+s1+$0x0], $0xffff  }
0x148: {  	v33 =	vmul.f32 v49, v48;
	v32 =	vld.idx.msk [tilespmem:v47+s2+$0x0], $0xffff;
	v21 =	vmul.f32 v3, v48;
	v3 =	vmax.f32 v18, $1.000000000e+00  }
0x149: {  	v14 =	vmul.f32 v14, v48;
	v15 =	vadd.f32 v20, v15;
	v20 =	vld.idx.msk [tilespmem:v31+s2+$0x0], $0xffff;
	(erf) = vrcp.f32 v3  }
0x14a: {  	v50 =	vbroadcast v35, $0x4;
	v5 =	vadd.f32 v33, v5;
	v13 =	vmul.f32 v13, v48;
	v18 =	vld.idx.msk [tilespmem:v47+s6+$0x0], $0xffff;
	[tilespmem:$0x1FA10] =	vst v12  }
0x14b: {  	v29 =	vadd.f32 v36, v29;
	v22 =	vor.u32 $0xB, v4;
	v49 =	vadd.f32 v21, v27;
	v27 =	vld.idx.msk [tilespmem:v23+s1+$0x0], $0xffff;
	[tilespmem:$0x1FA20] =	vst v10  }
0x14c: {  	v54 =	vbroadcast v39, $0x4;
	v13 =	vadd.f32 v13, v45;
	v21 =	vadd.f32 v5, v12;
	v44 =	vld.idx.msk [tilespmem:v24+s1+$0x0], $0xffff;
	[tilespmem:$0x1FA30] =	vst v61  }
0x14d: {  	v55 =	vbroadcast v35, $0x5;
	v33 =	vadd.f32 v16, v10;
	v16 =	vadd.f32 v28, v61;
	v28 =	vld.idx.msk [tilespmem:v6+s2+$0x0], $0xffff;
	[tilespmem:$0x1FA40] =	vst v63  }
0x14e: {  	v13 =	vadd.f32 v13, v63;
	v46 =	vmax.f32 v21, $0.0e+00;
	v21 =	vadd.f32 v34, v26;
	v36 =	vld.idx.msk [tilespmem:v23+s2+$0x0], $0xffff  }
0x14f: {  	v47 =	vmax.f32 v16, $0.0e+00;
	v16 =	vadd.f32 v14, v19;
	v63 =	vadd.f32 v42, v37;
	v26 =	vld.idx.msk [tilespmem:v6+s6+$0x0], $0xffff;
	[tilespmem:$0x1FA50] =	vst v53  }
0x150: {  	v61 =	vmul.f32 v47, v53;
	v42 =	vor.u32 $0x7, v4;
	v14 =	vadd.f32 v32, v18;
	v19 =	vld.idx.msk [tilespmem:v22+s2+$0x0], $0xffff  }
0x151: {  	v43 =	vor.u32 $0x5, v4;
	v18 =	vmul.f32 v21, v48;
	v32 =	vld.idx.msk [tilespmem:v24+s2+$0x0], $0xffff;
	[tilespmem:$0x1FA60] =	vst v62;
	v34 =	vadd.f32 v63, v62  }
0x152: {  	v45 =	vor.u32 $0x6, v4;
	v37 =	vadd.f32 $0.0e+00, v61;
	v63 =	vmul.f32 v46, v59;
	v24 =	vld.idx.msk [tilespmem:v24+s6+$0x0], $0xffff;
	[tilespmem:$0x1FA80] =	vst v59;
	v21 =	vpop (erf)  }
0x153: {  	v10 =	vadd.f32 v18, v17;
	v17 =	vld.idx.msk [tilespmem:v22+s6+$0x0], $0xffff;
	v18 =	vmax.f32 v34, $0.0e+00;
	[tilespmem:$0x1FA90] =	vst v52;
	v14 =	vmul.f32 v14, v21  }
0x154: {  	v30 =	vor.u32 $0x8, v4;
	v37 =	vadd.f32 v63, v37;
	v59 =	vmul.f32 v18, v52;
	v23 =	vld.idx.msk [tilespmem:v23+s6+$0x0], $0xffff  }
0x155: {  	v34 =	vmax.f32 v13, $0.0e+00;
	v13 =	vadd.f32 v14, v41;
	v14 =	vadd.f32 v28, v26;
	v26 =	vld.idx.msk [tilespmem:v42+s2+$0x0], $0xffff;
	[tilespmem:$0x1FAA0] =	vst v58  }
0x156: {  	v5 =	vor.u32 $0x1, v4;
	v53 =	vadd.f32 v0, v9;
	v9 =	vbroadcast v38, $0x6;
	[tilespmem:$0x1FAB0] =	vst v56  }
0x157: {  	v46 =	vmul.f32 v46, v60;
	v61 =	vmul.f32 v34, v56;
	v37 =	vadd.f32 v59, v37;
	v62 =	vld.idx.msk [tilespmem:v42+s6+$0x0], $0xffff  }
0x158: {  	v33 =	vmax.f32 v33, $0.0e+00;
	v25 =	vadd.f32 v25, v9;
	v28 =	vmul.f32 v47, v58;
	v56 =	vld.idx.msk [tilespmem:v45+s2+$0x0], $0xffff;
	[tilespmem:$0x1FAC0] =	vst v60  }
0x159: {  	v63 =	vmax.f32 v11, $0.0e+00;
	v24 =	vadd.f32 v32, v24;
	v37 =	vadd.f32 v61, v37;
	[tilespmem:$0x1FAD0] =	vst v50  }
0x15a: {  	v58 =	vmul.f32 v63, v50;
	v50 =	vadd.f32 v19, v17;
	v28 =	vadd.f32 $0.0e+00, v28;
	v17 =	vld.idx.msk [tilespmem:v45+s6+$0x0], $0xffff  }
0x15b: {  	v18 =	vmul.f32 v18, v57;
	v19 =	vadd.f32 v36, v23;
	v24 =	vmul.f32 v24, v21;
	v31 =	vld.idx.msk [tilespmem:v31+s6+$0x0], $0xffff  }
0x15c: {  	v12 =	vbroadcast v39, $0x6;
	v23 =	vld.idx.msk [tilespmem:v5+s2+$0x0], $0xffff;
	[tilespmem:$0x1FAE0] =	vst v57;
	v59 =	vadd.f32 v58, v37;
	v28 =	vadd.f32 v46, v28  }
0x15d: {  	v0 =	vbroadcast v39, $0x5;
	v60 =	vld.idx.msk [tilespmem:v30+s2+$0x0], $0xffff;
	[tilespmem:$0x1FAF0] =	vst v55;
	v52 =	vadd.f32 v24, v44;
	v19 =	vmul.f32 v19, v21  }
0x15e: {  	v11 =	vbroadcast v35, $0x6;
	v24 =	vmul.f32 v33, v55;
	v18 =	vadd.f32 v18, v28;
	v28 =	vld.idx.msk [tilespmem:v5+s6+$0x0], $0xffff;
	[tilespmem:$0x1FB00] =	vst v51  }
0x15f: {  	v34 =	vmul.f32 v34, v51;
	v26 =	vadd.f32 v26, v62;
	v19 =	vadd.f32 v19, v27;
	v27 =	vld.idx.msk [tilespmem:v30+s6+$0x0], $0xffff  }
0x160: {  	v33 =	vmul.f32 v33, v0;
	v24 =	vadd.f32 v24, v59;
	v20 =	vadd.f32 v20, v31  }
0x161: {  	v41 =	vbroadcast v38, $0x8;
	v62 =	vmul.f32 v63, v54;
	v61 =	vld.idx.msk [tilespmem:v43+s6+$0x0], $0xffff;
	[tilespmem:$0x1FB10] =	vst v54;
	v18 =	vadd.f32 v34, v18  }
0x162: {  	v58 =	vor.u32 $0x2, v4;
	v17 =	vadd.f32 v56, v17;
	v63 =	vld.idx.msk [tilespmem:v43+s2+$0x0], $0xffff;
	[tilespmem:$0x1FB20] =	vst v9;
	v20 =	vmul.f32 v20, v21  }
0x163: {  	v31 =	vld.idx.msk [tilespmem:v4+s2+$0x0], $0xffff;
	[tilespmem:$0x1FB30] =	vst v0;
	v0 =	vbroadcast v38, $0x7;
	v18 =	vadd.f32 v62, v18;
	v28 =	vadd.f32 v23, v28  }
0x164: {  	v23 =	vmax.f32 v25, $0.0e+00;
	v9 =	vadd.f32 v20, v40;
	v25 =	vadd.f32 v60, v27;
	v27 =	vld.idx.msk [tilespmem:v4+s6+$0x0], $0xffff;
	[tilespmem:$0x1FB40] =	vst v11  }
0x165: {  	v15 =	vadd.f32 v15, v0;
	v20 =	vmul.f32 v23, v11;
	[tilespmem:$0x1FB50] =	vst v0;
	v0 =	vbroadcast v35, $0x7  }
0x166: {  	v18 =	vadd.f32 v33, v18;
	[tilespmem:$0x1FB60] =	vst v12;
	v23 =	vmul.f32 v23, v12;
	v11 =	vbroadcast v39, $0x7  }
0x167: {  	[tilespmem:$0x1FB70] =	vst v41;
	v15 =	vmax.f32 v15, $0.0e+00;
	v20 =	vadd.f32 v20, v24;
	v24 =	vadd.f32 v29, v41  }
0x168: {  	v12 =	vbroadcast v35, $0x8;
	v18 =	vadd.f32 v23, v18;
	v23 =	vld.idx.msk [tilespmem:v45+s1+$0x0], $0xffff;
	[tilespmem:$0x1FB80] =	vst v0;
	v29 =	vmul.f32 v15, v0  }
0x169: {  	v44 =	vadd.f32 v63, v61;
	[tilespmem:$0x1FB90] =	vst v11;
	v15 =	vmul.f32 v15, v11;
	v0 =	vbroadcast v38, $0x9  }
0x16a: {  	v20 =	vadd.f32 v29, v20;
	v29 =	vld.idx.msk [tilespmem:v43+s1+$0x0], $0xffff;
	[tilespmem:$0x1FBA0] =	vst v12;
	v27 =	vadd.f32 v31, v27;
	v31 =	vor.u32 $0xC, v4  }
0x16b: {  	v17 =	vmul.f32 v17, v21;
	v18 =	vadd.f32 v15, v18;
	[tilespmem:$0x1FBB0] =	vst v0;
	v15 =	vadd.f32 v7, v0  }
0x16c: {  	v11 =	vbroadcast v39, $0x8;
	v24 =	vmax.f32 v24, $0.0e+00;
	v0 =	vbroadcast v35, $0x9;
	v47 =	vld.idx.msk [tilespmem:v4+s1+$0x0], $0xffff  }
0x16d: {  	v46 =	vmul.f32 v24, v12;
	v51 =	vld.idx.msk [tilespmem:v58+s2+$0x0], $0xffff;
	v48 =	vmax.f32 v15, $0.0e+00;
	v15 =	vmul.f32 v44, v21  }
0x16e: {  	v7 =	vadd.f32 v17, v23;
	v23 =	vld.idx.msk [tilespmem:v58+s6+$0x0], $0xffff;
	[tilespmem:$0x1FBC0] =	vst v11;
	v17 =	vmul.f32 v24, v11;
	v24 =	vor.u32 $0x3, v4  }
0x16f: {  	v20 =	vadd.f32 v46, v20;
	v27 =	vmul.f32 v27, v21;
	v11 =	vbroadcast v35, $0xA;
	v57 =	vld.idx.msk [tilespmem:v31+s2+$0x0], $0xffff;
	[tilespmem:$0x1FBD0] =	vst v0  }
0x170: {  	v15 =	vadd.f32 v15, v29;
	v29 =	vmul.f32 v48, v0;
	v0 =	vbroadcast v39, $0x9;
	v59 =	vld.idx.msk [tilespmem:v31+s6+$0x0], $0xffff  }
0x171: {  	v55 =	vbroadcast v38, $0xA;
	v18 =	vadd.f32 v17, v18;
	v17 =	vadd.f32 v27, v47;
	v27 =	vld.idx.msk [tilespmem:v42+s1+$0x0], $0xffff;
	[tilespmem:$0x1FBF0] =	vst v11  }
0x172: {  	v60 =	vbroadcast v38, $0xB;
	v20 =	vadd.f32 v29, v20;
	[tilespmem:$0x1FBE0] =	vst v0;
	v29 =	vmul.f32 v48, v0  }
0x173: {  	v8 =	vadd.f32 v8, v55;
	v0 =	vbroadcast v39, $0xA;
	v61 =	vld.idx.msk [tilespmem:v24+s6+$0x0], $0xffff  }
0x174: {  	v37 =	vbroadcast v35, $0xC;
	v63 =	vbroadcast v38, $0xF;
	v18 =	vadd.f32 v29, v18;
	v29 =	vld.idx.msk [tilespmem:v24+s2+$0x0], $0xffff;
	[tilespmem:$0x1FC00] =	vst v60  }
0x175: {  	v56 =	vbroadcast v38, $0xC;
	v8 =	vmax.f32 v8, $0.0e+00;
	v45 =	vbroadcast v39, $0xE;
	[tilespmem:$0x1FC10] =	vst v0  }
0x176: {  	v26 =	vmul.f32 v26, v21;
	v16 =	vadd.f32 v16, v60;
	v48 =	vbroadcast v35, $0xE;
	[tilespmem:$0x1FC60] =	vst v63  }
0x177: {  	v12 =	vadd.f32 v51, v23;
	v23 =	vmul.f32 v8, v11;
	v51 =	vbroadcast v39, $0xB;
	[tilespmem:$0x1FC70] =	vst v45  }
0x178: {  	v8 =	vmul.f32 v8, v0;
	v0 =	vbroadcast v35, $0xB;
	[tilespmem:$0x1FC80] =	vst v48  }
0x179: {  	v34 =	vbroadcast v35, $0xD;
	v16 =	vmax.f32 v16, $0.0e+00;
	v44 =	vbroadcast v39, $0xD;
	[tilespmem:$0x1FC90] =	vst v51  }
0x17a: {  	v8 =	vadd.f32 v8, v18;
	[tilespmem:$0x1FC20] =	vst v0;
	v18 =	vmul.f32 v16, v0;
	v0 =	vbroadcast v35, $0xF  }
0x17b: {  	v40 =	vbroadcast v39, $0xC;
	v46 =	vbroadcast v39, $0xF;
	v62 =	vadd.f32 v23, v20;
	[tilespmem:$0x1FCA0] =	vst v44  }
0x17c: {  	v11 =	vadd.f32 v57, v59;
	v23 =	vadd.f32 v26, v27;
	v27 =	vbroadcast v38, $0xE;
	[tilespmem:$0x1FC30] =	vst v0;
	v0 =	vld [tilespmem:$0x1FC40]  }
0x17d: {  	[tilespmem:$0x1FCB0] =	vst v34;
	v59 =	vbroadcast v38, $0xD;
	v57 =	vor.u32 $0xF, v4;
	v4 =	vadd.f32 v10, v63  }
0x17e: {  	v10 =	vmul.f32 v16, v51;
	v16 =	vadd.f32 v19, v55;
	v26 =	vadd.f32 v18, v62;
	[tilespmem:$0x1FC50] =	vst v27  }
0x17f: {  	v19 =	vmul.f32 v25, v21;
	v18 =	vadd.f32 v49, v56;
	v27 =	vadd.f32 v53, v27;
	v60 =	vld.idx.msk [tilespmem:v6+s1+$0x0], $0xffff  }
0x180: {  	v13 =	vadd.f32 v13, v59;
	v54 =	vmax.f32 v16, $0.0e+00;
	v16 =	vmul.f32 v50, v21;
	v6 =	vld [tilespmem:$0x1FCD0]  }
0x181: {  	v20 =	vadd.f32 v29, v61;
	v61 =	vmul.f32 v14, v21;
	v0 =	vadd.f32 v0, v59  }
0x182: {  	v14 =	vmul.f32 v28, v21;
	v47 =	vmax.f32 v18, $0.0e+00;
	v53 =	vmax.f32 v13, $0.0e+00  }
0x183: {  	v5 =	vld.idx.msk [tilespmem:v5+s1+$0x0], $0xffff;
	v13 =	vmul.f32 v47, v37;
	v29 =	vmax.f32 v0, $0.0e+00;
	v0 =	vmax.f32 v27, $0.0e+00  }
0x184: {  	v25 =	vmul.f32 v47, v40;
	v63 =	vmul.f32 v0, v45  }
0x185: {  	s12 =	simm.s32 $0xC820;
	s9 =	simm.s32 $0xCF90;
	[tilespmem:$0x1FCC0] =	vst v40;
	v50 =	vmovc v6;
	v62 =	vmul.f32 v0, v48;
	v0 =	vmax.f32 v4, $0.0e+00;
	v4 =	vmul.f32 v29, v44  }
0x186: {  	s11 =	simm.s32 $0xCA80;
	s10 =	simm.s32 $0xCD00;
	s0 =	simm.s32 $0xCA80;
	v6 =	vadd.f32 v9, v6;
	v18 =	vmul.f32 v29, v34;
	v29 =	vld.idx.msk [tilespmem:v24+s1+$0x0], $0xffff;
	v24 =	vmul.f32 v12, v21  }
0x187: {  	s14 =	simm.s32 $0x20;
	s3 =	simm.s32 $0xCD00;
	s25 =	simm.s32 $0xCF80;
	v51 =	vmov v37;
	v9 =	vld.idx.msk [tilespmem:v31+s1+$0x0], $0xffff;
	v12 =	vmul.f32 v11, v21;
	[tilespmem:$0x1FCE0] =	vst v46;
	v11 =	vmul.f32 v0, v46  }
.LBB2_12:
0x188: {  	v5 =	vadd.f32 v14, v5;
	v14 =	vld [tilespmem:$0x1FB50];
	_ =	sdelay $0x1  }
0x189: {  	v28 =	vld [tilespmem:s12+$0x0]  }
0x18a: {  	v30 =	vld.idx.msk [tilespmem:v30+s1+$0x0], $0xffff  }
0x18b: {  	v42 =	vld [tilespmem:$0x1FB20];
	v9 =	vadd.f32 v12, v9;
	v12 =	vadd.f32 v13, v26  }
0x18c: {  	v14 =	vadd.f32 v23, v14;
	v23 =	vld [tilespmem:$0x1FC30]  }
0x18d: {  	v33 =	vadd.f32 v18, v12;
	v12 =	vadd.f32 v9, v56;
	v9 =	vld [tilespmem:$0x1FA20]  }
0x18e: {  	v10 =	vadd.f32 v10, v8;
	v13 =	vmax.f32 v14, $0.0e+00;
	v14 =	vld [tilespmem:$0x1FFF0]  }
0x18f: {  	v26 =	vmul.f32 v20, v21;
	v20 =	vld [tilespmem:$0x1FA10]  }
0x190: {  	s15 =	smov.u32 s14;
	v10 =	vadd.f32 v25, v10;
	v25 =	vld [tilespmem:$0x1FB70]  }
0x191: {  	v32 =	vld.idx.msk [tilespmem:v22+s1+$0x0], $0xffff;
	v0 =	vmul.f32 v0, v23;
	v23 =	vmov s15  }
0x192: {  	v45 =	vadd.f32 v7, v42;
	v7 =	vld [tilespmem:$0x1FA40];
	v23 =	vshll.u32 v23, $0x4  }
0x193: {  	v34 =	vld.idx.msk [tilespmem:v57+s1+$0x0], $0xffff;
	v31 =	vadd.f32 v15, v9;
	v15 =	vadd.f32 v19, v30;
	v14 =	vor.u32 v14, v23  }
0x194: {  	v36 =	vld.idx.msk [tilespmem:v57+s2+$0x0], $0xffff;
	v5 =	vadd.f32 v5, v20;
	v20 =	vor.u32 $0x1, v14  }
0x195: {  	v37 =	vld.idx.msk [tilespmem:v57+s6+$0x0], $0xffff;
	v26 =	vadd.f32 v26, v29;
	v25 =	vadd.f32 v15, v25;
	v27 =	vor.u32 $0x4, v14  }
0x196: {  	v38 =	vld.idx.msk [tilespmem:v58+s1+$0x0], $0xffff;
	v35 =	vmax.f32 v28, $1.000000000e+00;
	v28 =	vor.u32 $0xD, v14  }
0x197: {  	v46 =	vadd.f32 v26, v7;
	v7 =	vmax.f32 v25, $0.0e+00;
	v25 =	vld [tilespmem:$0x1FA30]  }
0x198: {  	v8 =	vld.idx.msk [tilespmem:v14+s1+$0x0], $0xffff  }
0x199: {  	v29 =	vmax.f32 v5, $0.0e+00;
	v23 =	vor.u32 $0x5, v14;
	v5 =	vld.idx.msk [tilespmem:v20+s1+$0x0], $0xffff  }
0x19a: {  	v19 =	vld.idx.msk [tilespmem:v27+s1+$0x0], $0xffff  }
0x19b: {  	v40 =	vor.u32 $0xA, v14;
	v41 =	vld.idx.msk [tilespmem:v28+s1+$0x0], $0xffff  }
0x19c: {  	v4 =	vadd.f32 v4, v10;
	(erf) = vrcp.f32 v35;
	v42 =	vor.u32 $0xE, v14;
	v10 =	vld.idx.msk [tilespmem:v28+s6+$0x0], $0xffff  }
0x19d: {  	v39 =	vor.u32 $0x9, v14;
	v43 =	vld.idx.msk [tilespmem:v28+s2+$0x0], $0xffff  }
0x19e: {  	v33 =	vadd.f32 v62, v33;
	v28 =	vadd.f32 v17, v25;
	v17 =	vld.idx.msk [tilespmem:v23+s1+$0x0], $0xffff  }
0x19f: {  	v4 =	vadd.f32 v63, v4;
	v44 =	vld.idx.msk [tilespmem:v27+s2+$0x0], $0xffff  }
0x1a0: {  	v26 =	vmax.f32 v31, $0.0e+00;
	v31 =	vmax.f32 v46, $0.0e+00;
	v0 =	vadd.f32 v0, v33;
	v46 =	vld.idx.msk [tilespmem:v40+s1+$0x0], $0xffff  }
0x1a1: {  	v47 =	vld.idx.msk [tilespmem:v42+s1+$0x0], $0xffff  }
0x1a2: {  	v16 =	vadd.f32 v16, v32;
	v4 =	vadd.f32 v11, v4;
	v32 =	vld.idx.msk [tilespmem:v39+s1+$0x0], $0xffff;
	[tilespmem:s11+$0x0] =	vst v0  }
0x1a3: {  	v0 =	vadd.f32 v43, v10;
	v10 =	vld.idx.msk [tilespmem:v42+s2+$0x0], $0xffff  }
0x1a4: {  	[tilespmem:s10+$0x0] =	vst v4;
	v4 =	vld [tilespmem:$0x1FC50]  }
0x1a5: {  	v36 =	vadd.f32 v36, v37;
	v62 =	vpop (erf)  }
0x1a6: {  	v0 =	vmul.f32 v0, v62  }
0x1a7: {  	v48 =	vadd.f32 v61, v60;
	v60 =	vmul.f32 v36, v21;
	v11 =	vld [tilespmem:$0x1FA50]  }
0x1a8: {  	v0 =	vadd.f32 v0, v41  }
0x1a9: {  	v49 =	vld [tilespmem:$0x1FC00];
	v4 =	vadd.f32 v48, v4  }
0x1aa: {  	v24 =	vadd.f32 v24, v38;
	v25 =	vmax.f32 v45, $0.0e+00;
	v48 =	vadd.f32 v0, v59;
	v0 =	vld [tilespmem:$0x1FCA0]  }
0x1ab: {  	v45 =	vmax.f32 v28, $0.0e+00;
	v38 =	vmax.f32 v4, $0.0e+00;
	v4 =	vadd.f32 v60, v34;
	v60 =	vmovc v47;
	v47 =	vld [tilespmem:$0x1FC60]  }
0x1ac: {  	v61 =	vld [tilespmem:$0x1FA60];
	v63 =	vmul.f32 v45, v11  }
0x1ad: {  	v37 =	vld.idx.msk [tilespmem:v40+s2+$0x0], $0xffff  }
0x1ae: {  	v21 =	vmov v62;
	[tilespmem:s25+$0x0] =	vst v2;
	v62 =	vadd.f32 $0.0e+00, v63;
	v63 =	vld [tilespmem:$0x1FA80]  }
0x1af: {  	v36 =	vld.idx.msk [tilespmem:v42+s6+$0x0], $0xffff  }
0x1b0: {  	v42 =	vadd.f32 v4, v47;
	v4 =	vmul.f32 v53, v0;
	v0 =	vld [tilespmem:$0x1FA90];
	_ =	sdelay $0x1  }
0x1b1: {  	v24 =	vadd.f32 v24, v61  }
0x1b2: {  	v41 =	vmul.f32 v29, v63  }
0x1b3: {  	v16 =	vadd.f32 v16, v49;
	v24 =	vmax.f32 v24, $0.0e+00;
	v33 =	vld.idx.msk [tilespmem:v39+s6+$0x0], $0xffff  }
0x1b4: {  	v22 =	vor.u32 $0xB, v14;
	v34 =	vld.idx.msk [tilespmem:v39+s2+$0x0], $0xffff;
	v39 =	vadd.f32 v41, v62;
	v49 =	vmul.f32 v24, v0  }
0x1b5: {  	v28 =	vld [tilespmem:$0x1FBB0]  }
0x1b6: {  	v39 =	vadd.f32 v49, v39;
	v49 =	vld [tilespmem:$0x1FAB0];
	_ =	sdelay $0x2  }
0x1b7: {  	v2 =	vmov v3;
	v3 =	vmov v35;
	v35 =	vld.idx.msk [tilespmem:v22+s2+$0x0], $0xffff  }
0x1b8: {  	v43 =	vld.idx.msk [tilespmem:v22+s6+$0x0], $0xffff  }
0x1b9: {  	v52 =	vadd.f32 v52, v28;
	v41 =	vmul.f32 v31, v49;
	v49 =	vld [tilespmem:$0x1FAA0];
	_ =	sdelay $0x1  }
0x1ba: {  	v11 =	vmax.f32 v52, $0.0e+00;
	v52 =	vld [tilespmem:$0x1FAD0];
	_ =	sdelay $0x2  }
0x1bb: {  	v35 =	vadd.f32 v35, v43;
	v43 =	vmul.f32 v45, v49;
	v49 =	vld [tilespmem:$0x1FBD0]  }
0x1bc: {  	v6 =	vmax.f32 v6, $0.0e+00;
	v0 =	vmax.f32 v42, $0.0e+00;
	v42 =	vmax.f32 v48, $0.0e+00;
	v48 =	vld [tilespmem:$0x1FC70]  }
0x1bd: {  	v33 =	vadd.f32 v34, v33;
	v34 =	vadd.f32 v41, v39;
	v39 =	vmul.f32 v6, v52;
	v52 =	vld [tilespmem:$0x1FC20];
	_ =	sdelay $0x1  }
0x1be: {  	v28 =	vor.u32 $0x7, v14;
	v40 =	vld.idx.msk [tilespmem:v40+s6+$0x0], $0xffff  }
0x1bf: {  	v34 =	vadd.f32 v39, v34;
	v39 =	vmul.f32 v11, v49;
	v49 =	vld [tilespmem:$0x1FAC0]  }
0x1c0: {  	v16 =	vmax.f32 v16, $0.0e+00;
	v18 =	vor.u32 $0x6, v14;
	v63 =	vmul.f32 v38, v48;
	v48 =	vld [tilespmem:$0x1FC80]  }
0x1c1: {  	v45 =	vmul.f32 v16, v52;
	v52 =	vld [tilespmem:$0x1FAE0];
	_ =	sdelay $0x1  }
0x1c2: {  	v10 =	vadd.f32 v10, v36;
	v36 =	vld.idx.msk [tilespmem:v28+s2+$0x0], $0xffff  }
0x1c3: {  	v37 =	vadd.f32 v37, v40;
	v40 =	vadd.f32 $0.0e+00, v43;
	v29 =	vmul.f32 v29, v49;
	v49 =	vld [tilespmem:$0x1FBF0]  }
0x1c4: {  	v41 =	vld.idx.msk [tilespmem:v18+s6+$0x0], $0xffff  }
0x1c5: {  	v62 =	vmul.f32 v38, v48;
	v48 =	vld.idx.msk [tilespmem:v18+s2+$0x0], $0xffff;
	v24 =	vmul.f32 v24, v52;
	v29 =	vadd.f32 v29, v40  }
0x1c6: {  	v33 =	vmul.f32 v33, v21;
	v38 =	vld.idx.msk [tilespmem:v28+s6+$0x0], $0xffff  }
0x1c7: {  	v24 =	vadd.f32 v24, v29;
	v29 =	vld [tilespmem:$0x1FB00]  }
0x1c8: {  	v52 =	vadd.f32 v33, v32;
	v32 =	vmul.f32 v54, v49;
	v49 =	vld [tilespmem:$0x1FAF0]  }
0x1c9: {  	v27 =	vld.idx.msk [tilespmem:v27+s6+$0x0], $0xffff  }
0x1ca: {  	v41 =	vadd.f32 v48, v41;
	v48 =	vld [tilespmem:$0x1FBA0];
	_ =	sdelay $0x1  }
0x1cb: {  	v61 =	vmul.f32 v10, v21;
	v10 =	vld [tilespmem:$0x1FC90];
	v31 =	vmul.f32 v31, v29  }
0x1cc: {  	v33 =	vadd.f32 v36, v38;
	v36 =	vmul.f32 v37, v21;
	v37 =	vmul.f32 v26, v49;
	v49 =	vld [tilespmem:$0x1FB40]  }
0x1cd: {  	v24 =	vadd.f32 v31, v24;
	v31 =	vld [tilespmem:$0x1FB10]  }
0x1ce: {  	v27 =	vadd.f32 v44, v27;
	v44 =	vmul.f32 v7, v48;
	v48 =	vld [tilespmem:$0x1FB90]  }
0x1cf: {  	v47 =	vld.idx.msk [tilespmem:v23+s6+$0x0], $0xffff;
	v36 =	vadd.f32 v36, v46  }
0x1d0: {  	v15 =	vmax.f32 v12, $0.0e+00;
	v9 =	vor.u32 $0x3, v14;
	v30 =	vor.u32 $0x8, v14;
	v46 =	vld.idx.msk [tilespmem:v14+s2+$0x0], $0xffff  }
0x1d1: {  	v12 =	vor.u32 $0xC, v14;
	v36 =	vadd.f32 v36, v55;
	v40 =	vmul.f32 v25, v49;
	v49 =	vld [tilespmem:$0x1FB80]  }
0x1d2: {  	v57 =	vor.u32 $0xF, v14;
	v58 =	vor.u32 $0x2, v14;
	v6 =	vmul.f32 v6, v31;
	v31 =	vld.idx.msk [tilespmem:v14+s6+$0x0], $0xffff  }
0x1d3: {  	v14 =	vmul.f32 v27, v21;
	v27 =	vmax.f32 v36, $0.0e+00;
	v36 =	vmul.f32 v13, v48;
	v48 =	vld.idx.msk [tilespmem:v18+s1+$0x0], $0xffff  }
0x1d4: {  	v18 =	vld [tilespmem:$0x1FBC0]  }
0x1d5: {  	v23 =	vld.idx.msk [tilespmem:v23+s2+$0x0], $0xffff  }
0x1d6: {  	v10 =	vmul.f32 v16, v10;
	v16 =	vld.idx.msk [tilespmem:v20+s2+$0x0], $0xffff  }
0x1d7: {  	v49 =	vmul.f32 v13, v49;
	v13 =	vld [tilespmem:$0x1FB30]  }
0x1d8: {  	v20 =	vld.idx.msk [tilespmem:v20+s6+$0x0], $0xffff  }
0x1d9: {  	v6 =	vadd.f32 v6, v24;
	v24 =	vmul.f32 v7, v18;
	v18 =	vld [tilespmem:$0x1FB60];
	_ =	sdelay $0x1  }
0x1da: {  	v23 =	vadd.f32 v23, v47;
	v47 =	vld.idx.msk [tilespmem:v9+s2+$0x0], $0xffff  }
0x1db: {  	v43 =	vld.idx.msk [tilespmem:v30+s2+$0x0], $0xffff;
	v13 =	vmul.f32 v26, v13  }
0x1dc: {  	v38 =	vld.idx.msk [tilespmem:v30+s6+$0x0], $0xffff  }
0x1dd: {  	v29 =	vld.idx.msk [tilespmem:v9+s1+$0x0], $0xffff;
	v7 =	vadd.f32 v16, v20;
	v25 =	vmul.f32 v25, v18;
	v13 =	vadd.f32 v13, v6  }
0x1de: {  	v34 =	vadd.f32 v37, v34;
	v37 =	vld.idx.msk [tilespmem:v9+s6+$0x0], $0xffff  }
0x1df: {  	v9 =	vld [tilespmem:$0x1FBE0];
	v26 =	vadd.f32 v14, v19;
	v14 =	vmul.f32 v7, v21;
	v7 =	vadd.f32 v25, v13  }
0x1e0: {  	v20 =	vld.idx.msk [tilespmem:v58+s6+$0x0], $0xffff  }
0x1e1: {  	v36 =	vadd.f32 v36, v7;
	v7 =	vld [tilespmem:$0x1FCC0]  }
0x1e2: {  	v6 =	vld [tilespmem:$0x1FCB0]  }
0x1e3: {  	v16 =	vadd.f32 v43, v38;
	v38 =	vld.idx.msk [tilespmem:v58+s2+$0x0], $0xffff  }
0x1e4: {  	v23 =	vmul.f32 v23, v21;
	v11 =	vmul.f32 v11, v9;
	v31 =	vadd.f32 v46, v31  }
0x1e5: {  	v9 =	vld.idx.msk [tilespmem:v12+s1+$0x0], $0xffff;
	v19 =	vmul.f32 v16, v21;
	v16 =	vadd.f32 v40, v34;
	v13 =	vmul.f32 v15, v51  }
0x1e6: {  	v46 =	vld.idx.msk [tilespmem:v12+s6+$0x0], $0xffff;
	v25 =	vmul.f32 v15, v7;
	v15 =	vadd.f32 v23, v17;
	v23 =	vadd.f32 v24, v36  }
0x1e7: {  	v16 =	vadd.f32 v49, v16;
	v18 =	vmul.f32 v53, v6;
	v6 =	vadd.f32 v26, v50;
	v26 =	vld.idx.msk [tilespmem:v12+s2+$0x0], $0xffff  }
0x1e8: {  	v12 =	vadd.f32 v38, v20;
	v20 =	vadd.f32 v11, v23;
	v11 =	vld [tilespmem:$0x1FC10]  }
0x1e9: {  	v31 =	vmul.f32 v31, v21;
	v49 =	vadd.f32 v44, v16;
	_ =	sdelay $0x1  }
0x1ea: {  	v17 =	vadd.f32 v31, v8;
	v8 =	vadd.f32 v39, v49  }
0x1eb: {  	v28 =	vld.idx.msk [tilespmem:v28+s1+$0x0], $0xffff  }
0x1ec: {  	p2 =	sne.s32 s14, $0x180;
	v31 =	vmul.f32 v54, v11;
	v54 =	vmov v27;
	v27 =	vadd.f32 v32, v8;
	v8 =	vld [tilespmem:$0x1FCE0]  }
.Ltmp3:
0x1ed: {  	v41 =	vmul.f32 v41, v21;
	(pc) =	sbr.rel @p2 .LBB2_12-.Ltmp3, $4  }
0x1ee: {  	v33 =	vmul.f32 v33, v21;
	v26 =	vadd.f32 v26, v46  }
0x1ef: {  	s0 =	sadd.s32 $0x10, s0;
	s3 =	sadd.s32 $0x10, s3;
	s13 =	sadd.s32 $0x10, s14;
	v16 =	vmul.f32 v35, v21;
	v7 =	vadd.f32 v41, v48;
	v24 =	vmul.f32 v12, v21  }
0x1f0: {  	s12 =	sadd.s32 $0x10, s12;
	s14 =	smov.u32 s13;
	s11 =	smov.u32 s0;
	v23 =	vadd.f32 v33, v28;
	v12 =	vmul.f32 v26, v21;
	v26 =	vadd.f32 v45, v27  }
0x1f1: {  	s10 =	smov.u32 s3;
	s25 =	smov.u32 s9;
	s9 =	sadd.s32 $0x10, s9;
	v53 =	vmovc v42;
	v11 =	vmul.f32 v0, v8;
	v8 =	vadd.f32 v31, v20;
	v20 =	vadd.f32 v47, v37  }
0x1f2: {  	_ =	sdelay $0x3  }
0x1f3: {  	v32 =	vld.idx.msk [tilespmem:v30+s1+$0x0], $0xffff  }
0x1f4: {  	v34 =	vld.idx.msk [tilespmem:v58+s1+$0x0], $0xffff  }
0x1f5: {  	v35 =	vld [tilespmem:$0x1FB50]  }
0x1f6: {  	v36 =	vld [tilespmem:$0x1FA10]  }
0x1f7: {  	v38 =	vld [tilespmem:$0x1FA30]  }
0x1f8: {  	v40 =	vld [tilespmem:$0x1FA20]  }
0x1f9: {  	v42 =	vld [tilespmem:$0x1FB70]  }
0x1fa: {  	v43 =	vld [tilespmem:$0x1FA50]  }
0x1fb: {  	v44 =	vld [tilespmem:$0x1FA60]  }
0x1fc: {  	v45 =	vld [tilespmem:$0x1FAA0]  }
0x1fd: {  	v46 =	vld [tilespmem:$0x1FA40]  }
0x1fe: {  	v47 =	vld [tilespmem:$0x1FA80]  }
0x1ff: {  	v48 =	vld [tilespmem:$0x1FAC0]  }
0x200: {  	v49 =	vld [tilespmem:$0x1FB20]  }
0x201: {  	v50 =	vld [tilespmem:$0x1FA90]  }
0x202: {  	v55 =	vld [tilespmem:$0x1FAE0]  }
0x203: {  	v59 =	vld [tilespmem:$0x1FAB0]  }
0x204: {  	v9 =	vadd.f32 v12, v9;
	v33 =	vadd.f32 v13, v26;
	v26 =	vld.idx.msk [tilespmem:v22+s1+$0x0], $0xffff  }
0x205: {  	v5 =	vadd.f32 v14, v5;
	v27 =	vld [tilespmem:$0x1FAF0];
	v20 =	vmul.f32 v20, v21;
	v8 =	vadd.f32 v10, v8  }
0x206: {  	v28 =	vld [tilespmem:$0x1FB30];
	v12 =	vadd.f32 v18, v33;
	v9 =	vadd.f32 v9, v56  }
0x207: {  	v30 =	vld.idx.msk [tilespmem:v57+s2+$0x0], $0xffff;
	v37 =	vadd.f32 v20, v29;
	v17 =	vadd.f32 v17, v38  }
0x208: {  	v6 =	vmax.f32 v6, $0.0e+00;
	v31 =	vld [tilespmem:$0x1FB40];
	v8 =	vadd.f32 v25, v8;
	v12 =	vadd.f32 v62, v12  }
0x209: {  	v20 =	vld [tilespmem:$0x1FB00];
	v5 =	vadd.f32 v5, v36;
	v13 =	vadd.f32 v24, v34;
	v41 =	vmax.f32 v17, $0.0e+00  }
0x20a: {  	v25 =	vld [tilespmem:$0x1FB10];
	v39 =	vadd.f32 v19, v32;
	v14 =	vadd.f32 v15, v40;
	v17 =	vmul.f32 v41, v43  }
0x20b: {  	v29 =	vld [tilespmem:$0x1FBB0];
	v13 =	vadd.f32 v13, v44;
	v5 =	vmax.f32 v5, $0.0e+00;
	v15 =	vmul.f32 v41, v45  }
0x20c: {  	v18 =	vadd.f32 v37, v46;
	v24 =	vld [tilespmem:$0x1FAD0];
	v19 =	vmul.f32 v5, v47;
	v17 =	vadd.f32 $0.0e+00, v17  }
0x20d: {  	v32 =	vld [tilespmem:$0x1FB60];
	v5 =	vmul.f32 v5, v48;
	v13 =	vmax.f32 v13, $0.0e+00;
	v15 =	vadd.f32 $0.0e+00, v15  }
0x20e: {  	v23 =	vadd.f32 v23, v35;
	v34 =	vld.idx.msk [tilespmem:v57+s6+$0x0], $0xffff;
	v17 =	vadd.f32 v19, v17;
	v19 =	vmul.f32 v13, v50  }
0x20f: {  	v35 =	vld [tilespmem:$0x1FB80];
	v56 =	vmax.f32 v18, $0.0e+00;
	v13 =	vmul.f32 v13, v55;
	v5 =	vadd.f32 v5, v15  }
0x210: {  	v7 =	vadd.f32 v7, v49;
	v36 =	vld [tilespmem:$0x1FB90];
	v58 =	vadd.f32 v19, v17;
	v17 =	vmul.f32 v56, v59  }
0x211: {  	v4 =	vadd.f32 v4, v8;
	v40 =	vld [tilespmem:$0x1FBC0];
	v5 =	vadd.f32 v13, v5;
	v13 =	vmul.f32 v56, v20  }
0x212: {  	v46 =	vld [tilespmem:$0x1FC10];
	v10 =	vadd.f32 v39, v42;
	v15 =	vmul.f32 v6, v24;
	v8 =	vadd.f32 v17, v58  }
0x213: {  	v14 =	vmax.f32 v14, $0.0e+00;
	v39 =	vld [tilespmem:$0x1FBA0];
	v6 =	vmul.f32 v6, v25;
	v5 =	vadd.f32 v13, v5  }
0x214: {  	v38 =	vadd.f32 v61, v60;
	v42 =	vld [tilespmem:$0x1FBD0];
	v8 =	vadd.f32 v15, v8;
	v15 =	vmul.f32 v14, v27  }
0x215: {  	v7 =	vmax.f32 v7, $0.0e+00;
	v44 =	vld [tilespmem:$0x1FBE0];
	v5 =	vadd.f32 v6, v5;
	v6 =	vmul.f32 v14, v28  }
0x216: {  	v33 =	vmax.f32 v23, $0.0e+00;
	v41 =	vld.idx.msk [tilespmem:v57+s1+$0x0], $0xffff;
	v17 =	vmul.f32 v7, v31;
	v8 =	vadd.f32 v15, v8  }
0x217: {  	v43 =	vld [tilespmem:$0x1FC00];
	v37 =	vmax.f32 v10, $0.0e+00;
	v7 =	vmul.f32 v7, v32;
	v5 =	vadd.f32 v6, v5  }
0x218: {  	v56 =	vld [tilespmem:$0x1FC30];
	v13 =	vadd.f32 v16, v26;
	v16 =	vmul.f32 v33, v35;
	v8 =	vadd.f32 v17, v8  }
0x219: {  	v45 =	vld [tilespmem:$0x1FBF0];
	v14 =	vadd.f32 v52, v29;
	v17 =	vmul.f32 v33, v36;
	v5 =	vadd.f32 v7, v5  }
0x21a: {  	v49 =	vmax.f32 v9, $0.0e+00;
	v47 =	vld [tilespmem:$0x1FC20];
	v8 =	vadd.f32 v16, v8;
	v16 =	vmul.f32 v37, v39  }
0x21b: {  	v48 =	vld [tilespmem:$0x1FC90];
	v14 =	vmax.f32 v14, $0.0e+00;
	v7 =	vmul.f32 v37, v40;
	v5 =	vadd.f32 v17, v5  }
0x21c: {  	v57 =	vld [tilespmem:$0x1FCB0];
	v13 =	vadd.f32 v13, v43;
	v15 =	vmul.f32 v14, v42;
	v8 =	vadd.f32 v16, v8  }
0x21d: {  	v50 =	vld [tilespmem:$0x1FC50];
	v0 =	vmul.f32 v0, v56;
	v5 =	vadd.f32 v7, v5;
	v7 =	vmul.f32 v14, v44  }
0x21e: {  	v55 =	vld [tilespmem:$0x1FCC0];
	v6 =	vadd.f32 v30, v34;
	v14 =	vmul.f32 v54, v45;
	v8 =	vadd.f32 v15, v8  }
0x21f: {  	v58 =	vld [tilespmem:$0x1FCA0];
	v13 =	vmax.f32 v13, $0.0e+00;
	v5 =	vadd.f32 v7, v5;
	v7 =	vmul.f32 v54, v46  }
0x220: {  	v0 =	vadd.f32 v0, v12;
	v54 =	vld [tilespmem:$0x1FC60];
	v8 =	vadd.f32 v14, v8;
	v14 =	vmul.f32 v13, v47  }
0x221: {  	v60 =	vld [tilespmem:$0x1FC80];
	v6 =	vmul.f32 v6, v21;
	v13 =	vmul.f32 v13, v48;
	v5 =	vadd.f32 v7, v5  }
0x222: {  	v61 =	vld [tilespmem:$0x1FC70];
	v9 =	vadd.f32 v38, v50;
	v52 =	vmul.f32 v49, v51;
	v8 =	vadd.f32 v14, v8  }
0x223: {  	v6 =	vadd.f32 v6, v41;
	[tilespmem:s11+$0x0] =	vst v0;
	v7 =	vmul.f32 v49, v55;
	v5 =	vadd.f32 v13, v5  }
0x224: {  	v10 =	vmul.f32 v53, v57;
	v59 =	vmax.f32 v9, $0.0e+00;
	v0 =	vld [tilespmem:$0x1FCE0];
	v8 =	vadd.f32 v52, v8  }
0x225: {  	v13 =	vmul.f32 v53, v58;
	v6 =	vadd.f32 v6, v54;
	v5 =	vadd.f32 v7, v5  }
0x226: {  	v4 =	vadd.f32 v63, v4;
	v9 =	vmul.f32 v59, v60;
	v8 =	vadd.f32 v10, v8  }
0x227: {  	v7 =	vmul.f32 v59, v61;
	v6 =	vmax.f32 v6, $0.0e+00;
	v5 =	vadd.f32 v13, v5  }
0x228: {  	v4 =	vadd.f32 v11, v4;
	v62 =	vmul.f32 v6, v56;
	v8 =	vadd.f32 v9, v8  }
0x229: {  	v0 =	vmul.f32 v6, v0;
	v5 =	vadd.f32 v7, v5  }
0x22a: {  	[tilespmem:s10+$0x0] =	vst v4;
	v63 =	vadd.f32 v62, v8  }
0x22b: {  	s0 =	sadd.s32 $0x10, s0;
	[tilespmem:s25+$0x0] =	vst v2;
	v0 =	vadd.f32 v0, v5  }
0x22c: {  	s15 =	sadd.s32 $0x10, s3;
	[tilespmem:s0+$0x0] =	vst v63  }
0x22d: {  	[tilespmem:s15+$0x0] =	vst v0  }
0x22e: {  	s25 =	simm.s32 $0xCA80;
	[tilespmem:s9+$0x0] =	vst v3  }
0x22f: {  	[spmem:s20] =	stream.linear.scatter [tilespmem:s25], [sflag:$0x3], $0x190, $0x38;
	[tilespmem:$0x171E0] =	vst v63  }
0x230: {  	_ =	swait.ge [sflag:s26], $0x190  }
0x231: {  	[sflag:s26] =	ssyncset.done $0x0  }
0x232: {  	s3 =	simm.s32 @!p1 $0xCD00;
	s0 =	simm.s32 @!p1 $0x0;
	[sflag:s26] =	ssyncadd.s32 $0xFFFFFE70  }
0x233: {  	[hbm4b:s21+s0] =	stream.linear.scatter @!p1 [tilespmem:s3], [sflag:$0x3], $0x190, $0x38;
	[tilespmem:$0x171E0] =	vst v63  }
0x234: {  	s3 =	simm.s32 @!p1 $0x3  }
0x235: {  	_ =	swait.ge @!p1 [sflag:s3], $0x190  }
0x236: {  	[sflag:s3] =	ssyncset.done @!p1 $0x0  }
.Ltmp4:
0x237: {  	s9 =	simm.s32 @!p1 $0xCF80;
	[sflag:s3] =	ssyncadd.s32 @!p1 $0xFFFFFE70;
	(pc) =	sbr.rel .LBB2_14-.Ltmp4, $4  }
0x238: {  	[hbm4b:s22+s0] =	stream.linear.scatter @!p1 [tilespmem:s9], [sflag:$0x3], $0x190, $0x38;
	[tilespmem:$0x171E0] =	vst v63  }
0x239: {  	_ =	swait.ge @!p1 [sflag:s3], $0x190  }
0x23a: {  	[sflag:s3] =	ssyncset.done @!p1 $0x0  }
0x23b: {  	v49 =	vld [tilespmem:$0x1FFF0];
	[sflag:s3] =	ssyncadd.s32 @!p1 $0xFFFFFE70  }
.LBB2_2:
0x23c: {  	s3 =	rddreg [dreg:$0x7]  }
0x23d: {  	[tilespmem:s0], [sflag:$0x2] =	stream.linear.gather [hbm4b:s3+s0], $0x2800, $0x38;
	[tilespmem:$0x171E0] =	vst v63  }
0x23e: {  	s11 =	rddreg [dreg:$0x8]  }
0x23f: {  	[tilespmem:s2], [sflag:$0x2] =	stream.linear.gather [hbm4b:s11+s0], $0x2800, $0x38;
	[tilespmem:$0x171E0] =	vst v63  }
0x240: {  	s12 =	rddreg [dreg:$0x9];
	s13 =	simm.s32 $0x10;
	s9 =	simm.s32 $0x80  }
0x241: {  	[tilespmem:s1], [sflag:$0x2] =	stream.strided.gather [hbm4b:s12+s13], $0x2800, s9, s13, $0x38;
	[tilespmem:$0x171E0] =	vst v63  }
0x242: {  	s14 =	rddreg [dreg:$0xa];
	s15 =	simm.s32 $0x280;
	s25 =	simm.s32 $0x7800  }
0x243: {  	[tilespmem:s25], [sflag:$0x2] =	stream.strided.gather [hbm4b:s14+s15], $0x5000, s2, s15, $0x38;
	[tilespmem:$0x171E0] =	vst v63  }
0x244: {  	_ =	swait.ge [sflag:s4], $0x2800  }
0x245: {  	[sflag:s4] =	ssyncset.done $0x0  }
0x246: {  	[sflag:s4] =	ssyncadd.s32 $0xFFFFD800  }
0x247: {  	_ =	swait.ge [sflag:s4], $0x2800  }
0x248: {  	[sflag:s4] =	ssyncset.done $0x0  }
0x249: {  	[sflag:s4] =	ssyncadd.s32 $0xFFFFD800  }
0x24a: {  	_ =	swait.ge [sflag:s4], $0x2800  }
0x24b: {  	[sflag:s4] =	ssyncset.done $0x0  }
0x24c: {  	[sflag:s4] =	ssyncadd.s32 $0xFFFFD800  }
0x24d: {  	_ =	swait.ge [sflag:s4], $0x5000  }
0x24e: {  	[sflag:s4] =	ssyncset.done $0x0  }
0x24f: {  	s0 =	simm.s32 $0x0;
	[sflag:s4] =	ssyncadd.s32 $0xFFFFB000  }
0x250: {  	v0 =	vld [tilespmem:s0+$0x7810]  }
0x251: {  	v2 =	vld [tilespmem:s0+$0x7A90]  }
0x252: {  	v3 =	vld [tilespmem:s0+$0x7800]  }
0x253: {  	v4 =	vld [tilespmem:s0+$0x7D10]  }
0x254: {  	v5 =	vld [tilespmem:s0+$0x7A80]  }
0x255: {  	v6 =	vld [tilespmem:s0+$0x7F90]  }
0x256: {  	v7 =	vld [tilespmem:s0+$0x7D00];
	v0 =	vadd.f32 v2, v0  }
0x257: {  	v2 =	vld [tilespmem:s0+$0x8210]  }
0x258: {  	v8 =	vld [tilespmem:s0+$0x7F80];
	v0 =	vadd.f32 v4, v0  }
0x259: {  	v3 =	vadd.f32 v5, v3;
	v4 =	vld [tilespmem:s0+$0x8490]  }
0x25a: {  	v5 =	vld [tilespmem:s0+$0x8200];
	v0 =	vadd.f32 v6, v0  }
0x25b: {  	v3 =	vadd.f32 v7, v3;
	v6 =	vld [tilespmem:s0+$0x8710]  }
0x25c: {  	v7 =	vld [tilespmem:s0+$0x8480];
	v0 =	vadd.f32 v2, v0  }
0x25d: {  	v3 =	vadd.f32 v8, v3;
	v2 =	vld [tilespmem:s0+$0x8990]  }
0x25e: {  	v8 =	vld [tilespmem:s0+$0x8700];
	v0 =	vadd.f32 v4, v0  }
0x25f: {  	v3 =	vadd.f32 v5, v3;
	v4 =	vld [tilespmem:s0+$0x8C10]  }
0x260: {  	v5 =	vld [tilespmem:s0+$0x8980];
	v0 =	vadd.f32 v6, v0  }
0x261: {  	v3 =	vadd.f32 v7, v3;
	v6 =	vld [tilespmem:s0+$0x8E90]  }
0x262: {  	v7 =	vld [tilespmem:s0+$0x8C00];
	v0 =	vadd.f32 v2, v0  }
0x263: {  	v3 =	vadd.f32 v8, v3;
	v2 =	vld [tilespmem:s0+$0x9110]  }
0x264: {  	v8 =	vld [tilespmem:s0+$0x8E80];
	v0 =	vadd.f32 v4, v0  }
0x265: {  	v3 =	vadd.f32 v5, v3;
	v4 =	vld [tilespmem:s0+$0x9390]  }
0x266: {  	v5 =	vld [tilespmem:s0+$0x9100];
	v0 =	vadd.f32 v6, v0  }
0x267: {  	v3 =	vadd.f32 v7, v3;
	v6 =	vld [tilespmem:s0+$0x9610]  }
0x268: {  	v7 =	vld [tilespmem:s0+$0x9380];
	v0 =	vadd.f32 v2, v0  }
0x269: {  	v3 =	vadd.f32 v8, v3;
	v2 =	vld [tilespmem:s0+$0x9890]  }
0x26a: {  	v8 =	vld [tilespmem:s0+$0x9600];
	v0 =	vadd.f32 v4, v0  }
0x26b: {  	v3 =	vadd.f32 v5, v3;
	v4 =	vld [tilespmem:s0+$0x9B10]  }
0x26c: {  	v5 =	vld [tilespmem:s0+$0x9880];
	v0 =	vadd.f32 v6, v0  }
0x26d: {  	v3 =	vadd.f32 v7, v3;
	v6 =	vld [tilespmem:s0+$0x9D90]  }
0x26e: {  	v7 =	vld [tilespmem:s0+$0x9B00];
	v0 =	vadd.f32 v2, v0  }
0x26f: {  	v3 =	vadd.f32 v8, v3;
	v2 =	vld [tilespmem:s0+$0xA010]  }
0x270: {  	v8 =	vld [tilespmem:s0+$0x9D80];
	v0 =	vadd.f32 v4, v0  }
0x271: {  	v3 =	vadd.f32 v5, v3;
	v4 =	vld [tilespmem:s0+$0xA290]  }
0x272: {  	v5 =	vld [tilespmem:s0+$0xA000];
	v0 =	vadd.f32 v6, v0  }
0x273: {  	v3 =	vadd.f32 v7, v3;
	v6 =	vld [tilespmem:s0+$0xA510]  }
0x274: {  	v7 =	vld [tilespmem:s0+$0xA280];
	v0 =	vadd.f32 v2, v0  }
0x275: {  	v3 =	vadd.f32 v8, v3;
	v2 =	vld [tilespmem:s0+$0xA790]  }
0x276: {  	v8 =	vld [tilespmem:s0+$0xA500];
	v0 =	vadd.f32 v4, v0  }
0x277: {  	v3 =	vadd.f32 v5, v3;
	v4 =	vld [tilespmem:s0+$0xAA10]  }
0x278: {  	v5 =	vld [tilespmem:s0+$0xA780];
	v0 =	vadd.f32 v6, v0  }
0x279: {  	v3 =	vadd.f32 v7, v3;
	v6 =	vld [tilespmem:s0+$0xAC90]  }
0x27a: {  	v7 =	vld [tilespmem:s0+$0xAA00];
	v0 =	vadd.f32 v2, v0  }
0x27b: {  	v3 =	vadd.f32 v8, v3;
	v2 =	vld [tilespmem:s0+$0xAF10]  }
0x27c: {  	v8 =	vld [tilespmem:s0+$0xAC80];
	v0 =	vadd.f32 v4, v0  }
0x27d: {  	v3 =	vadd.f32 v5, v3;
	v4 =	vld [tilespmem:s0+$0xB190]  }
0x27e: {  	v5 =	vld [tilespmem:s0+$0xAF00];
	v0 =	vadd.f32 v6, v0  }
0x27f: {  	v3 =	vadd.f32 v7, v3;
	v6 =	vld [tilespmem:s0+$0xB410]  }
0x280: {  	v7 =	vld [tilespmem:s0+$0xB180];
	v0 =	vadd.f32 v2, v0  }
0x281: {  	v3 =	vadd.f32 v8, v3;
	v2 =	vld [tilespmem:s0+$0xB690]  }
0x282: {  	v8 =	vld [tilespmem:s0+$0xB400];
	v0 =	vadd.f32 v4, v0  }
0x283: {  	v3 =	vadd.f32 v5, v3;
	v4 =	vld [tilespmem:s0+$0xB910]  }
0x284: {  	v5 =	vld [tilespmem:s0+$0xB680];
	v0 =	vadd.f32 v6, v0  }
0x285: {  	v3 =	vadd.f32 v7, v3;
	v6 =	vld [tilespmem:s0+$0xBB90]  }
0x286: {  	v7 =	vld [tilespmem:s0+$0xB900];
	v0 =	vadd.f32 v2, v0  }
0x287: {  	v9 =	vld [tilespmem:s0+$0xBE10];
	v2 =	vadd.f32 v8, v3  }
0x288: {  	v8 =	vld [tilespmem:s0+$0xBB80];
	v0 =	vadd.f32 v4, v0  }
0x289: {  	v10 =	vld [tilespmem:s0+$0xC090];
	v2 =	vadd.f32 v5, v2  }
0x28a: {  	v4 =	vld [tilespmem:s0+$0xBE00];
	v3 =	vadd.f32 v6, v0  }
0x28b: {  	v0 =	vld [tilespmem:s0+$0xC310];
	v5 =	vadd.f32 v7, v2  }
0x28c: {  	v2 =	vld [tilespmem:s0+$0xC080];
	v6 =	vadd.f32 v9, v3  }
0x28d: {  	v3 =	vld [tilespmem:s0+$0xC590];
	v7 =	vadd.f32 v8, v5  }
0x28e: {  	s3 =	simm.s32 $0x0;
	s9 =	simm.s32 $0x80;
	v5 =	vld [tilespmem:s0+$0xC300];
	v6 =	vadd.f32 v10, v6  }
.LBB2_3:
0x28f: {  	s10 =	sshra.s32 s9, $0x2;
	v4 =	vadd.f32 v4, v7;
	v7 =	vld [tilespmem:s0+$0xC580]  }
0x290: {  	s3 =	sadd.s32 $0x2, s3;
	v8 =	vld [tilespmem:s10+$0x7810];
	v0 =	vadd.f32 v0, v6  }
0x291: {  	p2 =	slt.u32 s3, $0x26;
	v6 =	vld [tilespmem:s10+$0x7A90];
	v2 =	vadd.f32 v2, v4  }
0x292: {  	v4 =	vld [tilespmem:s10+$0x7800];
	v0 =	vadd.f32 v3, v0  }
0x293: {  	v3 =	vld [tilespmem:s10+$0x7D10];
	v2 =	vadd.f32 v5, v2  }
0x294: {  	v5 =	vld [tilespmem:s10+$0x7A80];
	[tilespmem:s0+$0xC810] =	vst v0  }
0x295: {  	v0 =	vld [tilespmem:s10+$0x7F90];
	v2 =	vadd.f32 v7, v2  }
0x296: {  	v7 =	vld [tilespmem:s10+$0x7D00];
	v6 =	vadd.f32 v6, v8  }
0x297: {  	v8 =	vld [tilespmem:s10+$0x8210];
	[tilespmem:s0+$0xC800] =	vst v2;
	s0 =	smov.u32 s10  }
0x298: {  	v2 =	vld [tilespmem:s0+$0x7F80];
	v3 =	vadd.f32 v3, v6  }
0x299: {  	v4 =	vadd.f32 v5, v4;
	v5 =	vld [tilespmem:s0+$0x8490]  }
0x29a: {  	v6 =	vld [tilespmem:s0+$0x8200];
	v0 =	vadd.f32 v0, v3  }
0x29b: {  	v3 =	vadd.f32 v7, v4;
	v4 =	vld [tilespmem:s0+$0x8710]  }
0x29c: {  	v7 =	vld [tilespmem:s0+$0x8480];
	v0 =	vadd.f32 v8, v0  }
0x29d: {  	v2 =	vadd.f32 v2, v3;
	v3 =	vld [tilespmem:s0+$0x8990]  }
0x29e: {  	v8 =	vld [tilespmem:s0+$0x8700];
	v0 =	vadd.f32 v5, v0  }
0x29f: {  	v2 =	vadd.f32 v6, v2;
	v5 =	vld [tilespmem:s0+$0x8C10]  }
0x2a0: {  	v6 =	vld [tilespmem:s0+$0x8980];
	v0 =	vadd.f32 v4, v0  }
0x2a1: {  	v2 =	vadd.f32 v7, v2;
	v4 =	vld [tilespmem:s0+$0x8E90]  }
0x2a2: {  	v7 =	vld [tilespmem:s0+$0x8C00];
	v0 =	vadd.f32 v3, v0  }
0x2a3: {  	v2 =	vadd.f32 v8, v2;
	v3 =	vld [tilespmem:s0+$0x9110]  }
0x2a4: {  	v8 =	vld [tilespmem:s0+$0x8E80];
	v0 =	vadd.f32 v5, v0  }
0x2a5: {  	v2 =	vadd.f32 v6, v2;
	v5 =	vld [tilespmem:s0+$0x9390]  }
0x2a6: {  	v6 =	vld [tilespmem:s0+$0x9100];
	v0 =	vadd.f32 v4, v0  }
0x2a7: {  	v2 =	vadd.f32 v7, v2;
	v4 =	vld [tilespmem:s0+$0x9610]  }
0x2a8: {  	v7 =	vld [tilespmem:s0+$0x9380];
	v0 =	vadd.f32 v3, v0  }
0x2a9: {  	v2 =	vadd.f32 v8, v2;
	v3 =	vld [tilespmem:s0+$0x9890]  }
0x2aa: {  	v8 =	vld [tilespmem:s0+$0x9600];
	v0 =	vadd.f32 v5, v0  }
0x2ab: {  	v2 =	vadd.f32 v6, v2;
	v5 =	vld [tilespmem:s0+$0x9B10]  }
0x2ac: {  	v6 =	vld [tilespmem:s0+$0x9880];
	v0 =	vadd.f32 v4, v0  }
0x2ad: {  	v2 =	vadd.f32 v7, v2;
	v4 =	vld [tilespmem:s0+$0x9D90]  }
0x2ae: {  	v7 =	vld [tilespmem:s0+$0x9B00];
	v0 =	vadd.f32 v3, v0  }
0x2af: {  	v2 =	vadd.f32 v8, v2;
	v3 =	vld [tilespmem:s0+$0xA010]  }
0x2b0: {  	v8 =	vld [tilespmem:s0+$0x9D80];
	v0 =	vadd.f32 v5, v0  }
0x2b1: {  	v2 =	vadd.f32 v6, v2;
	v5 =	vld [tilespmem:s0+$0xA290]  }
0x2b2: {  	v6 =	vld [tilespmem:s0+$0xA000];
	v0 =	vadd.f32 v4, v0  }
0x2b3: {  	v2 =	vadd.f32 v7, v2;
	v4 =	vld [tilespmem:s0+$0xA510]  }
0x2b4: {  	v7 =	vld [tilespmem:s0+$0xA280];
	v0 =	vadd.f32 v3, v0  }
0x2b5: {  	v2 =	vadd.f32 v8, v2;
	v3 =	vld [tilespmem:s0+$0xA790]  }
0x2b6: {  	v8 =	vld [tilespmem:s0+$0xA500];
	v0 =	vadd.f32 v5, v0  }
0x2b7: {  	v2 =	vadd.f32 v6, v2;
	v5 =	vld [tilespmem:s0+$0xAA10]  }
0x2b8: {  	v6 =	vld [tilespmem:s0+$0xA780];
	v0 =	vadd.f32 v4, v0  }
0x2b9: {  	v2 =	vadd.f32 v7, v2;
	v4 =	vld [tilespmem:s0+$0xAC90]  }
0x2ba: {  	v7 =	vld [tilespmem:s0+$0xAA00];
	v0 =	vadd.f32 v3, v0  }
0x2bb: {  	v2 =	vadd.f32 v8, v2;
	v3 =	vld [tilespmem:s0+$0xAF10]  }
0x2bc: {  	v8 =	vld [tilespmem:s0+$0xAC80];
	v0 =	vadd.f32 v5, v0  }
0x2bd: {  	v2 =	vadd.f32 v6, v2;
	v5 =	vld [tilespmem:s0+$0xB190]  }
0x2be: {  	v6 =	vld [tilespmem:s0+$0xAF00];
	v0 =	vadd.f32 v4, v0  }
0x2bf: {  	v2 =	vadd.f32 v7, v2;
	v4 =	vld [tilespmem:s0+$0xB410]  }
0x2c0: {  	v7 =	vld [tilespmem:s0+$0xB180];
	v0 =	vadd.f32 v3, v0  }
0x2c1: {  	v2 =	vadd.f32 v8, v2;
	v3 =	vld [tilespmem:s0+$0xB690]  }
0x2c2: {  	v8 =	vld [tilespmem:s0+$0xB400];
	v0 =	vadd.f32 v5, v0  }
0x2c3: {  	v2 =	vadd.f32 v6, v2;
	v5 =	vld [tilespmem:s0+$0xB910]  }
0x2c4: {  	v6 =	vld [tilespmem:s0+$0xB680];
	v0 =	vadd.f32 v4, v0  }
0x2c5: {  	v2 =	vadd.f32 v7, v2;
	v7 =	vld [tilespmem:s0+$0xBB90]  }
0x2c6: {  	v9 =	vld [tilespmem:s0+$0xB900];
	v0 =	vadd.f32 v3, v0  }
0x2c7: {  	v2 =	vadd.f32 v8, v2;
	v3 =	vld [tilespmem:s0+$0xBE10]  }
0x2c8: {  	v8 =	vld [tilespmem:s0+$0xBB80];
	v0 =	vadd.f32 v5, v0  }
0x2c9: {  	v2 =	vadd.f32 v6, v2;
	v6 =	vld [tilespmem:s0+$0xC090]  }
.Ltmp5:
0x2ca: {  	v4 =	vld [tilespmem:s0+$0xBE00];
	v5 =	vadd.f32 v7, v0;
	(pc) =	sbr.rel @p2 .LBB2_3-.Ltmp5, $4  }
0x2cb: {  	v7 =	vadd.f32 v9, v2;
	v0 =	vld [tilespmem:s0+$0xC310]  }
0x2cc: {  	v2 =	vld [tilespmem:s0+$0xC080];
	v9 =	vadd.f32 v3, v5  }
0x2cd: {  	v7 =	vadd.f32 v8, v7;
	v3 =	vld [tilespmem:s0+$0xC590]  }
0x2ce: {  	s9 =	sadd.s32 $0x80, s9;
	v5 =	vld [tilespmem:s0+$0xC300];
	v6 =	vadd.f32 v6, v9  }
0x2cf: {  	_ = 	snop  }
0x2d0: {  	v0 =	vadd.f32 v0, v6  }
0x2d1: {  	v4 =	vadd.f32 v4, v7  }
0x2d2: {  	v7 =	vld [tilespmem:s0+$0xC580];
	s3 =	simm.s32 $0x0;
	v0 =	vadd.f32 v3, v0  }
0x2d3: {  	v2 =	vadd.f32 v2, v4;
	v3 =	vmov s3  }
0x2d4: {  	[tilespmem:s0+$0xC810] =	vst v0;
	v0 =	vshll.u32 v3, $0x4  }
0x2d5: {  	v2 =	vadd.f32 v5, v2;
	v0 =	vor.u32 v49, v0;
	_ =	sdelay $0x1  }
0x2d6: {  	v2 =	vadd.f32 v7, v2;
	_ =	sdelay $0x1  }
0x2d7: {  	[tilespmem:s0+$0xC800] =	vst v2  }
0x2d8: {  	v5 =	vld.idx.msk [tilespmem:v0+s1+$0x0], $0xffff  }
0x2d9: {  	v3 =	vor.u32 $0x1, v0;
	_ =	sdelay $0x2  }
0x2da: {  	s14 =	simm.s32 $0xC800  }
0x2db: {  	v6 =	vld [tilespmem:s14+$0x0];
	[tilespmem:$0x1FCF0] =	vst v5  }
0x2dc: {  	v5 =	vld.idx.msk [tilespmem:v3+s1+$0x0], $0xffff  }
0x2dd: {  	v2 =	vor.u32 $0x4, v0  }
0x2de: {  	v4 =	vor.u32 $0xD, v0  }
0x2df: {  	v14 =	vor.u32 $0xE, v0;
	v38 =	vld [tilespmem:$0xD200]  }
0x2e0: {  	v35 =	vld [tilespmem:$0xD210]  }
0x2e1: {  	v39 =	vld [tilespmem:$0xD220];
	[tilespmem:$0x1FD00] =	vst v5  }
0x2e2: {  	v7 =	vor.u32 $0x5, v0;
	v11 =	vld.idx.msk [tilespmem:v2+s1+$0x0], $0xffff  }
0x2e3: {  	v9 =	vld.idx.msk [tilespmem:v4+s1+$0x0], $0xffff  }
0x2e4: {  	v8 =	vor.u32 $0xA, v0;
	v5 =	vld.idx.msk [tilespmem:v14+s1+$0x0], $0xffff  }
0x2e5: {  	v15 =	vor.u32 $0x9, v0;
	v13 =	vld.idx.msk [tilespmem:v4+s6+$0x0], $0xffff  }
0x2e6: {  	v4 =	vld.idx.msk [tilespmem:v4+s2+$0x0], $0xffff  }
0x2e7: {  	v16 =	vld.idx.msk [tilespmem:v7+s1+$0x0], $0xffff  }
0x2e8: {  	v17 =	vld.idx.msk [tilespmem:v2+s2+$0x0], $0xffff  }
0x2e9: {  	v19 =	vor.u32 $0xB, v0;
	v18 =	vld.idx.msk [tilespmem:v8+s1+$0x0], $0xffff;
	[tilespmem:$0x1FD70] =	vst v5  }
0x2ea: {  	v20 =	vld.idx.msk [tilespmem:v15+s1+$0x0], $0xffff  }
0x2eb: {  	v21 =	vld.idx.msk [tilespmem:v14+s2+$0x0], $0xffff  }
0x2ec: {  	v22 =	vld.idx.msk [tilespmem:v8+s2+$0x0], $0xffff  }
0x2ed: {  	v14 =	vld.idx.msk [tilespmem:v14+s6+$0x0], $0xffff  }
0x2ee: {  	v23 =	vld.idx.msk [tilespmem:v19+s2+$0x0], $0xffff  }
0x2ef: {  	v24 =	vor.u32 $0x7, v0;
	v25 =	vld.idx.msk [tilespmem:v15+s2+$0x0], $0xffff  }
0x2f0: {  	v15 =	vld.idx.msk [tilespmem:v15+s6+$0x0], $0xffff  }
0x2f1: {  	v26 =	vor.u32 $0x6, v0;
	v27 =	vld.idx.msk [tilespmem:v19+s6+$0x0], $0xffff  }
0x2f2: {  	v28 =	vld.idx.msk [tilespmem:v7+s6+$0x0], $0xffff  }
0x2f3: {  	v8 =	vld.idx.msk [tilespmem:v8+s6+$0x0], $0xffff  }
0x2f4: {  	v29 =	vld.idx.msk [tilespmem:v24+s2+$0x0], $0xffff  }
0x2f5: {  	v30 =	vor.u32 $0x8, v0;
	v31 =	vld.idx.msk [tilespmem:v24+s6+$0x0], $0xffff  }
0x2f6: {  	v32 =	vld.idx.msk [tilespmem:v26+s2+$0x0], $0xffff  }
0x2f7: {  	v33 =	vld.idx.msk [tilespmem:v26+s6+$0x0], $0xffff  }
0x2f8: {  	v34 =	vld.idx.msk [tilespmem:v3+s2+$0x0], $0xffff  }
0x2f9: {  	v36 =	vor.u32 $0x3, v0;
	v37 =	vld.idx.msk [tilespmem:v2+s6+$0x0], $0xffff;
	v2 =	vmax.f32 v6, $1.000000000e+00  }
0x2fa: {  	v6 =	vld.idx.msk [tilespmem:v30+s2+$0x0], $0xffff;
	(erf) = vrcp.f32 v2  }
0x2fb: {  	v40 =	vld.idx.msk [tilespmem:v7+s2+$0x0], $0xffff  }
0x2fc: {  	v41 =	vld.idx.msk [tilespmem:v30+s6+$0x0], $0xffff  }
0x2fd: {  	v3 =	vld.idx.msk [tilespmem:v3+s6+$0x0], $0xffff  }
0x2fe: {  	v42 =	vor.u32 $0x2, v0;
	v43 =	vld.idx.msk [tilespmem:v36+s6+$0x0], $0xffff  }
0x2ff: {  	v44 =	vld.idx.msk [tilespmem:v36+s1+$0x0], $0xffff  }
0x300: {  	v5 =	vbroadcast v38, $0x4;
	v45 =	vld.idx.msk [tilespmem:v0+s2+$0x0], $0xffff  }
0x301: {  	v46 =	vor.u32 $0xC, v0;
	v47 =	vld.idx.msk [tilespmem:v0+s6+$0x0], $0xffff  }
0x302: {  	v61 =	vbroadcast v38, $0x0;
	v4 =	vadd.f32 v4, v13;
	v26 =	vld.idx.msk [tilespmem:v26+s1+$0x0], $0xffff;
	[tilespmem:$0x1FFD0] =	vst v5;
	v17 =	vadd.f32 v17, v37  }
0x303: {  	v53 =	vbroadcast v35, $0x0;
	v13 =	vld.idx.msk [tilespmem:v42+s6+$0x0], $0xffff;
	v7 =	vadd.f32 v25, v15;
	v25 =	vadd.f32 v32, v33;
	v48 =	vpop (erf)  }
0x304: {  	v15 =	vld.idx.msk [tilespmem:v24+s1+$0x0], $0xffff;
	v14 =	vadd.f32 v21, v14;
	v4 =	vmul.f32 v4, v48;
	v17 =	vmul.f32 v17, v48  }
0x305: {  	v21 =	vld.idx.msk [tilespmem:v42+s2+$0x0], $0xffff;
	v8 =	vadd.f32 v22, v8;
	v3 =	vadd.f32 v34, v3;
	v25 =	vmul.f32 v25, v48  }
0x306: {  	v24 =	vor.u32 $0xF, v0;
	v22 =	vld.idx.msk [tilespmem:v46+s2+$0x0], $0xffff;
	v0 =	vadd.f32 v4, v9;
	v11 =	vadd.f32 v17, v11  }
0x307: {  	v58 =	vbroadcast v39, $0x0;
	v25 =	vadd.f32 v25, v26;
	v26 =	vmul.f32 v3, v48;
	v3 =	vld [tilespmem:$0x1FCF0]  }
0x308: {  	v12 =	vbroadcast v38, $0x1;
	v7 =	vmul.f32 v7, v48;
	[tilespmem:$0x1FF40] =	vst v0;
	v11 =	vadd.f32 v11, v5;
	v5 =	vld [tilespmem:$0x1FD00]  }
0x309: {  	v59 =	vbroadcast v35, $0x1;
	v0 =	vmul.f32 v14, v48;
	v14 =	vadd.f32 v23, v27;
	v23 =	vld.idx.msk [tilespmem:v46+s6+$0x0], $0xffff  }
0x30a: {  	v60 =	vbroadcast v39, $0x1;
	v8 =	vmul.f32 v8, v48;
	v7 =	vadd.f32 v7, v20;
	v20 =	vld.idx.msk [tilespmem:v36+s2+$0x0], $0xffff  }
0x30b: {  	s15 =	simm.s32 $0x10;
	s25 =	simm.s32 $0xC810;
	v62 =	vbroadcast v38, $0x2;
	v52 =	vbroadcast v35, $0x2;
	v4 =	vadd.f32 v29, v31;
	v27 =	vld.idx.msk [tilespmem:v46+s1+$0x0], $0xffff  }
0x30c: {  	v57 =	vbroadcast v39, $0x2;
	v29 =	vmov s15;
	v8 =	vadd.f32 v8, v18;
	v18 =	vld [tilespmem:s25+$0x0]  }
0x30d: {  	v63 =	vbroadcast v38, $0x3;
	v31 =	vmul.f32 v4, v48;
	v4 =	vshll.u32 v29, $0x4;
	v29 =	vld.idx.msk [tilespmem:v30+s1+$0x0], $0xffff  }
0x30e: {  	v56 =	vbroadcast v35, $0x3;
	v51 =	vbroadcast v39, $0x3;
	v4 =	vor.u32 v49, v4;
	v19 =	vld.idx.msk [tilespmem:v19+s1+$0x0], $0xffff  }
0x30f: {  	v50 =	vbroadcast v35, $0x4;
	v28 =	vadd.f32 v40, v28;
	v17 =	vld.idx.msk [tilespmem:v24+s1+$0x0], $0xffff;
	v32 =	vor.u32 $0x4, v4  }
0x310: {  	v54 =	vbroadcast v39, $0x4;
	v30 =	vadd.f32 v45, v47;
	v34 =	vld.idx.msk [tilespmem:v24+s2+$0x0], $0xffff;
	v49 =	vor.u32 $0xD, v4  }
0x311: {  	v6 =	vadd.f32 v6, v41;
	v28 =	vmul.f32 v28, v48;
	v9 =	vadd.f32 v21, v13;
	v24 =	vld.idx.msk [tilespmem:v24+s6+$0x0], $0xffff  }
0x312: {  	v10 =	vbroadcast v38, $0x5;
	v37 =	vld.idx.msk [tilespmem:v42+s1+$0x0], $0xffff;
	v30 =	vmul.f32 v30, v48  }
0x313: {  	v16 =	vadd.f32 v28, v16;
	v36 =	vmul.f32 v6, v48;
	v42 =	vmul.f32 v9, v48;
	v9 =	vld [tilespmem:$0x1FD70]  }
0x314: {  	v28 =	vadd.f32 v30, v3;
	v3 =	vadd.f32 v22, v23;
	v23 =	vor.u32 $0xA, v4;
	v40 =	vld.idx.msk [tilespmem:v32+s1+$0x0], $0xffff  }
0x315: {  	v6 =	vor.u32 $0xE, v4;
	v13 =	vadd.f32 v20, v43;
	v20 =	vor.u32 $0x9, v4;
	v41 =	vld.idx.msk [tilespmem:v49+s1+$0x0], $0xffff  }
0x316: {  	v5 =	vadd.f32 v26, v5;
	v26 =	vld.idx.msk [tilespmem:v49+s2+$0x0], $0xffff;
	v21 =	vmul.f32 v3, v48;
	v3 =	vmax.f32 v18, $1.000000000e+00  }
0x317: {  	v33 =	vadd.f32 v16, v10;
	v14 =	vmul.f32 v14, v48;
	v18 =	vld.idx.msk [tilespmem:v49+s6+$0x0], $0xffff;
	(erf) = vrcp.f32 v3  }
0x318: {  	v55 =	vbroadcast v35, $0x5;
	v13 =	vmul.f32 v13, v48;
	v49 =	vadd.f32 v21, v27;
	v27 =	vld.idx.msk [tilespmem:v32+s2+$0x0], $0xffff;
	[tilespmem:$0x1FD10] =	vst v12  }
0x319: {  	v15 =	vadd.f32 v31, v15;
	v22 =	vor.u32 $0xB, v4;
	v16 =	vadd.f32 v28, v61;
	v31 =	vld.idx.msk [tilespmem:v23+s1+$0x0], $0xffff;
	[tilespmem:$0x1FD20] =	vst v10  }
0x31a: {  	v45 =	vor.u32 $0x6, v4;
	v21 =	vadd.f32 v5, v12;
	v13 =	vadd.f32 v13, v44;
	v44 =	vld.idx.msk [tilespmem:v20+s1+$0x0], $0xffff;
	[tilespmem:$0x1FD30] =	vst v61  }
0x31b: {  	v33 =	vmax.f32 v33, $0.0e+00;
	v29 =	vadd.f32 v36, v29;
	v47 =	vmax.f32 v16, $0.0e+00;
	v28 =	vld.idx.msk [tilespmem:v6+s2+$0x0], $0xffff;
	[tilespmem:$0x1FD40] =	vst v63  }
0x31c: {  	v16 =	vadd.f32 v14, v19;
	v46 =	vmax.f32 v21, $0.0e+00;
	v21 =	vadd.f32 v34, v24;
	v36 =	vld.idx.msk [tilespmem:v23+s2+$0x0], $0xffff  }
0x31d: {  	v30 =	vor.u32 $0x8, v4;
	v13 =	vadd.f32 v13, v63;
	v61 =	vadd.f32 v42, v37;
	v24 =	vld.idx.msk [tilespmem:v6+s6+$0x0], $0xffff;
	[tilespmem:$0x1FD50] =	vst v53  }
0x31e: {  	v42 =	vor.u32 $0x7, v4;
	v63 =	vmul.f32 v47, v53;
	v14 =	vadd.f32 v26, v18;
	v19 =	vld.idx.msk [tilespmem:v22+s2+$0x0], $0xffff  }
0x31f: {  	v43 =	vor.u32 $0x5, v4;
	v18 =	vmul.f32 v21, v48;
	v34 =	vadd.f32 v61, v62;
	v26 =	vld.idx.msk [tilespmem:v20+s2+$0x0], $0xffff;
	[tilespmem:$0x1FD60] =	vst v62  }
0x320: {  	v5 =	vor.u32 $0x1, v4;
	v61 =	vmul.f32 v46, v59;
	v37 =	vadd.f32 $0.0e+00, v63;
	v20 =	vld.idx.msk [tilespmem:v20+s6+$0x0], $0xffff;
	[tilespmem:$0x1FD80] =	vst v59;
	v21 =	vpop (erf)  }
0x321: {  	v10 =	vadd.f32 v18, v17;
	v18 =	vmax.f32 v34, $0.0e+00;
	v17 =	vld.idx.msk [tilespmem:v22+s6+$0x0], $0xffff;
	[tilespmem:$0x1FD90] =	vst v52;
	v14 =	vmul.f32 v14, v21  }
0x322: {  	v12 =	vbroadcast v38, $0x6;
	v37 =	vadd.f32 v61, v37;
	v63 =	vmul.f32 v18, v52;
	v23 =	vld.idx.msk [tilespmem:v23+s6+$0x0], $0xffff  }
0x323: {  	v62 =	vmax.f32 v13, $0.0e+00;
	v13 =	vadd.f32 v14, v41;
	v14 =	vadd.f32 v28, v24;
	v24 =	vld.idx.msk [tilespmem:v42+s2+$0x0], $0xffff;
	[tilespmem:$0x1FDA0] =	vst v58  }
0x324: {  	v25 =	vadd.f32 v25, v12;
	v53 =	vadd.f32 v0, v9;
	v46 =	vmul.f32 v46, v60;
	[tilespmem:$0x1FDB0] =	vst v56  }
0x325: {  	v34 =	vmul.f32 v62, v51;
	v52 =	vmul.f32 v62, v56;
	v37 =	vadd.f32 v63, v37;
	v56 =	vld.idx.msk [tilespmem:v42+s6+$0x0], $0xffff  }
0x326: {  	v0 =	vbroadcast v39, $0x5;
	v28 =	vmul.f32 v47, v58;
	v20 =	vadd.f32 v26, v20;
	v26 =	vld.idx.msk [tilespmem:v45+s2+$0x0], $0xffff;
	[tilespmem:$0x1FDC0] =	vst v60  }
0x327: {  	v18 =	vmul.f32 v18, v57;
	v58 =	vmax.f32 v11, $0.0e+00;
	v37 =	vadd.f32 v52, v37;
	[tilespmem:$0x1FDD0] =	vst v50  }
0x328: {  	v59 =	vmul.f32 v58, v50;
	v50 =	vadd.f32 v19, v17;
	v28 =	vadd.f32 $0.0e+00, v28;
	v17 =	vld.idx.msk [tilespmem:v45+s6+$0x0], $0xffff  }
0x329: {  	v63 =	vmul.f32 v58, v54;
	v19 =	vadd.f32 v36, v23;
	v23 =	vld.idx.msk [tilespmem:v5+s2+$0x0], $0xffff;
	v20 =	vmul.f32 v20, v21  }
0x32a: {  	v9 =	vbroadcast v35, $0x6;
	v32 =	vld.idx.msk [tilespmem:v32+s6+$0x0], $0xffff;
	[tilespmem:$0x1FDE0] =	vst v57;
	v60 =	vadd.f32 v59, v37;
	v28 =	vadd.f32 v46, v28  }
0x32b: {  	v11 =	vbroadcast v39, $0x6;
	v61 =	vld.idx.msk [tilespmem:v30+s2+$0x0], $0xffff;
	[tilespmem:$0x1FDF0] =	vst v55;
	v52 =	vadd.f32 v20, v44;
	v19 =	vmul.f32 v19, v21  }
0x32c: {  	v58 =	vor.u32 $0x2, v4;
	v20 =	vmul.f32 v33, v55;
	v18 =	vadd.f32 v18, v28;
	v28 =	vld.idx.msk [tilespmem:v5+s6+$0x0], $0xffff;
	[tilespmem:$0x1FE00] =	vst v51  }
0x32d: {  	v37 =	vbroadcast v35, $0xC;
	v55 =	vbroadcast v38, $0xA;
	v19 =	vadd.f32 v19, v31;
	v31 =	vld.idx.msk [tilespmem:v30+s6+$0x0], $0xffff  }
0x32e: {  	v33 =	vmul.f32 v33, v0;
	v24 =	vadd.f32 v24, v56;
	v20 =	vadd.f32 v20, v60  }
0x32f: {  	v8 =	vadd.f32 v8, v55;
	v60 =	vbroadcast v38, $0xB;
	v62 =	vld.idx.msk [tilespmem:v43+s6+$0x0], $0xffff;
	[tilespmem:$0x1FE10] =	vst v54;
	v18 =	vadd.f32 v34, v18  }
0x330: {  	v17 =	vadd.f32 v26, v17;
	v26 =	vld.idx.msk [tilespmem:v43+s2+$0x0], $0xffff;
	[tilespmem:$0x1FE20] =	vst v12;
	v12 =	vbroadcast v38, $0x8;
	v24 =	vmul.f32 v24, v21  }
0x331: {  	v34 =	vbroadcast v35, $0xD;
	v41 =	vld.idx.msk [tilespmem:v4+s2+$0x0], $0xffff;
	[tilespmem:$0x1FE30] =	vst v0;
	v0 =	vbroadcast v38, $0x7;
	v18 =	vadd.f32 v63, v18  }
0x332: {  	v28 =	vadd.f32 v23, v28;
	v23 =	vmax.f32 v25, $0.0e+00;
	v25 =	vadd.f32 v61, v31;
	v31 =	vld.idx.msk [tilespmem:v4+s6+$0x0], $0xffff;
	[tilespmem:$0x1FE40] =	vst v9  }
0x333: {  	v17 =	vmul.f32 v17, v21;
	v15 =	vadd.f32 v15, v0;
	v44 =	vmul.f32 v23, v9;
	[tilespmem:$0x1FE50] =	vst v0  }
0x334: {  	v18 =	vadd.f32 v33, v18;
	v0 =	vbroadcast v35, $0x7;
	[tilespmem:$0x1FE60] =	vst v11;
	v23 =	vmul.f32 v23, v11  }
0x335: {  	v29 =	vadd.f32 v29, v12;
	v9 =	vbroadcast v39, $0x7;
	[tilespmem:$0x1FE70] =	vst v12;
	v15 =	vmax.f32 v15, $0.0e+00  }
0x336: {  	v11 =	vbroadcast v35, $0x8;
	v18 =	vadd.f32 v23, v18;
	v23 =	vld.idx.msk [tilespmem:v45+s1+$0x0], $0xffff;
	[tilespmem:$0x1FE80] =	vst v0;
	v45 =	vmul.f32 v15, v0  }
0x337: {  	v27 =	vadd.f32 v27, v32;
	[tilespmem:$0x1FE90] =	vst v9;
	v15 =	vmul.f32 v15, v9;
	v0 =	vbroadcast v38, $0x9  }
0x338: {  	v29 =	vmax.f32 v29, $0.0e+00;
	v26 =	vadd.f32 v26, v62;
	v9 =	vor.u32 $0xC, v4;
	v46 =	vld.idx.msk [tilespmem:v43+s1+$0x0], $0xffff;
	[tilespmem:$0x1FEA0] =	vst v11  }
0x339: {  	v47 =	vmul.f32 v29, v11;
	v18 =	vadd.f32 v15, v18;
	[tilespmem:$0x1FEB0] =	vst v0;
	v15 =	vadd.f32 v7, v0  }
0x33a: {  	v11 =	vbroadcast v39, $0x8;
	v0 =	vbroadcast v35, $0x9;
	v31 =	vadd.f32 v41, v31;
	v48 =	vld.idx.msk [tilespmem:v4+s1+$0x0], $0xffff  }
0x33b: {  	v51 =	vmax.f32 v15, $0.0e+00;
	v15 =	vmul.f32 v26, v21;
	v26 =	vld.idx.msk [tilespmem:v58+s2+$0x0], $0xffff;
	v7 =	vadd.f32 v17, v23  }
0x33c: {  	v23 =	vld.idx.msk [tilespmem:v58+s6+$0x0], $0xffff;
	[tilespmem:$0x1FEC0] =	vst v11;
	v17 =	vmul.f32 v29, v11;
	v29 =	vor.u32 $0x3, v4;
	v31 =	vmul.f32 v31, v21  }
0x33d: {  	v16 =	vadd.f32 v16, v60;
	v56 =	vmul.f32 v51, v0;
	v54 =	vld.idx.msk [tilespmem:v9+s2+$0x0], $0xffff;
	[tilespmem:$0x1FED0] =	vst v0;
	v0 =	vbroadcast v39, $0x9  }
0x33e: {  	v8 =	vmax.f32 v8, $0.0e+00;
	v27 =	vmul.f32 v27, v21;
	v11 =	vbroadcast v35, $0xA;
	v57 =	vld.idx.msk [tilespmem:v9+s6+$0x0], $0xffff  }
0x33f: {  	v16 =	vmax.f32 v16, $0.0e+00;
	v18 =	vadd.f32 v17, v18;
	v17 =	vadd.f32 v31, v48;
	v31 =	vld.idx.msk [tilespmem:v42+s1+$0x0], $0xffff;
	[tilespmem:$0x1FEE0] =	vst v0  }
0x340: {  	v63 =	vbroadcast v38, $0xF;
	v27 =	vadd.f32 v27, v40;
	v20 =	vadd.f32 v44, v20;
	[tilespmem:$0x1FEF0] =	vst v11  }
0x341: {  	v59 =	vmul.f32 v51, v0;
	v0 =	vbroadcast v39, $0xA;
	v12 =	vadd.f32 v26, v23;
	v26 =	vld.idx.msk [tilespmem:v29+s6+$0x0], $0xffff  }
0x342: {  	v40 =	vbroadcast v39, $0xC;
	v44 =	vbroadcast v39, $0xD;
	v20 =	vadd.f32 v45, v20;
	v61 =	vld.idx.msk [tilespmem:v29+s2+$0x0], $0xffff;
	[tilespmem:$0x1FF00] =	vst v60  }
0x343: {  	v45 =	vbroadcast v39, $0xE;
	v15 =	vadd.f32 v15, v46;
	v46 =	vbroadcast v39, $0xF;
	[tilespmem:$0x1FF10] =	vst v0  }
0x344: {  	v20 =	vadd.f32 v47, v20;
	v48 =	vbroadcast v35, $0xE;
	v23 =	vmul.f32 v8, v11;
	[tilespmem:$0x1FF60] =	vst v63  }
0x345: {  	v18 =	vadd.f32 v59, v18;
	v8 =	vmul.f32 v8, v0;
	v0 =	vbroadcast v35, $0xB;
	[tilespmem:$0x1FF70] =	vst v45  }
0x346: {  	v20 =	vadd.f32 v56, v20;
	v56 =	vbroadcast v38, $0xC;
	v51 =	vbroadcast v39, $0xB;
	[tilespmem:$0x1FF80] =	vst v48  }
0x347: {  	v8 =	vadd.f32 v8, v18;
	[tilespmem:$0x1FF20] =	vst v0;
	v18 =	vmul.f32 v16, v0;
	v0 =	vbroadcast v35, $0xF  }
0x348: {  	v59 =	vbroadcast v38, $0xD;
	[tilespmem:$0x1FF90] =	vst v51;
	v11 =	vadd.f32 v54, v57;
	v62 =	vadd.f32 v23, v20  }
0x349: {  	v57 =	vor.u32 $0xF, v4;
	v4 =	vadd.f32 v10, v63;
	v10 =	vmul.f32 v16, v51;
	[tilespmem:$0x1FF30] =	vst v0;
	v0 =	vld [tilespmem:$0x1FF40]  }
0x34a: {  	[tilespmem:$0x1FFA0] =	vst v44;
	v16 =	vadd.f32 v19, v55;
	v23 =	vadd.f32 v24, v31;
	v24 =	vbroadcast v38, $0xE  }
0x34b: {  	[tilespmem:$0x1FFB0] =	vst v34;
	v13 =	vadd.f32 v13, v59;
	v19 =	vmul.f32 v25, v21;
	v20 =	vadd.f32 v61, v26  }
0x34c: {  	v54 =	vmax.f32 v16, $0.0e+00;
	v26 =	vadd.f32 v18, v62;
	v18 =	vadd.f32 v49, v56;
	[tilespmem:$0x1FF50] =	vst v24  }
0x34d: {  	v16 =	vmul.f32 v50, v21;
	v24 =	vadd.f32 v53, v24;
	v61 =	vmul.f32 v14, v21;
	v60 =	vld.idx.msk [tilespmem:v6+s1+$0x0], $0xffff  }
0x34e: {  	v14 =	vmul.f32 v28, v21;
	v6 =	vld [tilespmem:$0x1FFD0];
	v47 =	vmax.f32 v18, $0.0e+00;
	v0 =	vadd.f32 v0, v59  }
0x34f: {  	v53 =	vmax.f32 v13, $0.0e+00;
	v5 =	vld.idx.msk [tilespmem:v5+s1+$0x0], $0xffff;
	v13 =	vmul.f32 v47, v37;
	v25 =	vmul.f32 v47, v40  }
0x350: {  	[tilespmem:$0x1FFC0] =	vst v40;
	v31 =	vmax.f32 v0, $0.0e+00;
	v0 =	vmax.f32 v24, $0.0e+00;
	v24 =	vmul.f32 v12, v21  }
0x351: {  	s13 =	simm.s32 $0x20;
	s12 =	simm.s32 $0xC820;
	v51 =	vmov v37;
	v29 =	vld.idx.msk [tilespmem:v29+s1+$0x0], $0xffff;
	v12 =	vmul.f32 v11, v21;
	v63 =	vmul.f32 v0, v45  }
0x352: {  	s9 =	simm.s32 $0xCF90;
	s11 =	simm.s32 $0xCA80;
	s10 =	simm.s32 $0xCD00;
	v9 =	vld.idx.msk [tilespmem:v9+s1+$0x0], $0xffff;
	[tilespmem:$0x1FFE0] =	vst v46;
	v62 =	vmul.f32 v0, v48;
	v0 =	vmax.f32 v4, $0.0e+00;
	v4 =	vmul.f32 v31, v44  }
0x353: {  	s3 =	simm.s32 $0xCD00;
	s0 =	simm.s32 $0xCA80;
	s25 =	simm.s32 $0xCF80;
	v50 =	vmovc v6;
	v6 =	vadd.f32 v27, v6;
	v18 =	vmul.f32 v31, v34;
	v11 =	vmul.f32 v0, v46  }
.LBB2_5:
0x354: {  	v5 =	vadd.f32 v14, v5;
	v14 =	vld [tilespmem:$0x1FE50];
	_ =	sdelay $0x1  }
0x355: {  	v28 =	vld [tilespmem:s12+$0x0]  }
0x356: {  	v30 =	vld.idx.msk [tilespmem:v30+s1+$0x0], $0xffff  }
0x357: {  	v42 =	vld [tilespmem:$0x1FE20];
	v9 =	vadd.f32 v12, v9;
	v12 =	vadd.f32 v13, v26  }
0x358: {  	v14 =	vadd.f32 v23, v14;
	v23 =	vld [tilespmem:$0x1FF30]  }
0x359: {  	v33 =	vadd.f32 v18, v12;
	v12 =	vadd.f32 v9, v56;
	v9 =	vld [tilespmem:$0x1FD20]  }
0x35a: {  	v10 =	vadd.f32 v10, v8;
	v13 =	vmax.f32 v14, $0.0e+00;
	v14 =	vld [tilespmem:$0x1FFF0]  }
0x35b: {  	v26 =	vmul.f32 v20, v21;
	v20 =	vld [tilespmem:$0x1FD10]  }
0x35c: {  	s15 =	smov.u32 s13;
	v10 =	vadd.f32 v25, v10;
	v25 =	vld [tilespmem:$0x1FE70]  }
0x35d: {  	v32 =	vld.idx.msk [tilespmem:v22+s1+$0x0], $0xffff;
	v0 =	vmul.f32 v0, v23;
	v23 =	vmov s15  }
0x35e: {  	v45 =	vadd.f32 v7, v42;
	v7 =	vld [tilespmem:$0x1FD40];
	v23 =	vshll.u32 v23, $0x4  }
0x35f: {  	v34 =	vld.idx.msk [tilespmem:v57+s1+$0x0], $0xffff;
	v31 =	vadd.f32 v15, v9;
	v15 =	vadd.f32 v19, v30;
	v14 =	vor.u32 v14, v23  }
0x360: {  	v36 =	vld.idx.msk [tilespmem:v57+s2+$0x0], $0xffff;
	v5 =	vadd.f32 v5, v20;
	v20 =	vor.u32 $0x1, v14  }
0x361: {  	v37 =	vld.idx.msk [tilespmem:v57+s6+$0x0], $0xffff;
	v26 =	vadd.f32 v26, v29;
	v25 =	vadd.f32 v15, v25;
	v27 =	vor.u32 $0x4, v14  }
0x362: {  	v38 =	vld.idx.msk [tilespmem:v58+s1+$0x0], $0xffff;
	v35 =	vmax.f32 v28, $1.000000000e+00;
	v28 =	vor.u32 $0xD, v14  }
0x363: {  	v46 =	vadd.f32 v26, v7;
	v7 =	vmax.f32 v25, $0.0e+00;
	v25 =	vld [tilespmem:$0x1FD30]  }
0x364: {  	v8 =	vld.idx.msk [tilespmem:v14+s1+$0x0], $0xffff  }
0x365: {  	v29 =	vmax.f32 v5, $0.0e+00;
	v23 =	vor.u32 $0x5, v14;
	v5 =	vld.idx.msk [tilespmem:v20+s1+$0x0], $0xffff  }
0x366: {  	v19 =	vld.idx.msk [tilespmem:v27+s1+$0x0], $0xffff  }
0x367: {  	v40 =	vor.u32 $0xA, v14;
	v41 =	vld.idx.msk [tilespmem:v28+s1+$0x0], $0xffff  }
0x368: {  	v4 =	vadd.f32 v4, v10;
	(erf) = vrcp.f32 v35;
	v42 =	vor.u32 $0xE, v14;
	v10 =	vld.idx.msk [tilespmem:v28+s6+$0x0], $0xffff  }
0x369: {  	v39 =	vor.u32 $0x9, v14;
	v43 =	vld.idx.msk [tilespmem:v28+s2+$0x0], $0xffff  }
0x36a: {  	v33 =	vadd.f32 v62, v33;
	v28 =	vadd.f32 v17, v25;
	v17 =	vld.idx.msk [tilespmem:v23+s1+$0x0], $0xffff  }
0x36b: {  	v4 =	vadd.f32 v63, v4;
	v44 =	vld.idx.msk [tilespmem:v27+s2+$0x0], $0xffff  }
0x36c: {  	v26 =	vmax.f32 v31, $0.0e+00;
	v31 =	vmax.f32 v46, $0.0e+00;
	v0 =	vadd.f32 v0, v33;
	v46 =	vld.idx.msk [tilespmem:v40+s1+$0x0], $0xffff  }
0x36d: {  	v47 =	vld.idx.msk [tilespmem:v42+s1+$0x0], $0xffff  }
0x36e: {  	v16 =	vadd.f32 v16, v32;
	v4 =	vadd.f32 v11, v4;
	v32 =	vld.idx.msk [tilespmem:v39+s1+$0x0], $0xffff;
	[tilespmem:s11+$0x0] =	vst v0  }
0x36f: {  	v0 =	vadd.f32 v43, v10;
	v10 =	vld.idx.msk [tilespmem:v42+s2+$0x0], $0xffff  }
0x370: {  	[tilespmem:s10+$0x0] =	vst v4;
	v4 =	vld [tilespmem:$0x1FF50]  }
0x371: {  	v36 =	vadd.f32 v36, v37;
	v62 =	vpop (erf)  }
0x372: {  	v0 =	vmul.f32 v0, v62  }
0x373: {  	v48 =	vadd.f32 v61, v60;
	v60 =	vmul.f32 v36, v21;
	v11 =	vld [tilespmem:$0x1FD50]  }
0x374: {  	v0 =	vadd.f32 v0, v41  }
0x375: {  	v49 =	vld [tilespmem:$0x1FF00];
	v4 =	vadd.f32 v48, v4  }
0x376: {  	v24 =	vadd.f32 v24, v38;
	v25 =	vmax.f32 v45, $0.0e+00;
	v48 =	vadd.f32 v0, v59;
	v0 =	vld [tilespmem:$0x1FFA0]  }
0x377: {  	v45 =	vmax.f32 v28, $0.0e+00;
	v38 =	vmax.f32 v4, $0.0e+00;
	v4 =	vadd.f32 v60, v34;
	v60 =	vmovc v47;
	v47 =	vld [tilespmem:$0x1FF60]  }
0x378: {  	v61 =	vld [tilespmem:$0x1FD60];
	v63 =	vmul.f32 v45, v11  }
0x379: {  	v37 =	vld.idx.msk [tilespmem:v40+s2+$0x0], $0xffff  }
0x37a: {  	v21 =	vmov v62;
	[tilespmem:s25+$0x0] =	vst v2;
	v62 =	vadd.f32 $0.0e+00, v63;
	v63 =	vld [tilespmem:$0x1FD80]  }
0x37b: {  	v36 =	vld.idx.msk [tilespmem:v42+s6+$0x0], $0xffff  }
0x37c: {  	v42 =	vadd.f32 v4, v47;
	v4 =	vmul.f32 v53, v0;
	v0 =	vld [tilespmem:$0x1FD90];
	_ =	sdelay $0x1  }
0x37d: {  	v24 =	vadd.f32 v24, v61  }
0x37e: {  	v41 =	vmul.f32 v29, v63  }
0x37f: {  	v16 =	vadd.f32 v16, v49;
	v24 =	vmax.f32 v24, $0.0e+00;
	v33 =	vld.idx.msk [tilespmem:v39+s6+$0x0], $0xffff  }
0x380: {  	v22 =	vor.u32 $0xB, v14;
	v34 =	vld.idx.msk [tilespmem:v39+s2+$0x0], $0xffff;
	v39 =	vadd.f32 v41, v62;
	v49 =	vmul.f32 v24, v0  }
0x381: {  	v28 =	vld [tilespmem:$0x1FEB0]  }
0x382: {  	v39 =	vadd.f32 v49, v39;
	v49 =	vld [tilespmem:$0x1FDB0];
	_ =	sdelay $0x2  }
0x383: {  	v2 =	vmov v3;
	v3 =	vmov v35;
	v35 =	vld.idx.msk [tilespmem:v22+s2+$0x0], $0xffff  }
0x384: {  	v43 =	vld.idx.msk [tilespmem:v22+s6+$0x0], $0xffff  }
0x385: {  	v52 =	vadd.f32 v52, v28;
	v41 =	vmul.f32 v31, v49;
	v49 =	vld [tilespmem:$0x1FDA0];
	_ =	sdelay $0x1  }
0x386: {  	v11 =	vmax.f32 v52, $0.0e+00;
	v52 =	vld [tilespmem:$0x1FDD0];
	_ =	sdelay $0x2  }
0x387: {  	v35 =	vadd.f32 v35, v43;
	v43 =	vmul.f32 v45, v49;
	v49 =	vld [tilespmem:$0x1FED0]  }
0x388: {  	v6 =	vmax.f32 v6, $0.0e+00;
	v0 =	vmax.f32 v42, $0.0e+00;
	v42 =	vmax.f32 v48, $0.0e+00;
	v48 =	vld [tilespmem:$0x1FF70]  }
0x389: {  	v33 =	vadd.f32 v34, v33;
	v34 =	vadd.f32 v41, v39;
	v39 =	vmul.f32 v6, v52;
	v52 =	vld [tilespmem:$0x1FF20];
	_ =	sdelay $0x1  }
0x38a: {  	v28 =	vor.u32 $0x7, v14;
	v40 =	vld.idx.msk [tilespmem:v40+s6+$0x0], $0xffff  }
0x38b: {  	v34 =	vadd.f32 v39, v34;
	v39 =	vmul.f32 v11, v49;
	v49 =	vld [tilespmem:$0x1FDC0]  }
0x38c: {  	v16 =	vmax.f32 v16, $0.0e+00;
	v18 =	vor.u32 $0x6, v14;
	v63 =	vmul.f32 v38, v48;
	v48 =	vld [tilespmem:$0x1FF80]  }
0x38d: {  	v45 =	vmul.f32 v16, v52;
	v52 =	vld [tilespmem:$0x1FDE0];
	_ =	sdelay $0x1  }
0x38e: {  	v10 =	vadd.f32 v10, v36;
	v36 =	vld.idx.msk [tilespmem:v28+s2+$0x0], $0xffff  }
0x38f: {  	v37 =	vadd.f32 v37, v40;
	v40 =	vadd.f32 $0.0e+00, v43;
	v29 =	vmul.f32 v29, v49;
	v49 =	vld [tilespmem:$0x1FEF0]  }
0x390: {  	v41 =	vld.idx.msk [tilespmem:v18+s6+$0x0], $0xffff  }
0x391: {  	v62 =	vmul.f32 v38, v48;
	v48 =	vld.idx.msk [tilespmem:v18+s2+$0x0], $0xffff;
	v24 =	vmul.f32 v24, v52;
	v29 =	vadd.f32 v29, v40  }
0x392: {  	v33 =	vmul.f32 v33, v21;
	v38 =	vld.idx.msk [tilespmem:v28+s6+$0x0], $0xffff  }
0x393: {  	v24 =	vadd.f32 v24, v29;
	v29 =	vld [tilespmem:$0x1FE00]  }
0x394: {  	v52 =	vadd.f32 v33, v32;
	v32 =	vmul.f32 v54, v49;
	v49 =	vld [tilespmem:$0x1FDF0]  }
0x395: {  	v27 =	vld.idx.msk [tilespmem:v27+s6+$0x0], $0xffff  }
0x396: {  	v41 =	vadd.f32 v48, v41;
	v48 =	vld [tilespmem:$0x1FEA0];
	_ =	sdelay $0x1  }
0x397: {  	v61 =	vmul.f32 v10, v21;
	v10 =	vld [tilespmem:$0x1FF90];
	v31 =	vmul.f32 v31, v29  }
0x398: {  	v33 =	vadd.f32 v36, v38;
	v36 =	vmul.f32 v37, v21;
	v37 =	vmul.f32 v26, v49;
	v49 =	vld [tilespmem:$0x1FE40]  }
0x399: {  	v24 =	vadd.f32 v31, v24;
	v31 =	vld [tilespmem:$0x1FE10]  }
0x39a: {  	v27 =	vadd.f32 v44, v27;
	v44 =	vmul.f32 v7, v48;
	v48 =	vld [tilespmem:$0x1FE90]  }
0x39b: {  	v47 =	vld.idx.msk [tilespmem:v23+s6+$0x0], $0xffff;
	v36 =	vadd.f32 v36, v46  }
0x39c: {  	v15 =	vmax.f32 v12, $0.0e+00;
	v9 =	vor.u32 $0x3, v14;
	v30 =	vor.u32 $0x8, v14;
	v46 =	vld.idx.msk [tilespmem:v14+s2+$0x0], $0xffff  }
0x39d: {  	v12 =	vor.u32 $0xC, v14;
	v36 =	vadd.f32 v36, v55;
	v40 =	vmul.f32 v25, v49;
	v49 =	vld [tilespmem:$0x1FE80]  }
0x39e: {  	v57 =	vor.u32 $0xF, v14;
	v58 =	vor.u32 $0x2, v14;
	v6 =	vmul.f32 v6, v31;
	v31 =	vld.idx.msk [tilespmem:v14+s6+$0x0], $0xffff  }
0x39f: {  	v14 =	vmul.f32 v27, v21;
	v27 =	vmax.f32 v36, $0.0e+00;
	v36 =	vmul.f32 v13, v48;
	v48 =	vld.idx.msk [tilespmem:v18+s1+$0x0], $0xffff  }
0x3a0: {  	v18 =	vld [tilespmem:$0x1FEC0]  }
0x3a1: {  	v23 =	vld.idx.msk [tilespmem:v23+s2+$0x0], $0xffff  }
0x3a2: {  	v10 =	vmul.f32 v16, v10;
	v16 =	vld.idx.msk [tilespmem:v20+s2+$0x0], $0xffff  }
0x3a3: {  	v49 =	vmul.f32 v13, v49;
	v13 =	vld [tilespmem:$0x1FE30]  }
0x3a4: {  	v20 =	vld.idx.msk [tilespmem:v20+s6+$0x0], $0xffff  }
0x3a5: {  	v6 =	vadd.f32 v6, v24;
	v24 =	vmul.f32 v7, v18;
	v18 =	vld [tilespmem:$0x1FE60];
	_ =	sdelay $0x1  }
0x3a6: {  	v23 =	vadd.f32 v23, v47;
	v47 =	vld.idx.msk [tilespmem:v9+s2+$0x0], $0xffff  }
0x3a7: {  	v43 =	vld.idx.msk [tilespmem:v30+s2+$0x0], $0xffff;
	v13 =	vmul.f32 v26, v13  }
0x3a8: {  	v38 =	vld.idx.msk [tilespmem:v30+s6+$0x0], $0xffff  }
0x3a9: {  	v29 =	vld.idx.msk [tilespmem:v9+s1+$0x0], $0xffff;
	v7 =	vadd.f32 v16, v20;
	v25 =	vmul.f32 v25, v18;
	v13 =	vadd.f32 v13, v6  }
0x3aa: {  	v34 =	vadd.f32 v37, v34;
	v37 =	vld.idx.msk [tilespmem:v9+s6+$0x0], $0xffff  }
0x3ab: {  	v9 =	vld [tilespmem:$0x1FEE0];
	v26 =	vadd.f32 v14, v19;
	v14 =	vmul.f32 v7, v21;
	v7 =	vadd.f32 v25, v13  }
0x3ac: {  	v20 =	vld.idx.msk [tilespmem:v58+s6+$0x0], $0xffff  }
0x3ad: {  	v36 =	vadd.f32 v36, v7;
	v7 =	vld [tilespmem:$0x1FFC0]  }
0x3ae: {  	v6 =	vld [tilespmem:$0x1FFB0]  }
0x3af: {  	v16 =	vadd.f32 v43, v38;
	v38 =	vld.idx.msk [tilespmem:v58+s2+$0x0], $0xffff  }
0x3b0: {  	v23 =	vmul.f32 v23, v21;
	v11 =	vmul.f32 v11, v9;
	v31 =	vadd.f32 v46, v31  }
0x3b1: {  	v9 =	vld.idx.msk [tilespmem:v12+s1+$0x0], $0xffff;
	v19 =	vmul.f32 v16, v21;
	v16 =	vadd.f32 v40, v34;
	v13 =	vmul.f32 v15, v51  }
0x3b2: {  	v46 =	vld.idx.msk [tilespmem:v12+s6+$0x0], $0xffff;
	v25 =	vmul.f32 v15, v7;
	v15 =	vadd.f32 v23, v17;
	v23 =	vadd.f32 v24, v36  }
0x3b3: {  	v16 =	vadd.f32 v49, v16;
	v18 =	vmul.f32 v53, v6;
	v6 =	vadd.f32 v26, v50;
	v26 =	vld.idx.msk [tilespmem:v12+s2+$0x0], $0xffff  }
0x3b4: {  	v12 =	vadd.f32 v38, v20;
	v20 =	vadd.f32 v11, v23;
	v11 =	vld [tilespmem:$0x1FF10]  }
0x3b5: {  	v31 =	vmul.f32 v31, v21;
	v49 =	vadd.f32 v44, v16;
	_ =	sdelay $0x1  }
0x3b6: {  	v17 =	vadd.f32 v31, v8;
	v8 =	vadd.f32 v39, v49  }
0x3b7: {  	v28 =	vld.idx.msk [tilespmem:v28+s1+$0x0], $0xffff  }
0x3b8: {  	p2 =	sne.s32 s13, $0x270;
	v31 =	vmul.f32 v54, v11;
	v54 =	vmov v27;
	v27 =	vadd.f32 v32, v8;
	v8 =	vld [tilespmem:$0x1FFE0]  }
.Ltmp6:
0x3b9: {  	v41 =	vmul.f32 v41, v21;
	(pc) =	sbr.rel @p2 .LBB2_5-.Ltmp6, $4  }
0x3ba: {  	v33 =	vmul.f32 v33, v21;
	v26 =	vadd.f32 v26, v46  }
0x3bb: {  	s0 =	sadd.s32 $0x10, s0;
	s3 =	sadd.s32 $0x10, s3;
	s14 =	sadd.s32 $0x10, s13;
	v16 =	vmul.f32 v35, v21;
	v7 =	vadd.f32 v41, v48;
	v24 =	vmul.f32 v12, v21  }
0x3bc: {  	s12 =	sadd.s32 $0x10, s12;
	s13 =	smov.u32 s14;
	s11 =	smov.u32 s0;
	v23 =	vadd.f32 v33, v28;
	v12 =	vmul.f32 v26, v21;
	v26 =	vadd.f32 v45, v27  }
0x3bd: {  	s10 =	smov.u32 s3;
	s25 =	smov.u32 s9;
	s9 =	sadd.s32 $0x10, s9;
	v53 =	vmovc v42;
	v11 =	vmul.f32 v0, v8;
	v8 =	vadd.f32 v31, v20;
	v20 =	vadd.f32 v47, v37  }
0x3be: {  	_ =	sdelay $0x3  }
0x3bf: {  	v32 =	vld.idx.msk [tilespmem:v30+s1+$0x0], $0xffff  }
0x3c0: {  	v34 =	vld.idx.msk [tilespmem:v58+s1+$0x0], $0xffff  }
0x3c1: {  	v35 =	vld [tilespmem:$0x1FE50]  }
0x3c2: {  	v36 =	vld [tilespmem:$0x1FD10]  }
0x3c3: {  	v38 =	vld [tilespmem:$0x1FD30]  }
0x3c4: {  	v40 =	vld [tilespmem:$0x1FD20]  }
0x3c5: {  	v42 =	vld [tilespmem:$0x1FE70]  }
0x3c6: {  	v43 =	vld [tilespmem:$0x1FD50]  }
0x3c7: {  	v44 =	vld [tilespmem:$0x1FD60]  }
0x3c8: {  	v45 =	vld [tilespmem:$0x1FDA0]  }
0x3c9: {  	v46 =	vld [tilespmem:$0x1FD40]  }
0x3ca: {  	v47 =	vld [tilespmem:$0x1FD80]  }
0x3cb: {  	v48 =	vld [tilespmem:$0x1FDC0]  }
0x3cc: {  	v49 =	vld [tilespmem:$0x1FE20]  }
0x3cd: {  	v50 =	vld [tilespmem:$0x1FD90]  }
0x3ce: {  	v55 =	vld [tilespmem:$0x1FDE0]  }
0x3cf: {  	v59 =	vld [tilespmem:$0x1FDB0]  }
0x3d0: {  	v9 =	vadd.f32 v12, v9;
	v33 =	vadd.f32 v13, v26;
	v26 =	vld.idx.msk [tilespmem:v22+s1+$0x0], $0xffff  }
0x3d1: {  	v5 =	vadd.f32 v14, v5;
	v27 =	vld [tilespmem:$0x1FDF0];
	v20 =	vmul.f32 v20, v21;
	v8 =	vadd.f32 v10, v8  }
0x3d2: {  	v28 =	vld [tilespmem:$0x1FE30];
	v12 =	vadd.f32 v18, v33;
	v9 =	vadd.f32 v9, v56  }
0x3d3: {  	v30 =	vld.idx.msk [tilespmem:v57+s2+$0x0], $0xffff;
	v37 =	vadd.f32 v20, v29;
	v17 =	vadd.f32 v17, v38  }
0x3d4: {  	v6 =	vmax.f32 v6, $0.0e+00;
	v31 =	vld [tilespmem:$0x1FE40];
	v8 =	vadd.f32 v25, v8;
	v12 =	vadd.f32 v62, v12  }
0x3d5: {  	v20 =	vld [tilespmem:$0x1FE00];
	v5 =	vadd.f32 v5, v36;
	v13 =	vadd.f32 v24, v34;
	v41 =	vmax.f32 v17, $0.0e+00  }
0x3d6: {  	v25 =	vld [tilespmem:$0x1FE10];
	v39 =	vadd.f32 v19, v32;
	v14 =	vadd.f32 v15, v40;
	v17 =	vmul.f32 v41, v43  }
0x3d7: {  	v29 =	vld [tilespmem:$0x1FEB0];
	v13 =	vadd.f32 v13, v44;
	v5 =	vmax.f32 v5, $0.0e+00;
	v15 =	vmul.f32 v41, v45  }
0x3d8: {  	v18 =	vadd.f32 v37, v46;
	v24 =	vld [tilespmem:$0x1FDD0];
	v19 =	vmul.f32 v5, v47;
	v17 =	vadd.f32 $0.0e+00, v17  }
0x3d9: {  	v32 =	vld [tilespmem:$0x1FE60];
	v5 =	vmul.f32 v5, v48;
	v13 =	vmax.f32 v13, $0.0e+00;
	v15 =	vadd.f32 $0.0e+00, v15  }
0x3da: {  	v23 =	vadd.f32 v23, v35;
	v34 =	vld.idx.msk [tilespmem:v57+s6+$0x0], $0xffff;
	v17 =	vadd.f32 v19, v17;
	v19 =	vmul.f32 v13, v50  }
0x3db: {  	v35 =	vld [tilespmem:$0x1FE80];
	v56 =	vmax.f32 v18, $0.0e+00;
	v13 =	vmul.f32 v13, v55;
	v5 =	vadd.f32 v5, v15  }
0x3dc: {  	v7 =	vadd.f32 v7, v49;
	v36 =	vld [tilespmem:$0x1FE90];
	v58 =	vadd.f32 v19, v17;
	v17 =	vmul.f32 v56, v59  }
0x3dd: {  	v4 =	vadd.f32 v4, v8;
	v40 =	vld [tilespmem:$0x1FEC0];
	v5 =	vadd.f32 v13, v5;
	v13 =	vmul.f32 v56, v20  }
0x3de: {  	v46 =	vld [tilespmem:$0x1FF10];
	v10 =	vadd.f32 v39, v42;
	v15 =	vmul.f32 v6, v24;
	v8 =	vadd.f32 v17, v58  }
0x3df: {  	v14 =	vmax.f32 v14, $0.0e+00;
	v39 =	vld [tilespmem:$0x1FEA0];
	v6 =	vmul.f32 v6, v25;
	v5 =	vadd.f32 v13, v5  }
0x3e0: {  	v38 =	vadd.f32 v61, v60;
	v42 =	vld [tilespmem:$0x1FED0];
	v8 =	vadd.f32 v15, v8;
	v15 =	vmul.f32 v14, v27  }
0x3e1: {  	v7 =	vmax.f32 v7, $0.0e+00;
	v44 =	vld [tilespmem:$0x1FEE0];
	v5 =	vadd.f32 v6, v5;
	v6 =	vmul.f32 v14, v28  }
0x3e2: {  	v33 =	vmax.f32 v23, $0.0e+00;
	v41 =	vld.idx.msk [tilespmem:v57+s1+$0x0], $0xffff;
	v17 =	vmul.f32 v7, v31;
	v8 =	vadd.f32 v15, v8  }
0x3e3: {  	v43 =	vld [tilespmem:$0x1FF00];
	v37 =	vmax.f32 v10, $0.0e+00;
	v7 =	vmul.f32 v7, v32;
	v5 =	vadd.f32 v6, v5  }
0x3e4: {  	v56 =	vld [tilespmem:$0x1FF30];
	v13 =	vadd.f32 v16, v26;
	v16 =	vmul.f32 v33, v35;
	v8 =	vadd.f32 v17, v8  }
0x3e5: {  	v45 =	vld [tilespmem:$0x1FEF0];
	v14 =	vadd.f32 v52, v29;
	v17 =	vmul.f32 v33, v36;
	v5 =	vadd.f32 v7, v5  }
0x3e6: {  	v49 =	vmax.f32 v9, $0.0e+00;
	v47 =	vld [tilespmem:$0x1FF20];
	v8 =	vadd.f32 v16, v8;
	v16 =	vmul.f32 v37, v39  }
0x3e7: {  	v48 =	vld [tilespmem:$0x1FF90];
	v14 =	vmax.f32 v14, $0.0e+00;
	v7 =	vmul.f32 v37, v40;
	v5 =	vadd.f32 v17, v5  }
0x3e8: {  	v57 =	vld [tilespmem:$0x1FFB0];
	v13 =	vadd.f32 v13, v43;
	v15 =	vmul.f32 v14, v42;
	v8 =	vadd.f32 v16, v8  }
0x3e9: {  	v50 =	vld [tilespmem:$0x1FF50];
	v0 =	vmul.f32 v0, v56;
	v5 =	vadd.f32 v7, v5;
	v7 =	vmul.f32 v14, v44  }
0x3ea: {  	v55 =	vld [tilespmem:$0x1FFC0];
	v6 =	vadd.f32 v30, v34;
	v14 =	vmul.f32 v54, v45;
	v8 =	vadd.f32 v15, v8  }
0x3eb: {  	v58 =	vld [tilespmem:$0x1FFA0];
	v13 =	vmax.f32 v13, $0.0e+00;
	v5 =	vadd.f32 v7, v5;
	v7 =	vmul.f32 v54, v46  }
0x3ec: {  	v0 =	vadd.f32 v0, v12;
	v54 =	vld [tilespmem:$0x1FF60];
	v8 =	vadd.f32 v14, v8;
	v14 =	vmul.f32 v13, v47  }
0x3ed: {  	v60 =	vld [tilespmem:$0x1FF80];
	v6 =	vmul.f32 v6, v21;
	v13 =	vmul.f32 v13, v48;
	v5 =	vadd.f32 v7, v5  }
0x3ee: {  	v61 =	vld [tilespmem:$0x1FF70];
	v9 =	vadd.f32 v38, v50;
	v52 =	vmul.f32 v49, v51;
	v8 =	vadd.f32 v14, v8  }
0x3ef: {  	v6 =	vadd.f32 v6, v41;
	[tilespmem:s11+$0x0] =	vst v0;
	v7 =	vmul.f32 v49, v55;
	v5 =	vadd.f32 v13, v5  }
0x3f0: {  	v10 =	vmul.f32 v53, v57;
	v59 =	vmax.f32 v9, $0.0e+00;
	v0 =	vld [tilespmem:$0x1FFE0];
	v8 =	vadd.f32 v52, v8  }
0x3f1: {  	v13 =	vmul.f32 v53, v58;
	v6 =	vadd.f32 v6, v54;
	v5 =	vadd.f32 v7, v5  }
0x3f2: {  	v4 =	vadd.f32 v63, v4;
	v9 =	vmul.f32 v59, v60;
	v8 =	vadd.f32 v10, v8  }
0x3f3: {  	v7 =	vmul.f32 v59, v61;
	v6 =	vmax.f32 v6, $0.0e+00;
	v5 =	vadd.f32 v13, v5  }
0x3f4: {  	v4 =	vadd.f32 v11, v4;
	v62 =	vmul.f32 v6, v56;
	v8 =	vadd.f32 v9, v8  }
0x3f5: {  	v0 =	vmul.f32 v6, v0;
	v5 =	vadd.f32 v7, v5  }
0x3f6: {  	[tilespmem:s10+$0x0] =	vst v4;
	v63 =	vadd.f32 v62, v8  }
0x3f7: {  	s0 =	sadd.s32 $0x10, s0;
	[tilespmem:s25+$0x0] =	vst v2;
	v0 =	vadd.f32 v0, v5  }
0x3f8: {  	s15 =	sadd.s32 $0x10, s3;
	[tilespmem:s0+$0x0] =	vst v63  }
0x3f9: {  	[tilespmem:s15+$0x0] =	vst v0  }
0x3fa: {  	[tilespmem:s9+$0x0] =	vst v3  }
0x3fb: {  	s25 =	simm.s32 $0xCA80;
	s0 =	rddreg [dreg:$0xb]  }
0x3fc: {  	[spmem:s0] =	stream.linear.scatter [tilespmem:s25], [sflag:$0x3], $0x280, $0x38;
	[tilespmem:$0x171E0] =	vst v63  }
0x3fd: {  	_ =	swait.ge [sflag:s26], $0x280  }
0x3fe: {  	s3 =	simm.s32 @!p1 $0xCD00;
	[sflag:s26] =	ssyncset.done $0x0  }
0x3ff: {  	s0 =	simm.s32 @!p1 $0x0;
	s9 =	rddreg [dreg:$0xc];
	[sflag:s26] =	ssyncadd.s32 $0xFFFFFD80  }
0x400: {  	[hbm4b:s9+s0] =	stream.linear.scatter @!p1 [tilespmem:s3], [sflag:$0x3], $0x280, $0x38;
	[tilespmem:$0x171E0] =	vst v63  }
0x401: {  	s3 =	simm.s32 @!p1 $0x3  }
0x402: {  	_ =	swait.ge @!p1 [sflag:s3], $0x280  }
0x403: {  	[sflag:s3] =	ssyncset.done @!p1 $0x0  }
0x404: {  	s9 =	simm.s32 @!p1 $0xCF80;
	s10 =	rddreg [dreg:$0xd];
	[sflag:s3] =	ssyncadd.s32 @!p1 $0xFFFFFD80  }
0x405: {  	[hbm4b:s10+s0] =	stream.linear.scatter @!p1 [tilespmem:s9], [sflag:$0x3], $0x280, $0x38;
	[tilespmem:$0x171E0] =	vst v63  }
0x406: {  	_ =	swait.ge @!p1 [sflag:s3], $0x280  }
0x407: {  	[sflag:s3] =	ssyncset.done @!p1 $0x0  }
0x408: {  	v49 =	vld [tilespmem:$0x1FFF0];
	[sflag:s3] =	ssyncadd.s32 @!p1 $0xFFFFFD80  }
.LBB2_14:
0x409: {  	s0 =	simm.s32 $0x14890  }
0x40a: {  	[tilespmem:s0+$0xFFFFFFC0] =	vst v1  }
0x40b: {  	[tilespmem:s0+$0x30] =	vst v1  }
0x40c: {  	[tilespmem:s0+$0x20] =	vst v1  }
0x40d: {  	[tilespmem:s0+$0x10] =	vst v1  }
0x40e: {  	[tilespmem:s0+$0x0] =	vst v1  }
0x40f: {  	[tilespmem:s0+$0xFFFFFFF0] =	vst v1  }
0x410: {  	s3 =	simm.s32 $0x0;
	[tilespmem:s0+$0xFFFFFFE0] =	vst v1  }
.LBB2_15:
0x411: {  	s3 =	sadd.s32 $0x8, s3;
	[tilespmem:s0+$0xFFFFFFD0] =	vst v1;
	s0 =	sadd.s32 $0x80, s0  }
0x412: {  	[tilespmem:s0+$0xFFFFFFC0] =	vst v1;
	p2 =	slt.u32 s3, $0x268  }
0x413: {  	[tilespmem:s0+$0x30] =	vst v1  }
.Ltmp7:
0x414: {  	[tilespmem:s0+$0x20] =	vst v1;
	(pc) =	sbr.rel @p2 .LBB2_15-.Ltmp7, $4  }
0x415: {  	[tilespmem:s0+$0x10] =	vst v1  }
0x416: {  	[tilespmem:s0+$0x0] =	vst v1  }
0x417: {  	[tilespmem:s0+$0xFFFFFFF0] =	vst v1  }
0x418: {  	[tilespmem:s0+$0xFFFFFFE0] =	vst v1  }
0x419: {  	[tilespmem:s0+$0xFFFFFFD0] =	vst v1  }
0x41a: {  	[tilespmem:$0x16F50] =	vst v1  }
0x41b: {  	_ =	swait.ge [sflag:s28], $0x2710  }
0x41c: {  	[sflag:s28] =	ssyncset.done $0x0  }
0x41d: {  	[sflag:s28] =	ssyncadd.s32 $0xFFFFD8F0  }
0x41e: {  	_ =	swait.ge [sflag:s28], $0x2710  }
0x41f: {  	[sflag:s28] =	ssyncset.done $0x0  }
0x420: {  	[sflag:s28] =	ssyncadd.s32 $0xFFFFD8F0  }
0x421: {  	[bflag:$0x0] =	sbarrier.arrive $0xFFFF  }
0x422: {  	[tilespmem:s29], [sflag:$0x3] =	stream.linear.gather [spmem:s5], $0x2800, $0x38;
	[tilespmem:$0x171E0] =	vst v63  }
0x423: {  	_ =	swait.ge [sflag:s26], $0x2800  }
0x424: {  	[sflag:s26] =	ssyncset.done $0x0  }
0x425: {  	s25 =	simm.s32 $0xFA50;
	[sflag:s26] =	ssyncadd.s32 $0xFFFFD800  }
0x426: {  	v0 =	vld [tilespmem:s25+$0x20]  }
0x427: {  	v2 =	vld [tilespmem:s25+$0xFFFFFFF0]  }
0x428: {  	v4 =	vld [tilespmem:s25+$0x0]  }
0x429: {  	v5 =	vld [tilespmem:s25+$0x10]  }
0x42a: {  	v6 =	vld [tilespmem:s25+$0xFFFFFFE0]  }
0x42b: {  	s0 =	simm.s32 $0x12160  }
0x42c: {  	v7 =	vld [tilespmem:s0+$0x20]  }
0x42d: {  	v8 =	vld [tilespmem:s0+$0xFFFFFFE0]  }
0x42e: {  	v9 =	vld.idx.msk [tilespmem:v0+s29+$0x0], $0xffff  }
0x42f: {  	v3 =	vld.idx.msk [tilespmem:v2+s29+$0x0], $0xffff  }
0x430: {  	v0 =	vld.idx.msk [tilespmem:v4+s29+$0x0], $0xffff  }
0x431: {  	v2 =	vld.idx.msk [tilespmem:v5+s29+$0x0], $0xffff  }
0x432: {  	v10 =	vld.idx.msk [tilespmem:v6+s29+$0x0], $0xffff  }
0x433: {  	v6 =	vld [tilespmem:s0+$0x0]  }
0x434: {  	v5 =	vld [tilespmem:s0+$0x10]  }
0x435: {  	v4 =	vld [tilespmem:s0+$0xFFFFFFF0]  }
0x436: {  	[tilespmem:v7+s30+$0x0] =	vst.idx.add.f32.msk $0xffff, v9  }
0x437: {  	s3 =	simm.s32 $0x0;
	s9 =	simm.s32 $0xFAA0;
	[tilespmem:v8+s30+$0x0] =	vst.idx.add.f32.msk $0xffff, v10  }
.LBB2_17:
0x438: {  	v7 =	vld [tilespmem:s9+$0x20];
	s3 =	sadd.s32 $0x5, s3;
	v8 =	vmov v6  }
0x439: {  	v6 =	vld [tilespmem:s9+$0xFFFFFFF0];
	p2 =	slt.u32 s3, $0x26C;
	v9 =	vmov v5  }
0x43a: {  	v5 =	vld [tilespmem:s9+$0x0]  }
0x43b: {  	v10 =	vld [tilespmem:s9+$0x10]  }
0x43c: {  	v11 =	vld [tilespmem:s9+$0xFFFFFFE0]  }
0x43d: {  	s0 =	sadd.s32 $0x50, s0;
	[tilespmem:v4+s30+$0x0] =	vst.idx.add.f32.msk $0xffff, v3  }
0x43e: {  	v12 =	vld [tilespmem:s0+$0x20]  }
0x43f: {  	v13 =	vld [tilespmem:s0+$0xFFFFFFE0]  }
0x440: {  	v7 =	vld.idx.msk [tilespmem:v7+s29+$0x0], $0xffff  }
0x441: {  	v3 =	vld.idx.msk [tilespmem:v6+s29+$0x0], $0xffff  }
0x442: {  	v14 =	vld.idx.msk [tilespmem:v5+s29+$0x0], $0xffff  }
0x443: {  	v10 =	vld.idx.msk [tilespmem:v10+s29+$0x0], $0xffff  }
0x444: {  	v11 =	vld.idx.msk [tilespmem:v11+s29+$0x0], $0xffff  }
0x445: {  	v4 =	vld [tilespmem:s0+$0xFFFFFFF0]  }
0x446: {  	[tilespmem:v12+s30+$0x0] =	vst.idx.add.f32.msk $0xffff, v7  }
.Ltmp8:
0x447: {  	v6 =	vld [tilespmem:s0+$0x0];
	(pc) =	sbr.rel @p2 .LBB2_17-.Ltmp8, $4  }
0x448: {  	v5 =	vld [tilespmem:s0+$0x10]  }
0x449: {  	[tilespmem:v8+s30+$0x0] =	vst.idx.add.f32.msk $0xffff, v0;
	v0 =	vmov v14  }
0x44a: {  	[tilespmem:v13+s30+$0x0] =	vst.idx.add.f32.msk $0xffff, v11  }
0x44b: {  	s9 =	sadd.s32 $0x50, s9;
	[tilespmem:v9+s30+$0x0] =	vst.idx.add.f32.msk $0xffff, v2;
	v2 =	vmov v10  }
0x44c: {  	_ =	sdelay $0x3  }
0x44d: {  	[tilespmem:v4+s30+$0x0] =	vst.idx.add.f32.msk $0xffff, v3;
	s31 =	sadd.s32 $0x1, s31  }
0x44e: {  	[tilespmem:v6+s30+$0x0] =	vst.idx.add.f32.msk $0xffff, v0;
	p2 =	sne.s32 s31, s24  }
.Ltmp9:
0x44f: {  	[tilespmem:v5+s30+$0x0] =	vst.idx.add.f32.msk $0xffff, v2;
	(pc) =	sbr.rel @p2 .LBB2_1-.Ltmp9, $4  }
0x450: {  	[hbm4b:s23+s6] =	stream.linear.scatter [tilespmem:s30], [sflag:$0x3], $0x2710, $0x38;
	[tilespmem:$0x171E0] =	vst v63  }
0x451: {  	_ =	swait.ge [sflag:s26], $0x2710  }
0x452: {  	[sflag:s26] =	ssyncset.done $0x0  }
0x453: {  	[sflag:s26] =	ssyncadd.s32 $0xFFFFD8F0  }
0x454: {  	_ =	sfence.sel $0x180000  }
0x455: {  	[bflag:$0x0] =	sbarrier.arrive $0xFFFF  }
0x456: {  	_ =	strace $0x9000004A  }
0x457: {  	s0 =	stileid.u32;
	[bflag:$0x2] =	sbarrier.arrive $0xFFFF  }
0x458: {  	p0 =	sne.s32 s0, $0x0;
	s0 =	rddreg [dreg:$0x6]  }
0x459: {  	s0 =	sadd.s32 @!p0 $0x100000, s0  }
0x45a: {  	[sflag:s0] =	ssyncadd.tile.s32 @!p0 $0x1;
	_ =	shalt  }
.Lfunc_end2:
_tile_overlayer_lowered:
.L_overlay_start_2:
0x45b: {  	(tag) =	ssettag $0x2  }
0x45c: {  	s0 =	rddreg [dreg:$0x0];
	s2 =	stileid.u32  }
0x45d: {  	s1 =	rddreg [dreg:$0x1];
	p0 =	sne.s32 s2, $0x0  }
0x45e: {  	s3 =	rddreg [dreg:$0x2];
	[bflag:$0x3] =	sbarrier.arrive $0xFFFF;
	s2 =	simm.s32 @!p0 $0x1C03  }
0x45f: {  	[timem:s3], [sflag:s2] =	dma.local @!p0 [hbm:s0], s1  }
0x460: {  	s0 =	simm.s32 @!p0 $0x3  }
0x461: {  	_ =	swait.ge @!p0 [sflag:s0], s1  }
0x462: {  	s1 =	ssub.s32 @!p0 $0x0, s1;
	[sflag:s0] =	ssyncset.done @!p0 $0x0  }
0x463: {  	[sflag:s0] =	ssyncadd.s32 @!p0 s1  }
0x464: {  	[bflag:$0x3] =	sbarrier.arrive $0xFFFF  }
0x465: {  	_ =	shalt  }

</sc_bundles>
